<compile_context>
chip_gen: v7x
topology: tpu7x:2x2x1
jax: 0.10.2.dev20260603
libtpu: 0.0.44.dev20260713+nightly
codegen_flags: <defaults>
</compile_context>

<pallas_src>
import functools

import jax
import jax.numpy as jnp
from jax import lax
from jax.experimental import pallas as pl
from jax.experimental.pallas import tpu as pltpu
from jax.experimental.pallas import tpu_sc as plsc

_NBINS = 15
_B, _T = 16384, 200
_E = _B * _T
_NC, _NS, _L = 2, 16, 16
_NW = _NC * _NS
_COLS_W = _B // _NW
_CR, _CC = 40, 256
_NRC = _T // _CR
_NCC = _COLS_W // _CC
_NCHUNKS = _NRC * _NCC
_NVC = _CC // _L
_ROWS = _NBINS + 1


def _sc_partial(conf, pred, targ):
    mesh = plsc.VectorSubcoreMesh(
        core_axis_name="c", subcore_axis_name="s",
        num_cores=_NC, num_subcores=_NS)

    @functools.partial(
        pl.kernel,
        out_type=jax.ShapeDtypeStruct((_NW, _ROWS), jnp.float32),
        mesh=mesh,
        compiler_params=pltpu.CompilerParams(
            needs_layout_passes=False, use_tc_tiling_on_sc=True),
        scratch_types=[
            pltpu.VMEM((_CR, _CC), jnp.float32),
            pltpu.VMEM((_CR, _CC), jnp.float32),
            pltpu.VMEM((_CR, _CC), jnp.int32),
            pltpu.VMEM((_CR, _CC), jnp.int32),
            pltpu.VMEM((_CR, _CC), jnp.int32),
            pltpu.VMEM((_CR, _CC), jnp.int32),
            pltpu.VMEM((_ROWS * _L,), jnp.float32),
            pltpu.VMEM((_ROWS,), jnp.float32),
            pltpu.SemaphoreType.DMA,
            pltpu.SemaphoreType.DMA,
        ],
    )
    def k(conf_hbm, pred_hbm, targ_hbm, out_hbm,
          cb0, cb1, pb0, pb1, tb0, tb1, acc, srow, sem0, sem1):
        wid = lax.axis_index("s") * _NC + lax.axis_index("c")
        zero = jnp.zeros((_L,), jnp.float32)
        for r in range(_ROWS):
            acc[pl.ds(r * _L, _L)] = zero
        lanes16 = jnp.arange(_L, dtype=jnp.int32) + jnp.int32(_L)
        col0 = wid * _COLS_W
        bufs = ((cb0, pb0, tb0, sem0), (cb1, pb1, tb1, sem1))

        def src(hbm, ci):
            r0 = (ci % _NRC) * _CR
            c0 = col0 + (ci // _NRC) * _CC
            return hbm.at[pl.ds(r0, _CR), pl.ds(c0, _CC)]

        def start(ci, slot):
            cb, pb, tb, sem = bufs[slot]
            pltpu.async_copy(src(conf_hbm, ci), cb, sem)
            pltpu.async_copy(src(pred_hbm, ci), pb, sem)
            pltpu.async_copy(src(targ_hbm, ci), tb, sem)

        def wait(ci, slot):
            cb, pb, tb, sem = bufs[slot]
            pltpu.make_async_copy(src(conf_hbm, ci), cb, sem).wait()
            pltpu.make_async_copy(src(pred_hbm, ci), pb, sem).wait()
            pltpu.make_async_copy(src(targ_hbm, ci), tb, sem).wait()

        def compute(slot):
            cb, pb, tb, _sem = bufs[slot]

            @plsc.parallel_loop(0, _CR, unroll=2)
            def _row_loop(i, cb=cb, pb=pb, tb=tb):
                for j in range(_NVC):
                    c = cb[i, pl.ds(j * _L, _L)]
                    p = pb[i, pl.ds(j * _L, _L)]
                    t = tb[i, pl.ds(j * _L, _L)]
                    row = (c * jnp.float32(_NBINS)).astype(jnp.int32)
                    d = c - jnp.where(p == t, jnp.float32(1.0),
                                      jnp.float32(0.0))
                    flat = row * _L + lanes16
                    plsc.addupdate_scatter(acc, [flat], d)

        start(0, 0)

        def pair_body(g, carry):
            for s in range(2):
                ci = 2 * g + s
                start(ci + 1, (s + 1) % 2)
                wait(ci, s)
                compute(s)
            return carry

        lax.fori_loop(0, _NCHUNKS // 2 - 1, pair_body, 0)
        start(_NCHUNKS - 1, 1)
        wait(_NCHUNKS - 2, 0)
        compute(0)
        wait(_NCHUNKS - 1, 1)
        compute(1)

        ii = jnp.arange(_L, dtype=jnp.int32)
        sv = jnp.zeros((_L,), jnp.float32)
        for r in range(_ROWS):
            s = jnp.sum(acc[pl.ds(r * _L, _L)])
            sv = jnp.where(ii == jnp.int32(r), s, sv)
        srow[...] = sv
        pltpu.sync_copy(srow, out_hbm.at[wid])

    return k(conf, pred, targ)


def _finish_body(x_ref, o_ref):
    x = x_ref[...]
    per_bin = jnp.sum(x, axis=0, keepdims=True)
    cols = lax.broadcasted_iota(jnp.int32, (1, _ROWS), 1)
    val = jnp.where(cols >= 1, jnp.abs(per_bin), jnp.float32(0.0))
    o_ref[0, 0] = jnp.sum(val) / jnp.float32(_E)


def _finish_tc(parts):
    return pl.pallas_call(
        _finish_body,
        out_shape=jax.ShapeDtypeStruct((1, 1), jnp.float32),
        out_specs=pl.BlockSpec(memory_space=pltpu.SMEM),
    )(parts)


def kernel(confidences, predictions, targets, mask):
    del mask
    parts = _sc_partial(confidences.T, predictions.T, targets.T)
    return _finish_tc(parts)[0, 0]

# --- scband reference (transcript-rebuilt; emitter-appended) ---
"""Pipeline reference for scband-expected-calibration-error-13769665151538 (READ-ONLY COPY).

The authoritative reference and input builder live on the scoring server;
editing this copy changes nothing except your own understanding.
"""

import jax, jax.numpy as jnp
import numpy as np

N_BINS = 15


def setup_inputs(seed: int = 0) -> dict:
    key = jax.random.key(seed)
    k1, k2, k3 = jax.random.split(key, 3)
    B, T = 16384, 200
    confidences = jax.random.uniform(k1, (B, T), dtype=jnp.float32)
    predictions = jax.random.randint(k2, (B, T), 0, 10, dtype=jnp.int32)
    targets = jax.random.randint(k3, (B, T), 0, 10, dtype=jnp.int32)
    mask = jnp.ones((B, T), dtype=bool)
    return {"confidences": confidences, "predictions": predictions, "targets": targets, "mask": mask}


def reference(confidences, predictions, targets, mask):
    c = confidences.reshape(-1)
    p = predictions.reshape(-1)
    t = targets.reshape(-1)
    m = mask.reshape(-1).astype(bool)
    n = jnp.sum(m.astype(jnp.float32))
    boundaries = jnp.linspace(0.0, 1.0, N_BINS + 1)
    correct = (p == t).astype(jnp.float32)
    ece = jnp.float32(0.0)
    for i in range(N_BINS):
        lo = boundaries[i]
        hi = boundaries[i + 1]
        in_bin = (c > lo) & (c <= hi) & m
        nb = jnp.sum(in_bin.astype(jnp.float32))
        prop_in_bin = nb / n
        safe_nb = jnp.where(nb > 0, nb, 1.0)
        accuracy_in_bin = jnp.sum(jnp.where(in_bin, correct, 0.0)) / safe_nb
        avg_confidence_in_bin = jnp.sum(jnp.where(in_bin, c, 0.0)) / safe_nb
        ece = ece + jnp.where(nb > 0, jnp.abs(avg_confidence_in_bin - accuracy_in_bin) * prop_in_bin, 0.0)
    return ece

if __name__ == "__main__":
    import jax
    _d = setup_inputs()
    print(jax.jit(kernel)(*tuple(_d.values())))

</pallas_src>

<mosaic_0001>
#map = affine_map<(d0, d1) -> (0, 0)>
module attributes {stable_mosaic.version = 14 : i64} {
  func.func @k(%arg0: i32, %arg1: i32, %arg2: memref<200x16384xf32, #tpu.memory_space<hbm>>, %arg3: memref<200x16384xi32, #tpu.memory_space<hbm>>, %arg4: memref<200x16384xi32, #tpu.memory_space<hbm>>, %arg5: memref<32x16xf32, #tpu.memory_space<hbm>>, %arg6: memref<40x256xf32, #tpu.memory_space<vmem>>, %arg7: memref<40x256xf32, #tpu.memory_space<vmem>>, %arg8: memref<40x256xi32, #tpu.memory_space<vmem>>, %arg9: memref<40x256xi32, #tpu.memory_space<vmem>>, %arg10: memref<40x256xi32, #tpu.memory_space<vmem>>, %arg11: memref<40x256xi32, #tpu.memory_space<vmem>>, %arg12: memref<256xf32, #tpu.memory_space<vmem>>, %arg13: memref<16xf32, #tpu.memory_space<vmem>>, %arg14: memref<!tpu.dma_semaphore, #tpu.memory_space<semaphore_mem>>, %arg15: memref<!tpu.dma_semaphore, #tpu.memory_space<semaphore_mem>>) attributes {dimension_semantics = [#tpu.dimension_semantics<core_parallel>, #tpu.dimension_semantics<subcore_parallel>], iteration_bounds = array<i64: 2, 16>, scalar_prefetch = 0 : i64, scratch_operands = 10 : i64, tpu.core_type = #tpu.core_type<sc_vector_subcore>, window_params = [{transform_indices = #map}, {transform_indices = #map}, {transform_indices = #map}, {transform_indices = #map}]} {
    %mul3A = arith.constant 2 : i32
    %mul3A_0 = arith.muli %arg1, %mul3A : i32
    %add3A = arith.addi %mul3A_0, %arg0 : i32
    %broadcast_in_dim3A = arith.constant 0.000000e+00 : f32
    %broadcast_in_dim3A_1 = vector.broadcast %broadcast_in_dim3A : f32 to vector<16xf32>
    %swap3A = arith.constant 0 : index
    %swap3A_2 = tpu.vector_load %arg12[%swap3A] {strides = array<i32>} : memref<256xf32, #tpu.memory_space<vmem>>, vector<16xf32>,
    tpu.vector_store %arg12[%swap3A], %broadcast_in_dim3A_1 {strides = array<i32>} : memref<256xf32, #tpu.memory_space<vmem>>, vector<16xf32>,
    %swap3A_3 = arith.constant 16 : index
    %swap3A_4 = tpu.vector_load %arg12[%swap3A_3] {strides = array<i32>} : memref<256xf32, #tpu.memory_space<vmem>>, vector<16xf32>,
    tpu.vector_store %arg12[%swap3A_3], %broadcast_in_dim3A_1 {strides = array<i32>} : memref<256xf32, #tpu.memory_space<vmem>>, vector<16xf32>,
    %swap3A_5 = arith.constant 32 : index
    %swap3A_6 = tpu.vector_load %arg12[%swap3A_5] {strides = array<i32>} : memref<256xf32, #tpu.memory_space<vmem>>, vector<16xf32>,
    tpu.vector_store %arg12[%swap3A_5], %broadcast_in_dim3A_1 {strides = array<i32>} : memref<256xf32, #tpu.memory_space<vmem>>, vector<16xf32>,
    %swap3A_7 = arith.constant 48 : index
    %swap3A_8 = tpu.vector_load %arg12[%swap3A_7] {strides = array<i32>} : memref<256xf32, #tpu.memory_space<vmem>>, vector<16xf32>,
    tpu.vector_store %arg12[%swap3A_7], %broadcast_in_dim3A_1 {strides = array<i32>} : memref<256xf32, #tpu.memory_space<vmem>>, vector<16xf32>,
    %swap3A_9 = arith.constant 64 : index
    %swap3A_10 = tpu.vector_load %arg12[%swap3A_9] {strides = array<i32>} : memref<256xf32, #tpu.memory_space<vmem>>, vector<16xf32>,
    tpu.vector_store %arg12[%swap3A_9], %broadcast_in_dim3A_1 {strides = array<i32>} : memref<256xf32, #tpu.memory_space<vmem>>, vector<16xf32>,
    %swap3A_11 = arith.constant 80 : index
    %swap3A_12 = tpu.vector_load %arg12[%swap3A_11] {strides = array<i32>} : memref<256xf32, #tpu.memory_space<vmem>>, vector<16xf32>,
    tpu.vector_store %arg12[%swap3A_11], %broadcast_in_dim3A_1 {strides = array<i32>} : memref<256xf32, #tpu.memory_space<vmem>>, vector<16xf32>,
    %swap3A_13 = arith.constant 96 : index
    %swap3A_14 = tpu.vector_load %arg12[%swap3A_13] {strides = array<i32>} : memref<256xf32, #tpu.memory_space<vmem>>, vector<16xf32>,
    tpu.vector_store %arg12[%swap3A_13], %broadcast_in_dim3A_1 {strides = array<i32>} : memref<256xf32, #tpu.memory_space<vmem>>, vector<16xf32>,
    %swap3A_15 = arith.constant 112 : index
    %swap3A_16 = tpu.vector_load %arg12[%swap3A_15] {strides = array<i32>} : memref<256xf32, #tpu.memory_space<vmem>>, vector<16xf32>,
    tpu.vector_store %arg12[%swap3A_15], %broadcast_in_dim3A_1 {strides = array<i32>} : memref<256xf32, #tpu.memory_space<vmem>>, vector<16xf32>,
    %swap3A_17 = arith.constant 128 : index
    %swap3A_18 = tpu.vector_load %arg12[%swap3A_17] {strides = array<i32>} : memref<256xf32, #tpu.memory_space<vmem>>, vector<16xf32>,
    tpu.vector_store %arg12[%swap3A_17], %broadcast_in_dim3A_1 {strides = array<i32>} : memref<256xf32, #tpu.memory_space<vmem>>, vector<16xf32>,
    %swap3A_19 = arith.constant 144 : index
    %swap3A_20 = tpu.vector_load %arg12[%swap3A_19] {strides = array<i32>} : memref<256xf32, #tpu.memory_space<vmem>>, vector<16xf32>,
    tpu.vector_store %arg12[%swap3A_19], %broadcast_in_dim3A_1 {strides = array<i32>} : memref<256xf32, #tpu.memory_space<vmem>>, vector<16xf32>,
    %swap3A_21 = arith.constant 160 : index
    %swap3A_22 = tpu.vector_load %arg12[%swap3A_21] {strides = array<i32>} : memref<256xf32, #tpu.memory_space<vmem>>, vector<16xf32>,
    tpu.vector_store %arg12[%swap3A_21], %broadcast_in_dim3A_1 {strides = array<i32>} : memref<256xf32, #tpu.memory_space<vmem>>, vector<16xf32>,
    %swap3A_23 = arith.constant 176 : index
    %swap3A_24 = tpu.vector_load %arg12[%swap3A_23] {strides = array<i32>} : memref<256xf32, #tpu.memory_space<vmem>>, vector<16xf32>,
    tpu.vector_store %arg12[%swap3A_23], %broadcast_in_dim3A_1 {strides = array<i32>} : memref<256xf32, #tpu.memory_space<vmem>>, vector<16xf32>,
    %swap3A_25 = arith.constant 192 : index
    %swap3A_26 = tpu.vector_load %arg12[%swap3A_25] {strides = array<i32>} : memref<256xf32, #tpu.memory_space<vmem>>, vector<16xf32>,
    tpu.vector_store %arg12[%swap3A_25], %broadcast_in_dim3A_1 {strides = array<i32>} : memref<256xf32, #tpu.memory_space<vmem>>, vector<16xf32>,
    %swap3A_27 = arith.constant 208 : index
    %swap3A_28 = tpu.vector_load %arg12[%swap3A_27] {strides = array<i32>} : memref<256xf32, #tpu.memory_space<vmem>>, vector<16xf32>,
    tpu.vector_store %arg12[%swap3A_27], %broadcast_in_dim3A_1 {strides = array<i32>} : memref<256xf32, #tpu.memory_space<vmem>>, vector<16xf32>,
    %swap3A_29 = arith.constant 224 : index
    %swap3A_30 = tpu.vector_load %arg12[%swap3A_29] {strides = array<i32>} : memref<256xf32, #tpu.memory_space<vmem>>, vector<16xf32>,
    tpu.vector_store %arg12[%swap3A_29], %broadcast_in_dim3A_1 {strides = array<i32>} : memref<256xf32, #tpu.memory_space<vmem>>, vector<16xf32>,
    %swap3A_31 = arith.constant 240 : index
    %swap3A_32 = tpu.vector_load %arg12[%swap3A_31] {strides = array<i32>} : memref<256xf32, #tpu.memory_space<vmem>>, vector<16xf32>,
    tpu.vector_store %arg12[%swap3A_31], %broadcast_in_dim3A_1 {strides = array<i32>} : memref<256xf32, #tpu.memory_space<vmem>>, vector<16xf32>,
    %iota3A = tpu.iota {dimensions = array<i32: 0>} : vector<16xi32>
    %add3A_33 = arith.constant 16 : i32
    %add3A_34 = vector.broadcast %add3A_33 : i32 to vector<16xi32>
    %add3A_35 = arith.addi %iota3A, %add3A_34 : vector<16xi32>
    %mul3A_36 = arith.constant 512 : i32
    %mul3A_37 = arith.muli %add3A, %mul3A_36 : i32
    %add3A_38 = arith.constant 0 : i32
    %add3A_39 = arith.addi %mul3A_37, %add3A_38 : i32
    %dma_start3A = arith.constant 0 : i32
    %dma_start3A_40 = tpu.memref_slice %arg2[%dma_start3A, %add3A_39] : memref<200x16384xf32, #tpu.memory_space<hbm>> -> memref<40x256xf32, #tpu.memory_space<hbm>>
    %dma_start3A_41 = arith.constant 0 : i32
    %dma_start3A_42 = tpu.memref_slice %arg2[%dma_start3A_41, %add3A_39] : memref<200x16384xf32, #tpu.memory_space<hbm>> -> memref<40x256xf32, #tpu.memory_space<hbm>>
    tpu.enqueue_dma source(%dma_start3A_42 : memref<40x256xf32, #tpu.memory_space<hbm>>) target(%arg6 : memref<40x256xf32, #tpu.memory_space<vmem>>) target_semaphore(%arg14 : memref<!tpu.dma_semaphore, #tpu.memory_space<semaphore_mem>>)
    %add3A_43 = arith.constant 0 : i32
    %add3A_44 = arith.addi %mul3A_37, %add3A_43 : i32
    %dma_start3A_45 = arith.constant 0 : i32
    %dma_start3A_46 = tpu.memref_slice %arg3[%dma_start3A_45, %add3A_44] : memref<200x16384xi32, #tpu.memory_space<hbm>> -> memref<40x256xi32, #tpu.memory_space<hbm>>
    %dma_start3A_47 = arith.constant 0 : i32
    %dma_start3A_48 = tpu.memref_slice %arg3[%dma_start3A_47, %add3A_44] : memref<200x16384xi32, #tpu.memory_space<hbm>> -> memref<40x256xi32, #tpu.memory_space<hbm>>
    tpu.enqueue_dma source(%dma_start3A_48 : memref<40x256xi32, #tpu.memory_space<hbm>>) target(%arg8 : memref<40x256xi32, #tpu.memory_space<vmem>>) target_semaphore(%arg14 : memref<!tpu.dma_semaphore, #tpu.memory_space<semaphore_mem>>)
    %add3A_49 = arith.constant 0 : i32
    %add3A_50 = arith.addi %mul3A_37, %add3A_49 : i32
    %dma_start3A_51 = arith.constant 0 : i32
    %dma_start3A_52 = tpu.memref_slice %arg4[%dma_start3A_51, %add3A_50] : memref<200x16384xi32, #tpu.memory_space<hbm>> -> memref<40x256xi32, #tpu.memory_space<hbm>>
    %dma_start3A_53 = arith.constant 0 : i32
    %dma_start3A_54 = tpu.memref_slice %arg4[%dma_start3A_53, %add3A_50] : memref<200x16384xi32, #tpu.memory_space<hbm>> -> memref<40x256xi32, #tpu.memory_space<hbm>>
    tpu.enqueue_dma source(%dma_start3A_54 : memref<40x256xi32, #tpu.memory_space<hbm>>) target(%arg10 : memref<40x256xi32, #tpu.memory_space<vmem>>) target_semaphore(%arg14 : memref<!tpu.dma_semaphore, #tpu.memory_space<semaphore_mem>>)
    %scan3A = arith.constant 0 : i32
    %scan3A_55 = arith.constant 0 : i32
    %scan3A_56 = arith.constant 4 : i32
    %scan3A_57 = arith.addi %scan3A_55, %scan3A_56 : i32
    %scan3A_58 = arith.constant 1 : i32
    scf.for %scan3A_295 = %scan3A_55 to %scan3A_57 step %scan3A_58  : i32 {
      %mul3A_296 = arith.constant 2 : i32
      %mul3A_297 = arith.muli %mul3A_296, %scan3A_295 : i32
      %add3A_298 = arith.constant 0 : i32
      %add3A_299 = arith.addi %mul3A_297, %add3A_298 : i32
      %add3A_300 = arith.constant 1 : i32
      %add3A_301 = arith.addi %add3A_299, %add3A_300 : i32
      %jit3A = arith.constant 5 : i32
      %eq3A_302 = arith.constant 0 : i32
      %eq3A_303 = arith.cmpi eq, %jit3A, %eq3A_302 : i32
      %jit3A_304 = arith.constant 1 : i32
      %select_n3A_305 = arith.select %eq3A_303, %jit3A_304, %jit3A : i32
      %rem3A = arith.remsi %add3A_301, %select_n3A_305 : i32
      %ne3A = arith.constant 0 : i32
      %ne3A_306 = arith.cmpi ne, %rem3A, %ne3A : i32
      %lt3A = arith.constant 0 : i32
      %lt3A_307 = arith.cmpi slt, %rem3A, %lt3A : i32
      %lt3A_308 = arith.constant 0 : i32
      %lt3A_309 = arith.cmpi slt, %select_n3A_305, %lt3A_308 : i32
      %ne3A_310 = arith.xori %lt3A_307, %lt3A_309 : i1
      %and3A = arith.andi %ne3A_310, %ne3A_306 : i1
      %add3A_311 = arith.addi %rem3A, %select_n3A_305 : i32
      %select_n3A_312 = arith.select %and3A, %add3A_311, %rem3A : i32
      %mul3A_313 = arith.constant 40 : i32
      %mul3A_314 = arith.muli %select_n3A_312, %mul3A_313 : i32
      %jit3A_315 = arith.constant 5 : i32
      %div3A = arith.divsi %add3A_301, %jit3A_315 : i32
      %sign3A = arith.constant 0 : i32
      %sign3A_316 = arith.cmpi sgt, %add3A_301, %sign3A : i32
      %sign3A_317 = arith.extui %sign3A_316 : i1 to i32
      %sign3A_318 = arith.constant 0 : i32
      %sign3A_319 = arith.cmpi slt, %add3A_301, %sign3A_318 : i32
      %sign3A_320 = arith.extui %sign3A_319 : i1 to i32
      %sign3A_321 = arith.subi %sign3A_317, %sign3A_320 : i32
      %sign3A_322 = arith.constant 0 : i32
      %sign3A_323 = arith.cmpi sgt, %jit3A_315, %sign3A_322 : i32
      %sign3A_324 = arith.extui %sign3A_323 : i1 to i32
      %sign3A_325 = arith.constant 0 : i32
      %sign3A_326 = arith.cmpi slt, %jit3A_315, %sign3A_325 : i32
      %sign3A_327 = arith.extui %sign3A_326 : i1 to i32
      %sign3A_328 = arith.subi %sign3A_324, %sign3A_327 : i32
      %ne3A_329 = arith.cmpi ne, %sign3A_321, %sign3A_328 : i32
      %rem3A_330 = arith.remsi %add3A_301, %jit3A_315 : i32
      %ne3A_331 = arith.constant 0 : i32
      %ne3A_332 = arith.cmpi ne, %rem3A_330, %ne3A_331 : i32
      %and3A_333 = arith.andi %ne3A_329, %ne3A_332 : i1
      %sub3A = arith.constant 1 : i32
      %sub3A_334 = arith.subi %div3A, %sub3A : i32
      %select_n3A_335 = arith.select %and3A_333, %sub3A_334, %div3A : i32
      %mul3A_336 = arith.constant 256 : i32
      %mul3A_337 = arith.muli %select_n3A_335, %mul3A_336 : i32
      %add3A_338 = arith.addi %mul3A_37, %mul3A_337 : i32
      %dma_start3A_339 = tpu.memref_slice %arg2[%mul3A_314, %add3A_338] : memref<200x16384xf32, #tpu.memory_space<hbm>> -> memref<40x256xf32, #tpu.memory_space<hbm>>
      %dma_start3A_340 = tpu.memref_slice %arg2[%mul3A_314, %add3A_338] : memref<200x16384xf32, #tpu.memory_space<hbm>> -> memref<40x256xf32, #tpu.memory_space<hbm>>
      tpu.enqueue_dma source(%dma_start3A_340 : memref<40x256xf32, #tpu.memory_space<hbm>>) target(%arg7 : memref<40x256xf32, #tpu.memory_space<vmem>>) target_semaphore(%arg15 : memref<!tpu.dma_semaphore, #tpu.memory_space<semaphore_mem>>)
      %jit3A_341 = arith.constant 5 : i32
      %eq3A_342 = arith.constant 0 : i32
      %eq3A_343 = arith.cmpi eq, %jit3A_341, %eq3A_342 : i32
      %jit3A_344 = arith.constant 1 : i32
      %select_n3A_345 = arith.select %eq3A_343, %jit3A_344, %jit3A_341 : i32
      %rem3A_346 = arith.remsi %add3A_301, %select_n3A_345 : i32
      %ne3A_347 = arith.constant 0 : i32
      %ne3A_348 = arith.cmpi ne, %rem3A_346, %ne3A_347 : i32
      %lt3A_349 = arith.constant 0 : i32
      %lt3A_350 = arith.cmpi slt, %rem3A_346, %lt3A_349 : i32
      %lt3A_351 = arith.constant 0 : i32
      %lt3A_352 = arith.cmpi slt, %select_n3A_345, %lt3A_351 : i32
      %ne3A_353 = arith.xori %lt3A_350, %lt3A_352 : i1
      %and3A_354 = arith.andi %ne3A_353, %ne3A_348 : i1
      %add3A_355 = arith.addi %rem3A_346, %select_n3A_345 : i32
      %select_n3A_356 = arith.select %and3A_354, %add3A_355, %rem3A_346 : i32
      %mul3A_357 = arith.constant 40 : i32
      %mul3A_358 = arith.muli %select_n3A_356, %mul3A_357 : i32
      %jit3A_359 = arith.constant 5 : i32
      %div3A_360 = arith.divsi %add3A_301, %jit3A_359 : i32
      %sign3A_361 = arith.constant 0 : i32
      %sign3A_362 = arith.cmpi sgt, %add3A_301, %sign3A_361 : i32
      %sign3A_363 = arith.extui %sign3A_362 : i1 to i32
      %sign3A_364 = arith.constant 0 : i32
      %sign3A_365 = arith.cmpi slt, %add3A_301, %sign3A_364 : i32
      %sign3A_366 = arith.extui %sign3A_365 : i1 to i32
      %sign3A_367 = arith.subi %sign3A_363, %sign3A_366 : i32
      %sign3A_368 = arith.constant 0 : i32
      %sign3A_369 = arith.cmpi sgt, %jit3A_359, %sign3A_368 : i32
      %sign3A_370 = arith.extui %sign3A_369 : i1 to i32
      %sign3A_371 = arith.constant 0 : i32
      %sign3A_372 = arith.cmpi slt, %jit3A_359, %sign3A_371 : i32
      %sign3A_373 = arith.extui %sign3A_372 : i1 to i32
      %sign3A_374 = arith.subi %sign3A_370, %sign3A_373 : i32
      %ne3A_375 = arith.cmpi ne, %sign3A_367, %sign3A_374 : i32
      %rem3A_376 = arith.remsi %add3A_301, %jit3A_359 : i32
      %ne3A_377 = arith.constant 0 : i32
      %ne3A_378 = arith.cmpi ne, %rem3A_376, %ne3A_377 : i32
      %and3A_379 = arith.andi %ne3A_375, %ne3A_378 : i1
      %sub3A_380 = arith.constant 1 : i32
      %sub3A_381 = arith.subi %div3A_360, %sub3A_380 : i32
      %select_n3A_382 = arith.select %and3A_379, %sub3A_381, %div3A_360 : i32
      %mul3A_383 = arith.constant 256 : i32
      %mul3A_384 = arith.muli %select_n3A_382, %mul3A_383 : i32
      %add3A_385 = arith.addi %mul3A_37, %mul3A_384 : i32
      %dma_start3A_386 = tpu.memref_slice %arg3[%mul3A_358, %add3A_385] : memref<200x16384xi32, #tpu.memory_space<hbm>> -> memref<40x256xi32, #tpu.memory_space<hbm>>
      %dma_start3A_387 = tpu.memref_slice %arg3[%mul3A_358, %add3A_385] : memref<200x16384xi32, #tpu.memory_space<hbm>> -> memref<40x256xi32, #tpu.memory_space<hbm>>
      tpu.enqueue_dma source(%dma_start3A_387 : memref<40x256xi32, #tpu.memory_space<hbm>>) target(%arg9 : memref<40x256xi32, #tpu.memory_space<vmem>>) target_semaphore(%arg15 : memref<!tpu.dma_semaphore, #tpu.memory_space<semaphore_mem>>)
      %jit3A_388 = arith.constant 5 : i32
      %eq3A_389 = arith.constant 0 : i32
      %eq3A_390 = arith.cmpi eq, %jit3A_388, %eq3A_389 : i32
      %jit3A_391 = arith.constant 1 : i32
      %select_n3A_392 = arith.select %eq3A_390, %jit3A_391, %jit3A_388 : i32
      %rem3A_393 = arith.remsi %add3A_301, %select_n3A_392 : i32
      %ne3A_394 = arith.constant 0 : i32
      %ne3A_395 = arith.cmpi ne, %rem3A_393, %ne3A_394 : i32
      %lt3A_396 = arith.constant 0 : i32
      %lt3A_397 = arith.cmpi slt, %rem3A_393, %lt3A_396 : i32
      %lt3A_398 = arith.constant 0 : i32
      %lt3A_399 = arith.cmpi slt, %select_n3A_392, %lt3A_398 : i32
      %ne3A_400 = arith.xori %lt3A_397, %lt3A_399 : i1
      %and3A_401 = arith.andi %ne3A_400, %ne3A_395 : i1
      %add3A_402 = arith.addi %rem3A_393, %select_n3A_392 : i32
      %select_n3A_403 = arith.select %and3A_401, %add3A_402, %rem3A_393 : i32
      %mul3A_404 = arith.constant 40 : i32
      %mul3A_405 = arith.muli %select_n3A_403, %mul3A_404 : i32
      %jit3A_406 = arith.constant 5 : i32
      %div3A_407 = arith.divsi %add3A_301, %jit3A_406 : i32
      %sign3A_408 = arith.constant 0 : i32
      %sign3A_409 = arith.cmpi sgt, %add3A_301, %sign3A_408 : i32
      %sign3A_410 = arith.extui %sign3A_409 : i1 to i32
      %sign3A_411 = arith.constant 0 : i32
      %sign3A_412 = arith.cmpi slt, %add3A_301, %sign3A_411 : i32
      %sign3A_413 = arith.extui %sign3A_412 : i1 to i32
      %sign3A_414 = arith.subi %sign3A_410, %sign3A_413 : i32
      %sign3A_415 = arith.constant 0 : i32
      %sign3A_416 = arith.cmpi sgt, %jit3A_406, %sign3A_415 : i32
      %sign3A_417 = arith.extui %sign3A_416 : i1 to i32
      %sign3A_418 = arith.constant 0 : i32
      %sign3A_419 = arith.cmpi slt, %jit3A_406, %sign3A_418 : i32
      %sign3A_420 = arith.extui %sign3A_419 : i1 to i32
      %sign3A_421 = arith.subi %sign3A_417, %sign3A_420 : i32
      %ne3A_422 = arith.cmpi ne, %sign3A_414, %sign3A_421 : i32
      %rem3A_423 = arith.remsi %add3A_301, %jit3A_406 : i32
      %ne3A_424 = arith.constant 0 : i32
      %ne3A_425 = arith.cmpi ne, %rem3A_423, %ne3A_424 : i32
      %and3A_426 = arith.andi %ne3A_422, %ne3A_425 : i1
      %sub3A_427 = arith.constant 1 : i32
      %sub3A_428 = arith.subi %div3A_407, %sub3A_427 : i32
      %select_n3A_429 = arith.select %and3A_426, %sub3A_428, %div3A_407 : i32
      %mul3A_430 = arith.constant 256 : i32
      %mul3A_431 = arith.muli %select_n3A_429, %mul3A_430 : i32
      %add3A_432 = arith.addi %mul3A_37, %mul3A_431 : i32
      %dma_start3A_433 = tpu.memref_slice %arg4[%mul3A_405, %add3A_432] : memref<200x16384xi32, #tpu.memory_space<hbm>> -> memref<40x256xi32, #tpu.memory_space<hbm>>
      %dma_start3A_434 = tpu.memref_slice %arg4[%mul3A_405, %add3A_432] : memref<200x16384xi32, #tpu.memory_space<hbm>> -> memref<40x256xi32, #tpu.memory_space<hbm>>
      tpu.enqueue_dma source(%dma_start3A_434 : memref<40x256xi32, #tpu.memory_space<hbm>>) target(%arg11 : memref<40x256xi32, #tpu.memory_space<vmem>>) target_semaphore(%arg15 : memref<!tpu.dma_semaphore, #tpu.memory_space<semaphore_mem>>)
      %jit3A_435 = arith.constant 5 : i32
      %eq3A_436 = arith.constant 0 : i32
      %eq3A_437 = arith.cmpi eq, %jit3A_435, %eq3A_436 : i32
      %jit3A_438 = arith.constant 1 : i32
      %select_n3A_439 = arith.select %eq3A_437, %jit3A_438, %jit3A_435 : i32
      %rem3A_440 = arith.remsi %add3A_299, %select_n3A_439 : i32
      %ne3A_441 = arith.constant 0 : i32
      %ne3A_442 = arith.cmpi ne, %rem3A_440, %ne3A_441 : i32
      %lt3A_443 = arith.constant 0 : i32
      %lt3A_444 = arith.cmpi slt, %rem3A_440, %lt3A_443 : i32
      %lt3A_445 = arith.constant 0 : i32
      %lt3A_446 = arith.cmpi slt, %select_n3A_439, %lt3A_445 : i32
      %ne3A_447 = arith.xori %lt3A_444, %lt3A_446 : i1
      %and3A_448 = arith.andi %ne3A_447, %ne3A_442 : i1
      %add3A_449 = arith.addi %rem3A_440, %select_n3A_439 : i32
      %select_n3A_450 = arith.select %and3A_448, %add3A_449, %rem3A_440 : i32
      %mul3A_451 = arith.constant 40 : i32
      %mul3A_452 = arith.muli %select_n3A_450, %mul3A_451 : i32
      %jit3A_453 = arith.constant 5 : i32
      %div3A_454 = arith.divsi %add3A_299, %jit3A_453 : i32
      %sign3A_455 = arith.constant 0 : i32
      %sign3A_456 = arith.cmpi sgt, %add3A_299, %sign3A_455 : i32
      %sign3A_457 = arith.extui %sign3A_456 : i1 to i32
      %sign3A_458 = arith.constant 0 : i32
      %sign3A_459 = arith.cmpi slt, %add3A_299, %sign3A_458 : i32
      %sign3A_460 = arith.extui %sign3A_459 : i1 to i32
      %sign3A_461 = arith.subi %sign3A_457, %sign3A_460 : i32
      %sign3A_462 = arith.constant 0 : i32
      %sign3A_463 = arith.cmpi sgt, %jit3A_453, %sign3A_462 : i32
      %sign3A_464 = arith.extui %sign3A_463 : i1 to i32
      %sign3A_465 = arith.constant 0 : i32
      %sign3A_466 = arith.cmpi slt, %jit3A_453, %sign3A_465 : i32
      %sign3A_467 = arith.extui %sign3A_466 : i1 to i32
      %sign3A_468 = arith.subi %sign3A_464, %sign3A_467 : i32
      %ne3A_469 = arith.cmpi ne, %sign3A_461, %sign3A_468 : i32
      %rem3A_470 = arith.remsi %add3A_299, %jit3A_453 : i32
      %ne3A_471 = arith.constant 0 : i32
      %ne3A_472 = arith.cmpi ne, %rem3A_470, %ne3A_471 : i32
      %and3A_473 = arith.andi %ne3A_469, %ne3A_472 : i1
      %sub3A_474 = arith.constant 1 : i32
      %sub3A_475 = arith.subi %div3A_454, %sub3A_474 : i32
      %select_n3A_476 = arith.select %and3A_473, %sub3A_475, %div3A_454 : i32
      %mul3A_477 = arith.constant 256 : i32
      %mul3A_478 = arith.muli %select_n3A_476, %mul3A_477 : i32
      %add3A_479 = arith.addi %mul3A_37, %mul3A_478 : i32
      %dma_wait3A_480 = tpu.memref_slice %arg2[%mul3A_452, %add3A_479] : memref<200x16384xf32, #tpu.memory_space<hbm>> -> memref<40x256xf32, #tpu.memory_space<hbm>>
      %dma_wait3A_481 = tpu.memref_slice %arg2[%mul3A_452, %add3A_479] : memref<200x16384xf32, #tpu.memory_space<hbm>> -> memref<40x256xf32, #tpu.memory_space<hbm>>
      tpu.wait_dma2 semaphore(%arg14 : memref<!tpu.dma_semaphore, #tpu.memory_space<semaphore_mem>>) src(%dma_wait3A_481 : memref<40x256xf32, #tpu.memory_space<hbm>>) dst(%arg6 : memref<40x256xf32, #tpu.memory_space<vmem>>)
      %jit3A_482 = arith.constant 5 : i32
      %eq3A_483 = arith.constant 0 : i32
      %eq3A_484 = arith.cmpi eq, %jit3A_482, %eq3A_483 : i32
      %jit3A_485 = arith.constant 1 : i32
      %select_n3A_486 = arith.select %eq3A_484, %jit3A_485, %jit3A_482 : i32
      %rem3A_487 = arith.remsi %add3A_299, %select_n3A_486 : i32
      %ne3A_488 = arith.constant 0 : i32
      %ne3A_489 = arith.cmpi ne, %rem3A_487, %ne3A_488 : i32
      %lt3A_490 = arith.constant 0 : i32
      %lt3A_491 = arith.cmpi slt, %rem3A_487, %lt3A_490 : i32
      %lt3A_492 = arith.constant 0 : i32
      %lt3A_493 = arith.cmpi slt, %select_n3A_486, %lt3A_492 : i32
      %ne3A_494 = arith.xori %lt3A_491, %lt3A_493 : i1
      %and3A_495 = arith.andi %ne3A_494, %ne3A_489 : i1
      %add3A_496 = arith.addi %rem3A_487, %select_n3A_486 : i32
      %select_n3A_497 = arith.select %and3A_495, %add3A_496, %rem3A_487 : i32
      %mul3A_498 = arith.constant 40 : i32
      %mul3A_499 = arith.muli %select_n3A_497, %mul3A_498 : i32
      %jit3A_500 = arith.constant 5 : i32
      %div3A_501 = arith.divsi %add3A_299, %jit3A_500 : i32
      %sign3A_502 = arith.constant 0 : i32
      %sign3A_503 = arith.cmpi sgt, %add3A_299, %sign3A_502 : i32
      %sign3A_504 = arith.extui %sign3A_503 : i1 to i32
      %sign3A_505 = arith.constant 0 : i32
      %sign3A_506 = arith.cmpi slt, %add3A_299, %sign3A_505 : i32
      %sign3A_507 = arith.extui %sign3A_506 : i1 to i32
      %sign3A_508 = arith.subi %sign3A_504, %sign3A_507 : i32
      %sign3A_509 = arith.constant 0 : i32
      %sign3A_510 = arith.cmpi sgt, %jit3A_500, %sign3A_509 : i32
      %sign3A_511 = arith.extui %sign3A_510 : i1 to i32
      %sign3A_512 = arith.constant 0 : i32
      %sign3A_513 = arith.cmpi slt, %jit3A_500, %sign3A_512 : i32
      %sign3A_514 = arith.extui %sign3A_513 : i1 to i32
      %sign3A_515 = arith.subi %sign3A_511, %sign3A_514 : i32
      %ne3A_516 = arith.cmpi ne, %sign3A_508, %sign3A_515 : i32
      %rem3A_517 = arith.remsi %add3A_299, %jit3A_500 : i32
      %ne3A_518 = arith.constant 0 : i32
      %ne3A_519 = arith.cmpi ne, %rem3A_517, %ne3A_518 : i32
      %and3A_520 = arith.andi %ne3A_516, %ne3A_519 : i1
      %sub3A_521 = arith.constant 1 : i32
      %sub3A_522 = arith.subi %div3A_501, %sub3A_521 : i32
      %select_n3A_523 = arith.select %and3A_520, %sub3A_522, %div3A_501 : i32
      %mul3A_524 = arith.constant 256 : i32
      %mul3A_525 = arith.muli %select_n3A_523, %mul3A_524 : i32
      %add3A_526 = arith.addi %mul3A_37, %mul3A_525 : i32
      %dma_wait3A_527 = tpu.memref_slice %arg3[%mul3A_499, %add3A_526] : memref<200x16384xi32, #tpu.memory_space<hbm>> -> memref<40x256xi32, #tpu.memory_space<hbm>>
      %dma_wait3A_528 = tpu.memref_slice %arg3[%mul3A_499, %add3A_526] : memref<200x16384xi32, #tpu.memory_space<hbm>> -> memref<40x256xi32, #tpu.memory_space<hbm>>
      tpu.wait_dma2 semaphore(%arg14 : memref<!tpu.dma_semaphore, #tpu.memory_space<semaphore_mem>>) src(%dma_wait3A_528 : memref<40x256xi32, #tpu.memory_space<hbm>>) dst(%arg8 : memref<40x256xi32, #tpu.memory_space<vmem>>)
      %jit3A_529 = arith.constant 5 : i32
      %eq3A_530 = arith.constant 0 : i32
      %eq3A_531 = arith.cmpi eq, %jit3A_529, %eq3A_530 : i32
      %jit3A_532 = arith.constant 1 : i32
      %select_n3A_533 = arith.select %eq3A_531, %jit3A_532, %jit3A_529 : i32
      %rem3A_534 = arith.remsi %add3A_299, %select_n3A_533 : i32
      %ne3A_535 = arith.constant 0 : i32
      %ne3A_536 = arith.cmpi ne, %rem3A_534, %ne3A_535 : i32
      %lt3A_537 = arith.constant 0 : i32
      %lt3A_538 = arith.cmpi slt, %rem3A_534, %lt3A_537 : i32
      %lt3A_539 = arith.constant 0 : i32
      %lt3A_540 = arith.cmpi slt, %select_n3A_533, %lt3A_539 : i32
      %ne3A_541 = arith.xori %lt3A_538, %lt3A_540 : i1
      %and3A_542 = arith.andi %ne3A_541, %ne3A_536 : i1
      %add3A_543 = arith.addi %rem3A_534, %select_n3A_533 : i32
      %select_n3A_544 = arith.select %and3A_542, %add3A_543, %rem3A_534 : i32
      %mul3A_545 = arith.constant 40 : i32
      %mul3A_546 = arith.muli %select_n3A_544, %mul3A_545 : i32
      %jit3A_547 = arith.constant 5 : i32
      %div3A_548 = arith.divsi %add3A_299, %jit3A_547 : i32
      %sign3A_549 = arith.constant 0 : i32
      %sign3A_550 = arith.cmpi sgt, %add3A_299, %sign3A_549 : i32
      %sign3A_551 = arith.extui %sign3A_550 : i1 to i32
      %sign3A_552 = arith.constant 0 : i32
      %sign3A_553 = arith.cmpi slt, %add3A_299, %sign3A_552 : i32
      %sign3A_554 = arith.extui %sign3A_553 : i1 to i32
      %sign3A_555 = arith.subi %sign3A_551, %sign3A_554 : i32
      %sign3A_556 = arith.constant 0 : i32
      %sign3A_557 = arith.cmpi sgt, %jit3A_547, %sign3A_556 : i32
      %sign3A_558 = arith.extui %sign3A_557 : i1 to i32
      %sign3A_559 = arith.constant 0 : i32
      %sign3A_560 = arith.cmpi slt, %jit3A_547, %sign3A_559 : i32
      %sign3A_561 = arith.extui %sign3A_560 : i1 to i32
      %sign3A_562 = arith.subi %sign3A_558, %sign3A_561 : i32
      %ne3A_563 = arith.cmpi ne, %sign3A_555, %sign3A_562 : i32
      %rem3A_564 = arith.remsi %add3A_299, %jit3A_547 : i32
      %ne3A_565 = arith.constant 0 : i32
      %ne3A_566 = arith.cmpi ne, %rem3A_564, %ne3A_565 : i32
      %and3A_567 = arith.andi %ne3A_563, %ne3A_566 : i1
      %sub3A_568 = arith.constant 1 : i32
      %sub3A_569 = arith.subi %div3A_548, %sub3A_568 : i32
      %select_n3A_570 = arith.select %and3A_567, %sub3A_569, %div3A_548 : i32
      %mul3A_571 = arith.constant 256 : i32
      %mul3A_572 = arith.muli %select_n3A_570, %mul3A_571 : i32
      %add3A_573 = arith.addi %mul3A_37, %mul3A_572 : i32
      %dma_wait3A_574 = tpu.memref_slice %arg4[%mul3A_546, %add3A_573] : memref<200x16384xi32, #tpu.memory_space<hbm>> -> memref<40x256xi32, #tpu.memory_space<hbm>>
      %dma_wait3A_575 = tpu.memref_slice %arg4[%mul3A_546, %add3A_573] : memref<200x16384xi32, #tpu.memory_space<hbm>> -> memref<40x256xi32, #tpu.memory_space<hbm>>
      tpu.wait_dma2 semaphore(%arg14 : memref<!tpu.dma_semaphore, #tpu.memory_space<semaphore_mem>>) src(%dma_wait3A_575 : memref<40x256xi32, #tpu.memory_space<hbm>>) dst(%arg10 : memref<40x256xi32, #tpu.memory_space<vmem>>)
      %parallel_loop3A_576 = arith.constant 0 : i32
      %parallel_loop3A_577 = arith.constant 40 : i32
      %parallel_loop3A_578 = arith.constant 1 : i32
      scf.for %parallel_loop3A_870 = %parallel_loop3A_576 to %parallel_loop3A_577 step %parallel_loop3A_578  : i32 {
        %parallel_loop3A_871 = arith.index_cast %parallel_loop3A_870 : i32 to index
        %parallel_loop3A_872 = arith.constant 0 : index
        %parallel_loop3A_873 = tpu.vector_load %arg6[%parallel_loop3A_871, %parallel_loop3A_872] {strides = array<i32>} : memref<40x256xf32, #tpu.memory_space<vmem>>, vector<16xf32>,
        %parallel_loop3A_874 = arith.index_cast %parallel_loop3A_870 : i32 to index
        %parallel_loop3A_875 = arith.constant 0 : index
        %parallel_loop3A_876 = tpu.vector_load %arg8[%parallel_loop3A_874, %parallel_loop3A_875] {strides = array<i32>} : memref<40x256xi32, #tpu.memory_space<vmem>>, vector<16xi32>,
        %parallel_loop3A_877 = arith.index_cast %parallel_loop3A_870 : i32 to index
        %parallel_loop3A_878 = arith.constant 0 : index
        %parallel_loop3A_879 = tpu.vector_load %arg10[%parallel_loop3A_877, %parallel_loop3A_878] {strides = array<i32>} : memref<40x256xi32, #tpu.memory_space<vmem>>, vector<16xi32>,
        %parallel_loop3A_880 = arith.constant 1.500000e+01 : f32
        %parallel_loop3A_881 = vector.broadcast %parallel_loop3A_880 : f32 to vector<16xf32>
        %parallel_loop3A_882 = arith.mulf %parallel_loop3A_873, %parallel_loop3A_881 : vector<16xf32>
        %parallel_loop3A_883 = arith.fptosi %parallel_loop3A_882 : vector<16xf32> to vector<16xi32>
        %parallel_loop3A_884 = arith.cmpi eq, %parallel_loop3A_876, %parallel_loop3A_879 : vector<16xi32>
        %parallel_loop3A_885 = arith.constant 1.000000e+00 : f32
        %parallel_loop3A_886 = arith.constant 0.000000e+00 : f32
        %parallel_loop3A_887 = vector.broadcast %parallel_loop3A_885 : f32 to vector<16xf32>
        %parallel_loop3A_888 = vector.broadcast %parallel_loop3A_886 : f32 to vector<16xf32>
        %parallel_loop3A_889 = arith.select %parallel_loop3A_884, %parallel_loop3A_887, %parallel_loop3A_888 : vector<16xi1>, vector<16xf32>
        %parallel_loop3A_890 = arith.subf %parallel_loop3A_873, %parallel_loop3A_889 : vector<16xf32>
        %parallel_loop3A_891 = arith.constant 16 : i32
        %parallel_loop3A_892 = vector.broadcast %parallel_loop3A_891 : i32 to vector<16xi32>
        %parallel_loop3A_893 = arith.muli %parallel_loop3A_883, %parallel_loop3A_892 : vector<16xi32>
        %parallel_loop3A_894 = arith.addi %parallel_loop3A_893, %add3A_35 : vector<16xi32>
        tpu.vector_store_idx %arg12[%parallel_loop3A_894], %parallel_loop3A_890 {add = true} : memref<256xf32, #tpu.memory_space<vmem>>[vector<16xi32>], vector<16xf32>,
        %parallel_loop3A_895 = arith.index_cast %parallel_loop3A_870 : i32 to index
        %parallel_loop3A_896 = arith.constant 16 : index
        %parallel_loop3A_897 = tpu.vector_load %arg6[%parallel_loop3A_895, %parallel_loop3A_896] {strides = array<i32>} : memref<40x256xf32, #tpu.memory_space<vmem>>, vector<16xf32>,
        %parallel_loop3A_898 = arith.index_cast %parallel_loop3A_870 : i32 to index
        %parallel_loop3A_899 = arith.constant 16 : index
        %parallel_loop3A_900 = tpu.vector_load %arg8[%parallel_loop3A_898, %parallel_loop3A_899] {strides = array<i32>} : memref<40x256xi32, #tpu.memory_space<vmem>>, vector<16xi32>,
        %parallel_loop3A_901 = arith.index_cast %parallel_loop3A_870 : i32 to index
        %parallel_loop3A_902 = arith.constant 16 : index
        %parallel_loop3A_903 = tpu.vector_load %arg10[%parallel_loop3A_901, %parallel_loop3A_902] {strides = array<i32>} : memref<40x256xi32, #tpu.memory_space<vmem>>, vector<16xi32>,
        %parallel_loop3A_904 = arith.constant 1.500000e+01 : f32
        %parallel_loop3A_905 = vector.broadcast %parallel_loop3A_904 : f32 to vector<16xf32>
        %parallel_loop3A_906 = arith.mulf %parallel_loop3A_897, %parallel_loop3A_905 : vector<16xf32>
        %parallel_loop3A_907 = arith.fptosi %parallel_loop3A_906 : vector<16xf32> to vector<16xi32>
        %parallel_loop3A_908 = arith.cmpi eq, %parallel_loop3A_900, %parallel_loop3A_903 : vector<16xi32>
        %parallel_loop3A_909 = arith.constant 1.000000e+00 : f32
        %parallel_loop3A_910 = arith.constant 0.000000e+00 : f32
        %parallel_loop3A_911 = vector.broadcast %parallel_loop3A_909 : f32 to vector<16xf32>
        %parallel_loop3A_912 = vector.broadcast %parallel_loop3A_910 : f32 to vector<16xf32>
        %parallel_loop3A_913 = arith.select %parallel_loop3A_908, %parallel_loop3A_911, %parallel_loop3A_912 : vector<16xi1>, vector<16xf32>
        %parallel_loop3A_914 = arith.subf %parallel_loop3A_897, %parallel_loop3A_913 : vector<16xf32>
        %parallel_loop3A_915 = arith.constant 16 : i32
        %parallel_loop3A_916 = vector.broadcast %parallel_loop3A_915 : i32 to vector<16xi32>
        %parallel_loop3A_917 = arith.muli %parallel_loop3A_907, %parallel_loop3A_916 : vector<16xi32>
        %parallel_loop3A_918 = arith.addi %parallel_loop3A_917, %add3A_35 : vector<16xi32>
        tpu.vector_store_idx %arg12[%parallel_loop3A_918], %parallel_loop3A_914 {add = true} : memref<256xf32, #tpu.memory_space<vmem>>[vector<16xi32>], vector<16xf32>,
        %parallel_loop3A_919 = arith.index_cast %parallel_loop3A_870 : i32 to index
        %parallel_loop3A_920 = arith.constant 32 : index
        %parallel_loop3A_921 = tpu.vector_load %arg6[%parallel_loop3A_919, %parallel_loop3A_920] {strides = array<i32>} : memref<40x256xf32, #tpu.memory_space<vmem>>, vector<16xf32>,
        %parallel_loop3A_922 = arith.index_cast %parallel_loop3A_870 : i32 to index
        %parallel_loop3A_923 = arith.constant 32 : index
        %parallel_loop3A_924 = tpu.vector_load %arg8[%parallel_loop3A_922, %parallel_loop3A_923] {strides = array<i32>} : memref<40x256xi32, #tpu.memory_space<vmem>>, vector<16xi32>,
        %parallel_loop3A_925 = arith.index_cast %parallel_loop3A_870 : i32 to index
        %parallel_loop3A_926 = arith.constant 32 : index
        %parallel_loop3A_927 = tpu.vector_load %arg10[%parallel_loop3A_925, %parallel_loop3A_926] {strides = array<i32>} : memref<40x256xi32, #tpu.memory_space<vmem>>, vector<16xi32>,
        %parallel_loop3A_928 = arith.constant 1.500000e+01 : f32
        %parallel_loop3A_929 = vector.broadcast %parallel_loop3A_928 : f32 to vector<16xf32>
        %parallel_loop3A_930 = arith.mulf %parallel_loop3A_921, %parallel_loop3A_929 : vector<16xf32>
        %parallel_loop3A_931 = arith.fptosi %parallel_loop3A_930 : vector<16xf32> to vector<16xi32>
        %parallel_loop3A_932 = arith.cmpi eq, %parallel_loop3A_924, %parallel_loop3A_927 : vector<16xi32>
        %parallel_loop3A_933 = arith.constant 1.000000e+00 : f32
        %parallel_loop3A_934 = arith.constant 0.000000e+00 : f32
        %parallel_loop3A_935 = vector.broadcast %parallel_loop3A_933 : f32 to vector<16xf32>
        %parallel_loop3A_936 = vector.broadcast %parallel_loop3A_934 : f32 to vector<16xf32>
        %parallel_loop3A_937 = arith.select %parallel_loop3A_932, %parallel_loop3A_935, %parallel_loop3A_936 : vector<16xi1>, vector<16xf32>
        %parallel_loop3A_938 = arith.subf %parallel_loop3A_921, %parallel_loop3A_937 : vector<16xf32>
        %parallel_loop3A_939 = arith.constant 16 : i32
        %parallel_loop3A_940 = vector.broadcast %parallel_loop3A_939 : i32 to vector<16xi32>
        %parallel_loop3A_941 = arith.muli %parallel_loop3A_931, %parallel_loop3A_940 : vector<16xi32>
        %parallel_loop3A_942 = arith.addi %parallel_loop3A_941, %add3A_35 : vector<16xi32>
        tpu.vector_store_idx %arg12[%parallel_loop3A_942], %parallel_loop3A_938 {add = true} : memref<256xf32, #tpu.memory_space<vmem>>[vector<16xi32>], vector<16xf32>,
        %parallel_loop3A_943 = arith.index_cast %parallel_loop3A_870 : i32 to index
        %parallel_loop3A_944 = arith.constant 48 : index
        %parallel_loop3A_945 = tpu.vector_load %arg6[%parallel_loop3A_943, %parallel_loop3A_944] {strides = array<i32>} : memref<40x256xf32, #tpu.memory_space<vmem>>, vector<16xf32>,
        %parallel_loop3A_946 = arith.index_cast %parallel_loop3A_870 : i32 to index
        %parallel_loop3A_947 = arith.constant 48 : index
        %parallel_loop3A_948 = tpu.vector_load %arg8[%parallel_loop3A_946, %parallel_loop3A_947] {strides = array<i32>} : memref<40x256xi32, #tpu.memory_space<vmem>>, vector<16xi32>,
        %parallel_loop3A_949 = arith.index_cast %parallel_loop3A_870 : i32 to index
        %parallel_loop3A_950 = arith.constant 48 : index
        %parallel_loop3A_951 = tpu.vector_load %arg10[%parallel_loop3A_949, %parallel_loop3A_950] {strides = array<i32>} : memref<40x256xi32, #tpu.memory_space<vmem>>, vector<16xi32>,
        %parallel_loop3A_952 = arith.constant 1.500000e+01 : f32
        %parallel_loop3A_953 = vector.broadcast %parallel_loop3A_952 : f32 to vector<16xf32>
        %parallel_loop3A_954 = arith.mulf %parallel_loop3A_945, %parallel_loop3A_953 : vector<16xf32>
        %parallel_loop3A_955 = arith.fptosi %parallel_loop3A_954 : vector<16xf32> to vector<16xi32>
        %parallel_loop3A_956 = arith.cmpi eq, %parallel_loop3A_948, %parallel_loop3A_951 : vector<16xi32>
        %parallel_loop3A_957 = arith.constant 1.000000e+00 : f32
        %parallel_loop3A_958 = arith.constant 0.000000e+00 : f32
        %parallel_loop3A_959 = vector.broadcast %parallel_loop3A_957 : f32 to vector<16xf32>
        %parallel_loop3A_960 = vector.broadcast %parallel_loop3A_958 : f32 to vector<16xf32>
        %parallel_loop3A_961 = arith.select %parallel_loop3A_956, %parallel_loop3A_959, %parallel_loop3A_960 : vector<16xi1>, vector<16xf32>
        %parallel_loop3A_962 = arith.subf %parallel_loop3A_945, %parallel_loop3A_961 : vector<16xf32>
        %parallel_loop3A_963 = arith.constant 16 : i32
        %parallel_loop3A_964 = vector.broadcast %parallel_loop3A_963 : i32 to vector<16xi32>
        %parallel_loop3A_965 = arith.muli %parallel_loop3A_955, %parallel_loop3A_964 : vector<16xi32>
        %parallel_loop3A_966 = arith.addi %parallel_loop3A_965, %add3A_35 : vector<16xi32>
        tpu.vector_store_idx %arg12[%parallel_loop3A_966], %parallel_loop3A_962 {add = true} : memref<256xf32, #tpu.memory_space<vmem>>[vector<16xi32>], vector<16xf32>,
        %parallel_loop3A_967 = arith.index_cast %parallel_loop3A_870 : i32 to index
        %parallel_loop3A_968 = arith.constant 64 : index
        %parallel_loop3A_969 = tpu.vector_load %arg6[%parallel_loop3A_967, %parallel_loop3A_968] {strides = array<i32>} : memref<40x256xf32, #tpu.memory_space<vmem>>, vector<16xf32>,
        %parallel_loop3A_970 = arith.index_cast %parallel_loop3A_870 : i32 to index
        %parallel_loop3A_971 = arith.constant 64 : index
        %parallel_loop3A_972 = tpu.vector_load %arg8[%parallel_loop3A_970, %parallel_loop3A_971] {strides = array<i32>} : memref<40x256xi32, #tpu.memory_space<vmem>>, vector<16xi32>,
        %parallel_loop3A_973 = arith.index_cast %parallel_loop3A_870 : i32 to index
        %parallel_loop3A_974 = arith.constant 64 : index
        %parallel_loop3A_975 = tpu.vector_load %arg10[%parallel_loop3A_973, %parallel_loop3A_974] {strides = array<i32>} : memref<40x256xi32, #tpu.memory_space<vmem>>, vector<16xi32>,
        %parallel_loop3A_976 = arith.constant 1.500000e+01 : f32
        %parallel_loop3A_977 = vector.broadcast %parallel_loop3A_976 : f32 to vector<16xf32>
        %parallel_loop3A_978 = arith.mulf %parallel_loop3A_969, %parallel_loop3A_977 : vector<16xf32>
        %parallel_loop3A_979 = arith.fptosi %parallel_loop3A_978 : vector<16xf32> to vector<16xi32>
        %parallel_loop3A_980 = arith.cmpi eq, %parallel_loop3A_972, %parallel_loop3A_975 : vector<16xi32>
        %parallel_loop3A_981 = arith.constant 1.000000e+00 : f32
        %parallel_loop3A_982 = arith.constant 0.000000e+00 : f32
        %parallel_loop3A_983 = vector.broadcast %parallel_loop3A_981 : f32 to vector<16xf32>
        %parallel_loop3A_984 = vector.broadcast %parallel_loop3A_982 : f32 to vector<16xf32>
        %parallel_loop3A_985 = arith.select %parallel_loop3A_980, %parallel_loop3A_983, %parallel_loop3A_984 : vector<16xi1>, vector<16xf32>
        %parallel_loop3A_986 = arith.subf %parallel_loop3A_969, %parallel_loop3A_985 : vector<16xf32>
        %parallel_loop3A_987 = arith.constant 16 : i32
        %parallel_loop3A_988 = vector.broadcast %parallel_loop3A_987 : i32 to vector<16xi32>
        %parallel_loop3A_989 = arith.muli %parallel_loop3A_979, %parallel_loop3A_988 : vector<16xi32>
        %parallel_loop3A_990 = arith.addi %parallel_loop3A_989, %add3A_35 : vector<16xi32>
        tpu.vector_store_idx %arg12[%parallel_loop3A_990], %parallel_loop3A_986 {add = true} : memref<256xf32, #tpu.memory_space<vmem>>[vector<16xi32>], vector<16xf32>,
        %parallel_loop3A_991 = arith.index_cast %parallel_loop3A_870 : i32 to index
        %parallel_loop3A_992 = arith.constant 80 : index
        %parallel_loop3A_993 = tpu.vector_load %arg6[%parallel_loop3A_991, %parallel_loop3A_992] {strides = array<i32>} : memref<40x256xf32, #tpu.memory_space<vmem>>, vector<16xf32>,
        %parallel_loop3A_994 = arith.index_cast %parallel_loop3A_870 : i32 to index
        %parallel_loop3A_995 = arith.constant 80 : index
        %parallel_loop3A_996 = tpu.vector_load %arg8[%parallel_loop3A_994, %parallel_loop3A_995] {strides = array<i32>} : memref<40x256xi32, #tpu.memory_space<vmem>>, vector<16xi32>,
        %parallel_loop3A_997 = arith.index_cast %parallel_loop3A_870 : i32 to index
        %parallel_loop3A_998 = arith.constant 80 : index
        %parallel_loop3A_999 = tpu.vector_load %arg10[%parallel_loop3A_997, %parallel_loop3A_998] {strides = array<i32>} : memref<40x256xi32, #tpu.memory_space<vmem>>, vector<16xi32>,
        %parallel_loop3A_1000 = arith.constant 1.500000e+01 : f32
        %parallel_loop3A_1001 = vector.broadcast %parallel_loop3A_1000 : f32 to vector<16xf32>
        %parallel_loop3A_1002 = arith.mulf %parallel_loop3A_993, %parallel_loop3A_1001 : vector<16xf32>
        %parallel_loop3A_1003 = arith.fptosi %parallel_loop3A_1002 : vector<16xf32> to vector<16xi32>
        %parallel_loop3A_1004 = arith.cmpi eq, %parallel_loop3A_996, %parallel_loop3A_999 : vector<16xi32>
        %parallel_loop3A_1005 = arith.constant 1.000000e+00 : f32
        %parallel_loop3A_1006 = arith.constant 0.000000e+00 : f32
        %parallel_loop3A_1007 = vector.broadcast %parallel_loop3A_1005 : f32 to vector<16xf32>
        %parallel_loop3A_1008 = vector.broadcast %parallel_loop3A_1006 : f32 to vector<16xf32>
        %parallel_loop3A_1009 = arith.select %parallel_loop3A_1004, %parallel_loop3A_1007, %parallel_loop3A_1008 : vector<16xi1>, vector<16xf32>
        %parallel_loop3A_1010 = arith.subf %parallel_loop3A_993, %parallel_loop3A_1009 : vector<16xf32>
        %parallel_loop3A_1011 = arith.constant 16 : i32
        %parallel_loop3A_1012 = vector.broadcast %parallel_loop3A_1011 : i32 to vector<16xi32>
        %parallel_loop3A_1013 = arith.muli %parallel_loop3A_1003, %parallel_loop3A_1012 : vector<16xi32>
        %parallel_loop3A_1014 = arith.addi %parallel_loop3A_1013, %add3A_35 : vector<16xi32>
        tpu.vector_store_idx %arg12[%parallel_loop3A_1014], %parallel_loop3A_1010 {add = true} : memref<256xf32, #tpu.memory_space<vmem>>[vector<16xi32>], vector<16xf32>,
        %parallel_loop3A_1015 = arith.index_cast %parallel_loop3A_870 : i32 to index
        %parallel_loop3A_1016 = arith.constant 96 : index
        %parallel_loop3A_1017 = tpu.vector_load %arg6[%parallel_loop3A_1015, %parallel_loop3A_1016] {strides = array<i32>} : memref<40x256xf32, #tpu.memory_space<vmem>>, vector<16xf32>,
        %parallel_loop3A_1018 = arith.index_cast %parallel_loop3A_870 : i32 to index
        %parallel_loop3A_1019 = arith.constant 96 : index
        %parallel_loop3A_1020 = tpu.vector_load %arg8[%parallel_loop3A_1018, %parallel_loop3A_1019] {strides = array<i32>} : memref<40x256xi32, #tpu.memory_space<vmem>>, vector<16xi32>,
        %parallel_loop3A_1021 = arith.index_cast %parallel_loop3A_870 : i32 to index
        %parallel_loop3A_1022 = arith.constant 96 : index
        %parallel_loop3A_1023 = tpu.vector_load %arg10[%parallel_loop3A_1021, %parallel_loop3A_1022] {strides = array<i32>} : memref<40x256xi32, #tpu.memory_space<vmem>>, vector<16xi32>,
        %parallel_loop3A_1024 = arith.constant 1.500000e+01 : f32
        %parallel_loop3A_1025 = vector.broadcast %parallel_loop3A_1024 : f32 to vector<16xf32>
        %parallel_loop3A_1026 = arith.mulf %parallel_loop3A_1017, %parallel_loop3A_1025 : vector<16xf32>
        %parallel_loop3A_1027 = arith.fptosi %parallel_loop3A_1026 : vector<16xf32> to vector<16xi32>
        %parallel_loop3A_1028 = arith.cmpi eq, %parallel_loop3A_1020, %parallel_loop3A_1023 : vector<16xi32>
        %parallel_loop3A_1029 = arith.constant 1.000000e+00 : f32
        %parallel_loop3A_1030 = arith.constant 0.000000e+00 : f32
        %parallel_loop3A_1031 = vector.broadcast %parallel_loop3A_1029 : f32 to vector<16xf32>
        %parallel_loop3A_1032 = vector.broadcast %parallel_loop3A_1030 : f32 to vector<16xf32>
        %parallel_loop3A_1033 = arith.select %parallel_loop3A_1028, %parallel_loop3A_1031, %parallel_loop3A_1032 : vector<16xi1>, vector<16xf32>
        %parallel_loop3A_1034 = arith.subf %parallel_loop3A_1017, %parallel_loop3A_1033 : vector<16xf32>
        %parallel_loop3A_1035 = arith.constant 16 : i32
        %parallel_loop3A_1036 = vector.broadcast %parallel_loop3A_1035 : i32 to vector<16xi32>
        %parallel_loop3A_1037 = arith.muli %parallel_loop3A_1027, %parallel_loop3A_1036 : vector<16xi32>
        %parallel_loop3A_1038 = arith.addi %parallel_loop3A_1037, %add3A_35 : vector<16xi32>
        tpu.vector_store_idx %arg12[%parallel_loop3A_1038], %parallel_loop3A_1034 {add = true} : memref<256xf32, #tpu.memory_space<vmem>>[vector<16xi32>], vector<16xf32>,
        %parallel_loop3A_1039 = arith.index_cast %parallel_loop3A_870 : i32 to index
        %parallel_loop3A_1040 = arith.constant 112 : index
        %parallel_loop3A_1041 = tpu.vector_load %arg6[%parallel_loop3A_1039, %parallel_loop3A_1040] {strides = array<i32>} : memref<40x256xf32, #tpu.memory_space<vmem>>, vector<16xf32>,
        %parallel_loop3A_1042 = arith.index_cast %parallel_loop3A_870 : i32 to index
        %parallel_loop3A_1043 = arith.constant 112 : index
        %parallel_loop3A_1044 = tpu.vector_load %arg8[%parallel_loop3A_1042, %parallel_loop3A_1043] {strides = array<i32>} : memref<40x256xi32, #tpu.memory_space<vmem>>, vector<16xi32>,
        %parallel_loop3A_1045 = arith.index_cast %parallel_loop3A_870 : i32 to index
        %parallel_loop3A_1046 = arith.constant 112 : index
        %parallel_loop3A_1047 = tpu.vector_load %arg10[%parallel_loop3A_1045, %parallel_loop3A_1046] {strides = array<i32>} : memref<40x256xi32, #tpu.memory_space<vmem>>, vector<16xi32>,
        %parallel_loop3A_1048 = arith.constant 1.500000e+01 : f32
        %parallel_loop3A_1049 = vector.broadcast %parallel_loop3A_1048 : f32 to vector<16xf32>
        %parallel_loop3A_1050 = arith.mulf %parallel_loop3A_1041, %parallel_loop3A_1049 : vector<16xf32>
        %parallel_loop3A_1051 = arith.fptosi %parallel_loop3A_1050 : vector<16xf32> to vector<16xi32>
        %parallel_loop3A_1052 = arith.cmpi eq, %parallel_loop3A_1044, %parallel_loop3A_1047 : vector<16xi32>
        %parallel_loop3A_1053 = arith.constant 1.000000e+00 : f32
        %parallel_loop3A_1054 = arith.constant 0.000000e+00 : f32
        %parallel_loop3A_1055 = vector.broadcast %parallel_loop3A_1053 : f32 to vector<16xf32>
        %parallel_loop3A_1056 = vector.broadcast %parallel_loop3A_1054 : f32 to vector<16xf32>
        %parallel_loop3A_1057 = arith.select %parallel_loop3A_1052, %parallel_loop3A_1055, %parallel_loop3A_1056 : vector<16xi1>, vector<16xf32>
        %parallel_loop3A_1058 = arith.subf %parallel_loop3A_1041, %parallel_loop3A_1057 : vector<16xf32>
        %parallel_loop3A_1059 = arith.constant 16 : i32
        %parallel_loop3A_1060 = vector.broadcast %parallel_loop3A_1059 : i32 to vector<16xi32>
        %parallel_loop3A_1061 = arith.muli %parallel_loop3A_1051, %parallel_loop3A_1060 : vector<16xi32>
        %parallel_loop3A_1062 = arith.addi %parallel_loop3A_1061, %add3A_35 : vector<16xi32>
        tpu.vector_store_idx %arg12[%parallel_loop3A_1062], %parallel_loop3A_1058 {add = true} : memref<256xf32, #tpu.memory_space<vmem>>[vector<16xi32>], vector<16xf32>,
        %parallel_loop3A_1063 = arith.index_cast %parallel_loop3A_870 : i32 to index
        %parallel_loop3A_1064 = arith.constant 128 : index
        %parallel_loop3A_1065 = tpu.vector_load %arg6[%parallel_loop3A_1063, %parallel_loop3A_1064] {strides = array<i32>} : memref<40x256xf32, #tpu.memory_space<vmem>>, vector<16xf32>,
        %parallel_loop3A_1066 = arith.index_cast %parallel_loop3A_870 : i32 to index
        %parallel_loop3A_1067 = arith.constant 128 : index
        %parallel_loop3A_1068 = tpu.vector_load %arg8[%parallel_loop3A_1066, %parallel_loop3A_1067] {strides = array<i32>} : memref<40x256xi32, #tpu.memory_space<vmem>>, vector<16xi32>,
        %parallel_loop3A_1069 = arith.index_cast %parallel_loop3A_870 : i32 to index
        %parallel_loop3A_1070 = arith.constant 128 : index
        %parallel_loop3A_1071 = tpu.vector_load %arg10[%parallel_loop3A_1069, %parallel_loop3A_1070] {strides = array<i32>} : memref<40x256xi32, #tpu.memory_space<vmem>>, vector<16xi32>,
        %parallel_loop3A_1072 = arith.constant 1.500000e+01 : f32
        %parallel_loop3A_1073 = vector.broadcast %parallel_loop3A_1072 : f32 to vector<16xf32>
        %parallel_loop3A_1074 = arith.mulf %parallel_loop3A_1065, %parallel_loop3A_1073 : vector<16xf32>
        %parallel_loop3A_1075 = arith.fptosi %parallel_loop3A_1074 : vector<16xf32> to vector<16xi32>
        %parallel_loop3A_1076 = arith.cmpi eq, %parallel_loop3A_1068, %parallel_loop3A_1071 : vector<16xi32>
        %parallel_loop3A_1077 = arith.constant 1.000000e+00 : f32
        %parallel_loop3A_1078 = arith.constant 0.000000e+00 : f32
        %parallel_loop3A_1079 = vector.broadcast %parallel_loop3A_1077 : f32 to vector<16xf32>
        %parallel_loop3A_1080 = vector.broadcast %parallel_loop3A_1078 : f32 to vector<16xf32>
        %parallel_loop3A_1081 = arith.select %parallel_loop3A_1076, %parallel_loop3A_1079, %parallel_loop3A_1080 : vector<16xi1>, vector<16xf32>
        %parallel_loop3A_1082 = arith.subf %parallel_loop3A_1065, %parallel_loop3A_1081 : vector<16xf32>
        %parallel_loop3A_1083 = arith.constant 16 : i32
        %parallel_loop3A_1084 = vector.broadcast %parallel_loop3A_1083 : i32 to vector<16xi32>
        %parallel_loop3A_1085 = arith.muli %parallel_loop3A_1075, %parallel_loop3A_1084 : vector<16xi32>
        %parallel_loop3A_1086 = arith.addi %parallel_loop3A_1085, %add3A_35 : vector<16xi32>
        tpu.vector_store_idx %arg12[%parallel_loop3A_1086], %parallel_loop3A_1082 {add = true} : memref<256xf32, #tpu.memory_space<vmem>>[vector<16xi32>], vector<16xf32>,
        %parallel_loop3A_1087 = arith.index_cast %parallel_loop3A_870 : i32 to index
        %parallel_loop3A_1088 = arith.constant 144 : index
        %parallel_loop3A_1089 = tpu.vector_load %arg6[%parallel_loop3A_1087, %parallel_loop3A_1088] {strides = array<i32>} : memref<40x256xf32, #tpu.memory_space<vmem>>, vector<16xf32>,
        %parallel_loop3A_1090 = arith.index_cast %parallel_loop3A_870 : i32 to index
        %parallel_loop3A_1091 = arith.constant 144 : index
        %parallel_loop3A_1092 = tpu.vector_load %arg8[%parallel_loop3A_1090, %parallel_loop3A_1091] {strides = array<i32>} : memref<40x256xi32, #tpu.memory_space<vmem>>, vector<16xi32>,
        %parallel_loop3A_1093 = arith.index_cast %parallel_loop3A_870 : i32 to index
        %parallel_loop3A_1094 = arith.constant 144 : index
        %parallel_loop3A_1095 = tpu.vector_load %arg10[%parallel_loop3A_1093, %parallel_loop3A_1094] {strides = array<i32>} : memref<40x256xi32, #tpu.memory_space<vmem>>, vector<16xi32>,
        %parallel_loop3A_1096 = arith.constant 1.500000e+01 : f32
        %parallel_loop3A_1097 = vector.broadcast %parallel_loop3A_1096 : f32 to vector<16xf32>
        %parallel_loop3A_1098 = arith.mulf %parallel_loop3A_1089, %parallel_loop3A_1097 : vector<16xf32>
        %parallel_loop3A_1099 = arith.fptosi %parallel_loop3A_1098 : vector<16xf32> to vector<16xi32>
        %parallel_loop3A_1100 = arith.cmpi eq, %parallel_loop3A_1092, %parallel_loop3A_1095 : vector<16xi32>
        %parallel_loop3A_1101 = arith.constant 1.000000e+00 : f32
        %parallel_loop3A_1102 = arith.constant 0.000000e+00 : f32
        %parallel_loop3A_1103 = vector.broadcast %parallel_loop3A_1101 : f32 to vector<16xf32>
        %parallel_loop3A_1104 = vector.broadcast %parallel_loop3A_1102 : f32 to vector<16xf32>
        %parallel_loop3A_1105 = arith.select %parallel_loop3A_1100, %parallel_loop3A_1103, %parallel_loop3A_1104 : vector<16xi1>, vector<16xf32>
        %parallel_loop3A_1106 = arith.subf %parallel_loop3A_1089, %parallel_loop3A_1105 : vector<16xf32>
        %parallel_loop3A_1107 = arith.constant 16 : i32
        %parallel_loop3A_1108 = vector.broadcast %parallel_loop3A_1107 : i32 to vector<16xi32>
        %parallel_loop3A_1109 = arith.muli %parallel_loop3A_1099, %parallel_loop3A_1108 : vector<16xi32>
        %parallel_loop3A_1110 = arith.addi %parallel_loop3A_1109, %add3A_35 : vector<16xi32>
        tpu.vector_store_idx %arg12[%parallel_loop3A_1110], %parallel_loop3A_1106 {add = true} : memref<256xf32, #tpu.memory_space<vmem>>[vector<16xi32>], vector<16xf32>,
        %parallel_loop3A_1111 = arith.index_cast %parallel_loop3A_870 : i32 to index
        %parallel_loop3A_1112 = arith.constant 160 : index
        %parallel_loop3A_1113 = tpu.vector_load %arg6[%parallel_loop3A_1111, %parallel_loop3A_1112] {strides = array<i32>} : memref<40x256xf32, #tpu.memory_space<vmem>>, vector<16xf32>,
        %parallel_loop3A_1114 = arith.index_cast %parallel_loop3A_870 : i32 to index
        %parallel_loop3A_1115 = arith.constant 160 : index
        %parallel_loop3A_1116 = tpu.vector_load %arg8[%parallel_loop3A_1114, %parallel_loop3A_1115] {strides = array<i32>} : memref<40x256xi32, #tpu.memory_space<vmem>>, vector<16xi32>,
        %parallel_loop3A_1117 = arith.index_cast %parallel_loop3A_870 : i32 to index
        %parallel_loop3A_1118 = arith.constant 160 : index
        %parallel_loop3A_1119 = tpu.vector_load %arg10[%parallel_loop3A_1117, %parallel_loop3A_1118] {strides = array<i32>} : memref<40x256xi32, #tpu.memory_space<vmem>>, vector<16xi32>,
        %parallel_loop3A_1120 = arith.constant 1.500000e+01 : f32
        %parallel_loop3A_1121 = vector.broadcast %parallel_loop3A_1120 : f32 to vector<16xf32>
        %parallel_loop3A_1122 = arith.mulf %parallel_loop3A_1113, %parallel_loop3A_1121 : vector<16xf32>
        %parallel_loop3A_1123 = arith.fptosi %parallel_loop3A_1122 : vector<16xf32> to vector<16xi32>
        %parallel_loop3A_1124 = arith.cmpi eq, %parallel_loop3A_1116, %parallel_loop3A_1119 : vector<16xi32>
        %parallel_loop3A_1125 = arith.constant 1.000000e+00 : f32
        %parallel_loop3A_1126 = arith.constant 0.000000e+00 : f32
        %parallel_loop3A_1127 = vector.broadcast %parallel_loop3A_1125 : f32 to vector<16xf32>
        %parallel_loop3A_1128 = vector.broadcast %parallel_loop3A_1126 : f32 to vector<16xf32>
        %parallel_loop3A_1129 = arith.select %parallel_loop3A_1124, %parallel_loop3A_1127, %parallel_loop3A_1128 : vector<16xi1>, vector<16xf32>
        %parallel_loop3A_1130 = arith.subf %parallel_loop3A_1113, %parallel_loop3A_1129 : vector<16xf32>
        %parallel_loop3A_1131 = arith.constant 16 : i32
        %parallel_loop3A_1132 = vector.broadcast %parallel_loop3A_1131 : i32 to vector<16xi32>
        %parallel_loop3A_1133 = arith.muli %parallel_loop3A_1123, %parallel_loop3A_1132 : vector<16xi32>
        %parallel_loop3A_1134 = arith.addi %parallel_loop3A_1133, %add3A_35 : vector<16xi32>
        tpu.vector_store_idx %arg12[%parallel_loop3A_1134], %parallel_loop3A_1130 {add = true} : memref<256xf32, #tpu.memory_space<vmem>>[vector<16xi32>], vector<16xf32>,
        %parallel_loop3A_1135 = arith.index_cast %parallel_loop3A_870 : i32 to index
        %parallel_loop3A_1136 = arith.constant 176 : index
        %parallel_loop3A_1137 = tpu.vector_load %arg6[%parallel_loop3A_1135, %parallel_loop3A_1136] {strides = array<i32>} : memref<40x256xf32, #tpu.memory_space<vmem>>, vector<16xf32>,
        %parallel_loop3A_1138 = arith.index_cast %parallel_loop3A_870 : i32 to index
        %parallel_loop3A_1139 = arith.constant 176 : index
        %parallel_loop3A_1140 = tpu.vector_load %arg8[%parallel_loop3A_1138, %parallel_loop3A_1139] {strides = array<i32>} : memref<40x256xi32, #tpu.memory_space<vmem>>, vector<16xi32>,
        %parallel_loop3A_1141 = arith.index_cast %parallel_loop3A_870 : i32 to index
        %parallel_loop3A_1142 = arith.constant 176 : index
        %parallel_loop3A_1143 = tpu.vector_load %arg10[%parallel_loop3A_1141, %parallel_loop3A_1142] {strides = array<i32>} : memref<40x256xi32, #tpu.memory_space<vmem>>, vector<16xi32>,
        %parallel_loop3A_1144 = arith.constant 1.500000e+01 : f32
        %parallel_loop3A_1145 = vector.broadcast %parallel_loop3A_1144 : f32 to vector<16xf32>
        %parallel_loop3A_1146 = arith.mulf %parallel_loop3A_1137, %parallel_loop3A_1145 : vector<16xf32>
        %parallel_loop3A_1147 = arith.fptosi %parallel_loop3A_1146 : vector<16xf32> to vector<16xi32>
        %parallel_loop3A_1148 = arith.cmpi eq, %parallel_loop3A_1140, %parallel_loop3A_1143 : vector<16xi32>
        %parallel_loop3A_1149 = arith.constant 1.000000e+00 : f32
        %parallel_loop3A_1150 = arith.constant 0.000000e+00 : f32
        %parallel_loop3A_1151 = vector.broadcast %parallel_loop3A_1149 : f32 to vector<16xf32>
        %parallel_loop3A_1152 = vector.broadcast %parallel_loop3A_1150 : f32 to vector<16xf32>
        %parallel_loop3A_1153 = arith.select %parallel_loop3A_1148, %parallel_loop3A_1151, %parallel_loop3A_1152 : vector<16xi1>, vector<16xf32>
        %parallel_loop3A_1154 = arith.subf %parallel_loop3A_1137, %parallel_loop3A_1153 : vector<16xf32>
        %parallel_loop3A_1155 = arith.constant 16 : i32
        %parallel_loop3A_1156 = vector.broadcast %parallel_loop3A_1155 : i32 to vector<16xi32>
        %parallel_loop3A_1157 = arith.muli %parallel_loop3A_1147, %parallel_loop3A_1156 : vector<16xi32>
        %parallel_loop3A_1158 = arith.addi %parallel_loop3A_1157, %add3A_35 : vector<16xi32>
        tpu.vector_store_idx %arg12[%parallel_loop3A_1158], %parallel_loop3A_1154 {add = true} : memref<256xf32, #tpu.memory_space<vmem>>[vector<16xi32>], vector<16xf32>,
        %parallel_loop3A_1159 = arith.index_cast %parallel_loop3A_870 : i32 to index
        %parallel_loop3A_1160 = arith.constant 192 : index
        %parallel_loop3A_1161 = tpu.vector_load %arg6[%parallel_loop3A_1159, %parallel_loop3A_1160] {strides = array<i32>} : memref<40x256xf32, #tpu.memory_space<vmem>>, vector<16xf32>,
        %parallel_loop3A_1162 = arith.index_cast %parallel_loop3A_870 : i32 to index
        %parallel_loop3A_1163 = arith.constant 192 : index
        %parallel_loop3A_1164 = tpu.vector_load %arg8[%parallel_loop3A_1162, %parallel_loop3A_1163] {strides = array<i32>} : memref<40x256xi32, #tpu.memory_space<vmem>>, vector<16xi32>,
        %parallel_loop3A_1165 = arith.index_cast %parallel_loop3A_870 : i32 to index
        %parallel_loop3A_1166 = arith.constant 192 : index
        %parallel_loop3A_1167 = tpu.vector_load %arg10[%parallel_loop3A_1165, %parallel_loop3A_1166] {strides = array<i32>} : memref<40x256xi32, #tpu.memory_space<vmem>>, vector<16xi32>,
        %parallel_loop3A_1168 = arith.constant 1.500000e+01 : f32
        %parallel_loop3A_1169 = vector.broadcast %parallel_loop3A_1168 : f32 to vector<16xf32>
        %parallel_loop3A_1170 = arith.mulf %parallel_loop3A_1161, %parallel_loop3A_1169 : vector<16xf32>
        %parallel_loop3A_1171 = arith.fptosi %parallel_loop3A_1170 : vector<16xf32> to vector<16xi32>
        %parallel_loop3A_1172 = arith.cmpi eq, %parallel_loop3A_1164, %parallel_loop3A_1167 : vector<16xi32>
        %parallel_loop3A_1173 = arith.constant 1.000000e+00 : f32
        %parallel_loop3A_1174 = arith.constant 0.000000e+00 : f32
        %parallel_loop3A_1175 = vector.broadcast %parallel_loop3A_1173 : f32 to vector<16xf32>
        %parallel_loop3A_1176 = vector.broadcast %parallel_loop3A_1174 : f32 to vector<16xf32>
        %parallel_loop3A_1177 = arith.select %parallel_loop3A_1172, %parallel_loop3A_1175, %parallel_loop3A_1176 : vector<16xi1>, vector<16xf32>
        %parallel_loop3A_1178 = arith.subf %parallel_loop3A_1161, %parallel_loop3A_1177 : vector<16xf32>
        %parallel_loop3A_1179 = arith.constant 16 : i32
        %parallel_loop3A_1180 = vector.broadcast %parallel_loop3A_1179 : i32 to vector<16xi32>
        %parallel_loop3A_1181 = arith.muli %parallel_loop3A_1171, %parallel_loop3A_1180 : vector<16xi32>
        %parallel_loop3A_1182 = arith.addi %parallel_loop3A_1181, %add3A_35 : vector<16xi32>
        tpu.vector_store_idx %arg12[%parallel_loop3A_1182], %parallel_loop3A_1178 {add = true} : memref<256xf32, #tpu.memory_space<vmem>>[vector<16xi32>], vector<16xf32>,
        %parallel_loop3A_1183 = arith.index_cast %parallel_loop3A_870 : i32 to index
        %parallel_loop3A_1184 = arith.constant 208 : index
        %parallel_loop3A_1185 = tpu.vector_load %arg6[%parallel_loop3A_1183, %parallel_loop3A_1184] {strides = array<i32>} : memref<40x256xf32, #tpu.memory_space<vmem>>, vector<16xf32>,
        %parallel_loop3A_1186 = arith.index_cast %parallel_loop3A_870 : i32 to index
        %parallel_loop3A_1187 = arith.constant 208 : index
        %parallel_loop3A_1188 = tpu.vector_load %arg8[%parallel_loop3A_1186, %parallel_loop3A_1187] {strides = array<i32>} : memref<40x256xi32, #tpu.memory_space<vmem>>, vector<16xi32>,
        %parallel_loop3A_1189 = arith.index_cast %parallel_loop3A_870 : i32 to index
        %parallel_loop3A_1190 = arith.constant 208 : index
        %parallel_loop3A_1191 = tpu.vector_load %arg10[%parallel_loop3A_1189, %parallel_loop3A_1190] {strides = array<i32>} : memref<40x256xi32, #tpu.memory_space<vmem>>, vector<16xi32>,
        %parallel_loop3A_1192 = arith.constant 1.500000e+01 : f32
        %parallel_loop3A_1193 = vector.broadcast %parallel_loop3A_1192 : f32 to vector<16xf32>
        %parallel_loop3A_1194 = arith.mulf %parallel_loop3A_1185, %parallel_loop3A_1193 : vector<16xf32>
        %parallel_loop3A_1195 = arith.fptosi %parallel_loop3A_1194 : vector<16xf32> to vector<16xi32>
        %parallel_loop3A_1196 = arith.cmpi eq, %parallel_loop3A_1188, %parallel_loop3A_1191 : vector<16xi32>
        %parallel_loop3A_1197 = arith.constant 1.000000e+00 : f32
        %parallel_loop3A_1198 = arith.constant 0.000000e+00 : f32
        %parallel_loop3A_1199 = vector.broadcast %parallel_loop3A_1197 : f32 to vector<16xf32>
        %parallel_loop3A_1200 = vector.broadcast %parallel_loop3A_1198 : f32 to vector<16xf32>
        %parallel_loop3A_1201 = arith.select %parallel_loop3A_1196, %parallel_loop3A_1199, %parallel_loop3A_1200 : vector<16xi1>, vector<16xf32>
        %parallel_loop3A_1202 = arith.subf %parallel_loop3A_1185, %parallel_loop3A_1201 : vector<16xf32>
        %parallel_loop3A_1203 = arith.constant 16 : i32
        %parallel_loop3A_1204 = vector.broadcast %parallel_loop3A_1203 : i32 to vector<16xi32>
        %parallel_loop3A_1205 = arith.muli %parallel_loop3A_1195, %parallel_loop3A_1204 : vector<16xi32>
        %parallel_loop3A_1206 = arith.addi %parallel_loop3A_1205, %add3A_35 : vector<16xi32>
        tpu.vector_store_idx %arg12[%parallel_loop3A_1206], %parallel_loop3A_1202 {add = true} : memref<256xf32, #tpu.memory_space<vmem>>[vector<16xi32>], vector<16xf32>,
        %parallel_loop3A_1207 = arith.index_cast %parallel_loop3A_870 : i32 to index
        %parallel_loop3A_1208 = arith.constant 224 : index
        %parallel_loop3A_1209 = tpu.vector_load %arg6[%parallel_loop3A_1207, %parallel_loop3A_1208] {strides = array<i32>} : memref<40x256xf32, #tpu.memory_space<vmem>>, vector<16xf32>,
        %parallel_loop3A_1210 = arith.index_cast %parallel_loop3A_870 : i32 to index
        %parallel_loop3A_1211 = arith.constant 224 : index
        %parallel_loop3A_1212 = tpu.vector_load %arg8[%parallel_loop3A_1210, %parallel_loop3A_1211] {strides = array<i32>} : memref<40x256xi32, #tpu.memory_space<vmem>>, vector<16xi32>,
        %parallel_loop3A_1213 = arith.index_cast %parallel_loop3A_870 : i32 to index
        %parallel_loop3A_1214 = arith.constant 224 : index
        %parallel_loop3A_1215 = tpu.vector_load %arg10[%parallel_loop3A_1213, %parallel_loop3A_1214] {strides = array<i32>} : memref<40x256xi32, #tpu.memory_space<vmem>>, vector<16xi32>,
        %parallel_loop3A_1216 = arith.constant 1.500000e+01 : f32
        %parallel_loop3A_1217 = vector.broadcast %parallel_loop3A_1216 : f32 to vector<16xf32>
        %parallel_loop3A_1218 = arith.mulf %parallel_loop3A_1209, %parallel_loop3A_1217 : vector<16xf32>
        %parallel_loop3A_1219 = arith.fptosi %parallel_loop3A_1218 : vector<16xf32> to vector<16xi32>
        %parallel_loop3A_1220 = arith.cmpi eq, %parallel_loop3A_1212, %parallel_loop3A_1215 : vector<16xi32>
        %parallel_loop3A_1221 = arith.constant 1.000000e+00 : f32
        %parallel_loop3A_1222 = arith.constant 0.000000e+00 : f32
        %parallel_loop3A_1223 = vector.broadcast %parallel_loop3A_1221 : f32 to vector<16xf32>
        %parallel_loop3A_1224 = vector.broadcast %parallel_loop3A_1222 : f32 to vector<16xf32>
        %parallel_loop3A_1225 = arith.select %parallel_loop3A_1220, %parallel_loop3A_1223, %parallel_loop3A_1224 : vector<16xi1>, vector<16xf32>
        %parallel_loop3A_1226 = arith.subf %parallel_loop3A_1209, %parallel_loop3A_1225 : vector<16xf32>
        %parallel_loop3A_1227 = arith.constant 16 : i32
        %parallel_loop3A_1228 = vector.broadcast %parallel_loop3A_1227 : i32 to vector<16xi32>
        %parallel_loop3A_1229 = arith.muli %parallel_loop3A_1219, %parallel_loop3A_1228 : vector<16xi32>
        %parallel_loop3A_1230 = arith.addi %parallel_loop3A_1229, %add3A_35 : vector<16xi32>
        tpu.vector_store_idx %arg12[%parallel_loop3A_1230], %parallel_loop3A_1226 {add = true} : memref<256xf32, #tpu.memory_space<vmem>>[vector<16xi32>], vector<16xf32>,
        %parallel_loop3A_1231 = arith.index_cast %parallel_loop3A_870 : i32 to index
        %parallel_loop3A_1232 = arith.constant 240 : index
        %parallel_loop3A_1233 = tpu.vector_load %arg6[%parallel_loop3A_1231, %parallel_loop3A_1232] {strides = array<i32>} : memref<40x256xf32, #tpu.memory_space<vmem>>, vector<16xf32>,
        %parallel_loop3A_1234 = arith.index_cast %parallel_loop3A_870 : i32 to index
        %parallel_loop3A_1235 = arith.constant 240 : index
        %parallel_loop3A_1236 = tpu.vector_load %arg8[%parallel_loop3A_1234, %parallel_loop3A_1235] {strides = array<i32>} : memref<40x256xi32, #tpu.memory_space<vmem>>, vector<16xi32>,
        %parallel_loop3A_1237 = arith.index_cast %parallel_loop3A_870 : i32 to index
        %parallel_loop3A_1238 = arith.constant 240 : index
        %parallel_loop3A_1239 = tpu.vector_load %arg10[%parallel_loop3A_1237, %parallel_loop3A_1238] {strides = array<i32>} : memref<40x256xi32, #tpu.memory_space<vmem>>, vector<16xi32>,
        %parallel_loop3A_1240 = arith.constant 1.500000e+01 : f32
        %parallel_loop3A_1241 = vector.broadcast %parallel_loop3A_1240 : f32 to vector<16xf32>
        %parallel_loop3A_1242 = arith.mulf %parallel_loop3A_1233, %parallel_loop3A_1241 : vector<16xf32>
        %parallel_loop3A_1243 = arith.fptosi %parallel_loop3A_1242 : vector<16xf32> to vector<16xi32>
        %parallel_loop3A_1244 = arith.cmpi eq, %parallel_loop3A_1236, %parallel_loop3A_1239 : vector<16xi32>
        %parallel_loop3A_1245 = arith.constant 1.000000e+00 : f32
        %parallel_loop3A_1246 = arith.constant 0.000000e+00 : f32
        %parallel_loop3A_1247 = vector.broadcast %parallel_loop3A_1245 : f32 to vector<16xf32>
        %parallel_loop3A_1248 = vector.broadcast %parallel_loop3A_1246 : f32 to vector<16xf32>
        %parallel_loop3A_1249 = arith.select %parallel_loop3A_1244, %parallel_loop3A_1247, %parallel_loop3A_1248 : vector<16xi1>, vector<16xf32>
        %parallel_loop3A_1250 = arith.subf %parallel_loop3A_1233, %parallel_loop3A_1249 : vector<16xf32>
        %parallel_loop3A_1251 = arith.constant 16 : i32
        %parallel_loop3A_1252 = vector.broadcast %parallel_loop3A_1251 : i32 to vector<16xi32>
        %parallel_loop3A_1253 = arith.muli %parallel_loop3A_1243, %parallel_loop3A_1252 : vector<16xi32>
        %parallel_loop3A_1254 = arith.addi %parallel_loop3A_1253, %add3A_35 : vector<16xi32>
        tpu.vector_store_idx %arg12[%parallel_loop3A_1254], %parallel_loop3A_1250 {add = true} : memref<256xf32, #tpu.memory_space<vmem>>[vector<16xi32>], vector<16xf32>,
      } {sc.loop_unroll_factor = 2 : i64, sc.parallel_access}
      %mul3A_579 = arith.constant 2 : i32
      %mul3A_580 = arith.muli %mul3A_579, %scan3A_295 : i32
      %add3A_581 = arith.constant 1 : i32
      %add3A_582 = arith.addi %mul3A_580, %add3A_581 : i32
      %add3A_583 = arith.constant 1 : i32
      %add3A_584 = arith.addi %add3A_582, %add3A_583 : i32
      %jit3A_585 = arith.constant 5 : i32
      %eq3A_586 = arith.constant 0 : i32
      %eq3A_587 = arith.cmpi eq, %jit3A_585, %eq3A_586 : i32
      %jit3A_588 = arith.constant 1 : i32
      %select_n3A_589 = arith.select %eq3A_587, %jit3A_588, %jit3A_585 : i32
      %rem3A_590 = arith.remsi %add3A_584, %select_n3A_589 : i32
      %ne3A_591 = arith.constant 0 : i32
      %ne3A_592 = arith.cmpi ne, %rem3A_590, %ne3A_591 : i32
      %lt3A_593 = arith.constant 0 : i32
      %lt3A_594 = arith.cmpi slt, %rem3A_590, %lt3A_593 : i32
      %lt3A_595 = arith.constant 0 : i32
      %lt3A_596 = arith.cmpi slt, %select_n3A_589, %lt3A_595 : i32
      %ne3A_597 = arith.xori %lt3A_594, %lt3A_596 : i1
      %and3A_598 = arith.andi %ne3A_597, %ne3A_592 : i1
      %add3A_599 = arith.addi %rem3A_590, %select_n3A_589 : i32
      %select_n3A_600 = arith.select %and3A_598, %add3A_599, %rem3A_590 : i32
      %mul3A_601 = arith.constant 40 : i32
      %mul3A_602 = arith.muli %select_n3A_600, %mul3A_601 : i32
      %jit3A_603 = arith.constant 5 : i32
      %div3A_604 = arith.divsi %add3A_584, %jit3A_603 : i32
      %sign3A_605 = arith.constant 0 : i32
      %sign3A_606 = arith.cmpi sgt, %add3A_584, %sign3A_605 : i32
      %sign3A_607 = arith.extui %sign3A_606 : i1 to i32
      %sign3A_608 = arith.constant 0 : i32
      %sign3A_609 = arith.cmpi slt, %add3A_584, %sign3A_608 : i32
      %sign3A_610 = arith.extui %sign3A_609 : i1 to i32
      %sign3A_611 = arith.subi %sign3A_607, %sign3A_610 : i32
      %sign3A_612 = arith.constant 0 : i32
      %sign3A_613 = arith.cmpi sgt, %jit3A_603, %sign3A_612 : i32
      %sign3A_614 = arith.extui %sign3A_613 : i1 to i32
      %sign3A_615 = arith.constant 0 : i32
      %sign3A_616 = arith.cmpi slt, %jit3A_603, %sign3A_615 : i32
      %sign3A_617 = arith.extui %sign3A_616 : i1 to i32
      %sign3A_618 = arith.subi %sign3A_614, %sign3A_617 : i32
      %ne3A_619 = arith.cmpi ne, %sign3A_611, %sign3A_618 : i32
      %rem3A_620 = arith.remsi %add3A_584, %jit3A_603 : i32
      %ne3A_621 = arith.constant 0 : i32
      %ne3A_622 = arith.cmpi ne, %rem3A_620, %ne3A_621 : i32
      %and3A_623 = arith.andi %ne3A_619, %ne3A_622 : i1
      %sub3A_624 = arith.constant 1 : i32
      %sub3A_625 = arith.subi %div3A_604, %sub3A_624 : i32
      %select_n3A_626 = arith.select %and3A_623, %sub3A_625, %div3A_604 : i32
      %mul3A_627 = arith.constant 256 : i32
      %mul3A_628 = arith.muli %select_n3A_626, %mul3A_627 : i32
      %add3A_629 = arith.addi %mul3A_37, %mul3A_628 : i32
      %dma_start3A_630 = tpu.memref_slice %arg2[%mul3A_602, %add3A_629] : memref<200x16384xf32, #tpu.memory_space<hbm>> -> memref<40x256xf32, #tpu.memory_space<hbm>>
      %dma_start3A_631 = tpu.memref_slice %arg2[%mul3A_602, %add3A_629] : memref<200x16384xf32, #tpu.memory_space<hbm>> -> memref<40x256xf32, #tpu.memory_space<hbm>>
      tpu.enqueue_dma source(%dma_start3A_631 : memref<40x256xf32, #tpu.memory_space<hbm>>) target(%arg6 : memref<40x256xf32, #tpu.memory_space<vmem>>) target_semaphore(%arg14 : memref<!tpu.dma_semaphore, #tpu.memory_space<semaphore_mem>>)
      %jit3A_632 = arith.constant 5 : i32
      %eq3A_633 = arith.constant 0 : i32
      %eq3A_634 = arith.cmpi eq, %jit3A_632, %eq3A_633 : i32
      %jit3A_635 = arith.constant 1 : i32
      %select_n3A_636 = arith.select %eq3A_634, %jit3A_635, %jit3A_632 : i32
      %rem3A_637 = arith.remsi %add3A_584, %select_n3A_636 : i32
      %ne3A_638 = arith.constant 0 : i32
      %ne3A_639 = arith.cmpi ne, %rem3A_637, %ne3A_638 : i32
      %lt3A_640 = arith.constant 0 : i32
      %lt3A_641 = arith.cmpi slt, %rem3A_637, %lt3A_640 : i32
      %lt3A_642 = arith.constant 0 : i32
      %lt3A_643 = arith.cmpi slt, %select_n3A_636, %lt3A_642 : i32
      %ne3A_644 = arith.xori %lt3A_641, %lt3A_643 : i1
      %and3A_645 = arith.andi %ne3A_644, %ne3A_639 : i1
      %add3A_646 = arith.addi %rem3A_637, %select_n3A_636 : i32
      %select_n3A_647 = arith.select %and3A_645, %add3A_646, %rem3A_637 : i32
      %mul3A_648 = arith.constant 40 : i32
      %mul3A_649 = arith.muli %select_n3A_647, %mul3A_648 : i32
      %jit3A_650 = arith.constant 5 : i32
      %div3A_651 = arith.divsi %add3A_584, %jit3A_650 : i32
      %sign3A_652 = arith.constant 0 : i32
      %sign3A_653 = arith.cmpi sgt, %add3A_584, %sign3A_652 : i32
      %sign3A_654 = arith.extui %sign3A_653 : i1 to i32
      %sign3A_655 = arith.constant 0 : i32
      %sign3A_656 = arith.cmpi slt, %add3A_584, %sign3A_655 : i32
      %sign3A_657 = arith.extui %sign3A_656 : i1 to i32
      %sign3A_658 = arith.subi %sign3A_654, %sign3A_657 : i32
      %sign3A_659 = arith.constant 0 : i32
      %sign3A_660 = arith.cmpi sgt, %jit3A_650, %sign3A_659 : i32
      %sign3A_661 = arith.extui %sign3A_660 : i1 to i32
      %sign3A_662 = arith.constant 0 : i32
      %sign3A_663 = arith.cmpi slt, %jit3A_650, %sign3A_662 : i32
      %sign3A_664 = arith.extui %sign3A_663 : i1 to i32
      %sign3A_665 = arith.subi %sign3A_661, %sign3A_664 : i32
      %ne3A_666 = arith.cmpi ne, %sign3A_658, %sign3A_665 : i32
      %rem3A_667 = arith.remsi %add3A_584, %jit3A_650 : i32
      %ne3A_668 = arith.constant 0 : i32
      %ne3A_669 = arith.cmpi ne, %rem3A_667, %ne3A_668 : i32
      %and3A_670 = arith.andi %ne3A_666, %ne3A_669 : i1
      %sub3A_671 = arith.constant 1 : i32
      %sub3A_672 = arith.subi %div3A_651, %sub3A_671 : i32
      %select_n3A_673 = arith.select %and3A_670, %sub3A_672, %div3A_651 : i32
      %mul3A_674 = arith.constant 256 : i32
      %mul3A_675 = arith.muli %select_n3A_673, %mul3A_674 : i32
      %add3A_676 = arith.addi %mul3A_37, %mul3A_675 : i32
      %dma_start3A_677 = tpu.memref_slice %arg3[%mul3A_649, %add3A_676] : memref<200x16384xi32, #tpu.memory_space<hbm>> -> memref<40x256xi32, #tpu.memory_space<hbm>>
      %dma_start3A_678 = tpu.memref_slice %arg3[%mul3A_649, %add3A_676] : memref<200x16384xi32, #tpu.memory_space<hbm>> -> memref<40x256xi32, #tpu.memory_space<hbm>>
      tpu.enqueue_dma source(%dma_start3A_678 : memref<40x256xi32, #tpu.memory_space<hbm>>) target(%arg8 : memref<40x256xi32, #tpu.memory_space<vmem>>) target_semaphore(%arg14 : memref<!tpu.dma_semaphore, #tpu.memory_space<semaphore_mem>>)
      %jit3A_679 = arith.constant 5 : i32
      %eq3A_680 = arith.constant 0 : i32
      %eq3A_681 = arith.cmpi eq, %jit3A_679, %eq3A_680 : i32
      %jit3A_682 = arith.constant 1 : i32
      %select_n3A_683 = arith.select %eq3A_681, %jit3A_682, %jit3A_679 : i32
      %rem3A_684 = arith.remsi %add3A_584, %select_n3A_683 : i32
      %ne3A_685 = arith.constant 0 : i32
      %ne3A_686 = arith.cmpi ne, %rem3A_684, %ne3A_685 : i32
      %lt3A_687 = arith.constant 0 : i32
      %lt3A_688 = arith.cmpi slt, %rem3A_684, %lt3A_687 : i32
      %lt3A_689 = arith.constant 0 : i32
      %lt3A_690 = arith.cmpi slt, %select_n3A_683, %lt3A_689 : i32
      %ne3A_691 = arith.xori %lt3A_688, %lt3A_690 : i1
      %and3A_692 = arith.andi %ne3A_691, %ne3A_686 : i1
      %add3A_693 = arith.addi %rem3A_684, %select_n3A_683 : i32
      %select_n3A_694 = arith.select %and3A_692, %add3A_693, %rem3A_684 : i32
      %mul3A_695 = arith.constant 40 : i32
      %mul3A_696 = arith.muli %select_n3A_694, %mul3A_695 : i32
      %jit3A_697 = arith.constant 5 : i32
      %div3A_698 = arith.divsi %add3A_584, %jit3A_697 : i32
      %sign3A_699 = arith.constant 0 : i32
      %sign3A_700 = arith.cmpi sgt, %add3A_584, %sign3A_699 : i32
      %sign3A_701 = arith.extui %sign3A_700 : i1 to i32
      %sign3A_702 = arith.constant 0 : i32
      %sign3A_703 = arith.cmpi slt, %add3A_584, %sign3A_702 : i32
      %sign3A_704 = arith.extui %sign3A_703 : i1 to i32
      %sign3A_705 = arith.subi %sign3A_701, %sign3A_704 : i32
      %sign3A_706 = arith.constant 0 : i32
      %sign3A_707 = arith.cmpi sgt, %jit3A_697, %sign3A_706 : i32
      %sign3A_708 = arith.extui %sign3A_707 : i1 to i32
      %sign3A_709 = arith.constant 0 : i32
      %sign3A_710 = arith.cmpi slt, %jit3A_697, %sign3A_709 : i32
      %sign3A_711 = arith.extui %sign3A_710 : i1 to i32
      %sign3A_712 = arith.subi %sign3A_708, %sign3A_711 : i32
      %ne3A_713 = arith.cmpi ne, %sign3A_705, %sign3A_712 : i32
      %rem3A_714 = arith.remsi %add3A_584, %jit3A_697 : i32
      %ne3A_715 = arith.constant 0 : i32
      %ne3A_716 = arith.cmpi ne, %rem3A_714, %ne3A_715 : i32
      %and3A_717 = arith.andi %ne3A_713, %ne3A_716 : i1
      %sub3A_718 = arith.constant 1 : i32
      %sub3A_719 = arith.subi %div3A_698, %sub3A_718 : i32
      %select_n3A_720 = arith.select %and3A_717, %sub3A_719, %div3A_698 : i32
      %mul3A_721 = arith.constant 256 : i32
      %mul3A_722 = arith.muli %select_n3A_720, %mul3A_721 : i32
      %add3A_723 = arith.addi %mul3A_37, %mul3A_722 : i32
      %dma_start3A_724 = tpu.memref_slice %arg4[%mul3A_696, %add3A_723] : memref<200x16384xi32, #tpu.memory_space<hbm>> -> memref<40x256xi32, #tpu.memory_space<hbm>>
      %dma_start3A_725 = tpu.memref_slice %arg4[%mul3A_696, %add3A_723] : memref<200x16384xi32, #tpu.memory_space<hbm>> -> memref<40x256xi32, #tpu.memory_space<hbm>>
      tpu.enqueue_dma source(%dma_start3A_725 : memref<40x256xi32, #tpu.memory_space<hbm>>) target(%arg10 : memref<40x256xi32, #tpu.memory_space<vmem>>) target_semaphore(%arg14 : memref<!tpu.dma_semaphore, #tpu.memory_space<semaphore_mem>>)
      %jit3A_726 = arith.constant 5 : i32
      %eq3A_727 = arith.constant 0 : i32
      %eq3A_728 = arith.cmpi eq, %jit3A_726, %eq3A_727 : i32
      %jit3A_729 = arith.constant 1 : i32
      %select_n3A_730 = arith.select %eq3A_728, %jit3A_729, %jit3A_726 : i32
      %rem3A_731 = arith.remsi %add3A_582, %select_n3A_730 : i32
      %ne3A_732 = arith.constant 0 : i32
      %ne3A_733 = arith.cmpi ne, %rem3A_731, %ne3A_732 : i32
      %lt3A_734 = arith.constant 0 : i32
      %lt3A_735 = arith.cmpi slt, %rem3A_731, %lt3A_734 : i32
      %lt3A_736 = arith.constant 0 : i32
      %lt3A_737 = arith.cmpi slt, %select_n3A_730, %lt3A_736 : i32
      %ne3A_738 = arith.xori %lt3A_735, %lt3A_737 : i1
      %and3A_739 = arith.andi %ne3A_738, %ne3A_733 : i1
      %add3A_740 = arith.addi %rem3A_731, %select_n3A_730 : i32
      %select_n3A_741 = arith.select %and3A_739, %add3A_740, %rem3A_731 : i32
      %mul3A_742 = arith.constant 40 : i32
      %mul3A_743 = arith.muli %select_n3A_741, %mul3A_742 : i32
      %jit3A_744 = arith.constant 5 : i32
      %div3A_745 = arith.divsi %add3A_582, %jit3A_744 : i32
      %sign3A_746 = arith.constant 0 : i32
      %sign3A_747 = arith.cmpi sgt, %add3A_582, %sign3A_746 : i32
      %sign3A_748 = arith.extui %sign3A_747 : i1 to i32
      %sign3A_749 = arith.constant 0 : i32
      %sign3A_750 = arith.cmpi slt, %add3A_582, %sign3A_749 : i32
      %sign3A_751 = arith.extui %sign3A_750 : i1 to i32
      %sign3A_752 = arith.subi %sign3A_748, %sign3A_751 : i32
      %sign3A_753 = arith.constant 0 : i32
      %sign3A_754 = arith.cmpi sgt, %jit3A_744, %sign3A_753 : i32
      %sign3A_755 = arith.extui %sign3A_754 : i1 to i32
      %sign3A_756 = arith.constant 0 : i32
      %sign3A_757 = arith.cmpi slt, %jit3A_744, %sign3A_756 : i32
      %sign3A_758 = arith.extui %sign3A_757 : i1 to i32
      %sign3A_759 = arith.subi %sign3A_755, %sign3A_758 : i32
      %ne3A_760 = arith.cmpi ne, %sign3A_752, %sign3A_759 : i32
      %rem3A_761 = arith.remsi %add3A_582, %jit3A_744 : i32
      %ne3A_762 = arith.constant 0 : i32
      %ne3A_763 = arith.cmpi ne, %rem3A_761, %ne3A_762 : i32
      %and3A_764 = arith.andi %ne3A_760, %ne3A_763 : i1
      %sub3A_765 = arith.constant 1 : i32
      %sub3A_766 = arith.subi %div3A_745, %sub3A_765 : i32
      %select_n3A_767 = arith.select %and3A_764, %sub3A_766, %div3A_745 : i32
      %mul3A_768 = arith.constant 256 : i32
      %mul3A_769 = arith.muli %select_n3A_767, %mul3A_768 : i32
      %add3A_770 = arith.addi %mul3A_37, %mul3A_769 : i32
      %dma_wait3A_771 = tpu.memref_slice %arg2[%mul3A_743, %add3A_770] : memref<200x16384xf32, #tpu.memory_space<hbm>> -> memref<40x256xf32, #tpu.memory_space<hbm>>
      %dma_wait3A_772 = tpu.memref_slice %arg2[%mul3A_743, %add3A_770] : memref<200x16384xf32, #tpu.memory_space<hbm>> -> memref<40x256xf32, #tpu.memory_space<hbm>>
      tpu.wait_dma2 semaphore(%arg15 : memref<!tpu.dma_semaphore, #tpu.memory_space<semaphore_mem>>) src(%dma_wait3A_772 : memref<40x256xf32, #tpu.memory_space<hbm>>) dst(%arg7 : memref<40x256xf32, #tpu.memory_space<vmem>>)
      %jit3A_773 = arith.constant 5 : i32
      %eq3A_774 = arith.constant 0 : i32
      %eq3A_775 = arith.cmpi eq, %jit3A_773, %eq3A_774 : i32
      %jit3A_776 = arith.constant 1 : i32
      %select_n3A_777 = arith.select %eq3A_775, %jit3A_776, %jit3A_773 : i32
      %rem3A_778 = arith.remsi %add3A_582, %select_n3A_777 : i32
      %ne3A_779 = arith.constant 0 : i32
      %ne3A_780 = arith.cmpi ne, %rem3A_778, %ne3A_779 : i32
      %lt3A_781 = arith.constant 0 : i32
      %lt3A_782 = arith.cmpi slt, %rem3A_778, %lt3A_781 : i32
      %lt3A_783 = arith.constant 0 : i32
      %lt3A_784 = arith.cmpi slt, %select_n3A_777, %lt3A_783 : i32
      %ne3A_785 = arith.xori %lt3A_782, %lt3A_784 : i1
      %and3A_786 = arith.andi %ne3A_785, %ne3A_780 : i1
      %add3A_787 = arith.addi %rem3A_778, %select_n3A_777 : i32
      %select_n3A_788 = arith.select %and3A_786, %add3A_787, %rem3A_778 : i32
      %mul3A_789 = arith.constant 40 : i32
      %mul3A_790 = arith.muli %select_n3A_788, %mul3A_789 : i32
      %jit3A_791 = arith.constant 5 : i32
      %div3A_792 = arith.divsi %add3A_582, %jit3A_791 : i32
      %sign3A_793 = arith.constant 0 : i32
      %sign3A_794 = arith.cmpi sgt, %add3A_582, %sign3A_793 : i32
      %sign3A_795 = arith.extui %sign3A_794 : i1 to i32
      %sign3A_796 = arith.constant 0 : i32
      %sign3A_797 = arith.cmpi slt, %add3A_582, %sign3A_796 : i32
      %sign3A_798 = arith.extui %sign3A_797 : i1 to i32
      %sign3A_799 = arith.subi %sign3A_795, %sign3A_798 : i32
      %sign3A_800 = arith.constant 0 : i32
      %sign3A_801 = arith.cmpi sgt, %jit3A_791, %sign3A_800 : i32
      %sign3A_802 = arith.extui %sign3A_801 : i1 to i32
      %sign3A_803 = arith.constant 0 : i32
      %sign3A_804 = arith.cmpi slt, %jit3A_791, %sign3A_803 : i32
      %sign3A_805 = arith.extui %sign3A_804 : i1 to i32
      %sign3A_806 = arith.subi %sign3A_802, %sign3A_805 : i32
      %ne3A_807 = arith.cmpi ne, %sign3A_799, %sign3A_806 : i32
      %rem3A_808 = arith.remsi %add3A_582, %jit3A_791 : i32
      %ne3A_809 = arith.constant 0 : i32
      %ne3A_810 = arith.cmpi ne, %rem3A_808, %ne3A_809 : i32
      %and3A_811 = arith.andi %ne3A_807, %ne3A_810 : i1
      %sub3A_812 = arith.constant 1 : i32
      %sub3A_813 = arith.subi %div3A_792, %sub3A_812 : i32
      %select_n3A_814 = arith.select %and3A_811, %sub3A_813, %div3A_792 : i32
      %mul3A_815 = arith.constant 256 : i32
      %mul3A_816 = arith.muli %select_n3A_814, %mul3A_815 : i32
      %add3A_817 = arith.addi %mul3A_37, %mul3A_816 : i32
      %dma_wait3A_818 = tpu.memref_slice %arg3[%mul3A_790, %add3A_817] : memref<200x16384xi32, #tpu.memory_space<hbm>> -> memref<40x256xi32, #tpu.memory_space<hbm>>
      %dma_wait3A_819 = tpu.memref_slice %arg3[%mul3A_790, %add3A_817] : memref<200x16384xi32, #tpu.memory_space<hbm>> -> memref<40x256xi32, #tpu.memory_space<hbm>>
      tpu.wait_dma2 semaphore(%arg15 : memref<!tpu.dma_semaphore, #tpu.memory_space<semaphore_mem>>) src(%dma_wait3A_819 : memref<40x256xi32, #tpu.memory_space<hbm>>) dst(%arg9 : memref<40x256xi32, #tpu.memory_space<vmem>>)
      %jit3A_820 = arith.constant 5 : i32
      %eq3A_821 = arith.constant 0 : i32
      %eq3A_822 = arith.cmpi eq, %jit3A_820, %eq3A_821 : i32
      %jit3A_823 = arith.constant 1 : i32
      %select_n3A_824 = arith.select %eq3A_822, %jit3A_823, %jit3A_820 : i32
      %rem3A_825 = arith.remsi %add3A_582, %select_n3A_824 : i32
      %ne3A_826 = arith.constant 0 : i32
      %ne3A_827 = arith.cmpi ne, %rem3A_825, %ne3A_826 : i32
      %lt3A_828 = arith.constant 0 : i32
      %lt3A_829 = arith.cmpi slt, %rem3A_825, %lt3A_828 : i32
      %lt3A_830 = arith.constant 0 : i32
      %lt3A_831 = arith.cmpi slt, %select_n3A_824, %lt3A_830 : i32
      %ne3A_832 = arith.xori %lt3A_829, %lt3A_831 : i1
      %and3A_833 = arith.andi %ne3A_832, %ne3A_827 : i1
      %add3A_834 = arith.addi %rem3A_825, %select_n3A_824 : i32
      %select_n3A_835 = arith.select %and3A_833, %add3A_834, %rem3A_825 : i32
      %mul3A_836 = arith.constant 40 : i32
      %mul3A_837 = arith.muli %select_n3A_835, %mul3A_836 : i32
      %jit3A_838 = arith.constant 5 : i32
      %div3A_839 = arith.divsi %add3A_582, %jit3A_838 : i32
      %sign3A_840 = arith.constant 0 : i32
      %sign3A_841 = arith.cmpi sgt, %add3A_582, %sign3A_840 : i32
      %sign3A_842 = arith.extui %sign3A_841 : i1 to i32
      %sign3A_843 = arith.constant 0 : i32
      %sign3A_844 = arith.cmpi slt, %add3A_582, %sign3A_843 : i32
      %sign3A_845 = arith.extui %sign3A_844 : i1 to i32
      %sign3A_846 = arith.subi %sign3A_842, %sign3A_845 : i32
      %sign3A_847 = arith.constant 0 : i32
      %sign3A_848 = arith.cmpi sgt, %jit3A_838, %sign3A_847 : i32
      %sign3A_849 = arith.extui %sign3A_848 : i1 to i32
      %sign3A_850 = arith.constant 0 : i32
      %sign3A_851 = arith.cmpi slt, %jit3A_838, %sign3A_850 : i32
      %sign3A_852 = arith.extui %sign3A_851 : i1 to i32
      %sign3A_853 = arith.subi %sign3A_849, %sign3A_852 : i32
      %ne3A_854 = arith.cmpi ne, %sign3A_846, %sign3A_853 : i32
      %rem3A_855 = arith.remsi %add3A_582, %jit3A_838 : i32
      %ne3A_856 = arith.constant 0 : i32
      %ne3A_857 = arith.cmpi ne, %rem3A_855, %ne3A_856 : i32
      %and3A_858 = arith.andi %ne3A_854, %ne3A_857 : i1
      %sub3A_859 = arith.constant 1 : i32
      %sub3A_860 = arith.subi %div3A_839, %sub3A_859 : i32
      %select_n3A_861 = arith.select %and3A_858, %sub3A_860, %div3A_839 : i32
      %mul3A_862 = arith.constant 256 : i32
      %mul3A_863 = arith.muli %select_n3A_861, %mul3A_862 : i32
      %add3A_864 = arith.addi %mul3A_37, %mul3A_863 : i32
      %dma_wait3A_865 = tpu.memref_slice %arg4[%mul3A_837, %add3A_864] : memref<200x16384xi32, #tpu.memory_space<hbm>> -> memref<40x256xi32, #tpu.memory_space<hbm>>
      %dma_wait3A_866 = tpu.memref_slice %arg4[%mul3A_837, %add3A_864] : memref<200x16384xi32, #tpu.memory_space<hbm>> -> memref<40x256xi32, #tpu.memory_space<hbm>>
      tpu.wait_dma2 semaphore(%arg15 : memref<!tpu.dma_semaphore, #tpu.memory_space<semaphore_mem>>) src(%dma_wait3A_866 : memref<40x256xi32, #tpu.memory_space<hbm>>) dst(%arg11 : memref<40x256xi32, #tpu.memory_space<vmem>>)
      %parallel_loop3A_867 = arith.constant 0 : i32
      %parallel_loop3A_868 = arith.constant 40 : i32
      %parallel_loop3A_869 = arith.constant 1 : i32
      scf.for %parallel_loop3A_870 = %parallel_loop3A_867 to %parallel_loop3A_868 step %parallel_loop3A_869  : i32 {
        %parallel_loop3A_871 = arith.index_cast %parallel_loop3A_870 : i32 to index
        %parallel_loop3A_872 = arith.constant 0 : index
        %parallel_loop3A_873 = tpu.vector_load %arg7[%parallel_loop3A_871, %parallel_loop3A_872] {strides = array<i32>} : memref<40x256xf32, #tpu.memory_space<vmem>>, vector<16xf32>,
        %parallel_loop3A_874 = arith.index_cast %parallel_loop3A_870 : i32 to index
        %parallel_loop3A_875 = arith.constant 0 : index
        %parallel_loop3A_876 = tpu.vector_load %arg9[%parallel_loop3A_874, %parallel_loop3A_875] {strides = array<i32>} : memref<40x256xi32, #tpu.memory_space<vmem>>, vector<16xi32>,
        %parallel_loop3A_877 = arith.index_cast %parallel_loop3A_870 : i32 to index
        %parallel_loop3A_878 = arith.constant 0 : index
        %parallel_loop3A_879 = tpu.vector_load %arg11[%parallel_loop3A_877, %parallel_loop3A_878] {strides = array<i32>} : memref<40x256xi32, #tpu.memory_space<vmem>>, vector<16xi32>,
        %parallel_loop3A_880 = arith.constant 1.500000e+01 : f32
        %parallel_loop3A_881 = vector.broadcast %parallel_loop3A_880 : f32 to vector<16xf32>
        %parallel_loop3A_882 = arith.mulf %parallel_loop3A_873, %parallel_loop3A_881 : vector<16xf32>
        %parallel_loop3A_883 = arith.fptosi %parallel_loop3A_882 : vector<16xf32> to vector<16xi32>
        %parallel_loop3A_884 = arith.cmpi eq, %parallel_loop3A_876, %parallel_loop3A_879 : vector<16xi32>
        %parallel_loop3A_885 = arith.constant 1.000000e+00 : f32
        %parallel_loop3A_886 = arith.constant 0.000000e+00 : f32
        %parallel_loop3A_887 = vector.broadcast %parallel_loop3A_885 : f32 to vector<16xf32>
        %parallel_loop3A_888 = vector.broadcast %parallel_loop3A_886 : f32 to vector<16xf32>
        %parallel_loop3A_889 = arith.select %parallel_loop3A_884, %parallel_loop3A_887, %parallel_loop3A_888 : vector<16xi1>, vector<16xf32>
        %parallel_loop3A_890 = arith.subf %parallel_loop3A_873, %parallel_loop3A_889 : vector<16xf32>
        %parallel_loop3A_891 = arith.constant 16 : i32
        %parallel_loop3A_892 = vector.broadcast %parallel_loop3A_891 : i32 to vector<16xi32>
        %parallel_loop3A_893 = arith.muli %parallel_loop3A_883, %parallel_loop3A_892 : vector<16xi32>
        %parallel_loop3A_894 = arith.addi %parallel_loop3A_893, %add3A_35 : vector<16xi32>
        tpu.vector_store_idx %arg12[%parallel_loop3A_894], %parallel_loop3A_890 {add = true} : memref<256xf32, #tpu.memory_space<vmem>>[vector<16xi32>], vector<16xf32>,
        %parallel_loop3A_895 = arith.index_cast %parallel_loop3A_870 : i32 to index
        %parallel_loop3A_896 = arith.constant 16 : index
        %parallel_loop3A_897 = tpu.vector_load %arg7[%parallel_loop3A_895, %parallel_loop3A_896] {strides = array<i32>} : memref<40x256xf32, #tpu.memory_space<vmem>>, vector<16xf32>,
        %parallel_loop3A_898 = arith.index_cast %parallel_loop3A_870 : i32 to index
        %parallel_loop3A_899 = arith.constant 16 : index
        %parallel_loop3A_900 = tpu.vector_load %arg9[%parallel_loop3A_898, %parallel_loop3A_899] {strides = array<i32>} : memref<40x256xi32, #tpu.memory_space<vmem>>, vector<16xi32>,
        %parallel_loop3A_901 = arith.index_cast %parallel_loop3A_870 : i32 to index
        %parallel_loop3A_902 = arith.constant 16 : index
        %parallel_loop3A_903 = tpu.vector_load %arg11[%parallel_loop3A_901, %parallel_loop3A_902] {strides = array<i32>} : memref<40x256xi32, #tpu.memory_space<vmem>>, vector<16xi32>,
        %parallel_loop3A_904 = arith.constant 1.500000e+01 : f32
        %parallel_loop3A_905 = vector.broadcast %parallel_loop3A_904 : f32 to vector<16xf32>
        %parallel_loop3A_906 = arith.mulf %parallel_loop3A_897, %parallel_loop3A_905 : vector<16xf32>
        %parallel_loop3A_907 = arith.fptosi %parallel_loop3A_906 : vector<16xf32> to vector<16xi32>
        %parallel_loop3A_908 = arith.cmpi eq, %parallel_loop3A_900, %parallel_loop3A_903 : vector<16xi32>
        %parallel_loop3A_909 = arith.constant 1.000000e+00 : f32
        %parallel_loop3A_910 = arith.constant 0.000000e+00 : f32
        %parallel_loop3A_911 = vector.broadcast %parallel_loop3A_909 : f32 to vector<16xf32>
        %parallel_loop3A_912 = vector.broadcast %parallel_loop3A_910 : f32 to vector<16xf32>
        %parallel_loop3A_913 = arith.select %parallel_loop3A_908, %parallel_loop3A_911, %parallel_loop3A_912 : vector<16xi1>, vector<16xf32>
        %parallel_loop3A_914 = arith.subf %parallel_loop3A_897, %parallel_loop3A_913 : vector<16xf32>
        %parallel_loop3A_915 = arith.constant 16 : i32
        %parallel_loop3A_916 = vector.broadcast %parallel_loop3A_915 : i32 to vector<16xi32>
        %parallel_loop3A_917 = arith.muli %parallel_loop3A_907, %parallel_loop3A_916 : vector<16xi32>
        %parallel_loop3A_918 = arith.addi %parallel_loop3A_917, %add3A_35 : vector<16xi32>
        tpu.vector_store_idx %arg12[%parallel_loop3A_918], %parallel_loop3A_914 {add = true} : memref<256xf32, #tpu.memory_space<vmem>>[vector<16xi32>], vector<16xf32>,
        %parallel_loop3A_919 = arith.index_cast %parallel_loop3A_870 : i32 to index
        %parallel_loop3A_920 = arith.constant 32 : index
        %parallel_loop3A_921 = tpu.vector_load %arg7[%parallel_loop3A_919, %parallel_loop3A_920] {strides = array<i32>} : memref<40x256xf32, #tpu.memory_space<vmem>>, vector<16xf32>,
        %parallel_loop3A_922 = arith.index_cast %parallel_loop3A_870 : i32 to index
        %parallel_loop3A_923 = arith.constant 32 : index
        %parallel_loop3A_924 = tpu.vector_load %arg9[%parallel_loop3A_922, %parallel_loop3A_923] {strides = array<i32>} : memref<40x256xi32, #tpu.memory_space<vmem>>, vector<16xi32>,
        %parallel_loop3A_925 = arith.index_cast %parallel_loop3A_870 : i32 to index
        %parallel_loop3A_926 = arith.constant 32 : index
        %parallel_loop3A_927 = tpu.vector_load %arg11[%parallel_loop3A_925, %parallel_loop3A_926] {strides = array<i32>} : memref<40x256xi32, #tpu.memory_space<vmem>>, vector<16xi32>,
        %parallel_loop3A_928 = arith.constant 1.500000e+01 : f32
        %parallel_loop3A_929 = vector.broadcast %parallel_loop3A_928 : f32 to vector<16xf32>
        %parallel_loop3A_930 = arith.mulf %parallel_loop3A_921, %parallel_loop3A_929 : vector<16xf32>
        %parallel_loop3A_931 = arith.fptosi %parallel_loop3A_930 : vector<16xf32> to vector<16xi32>
        %parallel_loop3A_932 = arith.cmpi eq, %parallel_loop3A_924, %parallel_loop3A_927 : vector<16xi32>
        %parallel_loop3A_933 = arith.constant 1.000000e+00 : f32
        %parallel_loop3A_934 = arith.constant 0.000000e+00 : f32
        %parallel_loop3A_935 = vector.broadcast %parallel_loop3A_933 : f32 to vector<16xf32>
        %parallel_loop3A_936 = vector.broadcast %parallel_loop3A_934 : f32 to vector<16xf32>
        %parallel_loop3A_937 = arith.select %parallel_loop3A_932, %parallel_loop3A_935, %parallel_loop3A_936 : vector<16xi1>, vector<16xf32>
        %parallel_loop3A_938 = arith.subf %parallel_loop3A_921, %parallel_loop3A_937 : vector<16xf32>
        %parallel_loop3A_939 = arith.constant 16 : i32
        %parallel_loop3A_940 = vector.broadcast %parallel_loop3A_939 : i32 to vector<16xi32>
        %parallel_loop3A_941 = arith.muli %parallel_loop3A_931, %parallel_loop3A_940 : vector<16xi32>
        %parallel_loop3A_942 = arith.addi %parallel_loop3A_941, %add3A_35 : vector<16xi32>
        tpu.vector_store_idx %arg12[%parallel_loop3A_942], %parallel_loop3A_938 {add = true} : memref<256xf32, #tpu.memory_space<vmem>>[vector<16xi32>], vector<16xf32>,
        %parallel_loop3A_943 = arith.index_cast %parallel_loop3A_870 : i32 to index
        %parallel_loop3A_944 = arith.constant 48 : index
        %parallel_loop3A_945 = tpu.vector_load %arg7[%parallel_loop3A_943, %parallel_loop3A_944] {strides = array<i32>} : memref<40x256xf32, #tpu.memory_space<vmem>>, vector<16xf32>,
        %parallel_loop3A_946 = arith.index_cast %parallel_loop3A_870 : i32 to index
        %parallel_loop3A_947 = arith.constant 48 : index
        %parallel_loop3A_948 = tpu.vector_load %arg9[%parallel_loop3A_946, %parallel_loop3A_947] {strides = array<i32>} : memref<40x256xi32, #tpu.memory_space<vmem>>, vector<16xi32>,
        %parallel_loop3A_949 = arith.index_cast %parallel_loop3A_870 : i32 to index
        %parallel_loop3A_950 = arith.constant 48 : index
        %parallel_loop3A_951 = tpu.vector_load %arg11[%parallel_loop3A_949, %parallel_loop3A_950] {strides = array<i32>} : memref<40x256xi32, #tpu.memory_space<vmem>>, vector<16xi32>,
        %parallel_loop3A_952 = arith.constant 1.500000e+01 : f32
        %parallel_loop3A_953 = vector.broadcast %parallel_loop3A_952 : f32 to vector<16xf32>
        %parallel_loop3A_954 = arith.mulf %parallel_loop3A_945, %parallel_loop3A_953 : vector<16xf32>
        %parallel_loop3A_955 = arith.fptosi %parallel_loop3A_954 : vector<16xf32> to vector<16xi32>
        %parallel_loop3A_956 = arith.cmpi eq, %parallel_loop3A_948, %parallel_loop3A_951 : vector<16xi32>
        %parallel_loop3A_957 = arith.constant 1.000000e+00 : f32
        %parallel_loop3A_958 = arith.constant 0.000000e+00 : f32
        %parallel_loop3A_959 = vector.broadcast %parallel_loop3A_957 : f32 to vector<16xf32>
        %parallel_loop3A_960 = vector.broadcast %parallel_loop3A_958 : f32 to vector<16xf32>
        %parallel_loop3A_961 = arith.select %parallel_loop3A_956, %parallel_loop3A_959, %parallel_loop3A_960 : vector<16xi1>, vector<16xf32>
        %parallel_loop3A_962 = arith.subf %parallel_loop3A_945, %parallel_loop3A_961 : vector<16xf32>
        %parallel_loop3A_963 = arith.constant 16 : i32
        %parallel_loop3A_964 = vector.broadcast %parallel_loop3A_963 : i32 to vector<16xi32>
        %parallel_loop3A_965 = arith.muli %parallel_loop3A_955, %parallel_loop3A_964 : vector<16xi32>
        %parallel_loop3A_966 = arith.addi %parallel_loop3A_965, %add3A_35 : vector<16xi32>
        tpu.vector_store_idx %arg12[%parallel_loop3A_966], %parallel_loop3A_962 {add = true} : memref<256xf32, #tpu.memory_space<vmem>>[vector<16xi32>], vector<16xf32>,
        %parallel_loop3A_967 = arith.index_cast %parallel_loop3A_870 : i32 to index
        %parallel_loop3A_968 = arith.constant 64 : index
        %parallel_loop3A_969 = tpu.vector_load %arg7[%parallel_loop3A_967, %parallel_loop3A_968] {strides = array<i32>} : memref<40x256xf32, #tpu.memory_space<vmem>>, vector<16xf32>,
        %parallel_loop3A_970 = arith.index_cast %parallel_loop3A_870 : i32 to index
        %parallel_loop3A_971 = arith.constant 64 : index
        %parallel_loop3A_972 = tpu.vector_load %arg9[%parallel_loop3A_970, %parallel_loop3A_971] {strides = array<i32>} : memref<40x256xi32, #tpu.memory_space<vmem>>, vector<16xi32>,
        %parallel_loop3A_973 = arith.index_cast %parallel_loop3A_870 : i32 to index
        %parallel_loop3A_974 = arith.constant 64 : index
        %parallel_loop3A_975 = tpu.vector_load %arg11[%parallel_loop3A_973, %parallel_loop3A_974] {strides = array<i32>} : memref<40x256xi32, #tpu.memory_space<vmem>>, vector<16xi32>,
        %parallel_loop3A_976 = arith.constant 1.500000e+01 : f32
        %parallel_loop3A_977 = vector.broadcast %parallel_loop3A_976 : f32 to vector<16xf32>
        %parallel_loop3A_978 = arith.mulf %parallel_loop3A_969, %parallel_loop3A_977 : vector<16xf32>
        %parallel_loop3A_979 = arith.fptosi %parallel_loop3A_978 : vector<16xf32> to vector<16xi32>
        %parallel_loop3A_980 = arith.cmpi eq, %parallel_loop3A_972, %parallel_loop3A_975 : vector<16xi32>
        %parallel_loop3A_981 = arith.constant 1.000000e+00 : f32
        %parallel_loop3A_982 = arith.constant 0.000000e+00 : f32
        %parallel_loop3A_983 = vector.broadcast %parallel_loop3A_981 : f32 to vector<16xf32>
        %parallel_loop3A_984 = vector.broadcast %parallel_loop3A_982 : f32 to vector<16xf32>
        %parallel_loop3A_985 = arith.select %parallel_loop3A_980, %parallel_loop3A_983, %parallel_loop3A_984 : vector<16xi1>, vector<16xf32>
        %parallel_loop3A_986 = arith.subf %parallel_loop3A_969, %parallel_loop3A_985 : vector<16xf32>
        %parallel_loop3A_987 = arith.constant 16 : i32
        %parallel_loop3A_988 = vector.broadcast %parallel_loop3A_987 : i32 to vector<16xi32>
        %parallel_loop3A_989 = arith.muli %parallel_loop3A_979, %parallel_loop3A_988 : vector<16xi32>
        %parallel_loop3A_990 = arith.addi %parallel_loop3A_989, %add3A_35 : vector<16xi32>
        tpu.vector_store_idx %arg12[%parallel_loop3A_990], %parallel_loop3A_986 {add = true} : memref<256xf32, #tpu.memory_space<vmem>>[vector<16xi32>], vector<16xf32>,
        %parallel_loop3A_991 = arith.index_cast %parallel_loop3A_870 : i32 to index
        %parallel_loop3A_992 = arith.constant 80 : index
        %parallel_loop3A_993 = tpu.vector_load %arg7[%parallel_loop3A_991, %parallel_loop3A_992] {strides = array<i32>} : memref<40x256xf32, #tpu.memory_space<vmem>>, vector<16xf32>,
        %parallel_loop3A_994 = arith.index_cast %parallel_loop3A_870 : i32 to index
        %parallel_loop3A_995 = arith.constant 80 : index
        %parallel_loop3A_996 = tpu.vector_load %arg9[%parallel_loop3A_994, %parallel_loop3A_995] {strides = array<i32>} : memref<40x256xi32, #tpu.memory_space<vmem>>, vector<16xi32>,
        %parallel_loop3A_997 = arith.index_cast %parallel_loop3A_870 : i32 to index
        %parallel_loop3A_998 = arith.constant 80 : index
        %parallel_loop3A_999 = tpu.vector_load %arg11[%parallel_loop3A_997, %parallel_loop3A_998] {strides = array<i32>} : memref<40x256xi32, #tpu.memory_space<vmem>>, vector<16xi32>,
        %parallel_loop3A_1000 = arith.constant 1.500000e+01 : f32
        %parallel_loop3A_1001 = vector.broadcast %parallel_loop3A_1000 : f32 to vector<16xf32>
        %parallel_loop3A_1002 = arith.mulf %parallel_loop3A_993, %parallel_loop3A_1001 : vector<16xf32>
        %parallel_loop3A_1003 = arith.fptosi %parallel_loop3A_1002 : vector<16xf32> to vector<16xi32>
        %parallel_loop3A_1004 = arith.cmpi eq, %parallel_loop3A_996, %parallel_loop3A_999 : vector<16xi32>
        %parallel_loop3A_1005 = arith.constant 1.000000e+00 : f32
        %parallel_loop3A_1006 = arith.constant 0.000000e+00 : f32
        %parallel_loop3A_1007 = vector.broadcast %parallel_loop3A_1005 : f32 to vector<16xf32>
        %parallel_loop3A_1008 = vector.broadcast %parallel_loop3A_1006 : f32 to vector<16xf32>
        %parallel_loop3A_1009 = arith.select %parallel_loop3A_1004, %parallel_loop3A_1007, %parallel_loop3A_1008 : vector<16xi1>, vector<16xf32>
        %parallel_loop3A_1010 = arith.subf %parallel_loop3A_993, %parallel_loop3A_1009 : vector<16xf32>
        %parallel_loop3A_1011 = arith.constant 16 : i32
        %parallel_loop3A_1012 = vector.broadcast %parallel_loop3A_1011 : i32 to vector<16xi32>
        %parallel_loop3A_1013 = arith.muli %parallel_loop3A_1003, %parallel_loop3A_1012 : vector<16xi32>
        %parallel_loop3A_1014 = arith.addi %parallel_loop3A_1013, %add3A_35 : vector<16xi32>
        tpu.vector_store_idx %arg12[%parallel_loop3A_1014], %parallel_loop3A_1010 {add = true} : memref<256xf32, #tpu.memory_space<vmem>>[vector<16xi32>], vector<16xf32>,
        %parallel_loop3A_1015 = arith.index_cast %parallel_loop3A_870 : i32 to index
        %parallel_loop3A_1016 = arith.constant 96 : index
        %parallel_loop3A_1017 = tpu.vector_load %arg7[%parallel_loop3A_1015, %parallel_loop3A_1016] {strides = array<i32>} : memref<40x256xf32, #tpu.memory_space<vmem>>, vector<16xf32>,
        %parallel_loop3A_1018 = arith.index_cast %parallel_loop3A_870 : i32 to index
        %parallel_loop3A_1019 = arith.constant 96 : index
        %parallel_loop3A_1020 = tpu.vector_load %arg9[%parallel_loop3A_1018, %parallel_loop3A_1019] {strides = array<i32>} : memref<40x256xi32, #tpu.memory_space<vmem>>, vector<16xi32>,
        %parallel_loop3A_1021 = arith.index_cast %parallel_loop3A_870 : i32 to index
        %parallel_loop3A_1022 = arith.constant 96 : index
        %parallel_loop3A_1023 = tpu.vector_load %arg11[%parallel_loop3A_1021, %parallel_loop3A_1022] {strides = array<i32>} : memref<40x256xi32, #tpu.memory_space<vmem>>, vector<16xi32>,
        %parallel_loop3A_1024 = arith.constant 1.500000e+01 : f32
        %parallel_loop3A_1025 = vector.broadcast %parallel_loop3A_1024 : f32 to vector<16xf32>
        %parallel_loop3A_1026 = arith.mulf %parallel_loop3A_1017, %parallel_loop3A_1025 : vector<16xf32>
        %parallel_loop3A_1027 = arith.fptosi %parallel_loop3A_1026 : vector<16xf32> to vector<16xi32>
        %parallel_loop3A_1028 = arith.cmpi eq, %parallel_loop3A_1020, %parallel_loop3A_1023 : vector<16xi32>
        %parallel_loop3A_1029 = arith.constant 1.000000e+00 : f32
        %parallel_loop3A_1030 = arith.constant 0.000000e+00 : f32
        %parallel_loop3A_1031 = vector.broadcast %parallel_loop3A_1029 : f32 to vector<16xf32>
        %parallel_loop3A_1032 = vector.broadcast %parallel_loop3A_1030 : f32 to vector<16xf32>
        %parallel_loop3A_1033 = arith.select %parallel_loop3A_1028, %parallel_loop3A_1031, %parallel_loop3A_1032 : vector<16xi1>, vector<16xf32>
        %parallel_loop3A_1034 = arith.subf %parallel_loop3A_1017, %parallel_loop3A_1033 : vector<16xf32>
        %parallel_loop3A_1035 = arith.constant 16 : i32
        %parallel_loop3A_1036 = vector.broadcast %parallel_loop3A_1035 : i32 to vector<16xi32>
        %parallel_loop3A_1037 = arith.muli %parallel_loop3A_1027, %parallel_loop3A_1036 : vector<16xi32>
        %parallel_loop3A_1038 = arith.addi %parallel_loop3A_1037, %add3A_35 : vector<16xi32>
        tpu.vector_store_idx %arg12[%parallel_loop3A_1038], %parallel_loop3A_1034 {add = true} : memref<256xf32, #tpu.memory_space<vmem>>[vector<16xi32>], vector<16xf32>,
        %parallel_loop3A_1039 = arith.index_cast %parallel_loop3A_870 : i32 to index
        %parallel_loop3A_1040 = arith.constant 112 : index
        %parallel_loop3A_1041 = tpu.vector_load %arg7[%parallel_loop3A_1039, %parallel_loop3A_1040] {strides = array<i32>} : memref<40x256xf32, #tpu.memory_space<vmem>>, vector<16xf32>,
        %parallel_loop3A_1042 = arith.index_cast %parallel_loop3A_870 : i32 to index
        %parallel_loop3A_1043 = arith.constant 112 : index
        %parallel_loop3A_1044 = tpu.vector_load %arg9[%parallel_loop3A_1042, %parallel_loop3A_1043] {strides = array<i32>} : memref<40x256xi32, #tpu.memory_space<vmem>>, vector<16xi32>,
        %parallel_loop3A_1045 = arith.index_cast %parallel_loop3A_870 : i32 to index
        %parallel_loop3A_1046 = arith.constant 112 : index
        %parallel_loop3A_1047 = tpu.vector_load %arg11[%parallel_loop3A_1045, %parallel_loop3A_1046] {strides = array<i32>} : memref<40x256xi32, #tpu.memory_space<vmem>>, vector<16xi32>,
        %parallel_loop3A_1048 = arith.constant 1.500000e+01 : f32
        %parallel_loop3A_1049 = vector.broadcast %parallel_loop3A_1048 : f32 to vector<16xf32>
        %parallel_loop3A_1050 = arith.mulf %parallel_loop3A_1041, %parallel_loop3A_1049 : vector<16xf32>
        %parallel_loop3A_1051 = arith.fptosi %parallel_loop3A_1050 : vector<16xf32> to vector<16xi32>
        %parallel_loop3A_1052 = arith.cmpi eq, %parallel_loop3A_1044, %parallel_loop3A_1047 : vector<16xi32>
        %parallel_loop3A_1053 = arith.constant 1.000000e+00 : f32
        %parallel_loop3A_1054 = arith.constant 0.000000e+00 : f32
        %parallel_loop3A_1055 = vector.broadcast %parallel_loop3A_1053 : f32 to vector<16xf32>
        %parallel_loop3A_1056 = vector.broadcast %parallel_loop3A_1054 : f32 to vector<16xf32>
        %parallel_loop3A_1057 = arith.select %parallel_loop3A_1052, %parallel_loop3A_1055, %parallel_loop3A_1056 : vector<16xi1>, vector<16xf32>
        %parallel_loop3A_1058 = arith.subf %parallel_loop3A_1041, %parallel_loop3A_1057 : vector<16xf32>
        %parallel_loop3A_1059 = arith.constant 16 : i32
        %parallel_loop3A_1060 = vector.broadcast %parallel_loop3A_1059 : i32 to vector<16xi32>
        %parallel_loop3A_1061 = arith.muli %parallel_loop3A_1051, %parallel_loop3A_1060 : vector<16xi32>
        %parallel_loop3A_1062 = arith.addi %parallel_loop3A_1061, %add3A_35 : vector<16xi32>
        tpu.vector_store_idx %arg12[%parallel_loop3A_1062], %parallel_loop3A_1058 {add = true} : memref<256xf32, #tpu.memory_space<vmem>>[vector<16xi32>], vector<16xf32>,
        %parallel_loop3A_1063 = arith.index_cast %parallel_loop3A_870 : i32 to index
        %parallel_loop3A_1064 = arith.constant 128 : index
        %parallel_loop3A_1065 = tpu.vector_load %arg7[%parallel_loop3A_1063, %parallel_loop3A_1064] {strides = array<i32>} : memref<40x256xf32, #tpu.memory_space<vmem>>, vector<16xf32>,
        %parallel_loop3A_1066 = arith.index_cast %parallel_loop3A_870 : i32 to index
        %parallel_loop3A_1067 = arith.constant 128 : index
        %parallel_loop3A_1068 = tpu.vector_load %arg9[%parallel_loop3A_1066, %parallel_loop3A_1067] {strides = array<i32>} : memref<40x256xi32, #tpu.memory_space<vmem>>, vector<16xi32>,
        %parallel_loop3A_1069 = arith.index_cast %parallel_loop3A_870 : i32 to index
        %parallel_loop3A_1070 = arith.constant 128 : index
        %parallel_loop3A_1071 = tpu.vector_load %arg11[%parallel_loop3A_1069, %parallel_loop3A_1070] {strides = array<i32>} : memref<40x256xi32, #tpu.memory_space<vmem>>, vector<16xi32>,
        %parallel_loop3A_1072 = arith.constant 1.500000e+01 : f32
        %parallel_loop3A_1073 = vector.broadcast %parallel_loop3A_1072 : f32 to vector<16xf32>
        %parallel_loop3A_1074 = arith.mulf %parallel_loop3A_1065, %parallel_loop3A_1073 : vector<16xf32>
        %parallel_loop3A_1075 = arith.fptosi %parallel_loop3A_1074 : vector<16xf32> to vector<16xi32>
        %parallel_loop3A_1076 = arith.cmpi eq, %parallel_loop3A_1068, %parallel_loop3A_1071 : vector<16xi32>
        %parallel_loop3A_1077 = arith.constant 1.000000e+00 : f32
        %parallel_loop3A_1078 = arith.constant 0.000000e+00 : f32
        %parallel_loop3A_1079 = vector.broadcast %parallel_loop3A_1077 : f32 to vector<16xf32>
        %parallel_loop3A_1080 = vector.broadcast %parallel_loop3A_1078 : f32 to vector<16xf32>
        %parallel_loop3A_1081 = arith.select %parallel_loop3A_1076, %parallel_loop3A_1079, %parallel_loop3A_1080 : vector<16xi1>, vector<16xf32>
        %parallel_loop3A_1082 = arith.subf %parallel_loop3A_1065, %parallel_loop3A_1081 : vector<16xf32>
        %parallel_loop3A_1083 = arith.constant 16 : i32
        %parallel_loop3A_1084 = vector.broadcast %parallel_loop3A_1083 : i32 to vector<16xi32>
        %parallel_loop3A_1085 = arith.muli %parallel_loop3A_1075, %parallel_loop3A_1084 : vector<16xi32>
        %parallel_loop3A_1086 = arith.addi %parallel_loop3A_1085, %add3A_35 : vector<16xi32>
        tpu.vector_store_idx %arg12[%parallel_loop3A_1086], %parallel_loop3A_1082 {add = true} : memref<256xf32, #tpu.memory_space<vmem>>[vector<16xi32>], vector<16xf32>,
        %parallel_loop3A_1087 = arith.index_cast %parallel_loop3A_870 : i32 to index
        %parallel_loop3A_1088 = arith.constant 144 : index
        %parallel_loop3A_1089 = tpu.vector_load %arg7[%parallel_loop3A_1087, %parallel_loop3A_1088] {strides = array<i32>} : memref<40x256xf32, #tpu.memory_space<vmem>>, vector<16xf32>,
        %parallel_loop3A_1090 = arith.index_cast %parallel_loop3A_870 : i32 to index
        %parallel_loop3A_1091 = arith.constant 144 : index
        %parallel_loop3A_1092 = tpu.vector_load %arg9[%parallel_loop3A_1090, %parallel_loop3A_1091] {strides = array<i32>} : memref<40x256xi32, #tpu.memory_space<vmem>>, vector<16xi32>,
        %parallel_loop3A_1093 = arith.index_cast %parallel_loop3A_870 : i32 to index
        %parallel_loop3A_1094 = arith.constant 144 : index
        %parallel_loop3A_1095 = tpu.vector_load %arg11[%parallel_loop3A_1093, %parallel_loop3A_1094] {strides = array<i32>} : memref<40x256xi32, #tpu.memory_space<vmem>>, vector<16xi32>,
        %parallel_loop3A_1096 = arith.constant 1.500000e+01 : f32
        %parallel_loop3A_1097 = vector.broadcast %parallel_loop3A_1096 : f32 to vector<16xf32>
        %parallel_loop3A_1098 = arith.mulf %parallel_loop3A_1089, %parallel_loop3A_1097 : vector<16xf32>
        %parallel_loop3A_1099 = arith.fptosi %parallel_loop3A_1098 : vector<16xf32> to vector<16xi32>
        %parallel_loop3A_1100 = arith.cmpi eq, %parallel_loop3A_1092, %parallel_loop3A_1095 : vector<16xi32>
        %parallel_loop3A_1101 = arith.constant 1.000000e+00 : f32
        %parallel_loop3A_1102 = arith.constant 0.000000e+00 : f32
        %parallel_loop3A_1103 = vector.broadcast %parallel_loop3A_1101 : f32 to vector<16xf32>
        %parallel_loop3A_1104 = vector.broadcast %parallel_loop3A_1102 : f32 to vector<16xf32>
        %parallel_loop3A_1105 = arith.select %parallel_loop3A_1100, %parallel_loop3A_1103, %parallel_loop3A_1104 : vector<16xi1>, vector<16xf32>
        %parallel_loop3A_1106 = arith.subf %parallel_loop3A_1089, %parallel_loop3A_1105 : vector<16xf32>
        %parallel_loop3A_1107 = arith.constant 16 : i32
        %parallel_loop3A_1108 = vector.broadcast %parallel_loop3A_1107 : i32 to vector<16xi32>
        %parallel_loop3A_1109 = arith.muli %parallel_loop3A_1099, %parallel_loop3A_1108 : vector<16xi32>
        %parallel_loop3A_1110 = arith.addi %parallel_loop3A_1109, %add3A_35 : vector<16xi32>
        tpu.vector_store_idx %arg12[%parallel_loop3A_1110], %parallel_loop3A_1106 {add = true} : memref<256xf32, #tpu.memory_space<vmem>>[vector<16xi32>], vector<16xf32>,
        %parallel_loop3A_1111 = arith.index_cast %parallel_loop3A_870 : i32 to index
        %parallel_loop3A_1112 = arith.constant 160 : index
        %parallel_loop3A_1113 = tpu.vector_load %arg7[%parallel_loop3A_1111, %parallel_loop3A_1112] {strides = array<i32>} : memref<40x256xf32, #tpu.memory_space<vmem>>, vector<16xf32>,
        %parallel_loop3A_1114 = arith.index_cast %parallel_loop3A_870 : i32 to index
        %parallel_loop3A_1115 = arith.constant 160 : index
        %parallel_loop3A_1116 = tpu.vector_load %arg9[%parallel_loop3A_1114, %parallel_loop3A_1115] {strides = array<i32>} : memref<40x256xi32, #tpu.memory_space<vmem>>, vector<16xi32>,
        %parallel_loop3A_1117 = arith.index_cast %parallel_loop3A_870 : i32 to index
        %parallel_loop3A_1118 = arith.constant 160 : index
        %parallel_loop3A_1119 = tpu.vector_load %arg11[%parallel_loop3A_1117, %parallel_loop3A_1118] {strides = array<i32>} : memref<40x256xi32, #tpu.memory_space<vmem>>, vector<16xi32>,
        %parallel_loop3A_1120 = arith.constant 1.500000e+01 : f32
        %parallel_loop3A_1121 = vector.broadcast %parallel_loop3A_1120 : f32 to vector<16xf32>
        %parallel_loop3A_1122 = arith.mulf %parallel_loop3A_1113, %parallel_loop3A_1121 : vector<16xf32>
        %parallel_loop3A_1123 = arith.fptosi %parallel_loop3A_1122 : vector<16xf32> to vector<16xi32>
        %parallel_loop3A_1124 = arith.cmpi eq, %parallel_loop3A_1116, %parallel_loop3A_1119 : vector<16xi32>
        %parallel_loop3A_1125 = arith.constant 1.000000e+00 : f32
        %parallel_loop3A_1126 = arith.constant 0.000000e+00 : f32
        %parallel_loop3A_1127 = vector.broadcast %parallel_loop3A_1125 : f32 to vector<16xf32>
        %parallel_loop3A_1128 = vector.broadcast %parallel_loop3A_1126 : f32 to vector<16xf32>
        %parallel_loop3A_1129 = arith.select %parallel_loop3A_1124, %parallel_loop3A_1127, %parallel_loop3A_1128 : vector<16xi1>, vector<16xf32>
        %parallel_loop3A_1130 = arith.subf %parallel_loop3A_1113, %parallel_loop3A_1129 : vector<16xf32>
        %parallel_loop3A_1131 = arith.constant 16 : i32
        %parallel_loop3A_1132 = vector.broadcast %parallel_loop3A_1131 : i32 to vector<16xi32>
        %parallel_loop3A_1133 = arith.muli %parallel_loop3A_1123, %parallel_loop3A_1132 : vector<16xi32>
        %parallel_loop3A_1134 = arith.addi %parallel_loop3A_1133, %add3A_35 : vector<16xi32>
        tpu.vector_store_idx %arg12[%parallel_loop3A_1134], %parallel_loop3A_1130 {add = true} : memref<256xf32, #tpu.memory_space<vmem>>[vector<16xi32>], vector<16xf32>,
        %parallel_loop3A_1135 = arith.index_cast %parallel_loop3A_870 : i32 to index
        %parallel_loop3A_1136 = arith.constant 176 : index
        %parallel_loop3A_1137 = tpu.vector_load %arg7[%parallel_loop3A_1135, %parallel_loop3A_1136] {strides = array<i32>} : memref<40x256xf32, #tpu.memory_space<vmem>>, vector<16xf32>,
        %parallel_loop3A_1138 = arith.index_cast %parallel_loop3A_870 : i32 to index
        %parallel_loop3A_1139 = arith.constant 176 : index
        %parallel_loop3A_1140 = tpu.vector_load %arg9[%parallel_loop3A_1138, %parallel_loop3A_1139] {strides = array<i32>} : memref<40x256xi32, #tpu.memory_space<vmem>>, vector<16xi32>,
        %parallel_loop3A_1141 = arith.index_cast %parallel_loop3A_870 : i32 to index
        %parallel_loop3A_1142 = arith.constant 176 : index
        %parallel_loop3A_1143 = tpu.vector_load %arg11[%parallel_loop3A_1141, %parallel_loop3A_1142] {strides = array<i32>} : memref<40x256xi32, #tpu.memory_space<vmem>>, vector<16xi32>,
        %parallel_loop3A_1144 = arith.constant 1.500000e+01 : f32
        %parallel_loop3A_1145 = vector.broadcast %parallel_loop3A_1144 : f32 to vector<16xf32>
        %parallel_loop3A_1146 = arith.mulf %parallel_loop3A_1137, %parallel_loop3A_1145 : vector<16xf32>
        %parallel_loop3A_1147 = arith.fptosi %parallel_loop3A_1146 : vector<16xf32> to vector<16xi32>
        %parallel_loop3A_1148 = arith.cmpi eq, %parallel_loop3A_1140, %parallel_loop3A_1143 : vector<16xi32>
        %parallel_loop3A_1149 = arith.constant 1.000000e+00 : f32
        %parallel_loop3A_1150 = arith.constant 0.000000e+00 : f32
        %parallel_loop3A_1151 = vector.broadcast %parallel_loop3A_1149 : f32 to vector<16xf32>
        %parallel_loop3A_1152 = vector.broadcast %parallel_loop3A_1150 : f32 to vector<16xf32>
        %parallel_loop3A_1153 = arith.select %parallel_loop3A_1148, %parallel_loop3A_1151, %parallel_loop3A_1152 : vector<16xi1>, vector<16xf32>
        %parallel_loop3A_1154 = arith.subf %parallel_loop3A_1137, %parallel_loop3A_1153 : vector<16xf32>
        %parallel_loop3A_1155 = arith.constant 16 : i32
        %parallel_loop3A_1156 = vector.broadcast %parallel_loop3A_1155 : i32 to vector<16xi32>
        %parallel_loop3A_1157 = arith.muli %parallel_loop3A_1147, %parallel_loop3A_1156 : vector<16xi32>
        %parallel_loop3A_1158 = arith.addi %parallel_loop3A_1157, %add3A_35 : vector<16xi32>
        tpu.vector_store_idx %arg12[%parallel_loop3A_1158], %parallel_loop3A_1154 {add = true} : memref<256xf32, #tpu.memory_space<vmem>>[vector<16xi32>], vector<16xf32>,
        %parallel_loop3A_1159 = arith.index_cast %parallel_loop3A_870 : i32 to index
        %parallel_loop3A_1160 = arith.constant 192 : index
        %parallel_loop3A_1161 = tpu.vector_load %arg7[%parallel_loop3A_1159, %parallel_loop3A_1160] {strides = array<i32>} : memref<40x256xf32, #tpu.memory_space<vmem>>, vector<16xf32>,
        %parallel_loop3A_1162 = arith.index_cast %parallel_loop3A_870 : i32 to index
        %parallel_loop3A_1163 = arith.constant 192 : index
        %parallel_loop3A_1164 = tpu.vector_load %arg9[%parallel_loop3A_1162, %parallel_loop3A_1163] {strides = array<i32>} : memref<40x256xi32, #tpu.memory_space<vmem>>, vector<16xi32>,
        %parallel_loop3A_1165 = arith.index_cast %parallel_loop3A_870 : i32 to index
        %parallel_loop3A_1166 = arith.constant 192 : index
        %parallel_loop3A_1167 = tpu.vector_load %arg11[%parallel_loop3A_1165, %parallel_loop3A_1166] {strides = array<i32>} : memref<40x256xi32, #tpu.memory_space<vmem>>, vector<16xi32>,
        %parallel_loop3A_1168 = arith.constant 1.500000e+01 : f32
        %parallel_loop3A_1169 = vector.broadcast %parallel_loop3A_1168 : f32 to vector<16xf32>
        %parallel_loop3A_1170 = arith.mulf %parallel_loop3A_1161, %parallel_loop3A_1169 : vector<16xf32>
        %parallel_loop3A_1171 = arith.fptosi %parallel_loop3A_1170 : vector<16xf32> to vector<16xi32>
        %parallel_loop3A_1172 = arith.cmpi eq, %parallel_loop3A_1164, %parallel_loop3A_1167 : vector<16xi32>
        %parallel_loop3A_1173 = arith.constant 1.000000e+00 : f32
        %parallel_loop3A_1174 = arith.constant 0.000000e+00 : f32
        %parallel_loop3A_1175 = vector.broadcast %parallel_loop3A_1173 : f32 to vector<16xf32>
        %parallel_loop3A_1176 = vector.broadcast %parallel_loop3A_1174 : f32 to vector<16xf32>
        %parallel_loop3A_1177 = arith.select %parallel_loop3A_1172, %parallel_loop3A_1175, %parallel_loop3A_1176 : vector<16xi1>, vector<16xf32>
        %parallel_loop3A_1178 = arith.subf %parallel_loop3A_1161, %parallel_loop3A_1177 : vector<16xf32>
        %parallel_loop3A_1179 = arith.constant 16 : i32
        %parallel_loop3A_1180 = vector.broadcast %parallel_loop3A_1179 : i32 to vector<16xi32>
        %parallel_loop3A_1181 = arith.muli %parallel_loop3A_1171, %parallel_loop3A_1180 : vector<16xi32>
        %parallel_loop3A_1182 = arith.addi %parallel_loop3A_1181, %add3A_35 : vector<16xi32>
        tpu.vector_store_idx %arg12[%parallel_loop3A_1182], %parallel_loop3A_1178 {add = true} : memref<256xf32, #tpu.memory_space<vmem>>[vector<16xi32>], vector<16xf32>,
        %parallel_loop3A_1183 = arith.index_cast %parallel_loop3A_870 : i32 to index
        %parallel_loop3A_1184 = arith.constant 208 : index
        %parallel_loop3A_1185 = tpu.vector_load %arg7[%parallel_loop3A_1183, %parallel_loop3A_1184] {strides = array<i32>} : memref<40x256xf32, #tpu.memory_space<vmem>>, vector<16xf32>,
        %parallel_loop3A_1186 = arith.index_cast %parallel_loop3A_870 : i32 to index
        %parallel_loop3A_1187 = arith.constant 208 : index
        %parallel_loop3A_1188 = tpu.vector_load %arg9[%parallel_loop3A_1186, %parallel_loop3A_1187] {strides = array<i32>} : memref<40x256xi32, #tpu.memory_space<vmem>>, vector<16xi32>,
        %parallel_loop3A_1189 = arith.index_cast %parallel_loop3A_870 : i32 to index
        %parallel_loop3A_1190 = arith.constant 208 : index
        %parallel_loop3A_1191 = tpu.vector_load %arg11[%parallel_loop3A_1189, %parallel_loop3A_1190] {strides = array<i32>} : memref<40x256xi32, #tpu.memory_space<vmem>>, vector<16xi32>,
        %parallel_loop3A_1192 = arith.constant 1.500000e+01 : f32
        %parallel_loop3A_1193 = vector.broadcast %parallel_loop3A_1192 : f32 to vector<16xf32>
        %parallel_loop3A_1194 = arith.mulf %parallel_loop3A_1185, %parallel_loop3A_1193 : vector<16xf32>
        %parallel_loop3A_1195 = arith.fptosi %parallel_loop3A_1194 : vector<16xf32> to vector<16xi32>
        %parallel_loop3A_1196 = arith.cmpi eq, %parallel_loop3A_1188, %parallel_loop3A_1191 : vector<16xi32>
        %parallel_loop3A_1197 = arith.constant 1.000000e+00 : f32
        %parallel_loop3A_1198 = arith.constant 0.000000e+00 : f32
        %parallel_loop3A_1199 = vector.broadcast %parallel_loop3A_1197 : f32 to vector<16xf32>
        %parallel_loop3A_1200 = vector.broadcast %parallel_loop3A_1198 : f32 to vector<16xf32>
        %parallel_loop3A_1201 = arith.select %parallel_loop3A_1196, %parallel_loop3A_1199, %parallel_loop3A_1200 : vector<16xi1>, vector<16xf32>
        %parallel_loop3A_1202 = arith.subf %parallel_loop3A_1185, %parallel_loop3A_1201 : vector<16xf32>
        %parallel_loop3A_1203 = arith.constant 16 : i32
        %parallel_loop3A_1204 = vector.broadcast %parallel_loop3A_1203 : i32 to vector<16xi32>
        %parallel_loop3A_1205 = arith.muli %parallel_loop3A_1195, %parallel_loop3A_1204 : vector<16xi32>
        %parallel_loop3A_1206 = arith.addi %parallel_loop3A_1205, %add3A_35 : vector<16xi32>
        tpu.vector_store_idx %arg12[%parallel_loop3A_1206], %parallel_loop3A_1202 {add = true} : memref<256xf32, #tpu.memory_space<vmem>>[vector<16xi32>], vector<16xf32>,
        %parallel_loop3A_1207 = arith.index_cast %parallel_loop3A_870 : i32 to index
        %parallel_loop3A_1208 = arith.constant 224 : index
        %parallel_loop3A_1209 = tpu.vector_load %arg7[%parallel_loop3A_1207, %parallel_loop3A_1208] {strides = array<i32>} : memref<40x256xf32, #tpu.memory_space<vmem>>, vector<16xf32>,
        %parallel_loop3A_1210 = arith.index_cast %parallel_loop3A_870 : i32 to index
        %parallel_loop3A_1211 = arith.constant 224 : index
        %parallel_loop3A_1212 = tpu.vector_load %arg9[%parallel_loop3A_1210, %parallel_loop3A_1211] {strides = array<i32>} : memref<40x256xi32, #tpu.memory_space<vmem>>, vector<16xi32>,
        %parallel_loop3A_1213 = arith.index_cast %parallel_loop3A_870 : i32 to index
        %parallel_loop3A_1214 = arith.constant 224 : index
        %parallel_loop3A_1215 = tpu.vector_load %arg11[%parallel_loop3A_1213, %parallel_loop3A_1214] {strides = array<i32>} : memref<40x256xi32, #tpu.memory_space<vmem>>, vector<16xi32>,
        %parallel_loop3A_1216 = arith.constant 1.500000e+01 : f32
        %parallel_loop3A_1217 = vector.broadcast %parallel_loop3A_1216 : f32 to vector<16xf32>
        %parallel_loop3A_1218 = arith.mulf %parallel_loop3A_1209, %parallel_loop3A_1217 : vector<16xf32>
        %parallel_loop3A_1219 = arith.fptosi %parallel_loop3A_1218 : vector<16xf32> to vector<16xi32>
        %parallel_loop3A_1220 = arith.cmpi eq, %parallel_loop3A_1212, %parallel_loop3A_1215 : vector<16xi32>
        %parallel_loop3A_1221 = arith.constant 1.000000e+00 : f32
        %parallel_loop3A_1222 = arith.constant 0.000000e+00 : f32
        %parallel_loop3A_1223 = vector.broadcast %parallel_loop3A_1221 : f32 to vector<16xf32>
        %parallel_loop3A_1224 = vector.broadcast %parallel_loop3A_1222 : f32 to vector<16xf32>
        %parallel_loop3A_1225 = arith.select %parallel_loop3A_1220, %parallel_loop3A_1223, %parallel_loop3A_1224 : vector<16xi1>, vector<16xf32>
        %parallel_loop3A_1226 = arith.subf %parallel_loop3A_1209, %parallel_loop3A_1225 : vector<16xf32>
        %parallel_loop3A_1227 = arith.constant 16 : i32
        %parallel_loop3A_1228 = vector.broadcast %parallel_loop3A_1227 : i32 to vector<16xi32>
        %parallel_loop3A_1229 = arith.muli %parallel_loop3A_1219, %parallel_loop3A_1228 : vector<16xi32>
        %parallel_loop3A_1230 = arith.addi %parallel_loop3A_1229, %add3A_35 : vector<16xi32>
        tpu.vector_store_idx %arg12[%parallel_loop3A_1230], %parallel_loop3A_1226 {add = true} : memref<256xf32, #tpu.memory_space<vmem>>[vector<16xi32>], vector<16xf32>,
        %parallel_loop3A_1231 = arith.index_cast %parallel_loop3A_870 : i32 to index
        %parallel_loop3A_1232 = arith.constant 240 : index
        %parallel_loop3A_1233 = tpu.vector_load %arg7[%parallel_loop3A_1231, %parallel_loop3A_1232] {strides = array<i32>} : memref<40x256xf32, #tpu.memory_space<vmem>>, vector<16xf32>,
        %parallel_loop3A_1234 = arith.index_cast %parallel_loop3A_870 : i32 to index
        %parallel_loop3A_1235 = arith.constant 240 : index
        %parallel_loop3A_1236 = tpu.vector_load %arg9[%parallel_loop3A_1234, %parallel_loop3A_1235] {strides = array<i32>} : memref<40x256xi32, #tpu.memory_space<vmem>>, vector<16xi32>,
        %parallel_loop3A_1237 = arith.index_cast %parallel_loop3A_870 : i32 to index
        %parallel_loop3A_1238 = arith.constant 240 : index
        %parallel_loop3A_1239 = tpu.vector_load %arg11[%parallel_loop3A_1237, %parallel_loop3A_1238] {strides = array<i32>} : memref<40x256xi32, #tpu.memory_space<vmem>>, vector<16xi32>,
        %parallel_loop3A_1240 = arith.constant 1.500000e+01 : f32
        %parallel_loop3A_1241 = vector.broadcast %parallel_loop3A_1240 : f32 to vector<16xf32>
        %parallel_loop3A_1242 = arith.mulf %parallel_loop3A_1233, %parallel_loop3A_1241 : vector<16xf32>
        %parallel_loop3A_1243 = arith.fptosi %parallel_loop3A_1242 : vector<16xf32> to vector<16xi32>
        %parallel_loop3A_1244 = arith.cmpi eq, %parallel_loop3A_1236, %parallel_loop3A_1239 : vector<16xi32>
        %parallel_loop3A_1245 = arith.constant 1.000000e+00 : f32
        %parallel_loop3A_1246 = arith.constant 0.000000e+00 : f32
        %parallel_loop3A_1247 = vector.broadcast %parallel_loop3A_1245 : f32 to vector<16xf32>
        %parallel_loop3A_1248 = vector.broadcast %parallel_loop3A_1246 : f32 to vector<16xf32>
        %parallel_loop3A_1249 = arith.select %parallel_loop3A_1244, %parallel_loop3A_1247, %parallel_loop3A_1248 : vector<16xi1>, vector<16xf32>
        %parallel_loop3A_1250 = arith.subf %parallel_loop3A_1233, %parallel_loop3A_1249 : vector<16xf32>
        %parallel_loop3A_1251 = arith.constant 16 : i32
        %parallel_loop3A_1252 = vector.broadcast %parallel_loop3A_1251 : i32 to vector<16xi32>
        %parallel_loop3A_1253 = arith.muli %parallel_loop3A_1243, %parallel_loop3A_1252 : vector<16xi32>
        %parallel_loop3A_1254 = arith.addi %parallel_loop3A_1253, %add3A_35 : vector<16xi32>
        tpu.vector_store_idx %arg12[%parallel_loop3A_1254], %parallel_loop3A_1250 {add = true} : memref<256xf32, #tpu.memory_space<vmem>>[vector<16xi32>], vector<16xf32>,
      } {sc.loop_unroll_factor = 2 : i64, sc.parallel_access}
    }
    %scan3A_59 = arith.constant 4 : i32
    %add3A_60 = arith.constant 256 : i32
    %add3A_61 = arith.addi %mul3A_37, %add3A_60 : i32
    %dma_start3A_62 = arith.constant 160 : i32
    %dma_start3A_63 = tpu.memref_slice %arg2[%dma_start3A_62, %add3A_61] : memref<200x16384xf32, #tpu.memory_space<hbm>> -> memref<40x256xf32, #tpu.memory_space<hbm>>
    %dma_start3A_64 = arith.constant 160 : i32
    %dma_start3A_65 = tpu.memref_slice %arg2[%dma_start3A_64, %add3A_61] : memref<200x16384xf32, #tpu.memory_space<hbm>> -> memref<40x256xf32, #tpu.memory_space<hbm>>
    tpu.enqueue_dma source(%dma_start3A_65 : memref<40x256xf32, #tpu.memory_space<hbm>>) target(%arg7 : memref<40x256xf32, #tpu.memory_space<vmem>>) target_semaphore(%arg15 : memref<!tpu.dma_semaphore, #tpu.memory_space<semaphore_mem>>)
    %add3A_66 = arith.constant 256 : i32
    %add3A_67 = arith.addi %mul3A_37, %add3A_66 : i32
    %dma_start3A_68 = arith.constant 160 : i32
    %dma_start3A_69 = tpu.memref_slice %arg3[%dma_start3A_68, %add3A_67] : memref<200x16384xi32, #tpu.memory_space<hbm>> -> memref<40x256xi32, #tpu.memory_space<hbm>>
    %dma_start3A_70 = arith.constant 160 : i32
    %dma_start3A_71 = tpu.memref_slice %arg3[%dma_start3A_70, %add3A_67] : memref<200x16384xi32, #tpu.memory_space<hbm>> -> memref<40x256xi32, #tpu.memory_space<hbm>>
    tpu.enqueue_dma source(%dma_start3A_71 : memref<40x256xi32, #tpu.memory_space<hbm>>) target(%arg9 : memref<40x256xi32, #tpu.memory_space<vmem>>) target_semaphore(%arg15 : memref<!tpu.dma_semaphore, #tpu.memory_space<semaphore_mem>>)
    %add3A_72 = arith.constant 256 : i32
    %add3A_73 = arith.addi %mul3A_37, %add3A_72 : i32
    %dma_start3A_74 = arith.constant 160 : i32
    %dma_start3A_75 = tpu.memref_slice %arg4[%dma_start3A_74, %add3A_73] : memref<200x16384xi32, #tpu.memory_space<hbm>> -> memref<40x256xi32, #tpu.memory_space<hbm>>
    %dma_start3A_76 = arith.constant 160 : i32
    %dma_start3A_77 = tpu.memref_slice %arg4[%dma_start3A_76, %add3A_73] : memref<200x16384xi32, #tpu.memory_space<hbm>> -> memref<40x256xi32, #tpu.memory_space<hbm>>
    tpu.enqueue_dma source(%dma_start3A_77 : memref<40x256xi32, #tpu.memory_space<hbm>>) target(%arg11 : memref<40x256xi32, #tpu.memory_space<vmem>>) target_semaphore(%arg15 : memref<!tpu.dma_semaphore, #tpu.memory_space<semaphore_mem>>)
    %add3A_78 = arith.constant 256 : i32
    %add3A_79 = arith.addi %mul3A_37, %add3A_78 : i32
    %dma_wait3A = arith.constant 120 : i32
    %dma_wait3A_80 = tpu.memref_slice %arg2[%dma_wait3A, %add3A_79] : memref<200x16384xf32, #tpu.memory_space<hbm>> -> memref<40x256xf32, #tpu.memory_space<hbm>>
    %dma_wait3A_81 = arith.constant 120 : i32
    %dma_wait3A_82 = tpu.memref_slice %arg2[%dma_wait3A_81, %add3A_79] : memref<200x16384xf32, #tpu.memory_space<hbm>> -> memref<40x256xf32, #tpu.memory_space<hbm>>
    tpu.wait_dma2 semaphore(%arg14 : memref<!tpu.dma_semaphore, #tpu.memory_space<semaphore_mem>>) src(%dma_wait3A_82 : memref<40x256xf32, #tpu.memory_space<hbm>>) dst(%arg6 : memref<40x256xf32, #tpu.memory_space<vmem>>)
    %add3A_83 = arith.constant 256 : i32
    %add3A_84 = arith.addi %mul3A_37, %add3A_83 : i32
    %dma_wait3A_85 = arith.constant 120 : i32
    %dma_wait3A_86 = tpu.memref_slice %arg3[%dma_wait3A_85, %add3A_84] : memref<200x16384xi32, #tpu.memory_space<hbm>> -> memref<40x256xi32, #tpu.memory_space<hbm>>
    %dma_wait3A_87 = arith.constant 120 : i32
    %dma_wait3A_88 = tpu.memref_slice %arg3[%dma_wait3A_87, %add3A_84] : memref<200x16384xi32, #tpu.memory_space<hbm>> -> memref<40x256xi32, #tpu.memory_space<hbm>>
    tpu.wait_dma2 semaphore(%arg14 : memref<!tpu.dma_semaphore, #tpu.memory_space<semaphore_mem>>) src(%dma_wait3A_88 : memref<40x256xi32, #tpu.memory_space<hbm>>) dst(%arg8 : memref<40x256xi32, #tpu.memory_space<vmem>>)
    %add3A_89 = arith.constant 256 : i32
    %add3A_90 = arith.addi %mul3A_37, %add3A_89 : i32
    %dma_wait3A_91 = arith.constant 120 : i32
    %dma_wait3A_92 = tpu.memref_slice %arg4[%dma_wait3A_91, %add3A_90] : memref<200x16384xi32, #tpu.memory_space<hbm>> -> memref<40x256xi32, #tpu.memory_space<hbm>>
    %dma_wait3A_93 = arith.constant 120 : i32
    %dma_wait3A_94 = tpu.memref_slice %arg4[%dma_wait3A_93, %add3A_90] : memref<200x16384xi32, #tpu.memory_space<hbm>> -> memref<40x256xi32, #tpu.memory_space<hbm>>
    tpu.wait_dma2 semaphore(%arg14 : memref<!tpu.dma_semaphore, #tpu.memory_space<semaphore_mem>>) src(%dma_wait3A_94 : memref<40x256xi32, #tpu.memory_space<hbm>>) dst(%arg10 : memref<40x256xi32, #tpu.memory_space<vmem>>)
    %parallel_loop3A = arith.constant 0 : i32
    %parallel_loop3A_95 = arith.constant 40 : i32
    %parallel_loop3A_96 = arith.constant 1 : i32
    scf.for %parallel_loop3A_295 = %parallel_loop3A to %parallel_loop3A_95 step %parallel_loop3A_96  : i32 {
      %parallel_loop3A_296 = arith.index_cast %parallel_loop3A_295 : i32 to index
      %parallel_loop3A_297 = arith.constant 0 : index
      %parallel_loop3A_298 = tpu.vector_load %arg6[%parallel_loop3A_296, %parallel_loop3A_297] {strides = array<i32>} : memref<40x256xf32, #tpu.memory_space<vmem>>, vector<16xf32>,
      %parallel_loop3A_299 = arith.index_cast %parallel_loop3A_295 : i32 to index
      %parallel_loop3A_300 = arith.constant 0 : index
      %parallel_loop3A_301 = tpu.vector_load %arg8[%parallel_loop3A_299, %parallel_loop3A_300] {strides = array<i32>} : memref<40x256xi32, #tpu.memory_space<vmem>>, vector<16xi32>,
      %parallel_loop3A_302 = arith.index_cast %parallel_loop3A_295 : i32 to index
      %parallel_loop3A_303 = arith.constant 0 : index
      %parallel_loop3A_304 = tpu.vector_load %arg10[%parallel_loop3A_302, %parallel_loop3A_303] {strides = array<i32>} : memref<40x256xi32, #tpu.memory_space<vmem>>, vector<16xi32>,
      %parallel_loop3A_305 = arith.constant 1.500000e+01 : f32
      %parallel_loop3A_306 = vector.broadcast %parallel_loop3A_305 : f32 to vector<16xf32>
      %parallel_loop3A_307 = arith.mulf %parallel_loop3A_298, %parallel_loop3A_306 : vector<16xf32>
      %parallel_loop3A_308 = arith.fptosi %parallel_loop3A_307 : vector<16xf32> to vector<16xi32>
      %parallel_loop3A_309 = arith.cmpi eq, %parallel_loop3A_301, %parallel_loop3A_304 : vector<16xi32>
      %parallel_loop3A_310 = arith.constant 1.000000e+00 : f32
      %parallel_loop3A_311 = arith.constant 0.000000e+00 : f32
      %parallel_loop3A_312 = vector.broadcast %parallel_loop3A_310 : f32 to vector<16xf32>
      %parallel_loop3A_313 = vector.broadcast %parallel_loop3A_311 : f32 to vector<16xf32>
      %parallel_loop3A_314 = arith.select %parallel_loop3A_309, %parallel_loop3A_312, %parallel_loop3A_313 : vector<16xi1>, vector<16xf32>
      %parallel_loop3A_315 = arith.subf %parallel_loop3A_298, %parallel_loop3A_314 : vector<16xf32>
      %parallel_loop3A_316 = arith.constant 16 : i32
      %parallel_loop3A_317 = vector.broadcast %parallel_loop3A_316 : i32 to vector<16xi32>
      %parallel_loop3A_318 = arith.muli %parallel_loop3A_308, %parallel_loop3A_317 : vector<16xi32>
      %parallel_loop3A_319 = arith.addi %parallel_loop3A_318, %add3A_35 : vector<16xi32>
      tpu.vector_store_idx %arg12[%parallel_loop3A_319], %parallel_loop3A_315 {add = true} : memref<256xf32, #tpu.memory_space<vmem>>[vector<16xi32>], vector<16xf32>,
      %parallel_loop3A_320 = arith.index_cast %parallel_loop3A_295 : i32 to index
      %parallel_loop3A_321 = arith.constant 16 : index
      %parallel_loop3A_322 = tpu.vector_load %arg6[%parallel_loop3A_320, %parallel_loop3A_321] {strides = array<i32>} : memref<40x256xf32, #tpu.memory_space<vmem>>, vector<16xf32>,
      %parallel_loop3A_323 = arith.index_cast %parallel_loop3A_295 : i32 to index
      %parallel_loop3A_324 = arith.constant 16 : index
      %parallel_loop3A_325 = tpu.vector_load %arg8[%parallel_loop3A_323, %parallel_loop3A_324] {strides = array<i32>} : memref<40x256xi32, #tpu.memory_space<vmem>>, vector<16xi32>,
      %parallel_loop3A_326 = arith.index_cast %parallel_loop3A_295 : i32 to index
      %parallel_loop3A_327 = arith.constant 16 : index
      %parallel_loop3A_328 = tpu.vector_load %arg10[%parallel_loop3A_326, %parallel_loop3A_327] {strides = array<i32>} : memref<40x256xi32, #tpu.memory_space<vmem>>, vector<16xi32>,
      %parallel_loop3A_329 = arith.constant 1.500000e+01 : f32
      %parallel_loop3A_330 = vector.broadcast %parallel_loop3A_329 : f32 to vector<16xf32>
      %parallel_loop3A_331 = arith.mulf %parallel_loop3A_322, %parallel_loop3A_330 : vector<16xf32>
      %parallel_loop3A_332 = arith.fptosi %parallel_loop3A_331 : vector<16xf32> to vector<16xi32>
      %parallel_loop3A_333 = arith.cmpi eq, %parallel_loop3A_325, %parallel_loop3A_328 : vector<16xi32>
      %parallel_loop3A_334 = arith.constant 1.000000e+00 : f32
      %parallel_loop3A_335 = arith.constant 0.000000e+00 : f32
      %parallel_loop3A_336 = vector.broadcast %parallel_loop3A_334 : f32 to vector<16xf32>
      %parallel_loop3A_337 = vector.broadcast %parallel_loop3A_335 : f32 to vector<16xf32>
      %parallel_loop3A_338 = arith.select %parallel_loop3A_333, %parallel_loop3A_336, %parallel_loop3A_337 : vector<16xi1>, vector<16xf32>
      %parallel_loop3A_339 = arith.subf %parallel_loop3A_322, %parallel_loop3A_338 : vector<16xf32>
      %parallel_loop3A_340 = arith.constant 16 : i32
      %parallel_loop3A_341 = vector.broadcast %parallel_loop3A_340 : i32 to vector<16xi32>
      %parallel_loop3A_342 = arith.muli %parallel_loop3A_332, %parallel_loop3A_341 : vector<16xi32>
      %parallel_loop3A_343 = arith.addi %parallel_loop3A_342, %add3A_35 : vector<16xi32>
      tpu.vector_store_idx %arg12[%parallel_loop3A_343], %parallel_loop3A_339 {add = true} : memref<256xf32, #tpu.memory_space<vmem>>[vector<16xi32>], vector<16xf32>,
      %parallel_loop3A_344 = arith.index_cast %parallel_loop3A_295 : i32 to index
      %parallel_loop3A_345 = arith.constant 32 : index
      %parallel_loop3A_346 = tpu.vector_load %arg6[%parallel_loop3A_344, %parallel_loop3A_345] {strides = array<i32>} : memref<40x256xf32, #tpu.memory_space<vmem>>, vector<16xf32>,
      %parallel_loop3A_347 = arith.index_cast %parallel_loop3A_295 : i32 to index
      %parallel_loop3A_348 = arith.constant 32 : index
      %parallel_loop3A_349 = tpu.vector_load %arg8[%parallel_loop3A_347, %parallel_loop3A_348] {strides = array<i32>} : memref<40x256xi32, #tpu.memory_space<vmem>>, vector<16xi32>,
      %parallel_loop3A_350 = arith.index_cast %parallel_loop3A_295 : i32 to index
      %parallel_loop3A_351 = arith.constant 32 : index
      %parallel_loop3A_352 = tpu.vector_load %arg10[%parallel_loop3A_350, %parallel_loop3A_351] {strides = array<i32>} : memref<40x256xi32, #tpu.memory_space<vmem>>, vector<16xi32>,
      %parallel_loop3A_353 = arith.constant 1.500000e+01 : f32
      %parallel_loop3A_354 = vector.broadcast %parallel_loop3A_353 : f32 to vector<16xf32>
      %parallel_loop3A_355 = arith.mulf %parallel_loop3A_346, %parallel_loop3A_354 : vector<16xf32>
      %parallel_loop3A_356 = arith.fptosi %parallel_loop3A_355 : vector<16xf32> to vector<16xi32>
      %parallel_loop3A_357 = arith.cmpi eq, %parallel_loop3A_349, %parallel_loop3A_352 : vector<16xi32>
      %parallel_loop3A_358 = arith.constant 1.000000e+00 : f32
      %parallel_loop3A_359 = arith.constant 0.000000e+00 : f32
      %parallel_loop3A_360 = vector.broadcast %parallel_loop3A_358 : f32 to vector<16xf32>
      %parallel_loop3A_361 = vector.broadcast %parallel_loop3A_359 : f32 to vector<16xf32>
      %parallel_loop3A_362 = arith.select %parallel_loop3A_357, %parallel_loop3A_360, %parallel_loop3A_361 : vector<16xi1>, vector<16xf32>
      %parallel_loop3A_363 = arith.subf %parallel_loop3A_346, %parallel_loop3A_362 : vector<16xf32>
      %parallel_loop3A_364 = arith.constant 16 : i32
      %parallel_loop3A_365 = vector.broadcast %parallel_loop3A_364 : i32 to vector<16xi32>
      %parallel_loop3A_366 = arith.muli %parallel_loop3A_356, %parallel_loop3A_365 : vector<16xi32>
      %parallel_loop3A_367 = arith.addi %parallel_loop3A_366, %add3A_35 : vector<16xi32>
      tpu.vector_store_idx %arg12[%parallel_loop3A_367], %parallel_loop3A_363 {add = true} : memref<256xf32, #tpu.memory_space<vmem>>[vector<16xi32>], vector<16xf32>,
      %parallel_loop3A_368 = arith.index_cast %parallel_loop3A_295 : i32 to index
      %parallel_loop3A_369 = arith.constant 48 : index
      %parallel_loop3A_370 = tpu.vector_load %arg6[%parallel_loop3A_368, %parallel_loop3A_369] {strides = array<i32>} : memref<40x256xf32, #tpu.memory_space<vmem>>, vector<16xf32>,
      %parallel_loop3A_371 = arith.index_cast %parallel_loop3A_295 : i32 to index
      %parallel_loop3A_372 = arith.constant 48 : index
      %parallel_loop3A_373 = tpu.vector_load %arg8[%parallel_loop3A_371, %parallel_loop3A_372] {strides = array<i32>} : memref<40x256xi32, #tpu.memory_space<vmem>>, vector<16xi32>,
      %parallel_loop3A_374 = arith.index_cast %parallel_loop3A_295 : i32 to index
      %parallel_loop3A_375 = arith.constant 48 : index
      %parallel_loop3A_376 = tpu.vector_load %arg10[%parallel_loop3A_374, %parallel_loop3A_375] {strides = array<i32>} : memref<40x256xi32, #tpu.memory_space<vmem>>, vector<16xi32>,
      %parallel_loop3A_377 = arith.constant 1.500000e+01 : f32
      %parallel_loop3A_378 = vector.broadcast %parallel_loop3A_377 : f32 to vector<16xf32>
      %parallel_loop3A_379 = arith.mulf %parallel_loop3A_370, %parallel_loop3A_378 : vector<16xf32>
      %parallel_loop3A_380 = arith.fptosi %parallel_loop3A_379 : vector<16xf32> to vector<16xi32>
      %parallel_loop3A_381 = arith.cmpi eq, %parallel_loop3A_373, %parallel_loop3A_376 : vector<16xi32>
      %parallel_loop3A_382 = arith.constant 1.000000e+00 : f32
      %parallel_loop3A_383 = arith.constant 0.000000e+00 : f32
      %parallel_loop3A_384 = vector.broadcast %parallel_loop3A_382 : f32 to vector<16xf32>
      %parallel_loop3A_385 = vector.broadcast %parallel_loop3A_383 : f32 to vector<16xf32>
      %parallel_loop3A_386 = arith.select %parallel_loop3A_381, %parallel_loop3A_384, %parallel_loop3A_385 : vector<16xi1>, vector<16xf32>
      %parallel_loop3A_387 = arith.subf %parallel_loop3A_370, %parallel_loop3A_386 : vector<16xf32>
      %parallel_loop3A_388 = arith.constant 16 : i32
      %parallel_loop3A_389 = vector.broadcast %parallel_loop3A_388 : i32 to vector<16xi32>
      %parallel_loop3A_390 = arith.muli %parallel_loop3A_380, %parallel_loop3A_389 : vector<16xi32>
      %parallel_loop3A_391 = arith.addi %parallel_loop3A_390, %add3A_35 : vector<16xi32>
      tpu.vector_store_idx %arg12[%parallel_loop3A_391], %parallel_loop3A_387 {add = true} : memref<256xf32, #tpu.memory_space<vmem>>[vector<16xi32>], vector<16xf32>,
      %parallel_loop3A_392 = arith.index_cast %parallel_loop3A_295 : i32 to index
      %parallel_loop3A_393 = arith.constant 64 : index
      %parallel_loop3A_394 = tpu.vector_load %arg6[%parallel_loop3A_392, %parallel_loop3A_393] {strides = array<i32>} : memref<40x256xf32, #tpu.memory_space<vmem>>, vector<16xf32>,
      %parallel_loop3A_395 = arith.index_cast %parallel_loop3A_295 : i32 to index
      %parallel_loop3A_396 = arith.constant 64 : index
      %parallel_loop3A_397 = tpu.vector_load %arg8[%parallel_loop3A_395, %parallel_loop3A_396] {strides = array<i32>} : memref<40x256xi32, #tpu.memory_space<vmem>>, vector<16xi32>,
      %parallel_loop3A_398 = arith.index_cast %parallel_loop3A_295 : i32 to index
      %parallel_loop3A_399 = arith.constant 64 : index
      %parallel_loop3A_400 = tpu.vector_load %arg10[%parallel_loop3A_398, %parallel_loop3A_399] {strides = array<i32>} : memref<40x256xi32, #tpu.memory_space<vmem>>, vector<16xi32>,
      %parallel_loop3A_401 = arith.constant 1.500000e+01 : f32
      %parallel_loop3A_402 = vector.broadcast %parallel_loop3A_401 : f32 to vector<16xf32>
      %parallel_loop3A_403 = arith.mulf %parallel_loop3A_394, %parallel_loop3A_402 : vector<16xf32>
      %parallel_loop3A_404 = arith.fptosi %parallel_loop3A_403 : vector<16xf32> to vector<16xi32>
      %parallel_loop3A_405 = arith.cmpi eq, %parallel_loop3A_397, %parallel_loop3A_400 : vector<16xi32>
      %parallel_loop3A_406 = arith.constant 1.000000e+00 : f32
      %parallel_loop3A_407 = arith.constant 0.000000e+00 : f32
      %parallel_loop3A_408 = vector.broadcast %parallel_loop3A_406 : f32 to vector<16xf32>
      %parallel_loop3A_409 = vector.broadcast %parallel_loop3A_407 : f32 to vector<16xf32>
      %parallel_loop3A_410 = arith.select %parallel_loop3A_405, %parallel_loop3A_408, %parallel_loop3A_409 : vector<16xi1>, vector<16xf32>
      %parallel_loop3A_411 = arith.subf %parallel_loop3A_394, %parallel_loop3A_410 : vector<16xf32>
      %parallel_loop3A_412 = arith.constant 16 : i32
      %parallel_loop3A_413 = vector.broadcast %parallel_loop3A_412 : i32 to vector<16xi32>
      %parallel_loop3A_414 = arith.muli %parallel_loop3A_404, %parallel_loop3A_413 : vector<16xi32>
      %parallel_loop3A_415 = arith.addi %parallel_loop3A_414, %add3A_35 : vector<16xi32>
      tpu.vector_store_idx %arg12[%parallel_loop3A_415], %parallel_loop3A_411 {add = true} : memref<256xf32, #tpu.memory_space<vmem>>[vector<16xi32>], vector<16xf32>,
      %parallel_loop3A_416 = arith.index_cast %parallel_loop3A_295 : i32 to index
      %parallel_loop3A_417 = arith.constant 80 : index
      %parallel_loop3A_418 = tpu.vector_load %arg6[%parallel_loop3A_416, %parallel_loop3A_417] {strides = array<i32>} : memref<40x256xf32, #tpu.memory_space<vmem>>, vector<16xf32>,
      %parallel_loop3A_419 = arith.index_cast %parallel_loop3A_295 : i32 to index
      %parallel_loop3A_420 = arith.constant 80 : index
      %parallel_loop3A_421 = tpu.vector_load %arg8[%parallel_loop3A_419, %parallel_loop3A_420] {strides = array<i32>} : memref<40x256xi32, #tpu.memory_space<vmem>>, vector<16xi32>,
      %parallel_loop3A_422 = arith.index_cast %parallel_loop3A_295 : i32 to index
      %parallel_loop3A_423 = arith.constant 80 : index
      %parallel_loop3A_424 = tpu.vector_load %arg10[%parallel_loop3A_422, %parallel_loop3A_423] {strides = array<i32>} : memref<40x256xi32, #tpu.memory_space<vmem>>, vector<16xi32>,
      %parallel_loop3A_425 = arith.constant 1.500000e+01 : f32
      %parallel_loop3A_426 = vector.broadcast %parallel_loop3A_425 : f32 to vector<16xf32>
      %parallel_loop3A_427 = arith.mulf %parallel_loop3A_418, %parallel_loop3A_426 : vector<16xf32>
      %parallel_loop3A_428 = arith.fptosi %parallel_loop3A_427 : vector<16xf32> to vector<16xi32>
      %parallel_loop3A_429 = arith.cmpi eq, %parallel_loop3A_421, %parallel_loop3A_424 : vector<16xi32>
      %parallel_loop3A_430 = arith.constant 1.000000e+00 : f32
      %parallel_loop3A_431 = arith.constant 0.000000e+00 : f32
      %parallel_loop3A_432 = vector.broadcast %parallel_loop3A_430 : f32 to vector<16xf32>
      %parallel_loop3A_433 = vector.broadcast %parallel_loop3A_431 : f32 to vector<16xf32>
      %parallel_loop3A_434 = arith.select %parallel_loop3A_429, %parallel_loop3A_432, %parallel_loop3A_433 : vector<16xi1>, vector<16xf32>
      %parallel_loop3A_435 = arith.subf %parallel_loop3A_418, %parallel_loop3A_434 : vector<16xf32>
      %parallel_loop3A_436 = arith.constant 16 : i32
      %parallel_loop3A_437 = vector.broadcast %parallel_loop3A_436 : i32 to vector<16xi32>
      %parallel_loop3A_438 = arith.muli %parallel_loop3A_428, %parallel_loop3A_437 : vector<16xi32>
      %parallel_loop3A_439 = arith.addi %parallel_loop3A_438, %add3A_35 : vector<16xi32>
      tpu.vector_store_idx %arg12[%parallel_loop3A_439], %parallel_loop3A_435 {add = true} : memref<256xf32, #tpu.memory_space<vmem>>[vector<16xi32>], vector<16xf32>,
      %parallel_loop3A_440 = arith.index_cast %parallel_loop3A_295 : i32 to index
      %parallel_loop3A_441 = arith.constant 96 : index
      %parallel_loop3A_442 = tpu.vector_load %arg6[%parallel_loop3A_440, %parallel_loop3A_441] {strides = array<i32>} : memref<40x256xf32, #tpu.memory_space<vmem>>, vector<16xf32>,
      %parallel_loop3A_443 = arith.index_cast %parallel_loop3A_295 : i32 to index
      %parallel_loop3A_444 = arith.constant 96 : index
      %parallel_loop3A_445 = tpu.vector_load %arg8[%parallel_loop3A_443, %parallel_loop3A_444] {strides = array<i32>} : memref<40x256xi32, #tpu.memory_space<vmem>>, vector<16xi32>,
      %parallel_loop3A_446 = arith.index_cast %parallel_loop3A_295 : i32 to index
      %parallel_loop3A_447 = arith.constant 96 : index
      %parallel_loop3A_448 = tpu.vector_load %arg10[%parallel_loop3A_446, %parallel_loop3A_447] {strides = array<i32>} : memref<40x256xi32, #tpu.memory_space<vmem>>, vector<16xi32>,
      %parallel_loop3A_449 = arith.constant 1.500000e+01 : f32
      %parallel_loop3A_450 = vector.broadcast %parallel_loop3A_449 : f32 to vector<16xf32>
      %parallel_loop3A_451 = arith.mulf %parallel_loop3A_442, %parallel_loop3A_450 : vector<16xf32>
      %parallel_loop3A_452 = arith.fptosi %parallel_loop3A_451 : vector<16xf32> to vector<16xi32>
      %parallel_loop3A_453 = arith.cmpi eq, %parallel_loop3A_445, %parallel_loop3A_448 : vector<16xi32>
      %parallel_loop3A_454 = arith.constant 1.000000e+00 : f32
      %parallel_loop3A_455 = arith.constant 0.000000e+00 : f32
      %parallel_loop3A_456 = vector.broadcast %parallel_loop3A_454 : f32 to vector<16xf32>
      %parallel_loop3A_457 = vector.broadcast %parallel_loop3A_455 : f32 to vector<16xf32>
      %parallel_loop3A_458 = arith.select %parallel_loop3A_453, %parallel_loop3A_456, %parallel_loop3A_457 : vector<16xi1>, vector<16xf32>
      %parallel_loop3A_459 = arith.subf %parallel_loop3A_442, %parallel_loop3A_458 : vector<16xf32>
      %parallel_loop3A_460 = arith.constant 16 : i32
      %parallel_loop3A_461 = vector.broadcast %parallel_loop3A_460 : i32 to vector<16xi32>
      %parallel_loop3A_462 = arith.muli %parallel_loop3A_452, %parallel_loop3A_461 : vector<16xi32>
      %parallel_loop3A_463 = arith.addi %parallel_loop3A_462, %add3A_35 : vector<16xi32>
      tpu.vector_store_idx %arg12[%parallel_loop3A_463], %parallel_loop3A_459 {add = true} : memref<256xf32, #tpu.memory_space<vmem>>[vector<16xi32>], vector<16xf32>,
      %parallel_loop3A_464 = arith.index_cast %parallel_loop3A_295 : i32 to index
      %parallel_loop3A_465 = arith.constant 112 : index
      %parallel_loop3A_466 = tpu.vector_load %arg6[%parallel_loop3A_464, %parallel_loop3A_465] {strides = array<i32>} : memref<40x256xf32, #tpu.memory_space<vmem>>, vector<16xf32>,
      %parallel_loop3A_467 = arith.index_cast %parallel_loop3A_295 : i32 to index
      %parallel_loop3A_468 = arith.constant 112 : index
      %parallel_loop3A_469 = tpu.vector_load %arg8[%parallel_loop3A_467, %parallel_loop3A_468] {strides = array<i32>} : memref<40x256xi32, #tpu.memory_space<vmem>>, vector<16xi32>,
      %parallel_loop3A_470 = arith.index_cast %parallel_loop3A_295 : i32 to index
      %parallel_loop3A_471 = arith.constant 112 : index
      %parallel_loop3A_472 = tpu.vector_load %arg10[%parallel_loop3A_470, %parallel_loop3A_471] {strides = array<i32>} : memref<40x256xi32, #tpu.memory_space<vmem>>, vector<16xi32>,
      %parallel_loop3A_473 = arith.constant 1.500000e+01 : f32
      %parallel_loop3A_474 = vector.broadcast %parallel_loop3A_473 : f32 to vector<16xf32>
      %parallel_loop3A_475 = arith.mulf %parallel_loop3A_466, %parallel_loop3A_474 : vector<16xf32>
      %parallel_loop3A_476 = arith.fptosi %parallel_loop3A_475 : vector<16xf32> to vector<16xi32>
      %parallel_loop3A_477 = arith.cmpi eq, %parallel_loop3A_469, %parallel_loop3A_472 : vector<16xi32>
      %parallel_loop3A_478 = arith.constant 1.000000e+00 : f32
      %parallel_loop3A_479 = arith.constant 0.000000e+00 : f32
      %parallel_loop3A_480 = vector.broadcast %parallel_loop3A_478 : f32 to vector<16xf32>
      %parallel_loop3A_481 = vector.broadcast %parallel_loop3A_479 : f32 to vector<16xf32>
      %parallel_loop3A_482 = arith.select %parallel_loop3A_477, %parallel_loop3A_480, %parallel_loop3A_481 : vector<16xi1>, vector<16xf32>
      %parallel_loop3A_483 = arith.subf %parallel_loop3A_466, %parallel_loop3A_482 : vector<16xf32>
      %parallel_loop3A_484 = arith.constant 16 : i32
      %parallel_loop3A_485 = vector.broadcast %parallel_loop3A_484 : i32 to vector<16xi32>
      %parallel_loop3A_486 = arith.muli %parallel_loop3A_476, %parallel_loop3A_485 : vector<16xi32>
      %parallel_loop3A_487 = arith.addi %parallel_loop3A_486, %add3A_35 : vector<16xi32>
      tpu.vector_store_idx %arg12[%parallel_loop3A_487], %parallel_loop3A_483 {add = true} : memref<256xf32, #tpu.memory_space<vmem>>[vector<16xi32>], vector<16xf32>,
      %parallel_loop3A_488 = arith.index_cast %parallel_loop3A_295 : i32 to index
      %parallel_loop3A_489 = arith.constant 128 : index
      %parallel_loop3A_490 = tpu.vector_load %arg6[%parallel_loop3A_488, %parallel_loop3A_489] {strides = array<i32>} : memref<40x256xf32, #tpu.memory_space<vmem>>, vector<16xf32>,
      %parallel_loop3A_491 = arith.index_cast %parallel_loop3A_295 : i32 to index
      %parallel_loop3A_492 = arith.constant 128 : index
      %parallel_loop3A_493 = tpu.vector_load %arg8[%parallel_loop3A_491, %parallel_loop3A_492] {strides = array<i32>} : memref<40x256xi32, #tpu.memory_space<vmem>>, vector<16xi32>,
      %parallel_loop3A_494 = arith.index_cast %parallel_loop3A_295 : i32 to index
      %parallel_loop3A_495 = arith.constant 128 : index
      %parallel_loop3A_496 = tpu.vector_load %arg10[%parallel_loop3A_494, %parallel_loop3A_495] {strides = array<i32>} : memref<40x256xi32, #tpu.memory_space<vmem>>, vector<16xi32>,
      %parallel_loop3A_497 = arith.constant 1.500000e+01 : f32
      %parallel_loop3A_498 = vector.broadcast %parallel_loop3A_497 : f32 to vector<16xf32>
      %parallel_loop3A_499 = arith.mulf %parallel_loop3A_490, %parallel_loop3A_498 : vector<16xf32>
      %parallel_loop3A_500 = arith.fptosi %parallel_loop3A_499 : vector<16xf32> to vector<16xi32>
      %parallel_loop3A_501 = arith.cmpi eq, %parallel_loop3A_493, %parallel_loop3A_496 : vector<16xi32>
      %parallel_loop3A_502 = arith.constant 1.000000e+00 : f32
      %parallel_loop3A_503 = arith.constant 0.000000e+00 : f32
      %parallel_loop3A_504 = vector.broadcast %parallel_loop3A_502 : f32 to vector<16xf32>
      %parallel_loop3A_505 = vector.broadcast %parallel_loop3A_503 : f32 to vector<16xf32>
      %parallel_loop3A_506 = arith.select %parallel_loop3A_501, %parallel_loop3A_504, %parallel_loop3A_505 : vector<16xi1>, vector<16xf32>
      %parallel_loop3A_507 = arith.subf %parallel_loop3A_490, %parallel_loop3A_506 : vector<16xf32>
      %parallel_loop3A_508 = arith.constant 16 : i32
      %parallel_loop3A_509 = vector.broadcast %parallel_loop3A_508 : i32 to vector<16xi32>
      %parallel_loop3A_510 = arith.muli %parallel_loop3A_500, %parallel_loop3A_509 : vector<16xi32>
      %parallel_loop3A_511 = arith.addi %parallel_loop3A_510, %add3A_35 : vector<16xi32>
      tpu.vector_store_idx %arg12[%parallel_loop3A_511], %parallel_loop3A_507 {add = true} : memref<256xf32, #tpu.memory_space<vmem>>[vector<16xi32>], vector<16xf32>,
      %parallel_loop3A_512 = arith.index_cast %parallel_loop3A_295 : i32 to index
      %parallel_loop3A_513 = arith.constant 144 : index
      %parallel_loop3A_514 = tpu.vector_load %arg6[%parallel_loop3A_512, %parallel_loop3A_513] {strides = array<i32>} : memref<40x256xf32, #tpu.memory_space<vmem>>, vector<16xf32>,
      %parallel_loop3A_515 = arith.index_cast %parallel_loop3A_295 : i32 to index
      %parallel_loop3A_516 = arith.constant 144 : index
      %parallel_loop3A_517 = tpu.vector_load %arg8[%parallel_loop3A_515, %parallel_loop3A_516] {strides = array<i32>} : memref<40x256xi32, #tpu.memory_space<vmem>>, vector<16xi32>,
      %parallel_loop3A_518 = arith.index_cast %parallel_loop3A_295 : i32 to index
      %parallel_loop3A_519 = arith.constant 144 : index
      %parallel_loop3A_520 = tpu.vector_load %arg10[%parallel_loop3A_518, %parallel_loop3A_519] {strides = array<i32>} : memref<40x256xi32, #tpu.memory_space<vmem>>, vector<16xi32>,
      %parallel_loop3A_521 = arith.constant 1.500000e+01 : f32
      %parallel_loop3A_522 = vector.broadcast %parallel_loop3A_521 : f32 to vector<16xf32>
      %parallel_loop3A_523 = arith.mulf %parallel_loop3A_514, %parallel_loop3A_522 : vector<16xf32>
      %parallel_loop3A_524 = arith.fptosi %parallel_loop3A_523 : vector<16xf32> to vector<16xi32>
      %parallel_loop3A_525 = arith.cmpi eq, %parallel_loop3A_517, %parallel_loop3A_520 : vector<16xi32>
      %parallel_loop3A_526 = arith.constant 1.000000e+00 : f32
      %parallel_loop3A_527 = arith.constant 0.000000e+00 : f32
      %parallel_loop3A_528 = vector.broadcast %parallel_loop3A_526 : f32 to vector<16xf32>
      %parallel_loop3A_529 = vector.broadcast %parallel_loop3A_527 : f32 to vector<16xf32>
      %parallel_loop3A_530 = arith.select %parallel_loop3A_525, %parallel_loop3A_528, %parallel_loop3A_529 : vector<16xi1>, vector<16xf32>
      %parallel_loop3A_531 = arith.subf %parallel_loop3A_514, %parallel_loop3A_530 : vector<16xf32>
      %parallel_loop3A_532 = arith.constant 16 : i32
      %parallel_loop3A_533 = vector.broadcast %parallel_loop3A_532 : i32 to vector<16xi32>
      %parallel_loop3A_534 = arith.muli %parallel_loop3A_524, %parallel_loop3A_533 : vector<16xi32>
      %parallel_loop3A_535 = arith.addi %parallel_loop3A_534, %add3A_35 : vector<16xi32>
      tpu.vector_store_idx %arg12[%parallel_loop3A_535], %parallel_loop3A_531 {add = true} : memref<256xf32, #tpu.memory_space<vmem>>[vector<16xi32>], vector<16xf32>,
      %parallel_loop3A_536 = arith.index_cast %parallel_loop3A_295 : i32 to index
      %parallel_loop3A_537 = arith.constant 160 : index
      %parallel_loop3A_538 = tpu.vector_load %arg6[%parallel_loop3A_536, %parallel_loop3A_537] {strides = array<i32>} : memref<40x256xf32, #tpu.memory_space<vmem>>, vector<16xf32>,
      %parallel_loop3A_539 = arith.index_cast %parallel_loop3A_295 : i32 to index
      %parallel_loop3A_540 = arith.constant 160 : index
      %parallel_loop3A_541 = tpu.vector_load %arg8[%parallel_loop3A_539, %parallel_loop3A_540] {strides = array<i32>} : memref<40x256xi32, #tpu.memory_space<vmem>>, vector<16xi32>,
      %parallel_loop3A_542 = arith.index_cast %parallel_loop3A_295 : i32 to index
      %parallel_loop3A_543 = arith.constant 160 : index
      %parallel_loop3A_544 = tpu.vector_load %arg10[%parallel_loop3A_542, %parallel_loop3A_543] {strides = array<i32>} : memref<40x256xi32, #tpu.memory_space<vmem>>, vector<16xi32>,
      %parallel_loop3A_545 = arith.constant 1.500000e+01 : f32
      %parallel_loop3A_546 = vector.broadcast %parallel_loop3A_545 : f32 to vector<16xf32>
      %parallel_loop3A_547 = arith.mulf %parallel_loop3A_538, %parallel_loop3A_546 : vector<16xf32>
      %parallel_loop3A_548 = arith.fptosi %parallel_loop3A_547 : vector<16xf32> to vector<16xi32>
      %parallel_loop3A_549 = arith.cmpi eq, %parallel_loop3A_541, %parallel_loop3A_544 : vector<16xi32>
      %parallel_loop3A_550 = arith.constant 1.000000e+00 : f32
      %parallel_loop3A_551 = arith.constant 0.000000e+00 : f32
      %parallel_loop3A_552 = vector.broadcast %parallel_loop3A_550 : f32 to vector<16xf32>
      %parallel_loop3A_553 = vector.broadcast %parallel_loop3A_551 : f32 to vector<16xf32>
      %parallel_loop3A_554 = arith.select %parallel_loop3A_549, %parallel_loop3A_552, %parallel_loop3A_553 : vector<16xi1>, vector<16xf32>
      %parallel_loop3A_555 = arith.subf %parallel_loop3A_538, %parallel_loop3A_554 : vector<16xf32>
      %parallel_loop3A_556 = arith.constant 16 : i32
      %parallel_loop3A_557 = vector.broadcast %parallel_loop3A_556 : i32 to vector<16xi32>
      %parallel_loop3A_558 = arith.muli %parallel_loop3A_548, %parallel_loop3A_557 : vector<16xi32>
      %parallel_loop3A_559 = arith.addi %parallel_loop3A_558, %add3A_35 : vector<16xi32>
      tpu.vector_store_idx %arg12[%parallel_loop3A_559], %parallel_loop3A_555 {add = true} : memref<256xf32, #tpu.memory_space<vmem>>[vector<16xi32>], vector<16xf32>,
      %parallel_loop3A_560 = arith.index_cast %parallel_loop3A_295 : i32 to index
      %parallel_loop3A_561 = arith.constant 176 : index
      %parallel_loop3A_562 = tpu.vector_load %arg6[%parallel_loop3A_560, %parallel_loop3A_561] {strides = array<i32>} : memref<40x256xf32, #tpu.memory_space<vmem>>, vector<16xf32>,
      %parallel_loop3A_563 = arith.index_cast %parallel_loop3A_295 : i32 to index
      %parallel_loop3A_564 = arith.constant 176 : index
      %parallel_loop3A_565 = tpu.vector_load %arg8[%parallel_loop3A_563, %parallel_loop3A_564] {strides = array<i32>} : memref<40x256xi32, #tpu.memory_space<vmem>>, vector<16xi32>,
      %parallel_loop3A_566 = arith.index_cast %parallel_loop3A_295 : i32 to index
      %parallel_loop3A_567 = arith.constant 176 : index
      %parallel_loop3A_568 = tpu.vector_load %arg10[%parallel_loop3A_566, %parallel_loop3A_567] {strides = array<i32>} : memref<40x256xi32, #tpu.memory_space<vmem>>, vector<16xi32>,
      %parallel_loop3A_569 = arith.constant 1.500000e+01 : f32
      %parallel_loop3A_570 = vector.broadcast %parallel_loop3A_569 : f32 to vector<16xf32>
      %parallel_loop3A_571 = arith.mulf %parallel_loop3A_562, %parallel_loop3A_570 : vector<16xf32>
      %parallel_loop3A_572 = arith.fptosi %parallel_loop3A_571 : vector<16xf32> to vector<16xi32>
      %parallel_loop3A_573 = arith.cmpi eq, %parallel_loop3A_565, %parallel_loop3A_568 : vector<16xi32>
      %parallel_loop3A_574 = arith.constant 1.000000e+00 : f32
      %parallel_loop3A_575 = arith.constant 0.000000e+00 : f32
      %parallel_loop3A_576 = vector.broadcast %parallel_loop3A_574 : f32 to vector<16xf32>
      %parallel_loop3A_577 = vector.broadcast %parallel_loop3A_575 : f32 to vector<16xf32>
      %parallel_loop3A_578 = arith.select %parallel_loop3A_573, %parallel_loop3A_576, %parallel_loop3A_577 : vector<16xi1>, vector<16xf32>
      %parallel_loop3A_579 = arith.subf %parallel_loop3A_562, %parallel_loop3A_578 : vector<16xf32>
      %parallel_loop3A_580 = arith.constant 16 : i32
      %parallel_loop3A_581 = vector.broadcast %parallel_loop3A_580 : i32 to vector<16xi32>
      %parallel_loop3A_582 = arith.muli %parallel_loop3A_572, %parallel_loop3A_581 : vector<16xi32>
      %parallel_loop3A_583 = arith.addi %parallel_loop3A_582, %add3A_35 : vector<16xi32>
      tpu.vector_store_idx %arg12[%parallel_loop3A_583], %parallel_loop3A_579 {add = true} : memref<256xf32, #tpu.memory_space<vmem>>[vector<16xi32>], vector<16xf32>,
      %parallel_loop3A_584 = arith.index_cast %parallel_loop3A_295 : i32 to index
      %parallel_loop3A_585 = arith.constant 192 : index
      %parallel_loop3A_586 = tpu.vector_load %arg6[%parallel_loop3A_584, %parallel_loop3A_585] {strides = array<i32>} : memref<40x256xf32, #tpu.memory_space<vmem>>, vector<16xf32>,
      %parallel_loop3A_587 = arith.index_cast %parallel_loop3A_295 : i32 to index
      %parallel_loop3A_588 = arith.constant 192 : index
      %parallel_loop3A_589 = tpu.vector_load %arg8[%parallel_loop3A_587, %parallel_loop3A_588] {strides = array<i32>} : memref<40x256xi32, #tpu.memory_space<vmem>>, vector<16xi32>,
      %parallel_loop3A_590 = arith.index_cast %parallel_loop3A_295 : i32 to index
      %parallel_loop3A_591 = arith.constant 192 : index
      %parallel_loop3A_592 = tpu.vector_load %arg10[%parallel_loop3A_590, %parallel_loop3A_591] {strides = array<i32>} : memref<40x256xi32, #tpu.memory_space<vmem>>, vector<16xi32>,
      %parallel_loop3A_593 = arith.constant 1.500000e+01 : f32
      %parallel_loop3A_594 = vector.broadcast %parallel_loop3A_593 : f32 to vector<16xf32>
      %parallel_loop3A_595 = arith.mulf %parallel_loop3A_586, %parallel_loop3A_594 : vector<16xf32>
      %parallel_loop3A_596 = arith.fptosi %parallel_loop3A_595 : vector<16xf32> to vector<16xi32>
      %parallel_loop3A_597 = arith.cmpi eq, %parallel_loop3A_589, %parallel_loop3A_592 : vector<16xi32>
      %parallel_loop3A_598 = arith.constant 1.000000e+00 : f32
      %parallel_loop3A_599 = arith.constant 0.000000e+00 : f32
      %parallel_loop3A_600 = vector.broadcast %parallel_loop3A_598 : f32 to vector<16xf32>
      %parallel_loop3A_601 = vector.broadcast %parallel_loop3A_599 : f32 to vector<16xf32>
      %parallel_loop3A_602 = arith.select %parallel_loop3A_597, %parallel_loop3A_600, %parallel_loop3A_601 : vector<16xi1>, vector<16xf32>
      %parallel_loop3A_603 = arith.subf %parallel_loop3A_586, %parallel_loop3A_602 : vector<16xf32>
      %parallel_loop3A_604 = arith.constant 16 : i32
      %parallel_loop3A_605 = vector.broadcast %parallel_loop3A_604 : i32 to vector<16xi32>
      %parallel_loop3A_606 = arith.muli %parallel_loop3A_596, %parallel_loop3A_605 : vector<16xi32>
      %parallel_loop3A_607 = arith.addi %parallel_loop3A_606, %add3A_35 : vector<16xi32>
      tpu.vector_store_idx %arg12[%parallel_loop3A_607], %parallel_loop3A_603 {add = true} : memref<256xf32, #tpu.memory_space<vmem>>[vector<16xi32>], vector<16xf32>,
      %parallel_loop3A_608 = arith.index_cast %parallel_loop3A_295 : i32 to index
      %parallel_loop3A_609 = arith.constant 208 : index
      %parallel_loop3A_610 = tpu.vector_load %arg6[%parallel_loop3A_608, %parallel_loop3A_609] {strides = array<i32>} : memref<40x256xf32, #tpu.memory_space<vmem>>, vector<16xf32>,
      %parallel_loop3A_611 = arith.index_cast %parallel_loop3A_295 : i32 to index
      %parallel_loop3A_612 = arith.constant 208 : index
      %parallel_loop3A_613 = tpu.vector_load %arg8[%parallel_loop3A_611, %parallel_loop3A_612] {strides = array<i32>} : memref<40x256xi32, #tpu.memory_space<vmem>>, vector<16xi32>,
      %parallel_loop3A_614 = arith.index_cast %parallel_loop3A_295 : i32 to index
      %parallel_loop3A_615 = arith.constant 208 : index
      %parallel_loop3A_616 = tpu.vector_load %arg10[%parallel_loop3A_614, %parallel_loop3A_615] {strides = array<i32>} : memref<40x256xi32, #tpu.memory_space<vmem>>, vector<16xi32>,
      %parallel_loop3A_617 = arith.constant 1.500000e+01 : f32
      %parallel_loop3A_618 = vector.broadcast %parallel_loop3A_617 : f32 to vector<16xf32>
      %parallel_loop3A_619 = arith.mulf %parallel_loop3A_610, %parallel_loop3A_618 : vector<16xf32>
      %parallel_loop3A_620 = arith.fptosi %parallel_loop3A_619 : vector<16xf32> to vector<16xi32>
      %parallel_loop3A_621 = arith.cmpi eq, %parallel_loop3A_613, %parallel_loop3A_616 : vector<16xi32>
      %parallel_loop3A_622 = arith.constant 1.000000e+00 : f32
      %parallel_loop3A_623 = arith.constant 0.000000e+00 : f32
      %parallel_loop3A_624 = vector.broadcast %parallel_loop3A_622 : f32 to vector<16xf32>
      %parallel_loop3A_625 = vector.broadcast %parallel_loop3A_623 : f32 to vector<16xf32>
      %parallel_loop3A_626 = arith.select %parallel_loop3A_621, %parallel_loop3A_624, %parallel_loop3A_625 : vector<16xi1>, vector<16xf32>
      %parallel_loop3A_627 = arith.subf %parallel_loop3A_610, %parallel_loop3A_626 : vector<16xf32>
      %parallel_loop3A_628 = arith.constant 16 : i32
      %parallel_loop3A_629 = vector.broadcast %parallel_loop3A_628 : i32 to vector<16xi32>
      %parallel_loop3A_630 = arith.muli %parallel_loop3A_620, %parallel_loop3A_629 : vector<16xi32>
      %parallel_loop3A_631 = arith.addi %parallel_loop3A_630, %add3A_35 : vector<16xi32>
      tpu.vector_store_idx %arg12[%parallel_loop3A_631], %parallel_loop3A_627 {add = true} : memref<256xf32, #tpu.memory_space<vmem>>[vector<16xi32>], vector<16xf32>,
      %parallel_loop3A_632 = arith.index_cast %parallel_loop3A_295 : i32 to index
      %parallel_loop3A_633 = arith.constant 224 : index
      %parallel_loop3A_634 = tpu.vector_load %arg6[%parallel_loop3A_632, %parallel_loop3A_633] {strides = array<i32>} : memref<40x256xf32, #tpu.memory_space<vmem>>, vector<16xf32>,
      %parallel_loop3A_635 = arith.index_cast %parallel_loop3A_295 : i32 to index
      %parallel_loop3A_636 = arith.constant 224 : index
      %parallel_loop3A_637 = tpu.vector_load %arg8[%parallel_loop3A_635, %parallel_loop3A_636] {strides = array<i32>} : memref<40x256xi32, #tpu.memory_space<vmem>>, vector<16xi32>,
      %parallel_loop3A_638 = arith.index_cast %parallel_loop3A_295 : i32 to index
      %parallel_loop3A_639 = arith.constant 224 : index
      %parallel_loop3A_640 = tpu.vector_load %arg10[%parallel_loop3A_638, %parallel_loop3A_639] {strides = array<i32>} : memref<40x256xi32, #tpu.memory_space<vmem>>, vector<16xi32>,
      %parallel_loop3A_641 = arith.constant 1.500000e+01 : f32
      %parallel_loop3A_642 = vector.broadcast %parallel_loop3A_641 : f32 to vector<16xf32>
      %parallel_loop3A_643 = arith.mulf %parallel_loop3A_634, %parallel_loop3A_642 : vector<16xf32>
      %parallel_loop3A_644 = arith.fptosi %parallel_loop3A_643 : vector<16xf32> to vector<16xi32>
      %parallel_loop3A_645 = arith.cmpi eq, %parallel_loop3A_637, %parallel_loop3A_640 : vector<16xi32>
      %parallel_loop3A_646 = arith.constant 1.000000e+00 : f32
      %parallel_loop3A_647 = arith.constant 0.000000e+00 : f32
      %parallel_loop3A_648 = vector.broadcast %parallel_loop3A_646 : f32 to vector<16xf32>
      %parallel_loop3A_649 = vector.broadcast %parallel_loop3A_647 : f32 to vector<16xf32>
      %parallel_loop3A_650 = arith.select %parallel_loop3A_645, %parallel_loop3A_648, %parallel_loop3A_649 : vector<16xi1>, vector<16xf32>
      %parallel_loop3A_651 = arith.subf %parallel_loop3A_634, %parallel_loop3A_650 : vector<16xf32>
      %parallel_loop3A_652 = arith.constant 16 : i32
      %parallel_loop3A_653 = vector.broadcast %parallel_loop3A_652 : i32 to vector<16xi32>
      %parallel_loop3A_654 = arith.muli %parallel_loop3A_644, %parallel_loop3A_653 : vector<16xi32>
      %parallel_loop3A_655 = arith.addi %parallel_loop3A_654, %add3A_35 : vector<16xi32>
      tpu.vector_store_idx %arg12[%parallel_loop3A_655], %parallel_loop3A_651 {add = true} : memref<256xf32, #tpu.memory_space<vmem>>[vector<16xi32>], vector<16xf32>,
      %parallel_loop3A_656 = arith.index_cast %parallel_loop3A_295 : i32 to index
      %parallel_loop3A_657 = arith.constant 240 : index
      %parallel_loop3A_658 = tpu.vector_load %arg6[%parallel_loop3A_656, %parallel_loop3A_657] {strides = array<i32>} : memref<40x256xf32, #tpu.memory_space<vmem>>, vector<16xf32>,
      %parallel_loop3A_659 = arith.index_cast %parallel_loop3A_295 : i32 to index
      %parallel_loop3A_660 = arith.constant 240 : index
      %parallel_loop3A_661 = tpu.vector_load %arg8[%parallel_loop3A_659, %parallel_loop3A_660] {strides = array<i32>} : memref<40x256xi32, #tpu.memory_space<vmem>>, vector<16xi32>,
      %parallel_loop3A_662 = arith.index_cast %parallel_loop3A_295 : i32 to index
      %parallel_loop3A_663 = arith.constant 240 : index
      %parallel_loop3A_664 = tpu.vector_load %arg10[%parallel_loop3A_662, %parallel_loop3A_663] {strides = array<i32>} : memref<40x256xi32, #tpu.memory_space<vmem>>, vector<16xi32>,
      %parallel_loop3A_665 = arith.constant 1.500000e+01 : f32
      %parallel_loop3A_666 = vector.broadcast %parallel_loop3A_665 : f32 to vector<16xf32>
      %parallel_loop3A_667 = arith.mulf %parallel_loop3A_658, %parallel_loop3A_666 : vector<16xf32>
      %parallel_loop3A_668 = arith.fptosi %parallel_loop3A_667 : vector<16xf32> to vector<16xi32>
      %parallel_loop3A_669 = arith.cmpi eq, %parallel_loop3A_661, %parallel_loop3A_664 : vector<16xi32>
      %parallel_loop3A_670 = arith.constant 1.000000e+00 : f32
      %parallel_loop3A_671 = arith.constant 0.000000e+00 : f32
      %parallel_loop3A_672 = vector.broadcast %parallel_loop3A_670 : f32 to vector<16xf32>
      %parallel_loop3A_673 = vector.broadcast %parallel_loop3A_671 : f32 to vector<16xf32>
      %parallel_loop3A_674 = arith.select %parallel_loop3A_669, %parallel_loop3A_672, %parallel_loop3A_673 : vector<16xi1>, vector<16xf32>
      %parallel_loop3A_675 = arith.subf %parallel_loop3A_658, %parallel_loop3A_674 : vector<16xf32>
      %parallel_loop3A_676 = arith.constant 16 : i32
      %parallel_loop3A_677 = vector.broadcast %parallel_loop3A_676 : i32 to vector<16xi32>
      %parallel_loop3A_678 = arith.muli %parallel_loop3A_668, %parallel_loop3A_677 : vector<16xi32>
      %parallel_loop3A_679 = arith.addi %parallel_loop3A_678, %add3A_35 : vector<16xi32>
      tpu.vector_store_idx %arg12[%parallel_loop3A_679], %parallel_loop3A_675 {add = true} : memref<256xf32, #tpu.memory_space<vmem>>[vector<16xi32>], vector<16xf32>,
    } {sc.loop_unroll_factor = 2 : i64, sc.parallel_access}
    %add3A_97 = arith.constant 256 : i32
    %add3A_98 = arith.addi %mul3A_37, %add3A_97 : i32
    %dma_wait3A_99 = arith.constant 160 : i32
    %dma_wait3A_100 = tpu.memref_slice %arg2[%dma_wait3A_99, %add3A_98] : memref<200x16384xf32, #tpu.memory_space<hbm>> -> memref<40x256xf32, #tpu.memory_space<hbm>>
    %dma_wait3A_101 = arith.constant 160 : i32
    %dma_wait3A_102 = tpu.memref_slice %arg2[%dma_wait3A_101, %add3A_98] : memref<200x16384xf32, #tpu.memory_space<hbm>> -> memref<40x256xf32, #tpu.memory_space<hbm>>
    tpu.wait_dma2 semaphore(%arg15 : memref<!tpu.dma_semaphore, #tpu.memory_space<semaphore_mem>>) src(%dma_wait3A_102 : memref<40x256xf32, #tpu.memory_space<hbm>>) dst(%arg7 : memref<40x256xf32, #tpu.memory_space<vmem>>)
    %add3A_103 = arith.constant 256 : i32
    %add3A_104 = arith.addi %mul3A_37, %add3A_103 : i32
    %dma_wait3A_105 = arith.constant 160 : i32
    %dma_wait3A_106 = tpu.memref_slice %arg3[%dma_wait3A_105, %add3A_104] : memref<200x16384xi32, #tpu.memory_space<hbm>> -> memref<40x256xi32, #tpu.memory_space<hbm>>
    %dma_wait3A_107 = arith.constant 160 : i32
    %dma_wait3A_108 = tpu.memref_slice %arg3[%dma_wait3A_107, %add3A_104] : memref<200x16384xi32, #tpu.memory_space<hbm>> -> memref<40x256xi32, #tpu.memory_space<hbm>>
    tpu.wait_dma2 semaphore(%arg15 : memref<!tpu.dma_semaphore, #tpu.memory_space<semaphore_mem>>) src(%dma_wait3A_108 : memref<40x256xi32, #tpu.memory_space<hbm>>) dst(%arg9 : memref<40x256xi32, #tpu.memory_space<vmem>>)
    %add3A_109 = arith.constant 256 : i32
    %add3A_110 = arith.addi %mul3A_37, %add3A_109 : i32
    %dma_wait3A_111 = arith.constant 160 : i32
    %dma_wait3A_112 = tpu.memref_slice %arg4[%dma_wait3A_111, %add3A_110] : memref<200x16384xi32, #tpu.memory_space<hbm>> -> memref<40x256xi32, #tpu.memory_space<hbm>>
    %dma_wait3A_113 = arith.constant 160 : i32
    %dma_wait3A_114 = tpu.memref_slice %arg4[%dma_wait3A_113, %add3A_110] : memref<200x16384xi32, #tpu.memory_space<hbm>> -> memref<40x256xi32, #tpu.memory_space<hbm>>
    tpu.wait_dma2 semaphore(%arg15 : memref<!tpu.dma_semaphore, #tpu.memory_space<semaphore_mem>>) src(%dma_wait3A_114 : memref<40x256xi32, #tpu.memory_space<hbm>>) dst(%arg11 : memref<40x256xi32, #tpu.memory_space<vmem>>)
    %parallel_loop3A_115 = arith.constant 0 : i32
    %parallel_loop3A_116 = arith.constant 40 : i32
    %parallel_loop3A_117 = arith.constant 1 : i32
    scf.for %parallel_loop3A_295 = %parallel_loop3A_115 to %parallel_loop3A_116 step %parallel_loop3A_117  : i32 {
      %parallel_loop3A_296 = arith.index_cast %parallel_loop3A_295 : i32 to index
      %parallel_loop3A_297 = arith.constant 0 : index
      %parallel_loop3A_298 = tpu.vector_load %arg7[%parallel_loop3A_296, %parallel_loop3A_297] {strides = array<i32>} : memref<40x256xf32, #tpu.memory_space<vmem>>, vector<16xf32>,
      %parallel_loop3A_299 = arith.index_cast %parallel_loop3A_295 : i32 to index
      %parallel_loop3A_300 = arith.constant 0 : index
      %parallel_loop3A_301 = tpu.vector_load %arg9[%parallel_loop3A_299, %parallel_loop3A_300] {strides = array<i32>} : memref<40x256xi32, #tpu.memory_space<vmem>>, vector<16xi32>,
      %parallel_loop3A_302 = arith.index_cast %parallel_loop3A_295 : i32 to index
      %parallel_loop3A_303 = arith.constant 0 : index
      %parallel_loop3A_304 = tpu.vector_load %arg11[%parallel_loop3A_302, %parallel_loop3A_303] {strides = array<i32>} : memref<40x256xi32, #tpu.memory_space<vmem>>, vector<16xi32>,
      %parallel_loop3A_305 = arith.constant 1.500000e+01 : f32
      %parallel_loop3A_306 = vector.broadcast %parallel_loop3A_305 : f32 to vector<16xf32>
      %parallel_loop3A_307 = arith.mulf %parallel_loop3A_298, %parallel_loop3A_306 : vector<16xf32>
      %parallel_loop3A_308 = arith.fptosi %parallel_loop3A_307 : vector<16xf32> to vector<16xi32>
      %parallel_loop3A_309 = arith.cmpi eq, %parallel_loop3A_301, %parallel_loop3A_304 : vector<16xi32>
      %parallel_loop3A_310 = arith.constant 1.000000e+00 : f32
      %parallel_loop3A_311 = arith.constant 0.000000e+00 : f32
      %parallel_loop3A_312 = vector.broadcast %parallel_loop3A_310 : f32 to vector<16xf32>
      %parallel_loop3A_313 = vector.broadcast %parallel_loop3A_311 : f32 to vector<16xf32>
      %parallel_loop3A_314 = arith.select %parallel_loop3A_309, %parallel_loop3A_312, %parallel_loop3A_313 : vector<16xi1>, vector<16xf32>
      %parallel_loop3A_315 = arith.subf %parallel_loop3A_298, %parallel_loop3A_314 : vector<16xf32>
      %parallel_loop3A_316 = arith.constant 16 : i32
      %parallel_loop3A_317 = vector.broadcast %parallel_loop3A_316 : i32 to vector<16xi32>
      %parallel_loop3A_318 = arith.muli %parallel_loop3A_308, %parallel_loop3A_317 : vector<16xi32>
      %parallel_loop3A_319 = arith.addi %parallel_loop3A_318, %add3A_35 : vector<16xi32>
      tpu.vector_store_idx %arg12[%parallel_loop3A_319], %parallel_loop3A_315 {add = true} : memref<256xf32, #tpu.memory_space<vmem>>[vector<16xi32>], vector<16xf32>,
      %parallel_loop3A_320 = arith.index_cast %parallel_loop3A_295 : i32 to index
      %parallel_loop3A_321 = arith.constant 16 : index
      %parallel_loop3A_322 = tpu.vector_load %arg7[%parallel_loop3A_320, %parallel_loop3A_321] {strides = array<i32>} : memref<40x256xf32, #tpu.memory_space<vmem>>, vector<16xf32>,
      %parallel_loop3A_323 = arith.index_cast %parallel_loop3A_295 : i32 to index
      %parallel_loop3A_324 = arith.constant 16 : index
      %parallel_loop3A_325 = tpu.vector_load %arg9[%parallel_loop3A_323, %parallel_loop3A_324] {strides = array<i32>} : memref<40x256xi32, #tpu.memory_space<vmem>>, vector<16xi32>,
      %parallel_loop3A_326 = arith.index_cast %parallel_loop3A_295 : i32 to index
      %parallel_loop3A_327 = arith.constant 16 : index
      %parallel_loop3A_328 = tpu.vector_load %arg11[%parallel_loop3A_326, %parallel_loop3A_327] {strides = array<i32>} : memref<40x256xi32, #tpu.memory_space<vmem>>, vector<16xi32>,
      %parallel_loop3A_329 = arith.constant 1.500000e+01 : f32
      %parallel_loop3A_330 = vector.broadcast %parallel_loop3A_329 : f32 to vector<16xf32>
      %parallel_loop3A_331 = arith.mulf %parallel_loop3A_322, %parallel_loop3A_330 : vector<16xf32>
      %parallel_loop3A_332 = arith.fptosi %parallel_loop3A_331 : vector<16xf32> to vector<16xi32>
      %parallel_loop3A_333 = arith.cmpi eq, %parallel_loop3A_325, %parallel_loop3A_328 : vector<16xi32>
      %parallel_loop3A_334 = arith.constant 1.000000e+00 : f32
      %parallel_loop3A_335 = arith.constant 0.000000e+00 : f32
      %parallel_loop3A_336 = vector.broadcast %parallel_loop3A_334 : f32 to vector<16xf32>
      %parallel_loop3A_337 = vector.broadcast %parallel_loop3A_335 : f32 to vector<16xf32>
      %parallel_loop3A_338 = arith.select %parallel_loop3A_333, %parallel_loop3A_336, %parallel_loop3A_337 : vector<16xi1>, vector<16xf32>
      %parallel_loop3A_339 = arith.subf %parallel_loop3A_322, %parallel_loop3A_338 : vector<16xf32>
      %parallel_loop3A_340 = arith.constant 16 : i32
      %parallel_loop3A_341 = vector.broadcast %parallel_loop3A_340 : i32 to vector<16xi32>
      %parallel_loop3A_342 = arith.muli %parallel_loop3A_332, %parallel_loop3A_341 : vector<16xi32>
      %parallel_loop3A_343 = arith.addi %parallel_loop3A_342, %add3A_35 : vector<16xi32>
      tpu.vector_store_idx %arg12[%parallel_loop3A_343], %parallel_loop3A_339 {add = true} : memref<256xf32, #tpu.memory_space<vmem>>[vector<16xi32>], vector<16xf32>,
      %parallel_loop3A_344 = arith.index_cast %parallel_loop3A_295 : i32 to index
      %parallel_loop3A_345 = arith.constant 32 : index
      %parallel_loop3A_346 = tpu.vector_load %arg7[%parallel_loop3A_344, %parallel_loop3A_345] {strides = array<i32>} : memref<40x256xf32, #tpu.memory_space<vmem>>, vector<16xf32>,
      %parallel_loop3A_347 = arith.index_cast %parallel_loop3A_295 : i32 to index
      %parallel_loop3A_348 = arith.constant 32 : index
      %parallel_loop3A_349 = tpu.vector_load %arg9[%parallel_loop3A_347, %parallel_loop3A_348] {strides = array<i32>} : memref<40x256xi32, #tpu.memory_space<vmem>>, vector<16xi32>,
      %parallel_loop3A_350 = arith.index_cast %parallel_loop3A_295 : i32 to index
      %parallel_loop3A_351 = arith.constant 32 : index
      %parallel_loop3A_352 = tpu.vector_load %arg11[%parallel_loop3A_350, %parallel_loop3A_351] {strides = array<i32>} : memref<40x256xi32, #tpu.memory_space<vmem>>, vector<16xi32>,
      %parallel_loop3A_353 = arith.constant 1.500000e+01 : f32
      %parallel_loop3A_354 = vector.broadcast %parallel_loop3A_353 : f32 to vector<16xf32>
      %parallel_loop3A_355 = arith.mulf %parallel_loop3A_346, %parallel_loop3A_354 : vector<16xf32>
      %parallel_loop3A_356 = arith.fptosi %parallel_loop3A_355 : vector<16xf32> to vector<16xi32>
      %parallel_loop3A_357 = arith.cmpi eq, %parallel_loop3A_349, %parallel_loop3A_352 : vector<16xi32>
      %parallel_loop3A_358 = arith.constant 1.000000e+00 : f32
      %parallel_loop3A_359 = arith.constant 0.000000e+00 : f32
      %parallel_loop3A_360 = vector.broadcast %parallel_loop3A_358 : f32 to vector<16xf32>
      %parallel_loop3A_361 = vector.broadcast %parallel_loop3A_359 : f32 to vector<16xf32>
      %parallel_loop3A_362 = arith.select %parallel_loop3A_357, %parallel_loop3A_360, %parallel_loop3A_361 : vector<16xi1>, vector<16xf32>
      %parallel_loop3A_363 = arith.subf %parallel_loop3A_346, %parallel_loop3A_362 : vector<16xf32>
      %parallel_loop3A_364 = arith.constant 16 : i32
      %parallel_loop3A_365 = vector.broadcast %parallel_loop3A_364 : i32 to vector<16xi32>
      %parallel_loop3A_366 = arith.muli %parallel_loop3A_356, %parallel_loop3A_365 : vector<16xi32>
      %parallel_loop3A_367 = arith.addi %parallel_loop3A_366, %add3A_35 : vector<16xi32>
      tpu.vector_store_idx %arg12[%parallel_loop3A_367], %parallel_loop3A_363 {add = true} : memref<256xf32, #tpu.memory_space<vmem>>[vector<16xi32>], vector<16xf32>,
      %parallel_loop3A_368 = arith.index_cast %parallel_loop3A_295 : i32 to index
      %parallel_loop3A_369 = arith.constant 48 : index
      %parallel_loop3A_370 = tpu.vector_load %arg7[%parallel_loop3A_368, %parallel_loop3A_369] {strides = array<i32>} : memref<40x256xf32, #tpu.memory_space<vmem>>, vector<16xf32>,
      %parallel_loop3A_371 = arith.index_cast %parallel_loop3A_295 : i32 to index
      %parallel_loop3A_372 = arith.constant 48 : index
      %parallel_loop3A_373 = tpu.vector_load %arg9[%parallel_loop3A_371, %parallel_loop3A_372] {strides = array<i32>} : memref<40x256xi32, #tpu.memory_space<vmem>>, vector<16xi32>,
      %parallel_loop3A_374 = arith.index_cast %parallel_loop3A_295 : i32 to index
      %parallel_loop3A_375 = arith.constant 48 : index
      %parallel_loop3A_376 = tpu.vector_load %arg11[%parallel_loop3A_374, %parallel_loop3A_375] {strides = array<i32>} : memref<40x256xi32, #tpu.memory_space<vmem>>, vector<16xi32>,
      %parallel_loop3A_377 = arith.constant 1.500000e+01 : f32
      %parallel_loop3A_378 = vector.broadcast %parallel_loop3A_377 : f32 to vector<16xf32>
      %parallel_loop3A_379 = arith.mulf %parallel_loop3A_370, %parallel_loop3A_378 : vector<16xf32>
      %parallel_loop3A_380 = arith.fptosi %parallel_loop3A_379 : vector<16xf32> to vector<16xi32>
      %parallel_loop3A_381 = arith.cmpi eq, %parallel_loop3A_373, %parallel_loop3A_376 : vector<16xi32>
      %parallel_loop3A_382 = arith.constant 1.000000e+00 : f32
      %parallel_loop3A_383 = arith.constant 0.000000e+00 : f32
      %parallel_loop3A_384 = vector.broadcast %parallel_loop3A_382 : f32 to vector<16xf32>
      %parallel_loop3A_385 = vector.broadcast %parallel_loop3A_383 : f32 to vector<16xf32>
      %parallel_loop3A_386 = arith.select %parallel_loop3A_381, %parallel_loop3A_384, %parallel_loop3A_385 : vector<16xi1>, vector<16xf32>
      %parallel_loop3A_387 = arith.subf %parallel_loop3A_370, %parallel_loop3A_386 : vector<16xf32>
      %parallel_loop3A_388 = arith.constant 16 : i32
      %parallel_loop3A_389 = vector.broadcast %parallel_loop3A_388 : i32 to vector<16xi32>
      %parallel_loop3A_390 = arith.muli %parallel_loop3A_380, %parallel_loop3A_389 : vector<16xi32>
      %parallel_loop3A_391 = arith.addi %parallel_loop3A_390, %add3A_35 : vector<16xi32>
      tpu.vector_store_idx %arg12[%parallel_loop3A_391], %parallel_loop3A_387 {add = true} : memref<256xf32, #tpu.memory_space<vmem>>[vector<16xi32>], vector<16xf32>,
      %parallel_loop3A_392 = arith.index_cast %parallel_loop3A_295 : i32 to index
      %parallel_loop3A_393 = arith.constant 64 : index
      %parallel_loop3A_394 = tpu.vector_load %arg7[%parallel_loop3A_392, %parallel_loop3A_393] {strides = array<i32>} : memref<40x256xf32, #tpu.memory_space<vmem>>, vector<16xf32>,
      %parallel_loop3A_395 = arith.index_cast %parallel_loop3A_295 : i32 to index
      %parallel_loop3A_396 = arith.constant 64 : index
      %parallel_loop3A_397 = tpu.vector_load %arg9[%parallel_loop3A_395, %parallel_loop3A_396] {strides = array<i32>} : memref<40x256xi32, #tpu.memory_space<vmem>>, vector<16xi32>,
      %parallel_loop3A_398 = arith.index_cast %parallel_loop3A_295 : i32 to index
      %parallel_loop3A_399 = arith.constant 64 : index
      %parallel_loop3A_400 = tpu.vector_load %arg11[%parallel_loop3A_398, %parallel_loop3A_399] {strides = array<i32>} : memref<40x256xi32, #tpu.memory_space<vmem>>, vector<16xi32>,
      %parallel_loop3A_401 = arith.constant 1.500000e+01 : f32
      %parallel_loop3A_402 = vector.broadcast %parallel_loop3A_401 : f32 to vector<16xf32>
      %parallel_loop3A_403 = arith.mulf %parallel_loop3A_394, %parallel_loop3A_402 : vector<16xf32>
      %parallel_loop3A_404 = arith.fptosi %parallel_loop3A_403 : vector<16xf32> to vector<16xi32>
      %parallel_loop3A_405 = arith.cmpi eq, %parallel_loop3A_397, %parallel_loop3A_400 : vector<16xi32>
      %parallel_loop3A_406 = arith.constant 1.000000e+00 : f32
      %parallel_loop3A_407 = arith.constant 0.000000e+00 : f32
      %parallel_loop3A_408 = vector.broadcast %parallel_loop3A_406 : f32 to vector<16xf32>
      %parallel_loop3A_409 = vector.broadcast %parallel_loop3A_407 : f32 to vector<16xf32>
      %parallel_loop3A_410 = arith.select %parallel_loop3A_405, %parallel_loop3A_408, %parallel_loop3A_409 : vector<16xi1>, vector<16xf32>
      %parallel_loop3A_411 = arith.subf %parallel_loop3A_394, %parallel_loop3A_410 : vector<16xf32>
      %parallel_loop3A_412 = arith.constant 16 : i32
      %parallel_loop3A_413 = vector.broadcast %parallel_loop3A_412 : i32 to vector<16xi32>
      %parallel_loop3A_414 = arith.muli %parallel_loop3A_404, %parallel_loop3A_413 : vector<16xi32>
      %parallel_loop3A_415 = arith.addi %parallel_loop3A_414, %add3A_35 : vector<16xi32>
      tpu.vector_store_idx %arg12[%parallel_loop3A_415], %parallel_loop3A_411 {add = true} : memref<256xf32, #tpu.memory_space<vmem>>[vector<16xi32>], vector<16xf32>,
      %parallel_loop3A_416 = arith.index_cast %parallel_loop3A_295 : i32 to index
      %parallel_loop3A_417 = arith.constant 80 : index
      %parallel_loop3A_418 = tpu.vector_load %arg7[%parallel_loop3A_416, %parallel_loop3A_417] {strides = array<i32>} : memref<40x256xf32, #tpu.memory_space<vmem>>, vector<16xf32>,
      %parallel_loop3A_419 = arith.index_cast %parallel_loop3A_295 : i32 to index
      %parallel_loop3A_420 = arith.constant 80 : index
      %parallel_loop3A_421 = tpu.vector_load %arg9[%parallel_loop3A_419, %parallel_loop3A_420] {strides = array<i32>} : memref<40x256xi32, #tpu.memory_space<vmem>>, vector<16xi32>,
      %parallel_loop3A_422 = arith.index_cast %parallel_loop3A_295 : i32 to index
      %parallel_loop3A_423 = arith.constant 80 : index
      %parallel_loop3A_424 = tpu.vector_load %arg11[%parallel_loop3A_422, %parallel_loop3A_423] {strides = array<i32>} : memref<40x256xi32, #tpu.memory_space<vmem>>, vector<16xi32>,
      %parallel_loop3A_425 = arith.constant 1.500000e+01 : f32
      %parallel_loop3A_426 = vector.broadcast %parallel_loop3A_425 : f32 to vector<16xf32>
      %parallel_loop3A_427 = arith.mulf %parallel_loop3A_418, %parallel_loop3A_426 : vector<16xf32>
      %parallel_loop3A_428 = arith.fptosi %parallel_loop3A_427 : vector<16xf32> to vector<16xi32>
      %parallel_loop3A_429 = arith.cmpi eq, %parallel_loop3A_421, %parallel_loop3A_424 : vector<16xi32>
      %parallel_loop3A_430 = arith.constant 1.000000e+00 : f32
      %parallel_loop3A_431 = arith.constant 0.000000e+00 : f32
      %parallel_loop3A_432 = vector.broadcast %parallel_loop3A_430 : f32 to vector<16xf32>
      %parallel_loop3A_433 = vector.broadcast %parallel_loop3A_431 : f32 to vector<16xf32>
      %parallel_loop3A_434 = arith.select %parallel_loop3A_429, %parallel_loop3A_432, %parallel_loop3A_433 : vector<16xi1>, vector<16xf32>
      %parallel_loop3A_435 = arith.subf %parallel_loop3A_418, %parallel_loop3A_434 : vector<16xf32>
      %parallel_loop3A_436 = arith.constant 16 : i32
      %parallel_loop3A_437 = vector.broadcast %parallel_loop3A_436 : i32 to vector<16xi32>
      %parallel_loop3A_438 = arith.muli %parallel_loop3A_428, %parallel_loop3A_437 : vector<16xi32>
      %parallel_loop3A_439 = arith.addi %parallel_loop3A_438, %add3A_35 : vector<16xi32>
      tpu.vector_store_idx %arg12[%parallel_loop3A_439], %parallel_loop3A_435 {add = true} : memref<256xf32, #tpu.memory_space<vmem>>[vector<16xi32>], vector<16xf32>,
      %parallel_loop3A_440 = arith.index_cast %parallel_loop3A_295 : i32 to index
      %parallel_loop3A_441 = arith.constant 96 : index
      %parallel_loop3A_442 = tpu.vector_load %arg7[%parallel_loop3A_440, %parallel_loop3A_441] {strides = array<i32>} : memref<40x256xf32, #tpu.memory_space<vmem>>, vector<16xf32>,
      %parallel_loop3A_443 = arith.index_cast %parallel_loop3A_295 : i32 to index
      %parallel_loop3A_444 = arith.constant 96 : index
      %parallel_loop3A_445 = tpu.vector_load %arg9[%parallel_loop3A_443, %parallel_loop3A_444] {strides = array<i32>} : memref<40x256xi32, #tpu.memory_space<vmem>>, vector<16xi32>,
      %parallel_loop3A_446 = arith.index_cast %parallel_loop3A_295 : i32 to index
      %parallel_loop3A_447 = arith.constant 96 : index
      %parallel_loop3A_448 = tpu.vector_load %arg11[%parallel_loop3A_446, %parallel_loop3A_447] {strides = array<i32>} : memref<40x256xi32, #tpu.memory_space<vmem>>, vector<16xi32>,
      %parallel_loop3A_449 = arith.constant 1.500000e+01 : f32
      %parallel_loop3A_450 = vector.broadcast %parallel_loop3A_449 : f32 to vector<16xf32>
      %parallel_loop3A_451 = arith.mulf %parallel_loop3A_442, %parallel_loop3A_450 : vector<16xf32>
      %parallel_loop3A_452 = arith.fptosi %parallel_loop3A_451 : vector<16xf32> to vector<16xi32>
      %parallel_loop3A_453 = arith.cmpi eq, %parallel_loop3A_445, %parallel_loop3A_448 : vector<16xi32>
      %parallel_loop3A_454 = arith.constant 1.000000e+00 : f32
      %parallel_loop3A_455 = arith.constant 0.000000e+00 : f32
      %parallel_loop3A_456 = vector.broadcast %parallel_loop3A_454 : f32 to vector<16xf32>
      %parallel_loop3A_457 = vector.broadcast %parallel_loop3A_455 : f32 to vector<16xf32>
      %parallel_loop3A_458 = arith.select %parallel_loop3A_453, %parallel_loop3A_456, %parallel_loop3A_457 : vector<16xi1>, vector<16xf32>
      %parallel_loop3A_459 = arith.subf %parallel_loop3A_442, %parallel_loop3A_458 : vector<16xf32>
      %parallel_loop3A_460 = arith.constant 16 : i32
      %parallel_loop3A_461 = vector.broadcast %parallel_loop3A_460 : i32 to vector<16xi32>
      %parallel_loop3A_462 = arith.muli %parallel_loop3A_452, %parallel_loop3A_461 : vector<16xi32>
      %parallel_loop3A_463 = arith.addi %parallel_loop3A_462, %add3A_35 : vector<16xi32>
      tpu.vector_store_idx %arg12[%parallel_loop3A_463], %parallel_loop3A_459 {add = true} : memref<256xf32, #tpu.memory_space<vmem>>[vector<16xi32>], vector<16xf32>,
      %parallel_loop3A_464 = arith.index_cast %parallel_loop3A_295 : i32 to index
      %parallel_loop3A_465 = arith.constant 112 : index
      %parallel_loop3A_466 = tpu.vector_load %arg7[%parallel_loop3A_464, %parallel_loop3A_465] {strides = array<i32>} : memref<40x256xf32, #tpu.memory_space<vmem>>, vector<16xf32>,
      %parallel_loop3A_467 = arith.index_cast %parallel_loop3A_295 : i32 to index
      %parallel_loop3A_468 = arith.constant 112 : index
      %parallel_loop3A_469 = tpu.vector_load %arg9[%parallel_loop3A_467, %parallel_loop3A_468] {strides = array<i32>} : memref<40x256xi32, #tpu.memory_space<vmem>>, vector<16xi32>,
      %parallel_loop3A_470 = arith.index_cast %parallel_loop3A_295 : i32 to index
      %parallel_loop3A_471 = arith.constant 112 : index
      %parallel_loop3A_472 = tpu.vector_load %arg11[%parallel_loop3A_470, %parallel_loop3A_471] {strides = array<i32>} : memref<40x256xi32, #tpu.memory_space<vmem>>, vector<16xi32>,
      %parallel_loop3A_473 = arith.constant 1.500000e+01 : f32
      %parallel_loop3A_474 = vector.broadcast %parallel_loop3A_473 : f32 to vector<16xf32>
      %parallel_loop3A_475 = arith.mulf %parallel_loop3A_466, %parallel_loop3A_474 : vector<16xf32>
      %parallel_loop3A_476 = arith.fptosi %parallel_loop3A_475 : vector<16xf32> to vector<16xi32>
      %parallel_loop3A_477 = arith.cmpi eq, %parallel_loop3A_469, %parallel_loop3A_472 : vector<16xi32>
      %parallel_loop3A_478 = arith.constant 1.000000e+00 : f32
      %parallel_loop3A_479 = arith.constant 0.000000e+00 : f32
      %parallel_loop3A_480 = vector.broadcast %parallel_loop3A_478 : f32 to vector<16xf32>
      %parallel_loop3A_481 = vector.broadcast %parallel_loop3A_479 : f32 to vector<16xf32>
      %parallel_loop3A_482 = arith.select %parallel_loop3A_477, %parallel_loop3A_480, %parallel_loop3A_481 : vector<16xi1>, vector<16xf32>
      %parallel_loop3A_483 = arith.subf %parallel_loop3A_466, %parallel_loop3A_482 : vector<16xf32>
      %parallel_loop3A_484 = arith.constant 16 : i32
      %parallel_loop3A_485 = vector.broadcast %parallel_loop3A_484 : i32 to vector<16xi32>
      %parallel_loop3A_486 = arith.muli %parallel_loop3A_476, %parallel_loop3A_485 : vector<16xi32>
      %parallel_loop3A_487 = arith.addi %parallel_loop3A_486, %add3A_35 : vector<16xi32>
      tpu.vector_store_idx %arg12[%parallel_loop3A_487], %parallel_loop3A_483 {add = true} : memref<256xf32, #tpu.memory_space<vmem>>[vector<16xi32>], vector<16xf32>,
      %parallel_loop3A_488 = arith.index_cast %parallel_loop3A_295 : i32 to index
      %parallel_loop3A_489 = arith.constant 128 : index
      %parallel_loop3A_490 = tpu.vector_load %arg7[%parallel_loop3A_488, %parallel_loop3A_489] {strides = array<i32>} : memref<40x256xf32, #tpu.memory_space<vmem>>, vector<16xf32>,
      %parallel_loop3A_491 = arith.index_cast %parallel_loop3A_295 : i32 to index
      %parallel_loop3A_492 = arith.constant 128 : index
      %parallel_loop3A_493 = tpu.vector_load %arg9[%parallel_loop3A_491, %parallel_loop3A_492] {strides = array<i32>} : memref<40x256xi32, #tpu.memory_space<vmem>>, vector<16xi32>,
      %parallel_loop3A_494 = arith.index_cast %parallel_loop3A_295 : i32 to index
      %parallel_loop3A_495 = arith.constant 128 : index
      %parallel_loop3A_496 = tpu.vector_load %arg11[%parallel_loop3A_494, %parallel_loop3A_495] {strides = array<i32>} : memref<40x256xi32, #tpu.memory_space<vmem>>, vector<16xi32>,
      %parallel_loop3A_497 = arith.constant 1.500000e+01 : f32
      %parallel_loop3A_498 = vector.broadcast %parallel_loop3A_497 : f32 to vector<16xf32>
      %parallel_loop3A_499 = arith.mulf %parallel_loop3A_490, %parallel_loop3A_498 : vector<16xf32>
      %parallel_loop3A_500 = arith.fptosi %parallel_loop3A_499 : vector<16xf32> to vector<16xi32>
      %parallel_loop3A_501 = arith.cmpi eq, %parallel_loop3A_493, %parallel_loop3A_496 : vector<16xi32>
      %parallel_loop3A_502 = arith.constant 1.000000e+00 : f32
      %parallel_loop3A_503 = arith.constant 0.000000e+00 : f32
      %parallel_loop3A_504 = vector.broadcast %parallel_loop3A_502 : f32 to vector<16xf32>
      %parallel_loop3A_505 = vector.broadcast %parallel_loop3A_503 : f32 to vector<16xf32>
      %parallel_loop3A_506 = arith.select %parallel_loop3A_501, %parallel_loop3A_504, %parallel_loop3A_505 : vector<16xi1>, vector<16xf32>
      %parallel_loop3A_507 = arith.subf %parallel_loop3A_490, %parallel_loop3A_506 : vector<16xf32>
      %parallel_loop3A_508 = arith.constant 16 : i32
      %parallel_loop3A_509 = vector.broadcast %parallel_loop3A_508 : i32 to vector<16xi32>
      %parallel_loop3A_510 = arith.muli %parallel_loop3A_500, %parallel_loop3A_509 : vector<16xi32>
      %parallel_loop3A_511 = arith.addi %parallel_loop3A_510, %add3A_35 : vector<16xi32>
      tpu.vector_store_idx %arg12[%parallel_loop3A_511], %parallel_loop3A_507 {add = true} : memref<256xf32, #tpu.memory_space<vmem>>[vector<16xi32>], vector<16xf32>,
      %parallel_loop3A_512 = arith.index_cast %parallel_loop3A_295 : i32 to index
      %parallel_loop3A_513 = arith.constant 144 : index
      %parallel_loop3A_514 = tpu.vector_load %arg7[%parallel_loop3A_512, %parallel_loop3A_513] {strides = array<i32>} : memref<40x256xf32, #tpu.memory_space<vmem>>, vector<16xf32>,
      %parallel_loop3A_515 = arith.index_cast %parallel_loop3A_295 : i32 to index
      %parallel_loop3A_516 = arith.constant 144 : index
      %parallel_loop3A_517 = tpu.vector_load %arg9[%parallel_loop3A_515, %parallel_loop3A_516] {strides = array<i32>} : memref<40x256xi32, #tpu.memory_space<vmem>>, vector<16xi32>,
      %parallel_loop3A_518 = arith.index_cast %parallel_loop3A_295 : i32 to index
      %parallel_loop3A_519 = arith.constant 144 : index
      %parallel_loop3A_520 = tpu.vector_load %arg11[%parallel_loop3A_518, %parallel_loop3A_519] {strides = array<i32>} : memref<40x256xi32, #tpu.memory_space<vmem>>, vector<16xi32>,
      %parallel_loop3A_521 = arith.constant 1.500000e+01 : f32
      %parallel_loop3A_522 = vector.broadcast %parallel_loop3A_521 : f32 to vector<16xf32>
      %parallel_loop3A_523 = arith.mulf %parallel_loop3A_514, %parallel_loop3A_522 : vector<16xf32>
      %parallel_loop3A_524 = arith.fptosi %parallel_loop3A_523 : vector<16xf32> to vector<16xi32>
      %parallel_loop3A_525 = arith.cmpi eq, %parallel_loop3A_517, %parallel_loop3A_520 : vector<16xi32>
      %parallel_loop3A_526 = arith.constant 1.000000e+00 : f32
      %parallel_loop3A_527 = arith.constant 0.000000e+00 : f32
      %parallel_loop3A_528 = vector.broadcast %parallel_loop3A_526 : f32 to vector<16xf32>
      %parallel_loop3A_529 = vector.broadcast %parallel_loop3A_527 : f32 to vector<16xf32>
      %parallel_loop3A_530 = arith.select %parallel_loop3A_525, %parallel_loop3A_528, %parallel_loop3A_529 : vector<16xi1>, vector<16xf32>
      %parallel_loop3A_531 = arith.subf %parallel_loop3A_514, %parallel_loop3A_530 : vector<16xf32>
      %parallel_loop3A_532 = arith.constant 16 : i32
      %parallel_loop3A_533 = vector.broadcast %parallel_loop3A_532 : i32 to vector<16xi32>
      %parallel_loop3A_534 = arith.muli %parallel_loop3A_524, %parallel_loop3A_533 : vector<16xi32>
      %parallel_loop3A_535 = arith.addi %parallel_loop3A_534, %add3A_35 : vector<16xi32>
      tpu.vector_store_idx %arg12[%parallel_loop3A_535], %parallel_loop3A_531 {add = true} : memref<256xf32, #tpu.memory_space<vmem>>[vector<16xi32>], vector<16xf32>,
      %parallel_loop3A_536 = arith.index_cast %parallel_loop3A_295 : i32 to index
      %parallel_loop3A_537 = arith.constant 160 : index
      %parallel_loop3A_538 = tpu.vector_load %arg7[%parallel_loop3A_536, %parallel_loop3A_537] {strides = array<i32>} : memref<40x256xf32, #tpu.memory_space<vmem>>, vector<16xf32>,
      %parallel_loop3A_539 = arith.index_cast %parallel_loop3A_295 : i32 to index
      %parallel_loop3A_540 = arith.constant 160 : index
      %parallel_loop3A_541 = tpu.vector_load %arg9[%parallel_loop3A_539, %parallel_loop3A_540] {strides = array<i32>} : memref<40x256xi32, #tpu.memory_space<vmem>>, vector<16xi32>,
      %parallel_loop3A_542 = arith.index_cast %parallel_loop3A_295 : i32 to index
      %parallel_loop3A_543 = arith.constant 160 : index
      %parallel_loop3A_544 = tpu.vector_load %arg11[%parallel_loop3A_542, %parallel_loop3A_543] {strides = array<i32>} : memref<40x256xi32, #tpu.memory_space<vmem>>, vector<16xi32>,
      %parallel_loop3A_545 = arith.constant 1.500000e+01 : f32
      %parallel_loop3A_546 = vector.broadcast %parallel_loop3A_545 : f32 to vector<16xf32>
      %parallel_loop3A_547 = arith.mulf %parallel_loop3A_538, %parallel_loop3A_546 : vector<16xf32>
      %parallel_loop3A_548 = arith.fptosi %parallel_loop3A_547 : vector<16xf32> to vector<16xi32>
      %parallel_loop3A_549 = arith.cmpi eq, %parallel_loop3A_541, %parallel_loop3A_544 : vector<16xi32>
      %parallel_loop3A_550 = arith.constant 1.000000e+00 : f32
      %parallel_loop3A_551 = arith.constant 0.000000e+00 : f32
      %parallel_loop3A_552 = vector.broadcast %parallel_loop3A_550 : f32 to vector<16xf32>
      %parallel_loop3A_553 = vector.broadcast %parallel_loop3A_551 : f32 to vector<16xf32>
      %parallel_loop3A_554 = arith.select %parallel_loop3A_549, %parallel_loop3A_552, %parallel_loop3A_553 : vector<16xi1>, vector<16xf32>
      %parallel_loop3A_555 = arith.subf %parallel_loop3A_538, %parallel_loop3A_554 : vector<16xf32>
      %parallel_loop3A_556 = arith.constant 16 : i32
      %parallel_loop3A_557 = vector.broadcast %parallel_loop3A_556 : i32 to vector<16xi32>
      %parallel_loop3A_558 = arith.muli %parallel_loop3A_548, %parallel_loop3A_557 : vector<16xi32>
      %parallel_loop3A_559 = arith.addi %parallel_loop3A_558, %add3A_35 : vector<16xi32>
      tpu.vector_store_idx %arg12[%parallel_loop3A_559], %parallel_loop3A_555 {add = true} : memref<256xf32, #tpu.memory_space<vmem>>[vector<16xi32>], vector<16xf32>,
      %parallel_loop3A_560 = arith.index_cast %parallel_loop3A_295 : i32 to index
      %parallel_loop3A_561 = arith.constant 176 : index
      %parallel_loop3A_562 = tpu.vector_load %arg7[%parallel_loop3A_560, %parallel_loop3A_561] {strides = array<i32>} : memref<40x256xf32, #tpu.memory_space<vmem>>, vector<16xf32>,
      %parallel_loop3A_563 = arith.index_cast %parallel_loop3A_295 : i32 to index
      %parallel_loop3A_564 = arith.constant 176 : index
      %parallel_loop3A_565 = tpu.vector_load %arg9[%parallel_loop3A_563, %parallel_loop3A_564] {strides = array<i32>} : memref<40x256xi32, #tpu.memory_space<vmem>>, vector<16xi32>,
      %parallel_loop3A_566 = arith.index_cast %parallel_loop3A_295 : i32 to index
      %parallel_loop3A_567 = arith.constant 176 : index
      %parallel_loop3A_568 = tpu.vector_load %arg11[%parallel_loop3A_566, %parallel_loop3A_567] {strides = array<i32>} : memref<40x256xi32, #tpu.memory_space<vmem>>, vector<16xi32>,
      %parallel_loop3A_569 = arith.constant 1.500000e+01 : f32
      %parallel_loop3A_570 = vector.broadcast %parallel_loop3A_569 : f32 to vector<16xf32>
      %parallel_loop3A_571 = arith.mulf %parallel_loop3A_562, %parallel_loop3A_570 : vector<16xf32>
      %parallel_loop3A_572 = arith.fptosi %parallel_loop3A_571 : vector<16xf32> to vector<16xi32>
      %parallel_loop3A_573 = arith.cmpi eq, %parallel_loop3A_565, %parallel_loop3A_568 : vector<16xi32>
      %parallel_loop3A_574 = arith.constant 1.000000e+00 : f32
      %parallel_loop3A_575 = arith.constant 0.000000e+00 : f32
      %parallel_loop3A_576 = vector.broadcast %parallel_loop3A_574 : f32 to vector<16xf32>
      %parallel_loop3A_577 = vector.broadcast %parallel_loop3A_575 : f32 to vector<16xf32>
      %parallel_loop3A_578 = arith.select %parallel_loop3A_573, %parallel_loop3A_576, %parallel_loop3A_577 : vector<16xi1>, vector<16xf32>
      %parallel_loop3A_579 = arith.subf %parallel_loop3A_562, %parallel_loop3A_578 : vector<16xf32>
      %parallel_loop3A_580 = arith.constant 16 : i32
      %parallel_loop3A_581 = vector.broadcast %parallel_loop3A_580 : i32 to vector<16xi32>
      %parallel_loop3A_582 = arith.muli %parallel_loop3A_572, %parallel_loop3A_581 : vector<16xi32>
      %parallel_loop3A_583 = arith.addi %parallel_loop3A_582, %add3A_35 : vector<16xi32>
      tpu.vector_store_idx %arg12[%parallel_loop3A_583], %parallel_loop3A_579 {add = true} : memref<256xf32, #tpu.memory_space<vmem>>[vector<16xi32>], vector<16xf32>,
      %parallel_loop3A_584 = arith.index_cast %parallel_loop3A_295 : i32 to index
      %parallel_loop3A_585 = arith.constant 192 : index
      %parallel_loop3A_586 = tpu.vector_load %arg7[%parallel_loop3A_584, %parallel_loop3A_585] {strides = array<i32>} : memref<40x256xf32, #tpu.memory_space<vmem>>, vector<16xf32>,
      %parallel_loop3A_587 = arith.index_cast %parallel_loop3A_295 : i32 to index
      %parallel_loop3A_588 = arith.constant 192 : index
      %parallel_loop3A_589 = tpu.vector_load %arg9[%parallel_loop3A_587, %parallel_loop3A_588] {strides = array<i32>} : memref<40x256xi32, #tpu.memory_space<vmem>>, vector<16xi32>,
      %parallel_loop3A_590 = arith.index_cast %parallel_loop3A_295 : i32 to index
      %parallel_loop3A_591 = arith.constant 192 : index
      %parallel_loop3A_592 = tpu.vector_load %arg11[%parallel_loop3A_590, %parallel_loop3A_591] {strides = array<i32>} : memref<40x256xi32, #tpu.memory_space<vmem>>, vector<16xi32>,
      %parallel_loop3A_593 = arith.constant 1.500000e+01 : f32
      %parallel_loop3A_594 = vector.broadcast %parallel_loop3A_593 : f32 to vector<16xf32>
      %parallel_loop3A_595 = arith.mulf %parallel_loop3A_586, %parallel_loop3A_594 : vector<16xf32>
      %parallel_loop3A_596 = arith.fptosi %parallel_loop3A_595 : vector<16xf32> to vector<16xi32>
      %parallel_loop3A_597 = arith.cmpi eq, %parallel_loop3A_589, %parallel_loop3A_592 : vector<16xi32>
      %parallel_loop3A_598 = arith.constant 1.000000e+00 : f32
      %parallel_loop3A_599 = arith.constant 0.000000e+00 : f32
      %parallel_loop3A_600 = vector.broadcast %parallel_loop3A_598 : f32 to vector<16xf32>
      %parallel_loop3A_601 = vector.broadcast %parallel_loop3A_599 : f32 to vector<16xf32>
      %parallel_loop3A_602 = arith.select %parallel_loop3A_597, %parallel_loop3A_600, %parallel_loop3A_601 : vector<16xi1>, vector<16xf32>
      %parallel_loop3A_603 = arith.subf %parallel_loop3A_586, %parallel_loop3A_602 : vector<16xf32>
      %parallel_loop3A_604 = arith.constant 16 : i32
      %parallel_loop3A_605 = vector.broadcast %parallel_loop3A_604 : i32 to vector<16xi32>
      %parallel_loop3A_606 = arith.muli %parallel_loop3A_596, %parallel_loop3A_605 : vector<16xi32>
      %parallel_loop3A_607 = arith.addi %parallel_loop3A_606, %add3A_35 : vector<16xi32>
      tpu.vector_store_idx %arg12[%parallel_loop3A_607], %parallel_loop3A_603 {add = true} : memref<256xf32, #tpu.memory_space<vmem>>[vector<16xi32>], vector<16xf32>,
      %parallel_loop3A_608 = arith.index_cast %parallel_loop3A_295 : i32 to index
      %parallel_loop3A_609 = arith.constant 208 : index
      %parallel_loop3A_610 = tpu.vector_load %arg7[%parallel_loop3A_608, %parallel_loop3A_609] {strides = array<i32>} : memref<40x256xf32, #tpu.memory_space<vmem>>, vector<16xf32>,
      %parallel_loop3A_611 = arith.index_cast %parallel_loop3A_295 : i32 to index
      %parallel_loop3A_612 = arith.constant 208 : index
      %parallel_loop3A_613 = tpu.vector_load %arg9[%parallel_loop3A_611, %parallel_loop3A_612] {strides = array<i32>} : memref<40x256xi32, #tpu.memory_space<vmem>>, vector<16xi32>,
      %parallel_loop3A_614 = arith.index_cast %parallel_loop3A_295 : i32 to index
      %parallel_loop3A_615 = arith.constant 208 : index
      %parallel_loop3A_616 = tpu.vector_load %arg11[%parallel_loop3A_614, %parallel_loop3A_615] {strides = array<i32>} : memref<40x256xi32, #tpu.memory_space<vmem>>, vector<16xi32>,
      %parallel_loop3A_617 = arith.constant 1.500000e+01 : f32
      %parallel_loop3A_618 = vector.broadcast %parallel_loop3A_617 : f32 to vector<16xf32>
      %parallel_loop3A_619 = arith.mulf %parallel_loop3A_610, %parallel_loop3A_618 : vector<16xf32>
      %parallel_loop3A_620 = arith.fptosi %parallel_loop3A_619 : vector<16xf32> to vector<16xi32>
      %parallel_loop3A_621 = arith.cmpi eq, %parallel_loop3A_613, %parallel_loop3A_616 : vector<16xi32>
      %parallel_loop3A_622 = arith.constant 1.000000e+00 : f32
      %parallel_loop3A_623 = arith.constant 0.000000e+00 : f32
      %parallel_loop3A_624 = vector.broadcast %parallel_loop3A_622 : f32 to vector<16xf32>
      %parallel_loop3A_625 = vector.broadcast %parallel_loop3A_623 : f32 to vector<16xf32>
      %parallel_loop3A_626 = arith.select %parallel_loop3A_621, %parallel_loop3A_624, %parallel_loop3A_625 : vector<16xi1>, vector<16xf32>
      %parallel_loop3A_627 = arith.subf %parallel_loop3A_610, %parallel_loop3A_626 : vector<16xf32>
      %parallel_loop3A_628 = arith.constant 16 : i32
      %parallel_loop3A_629 = vector.broadcast %parallel_loop3A_628 : i32 to vector<16xi32>
      %parallel_loop3A_630 = arith.muli %parallel_loop3A_620, %parallel_loop3A_629 : vector<16xi32>
      %parallel_loop3A_631 = arith.addi %parallel_loop3A_630, %add3A_35 : vector<16xi32>
      tpu.vector_store_idx %arg12[%parallel_loop3A_631], %parallel_loop3A_627 {add = true} : memref<256xf32, #tpu.memory_space<vmem>>[vector<16xi32>], vector<16xf32>,
      %parallel_loop3A_632 = arith.index_cast %parallel_loop3A_295 : i32 to index
      %parallel_loop3A_633 = arith.constant 224 : index
      %parallel_loop3A_634 = tpu.vector_load %arg7[%parallel_loop3A_632, %parallel_loop3A_633] {strides = array<i32>} : memref<40x256xf32, #tpu.memory_space<vmem>>, vector<16xf32>,
      %parallel_loop3A_635 = arith.index_cast %parallel_loop3A_295 : i32 to index
      %parallel_loop3A_636 = arith.constant 224 : index
      %parallel_loop3A_637 = tpu.vector_load %arg9[%parallel_loop3A_635, %parallel_loop3A_636] {strides = array<i32>} : memref<40x256xi32, #tpu.memory_space<vmem>>, vector<16xi32>,
      %parallel_loop3A_638 = arith.index_cast %parallel_loop3A_295 : i32 to index
      %parallel_loop3A_639 = arith.constant 224 : index
      %parallel_loop3A_640 = tpu.vector_load %arg11[%parallel_loop3A_638, %parallel_loop3A_639] {strides = array<i32>} : memref<40x256xi32, #tpu.memory_space<vmem>>, vector<16xi32>,
      %parallel_loop3A_641 = arith.constant 1.500000e+01 : f32
      %parallel_loop3A_642 = vector.broadcast %parallel_loop3A_641 : f32 to vector<16xf32>
      %parallel_loop3A_643 = arith.mulf %parallel_loop3A_634, %parallel_loop3A_642 : vector<16xf32>
      %parallel_loop3A_644 = arith.fptosi %parallel_loop3A_643 : vector<16xf32> to vector<16xi32>
      %parallel_loop3A_645 = arith.cmpi eq, %parallel_loop3A_637, %parallel_loop3A_640 : vector<16xi32>
      %parallel_loop3A_646 = arith.constant 1.000000e+00 : f32
      %parallel_loop3A_647 = arith.constant 0.000000e+00 : f32
      %parallel_loop3A_648 = vector.broadcast %parallel_loop3A_646 : f32 to vector<16xf32>
      %parallel_loop3A_649 = vector.broadcast %parallel_loop3A_647 : f32 to vector<16xf32>
      %parallel_loop3A_650 = arith.select %parallel_loop3A_645, %parallel_loop3A_648, %parallel_loop3A_649 : vector<16xi1>, vector<16xf32>
      %parallel_loop3A_651 = arith.subf %parallel_loop3A_634, %parallel_loop3A_650 : vector<16xf32>
      %parallel_loop3A_652 = arith.constant 16 : i32
      %parallel_loop3A_653 = vector.broadcast %parallel_loop3A_652 : i32 to vector<16xi32>
      %parallel_loop3A_654 = arith.muli %parallel_loop3A_644, %parallel_loop3A_653 : vector<16xi32>
      %parallel_loop3A_655 = arith.addi %parallel_loop3A_654, %add3A_35 : vector<16xi32>
      tpu.vector_store_idx %arg12[%parallel_loop3A_655], %parallel_loop3A_651 {add = true} : memref<256xf32, #tpu.memory_space<vmem>>[vector<16xi32>], vector<16xf32>,
      %parallel_loop3A_656 = arith.index_cast %parallel_loop3A_295 : i32 to index
      %parallel_loop3A_657 = arith.constant 240 : index
      %parallel_loop3A_658 = tpu.vector_load %arg7[%parallel_loop3A_656, %parallel_loop3A_657] {strides = array<i32>} : memref<40x256xf32, #tpu.memory_space<vmem>>, vector<16xf32>,
      %parallel_loop3A_659 = arith.index_cast %parallel_loop3A_295 : i32 to index
      %parallel_loop3A_660 = arith.constant 240 : index
      %parallel_loop3A_661 = tpu.vector_load %arg9[%parallel_loop3A_659, %parallel_loop3A_660] {strides = array<i32>} : memref<40x256xi32, #tpu.memory_space<vmem>>, vector<16xi32>,
      %parallel_loop3A_662 = arith.index_cast %parallel_loop3A_295 : i32 to index
      %parallel_loop3A_663 = arith.constant 240 : index
      %parallel_loop3A_664 = tpu.vector_load %arg11[%parallel_loop3A_662, %parallel_loop3A_663] {strides = array<i32>} : memref<40x256xi32, #tpu.memory_space<vmem>>, vector<16xi32>,
      %parallel_loop3A_665 = arith.constant 1.500000e+01 : f32
      %parallel_loop3A_666 = vector.broadcast %parallel_loop3A_665 : f32 to vector<16xf32>
      %parallel_loop3A_667 = arith.mulf %parallel_loop3A_658, %parallel_loop3A_666 : vector<16xf32>
      %parallel_loop3A_668 = arith.fptosi %parallel_loop3A_667 : vector<16xf32> to vector<16xi32>
      %parallel_loop3A_669 = arith.cmpi eq, %parallel_loop3A_661, %parallel_loop3A_664 : vector<16xi32>
      %parallel_loop3A_670 = arith.constant 1.000000e+00 : f32
      %parallel_loop3A_671 = arith.constant 0.000000e+00 : f32
      %parallel_loop3A_672 = vector.broadcast %parallel_loop3A_670 : f32 to vector<16xf32>
      %parallel_loop3A_673 = vector.broadcast %parallel_loop3A_671 : f32 to vector<16xf32>
      %parallel_loop3A_674 = arith.select %parallel_loop3A_669, %parallel_loop3A_672, %parallel_loop3A_673 : vector<16xi1>, vector<16xf32>
      %parallel_loop3A_675 = arith.subf %parallel_loop3A_658, %parallel_loop3A_674 : vector<16xf32>
      %parallel_loop3A_676 = arith.constant 16 : i32
      %parallel_loop3A_677 = vector.broadcast %parallel_loop3A_676 : i32 to vector<16xi32>
      %parallel_loop3A_678 = arith.muli %parallel_loop3A_668, %parallel_loop3A_677 : vector<16xi32>
      %parallel_loop3A_679 = arith.addi %parallel_loop3A_678, %add3A_35 : vector<16xi32>
      tpu.vector_store_idx %arg12[%parallel_loop3A_679], %parallel_loop3A_675 {add = true} : memref<256xf32, #tpu.memory_space<vmem>>[vector<16xi32>], vector<16xf32>,
    } {sc.loop_unroll_factor = 2 : i64, sc.parallel_access}
    %iota3A_118 = tpu.iota {dimensions = array<i32: 0>} : vector<16xi32>
    %broadcast_in_dim3A_119 = arith.constant 0.000000e+00 : f32
    %broadcast_in_dim3A_120 = vector.broadcast %broadcast_in_dim3A_119 : f32 to vector<16xf32>
    %get3A = arith.constant 0 : index
    %get3A_121 = tpu.vector_load %arg12[%get3A] {strides = array<i32>} : memref<256xf32, #tpu.memory_space<vmem>>, vector<16xf32>,
    %reduce_sum3A = arith.constant true
    %reduce_sum3A_122 = vector.broadcast %reduce_sum3A : i1 to vector<16xi1>
    %reduce_sum3A_123 = tpu.scan <sum>, %get3A_121 masked %reduce_sum3A_122 : vector<16xf32>, vector<16xi1> -> vector<16xf32>
    %reduce_sum3A_124 = vector.extract %reduce_sum3A_123[15] : f32 from vector<16xf32>
    %eq3A = arith.constant 0 : i32
    %eq3A_125 = vector.broadcast %eq3A : i32 to vector<16xi32>
    %eq3A_126 = arith.cmpi eq, %iota3A_118, %eq3A_125 : vector<16xi32>
    %broadcast_in_dim3A_127 = vector.broadcast %reduce_sum3A_124 : f32 to vector<16xf32>
    %select_n3A = arith.select %eq3A_126, %broadcast_in_dim3A_127, %broadcast_in_dim3A_120 : vector<16xi1>, vector<16xf32>
    %get3A_128 = arith.constant 16 : index
    %get3A_129 = tpu.vector_load %arg12[%get3A_128] {strides = array<i32>} : memref<256xf32, #tpu.memory_space<vmem>>, vector<16xf32>,
    %reduce_sum3A_130 = arith.constant true
    %reduce_sum3A_131 = vector.broadcast %reduce_sum3A_130 : i1 to vector<16xi1>
    %reduce_sum3A_132 = tpu.scan <sum>, %get3A_129 masked %reduce_sum3A_131 : vector<16xf32>, vector<16xi1> -> vector<16xf32>
    %reduce_sum3A_133 = vector.extract %reduce_sum3A_132[15] : f32 from vector<16xf32>
    %eq3A_134 = arith.constant 1 : i32
    %eq3A_135 = vector.broadcast %eq3A_134 : i32 to vector<16xi32>
    %eq3A_136 = arith.cmpi eq, %iota3A_118, %eq3A_135 : vector<16xi32>
    %broadcast_in_dim3A_137 = vector.broadcast %reduce_sum3A_133 : f32 to vector<16xf32>
    %select_n3A_138 = arith.select %eq3A_136, %broadcast_in_dim3A_137, %select_n3A : vector<16xi1>, vector<16xf32>
    %get3A_139 = arith.constant 32 : index
    %get3A_140 = tpu.vector_load %arg12[%get3A_139] {strides = array<i32>} : memref<256xf32, #tpu.memory_space<vmem>>, vector<16xf32>,
    %reduce_sum3A_141 = arith.constant true
    %reduce_sum3A_142 = vector.broadcast %reduce_sum3A_141 : i1 to vector<16xi1>
    %reduce_sum3A_143 = tpu.scan <sum>, %get3A_140 masked %reduce_sum3A_142 : vector<16xf32>, vector<16xi1> -> vector<16xf32>
    %reduce_sum3A_144 = vector.extract %reduce_sum3A_143[15] : f32 from vector<16xf32>
    %eq3A_145 = arith.constant 2 : i32
    %eq3A_146 = vector.broadcast %eq3A_145 : i32 to vector<16xi32>
    %eq3A_147 = arith.cmpi eq, %iota3A_118, %eq3A_146 : vector<16xi32>
    %broadcast_in_dim3A_148 = vector.broadcast %reduce_sum3A_144 : f32 to vector<16xf32>
    %select_n3A_149 = arith.select %eq3A_147, %broadcast_in_dim3A_148, %select_n3A_138 : vector<16xi1>, vector<16xf32>
    %get3A_150 = arith.constant 48 : index
    %get3A_151 = tpu.vector_load %arg12[%get3A_150] {strides = array<i32>} : memref<256xf32, #tpu.memory_space<vmem>>, vector<16xf32>,
    %reduce_sum3A_152 = arith.constant true
    %reduce_sum3A_153 = vector.broadcast %reduce_sum3A_152 : i1 to vector<16xi1>
    %reduce_sum3A_154 = tpu.scan <sum>, %get3A_151 masked %reduce_sum3A_153 : vector<16xf32>, vector<16xi1> -> vector<16xf32>
    %reduce_sum3A_155 = vector.extract %reduce_sum3A_154[15] : f32 from vector<16xf32>
    %eq3A_156 = arith.constant 3 : i32
    %eq3A_157 = vector.broadcast %eq3A_156 : i32 to vector<16xi32>
    %eq3A_158 = arith.cmpi eq, %iota3A_118, %eq3A_157 : vector<16xi32>
    %broadcast_in_dim3A_159 = vector.broadcast %reduce_sum3A_155 : f32 to vector<16xf32>
    %select_n3A_160 = arith.select %eq3A_158, %broadcast_in_dim3A_159, %select_n3A_149 : vector<16xi1>, vector<16xf32>
    %get3A_161 = arith.constant 64 : index
    %get3A_162 = tpu.vector_load %arg12[%get3A_161] {strides = array<i32>} : memref<256xf32, #tpu.memory_space<vmem>>, vector<16xf32>,
    %reduce_sum3A_163 = arith.constant true
    %reduce_sum3A_164 = vector.broadcast %reduce_sum3A_163 : i1 to vector<16xi1>
    %reduce_sum3A_165 = tpu.scan <sum>, %get3A_162 masked %reduce_sum3A_164 : vector<16xf32>, vector<16xi1> -> vector<16xf32>
    %reduce_sum3A_166 = vector.extract %reduce_sum3A_165[15] : f32 from vector<16xf32>
    %eq3A_167 = arith.constant 4 : i32
    %eq3A_168 = vector.broadcast %eq3A_167 : i32 to vector<16xi32>
    %eq3A_169 = arith.cmpi eq, %iota3A_118, %eq3A_168 : vector<16xi32>
    %broadcast_in_dim3A_170 = vector.broadcast %reduce_sum3A_166 : f32 to vector<16xf32>
    %select_n3A_171 = arith.select %eq3A_169, %broadcast_in_dim3A_170, %select_n3A_160 : vector<16xi1>, vector<16xf32>
    %get3A_172 = arith.constant 80 : index
    %get3A_173 = tpu.vector_load %arg12[%get3A_172] {strides = array<i32>} : memref<256xf32, #tpu.memory_space<vmem>>, vector<16xf32>,
    %reduce_sum3A_174 = arith.constant true
    %reduce_sum3A_175 = vector.broadcast %reduce_sum3A_174 : i1 to vector<16xi1>
    %reduce_sum3A_176 = tpu.scan <sum>, %get3A_173 masked %reduce_sum3A_175 : vector<16xf32>, vector<16xi1> -> vector<16xf32>
    %reduce_sum3A_177 = vector.extract %reduce_sum3A_176[15] : f32 from vector<16xf32>
    %eq3A_178 = arith.constant 5 : i32
    %eq3A_179 = vector.broadcast %eq3A_178 : i32 to vector<16xi32>
    %eq3A_180 = arith.cmpi eq, %iota3A_118, %eq3A_179 : vector<16xi32>
    %broadcast_in_dim3A_181 = vector.broadcast %reduce_sum3A_177 : f32 to vector<16xf32>
    %select_n3A_182 = arith.select %eq3A_180, %broadcast_in_dim3A_181, %select_n3A_171 : vector<16xi1>, vector<16xf32>
    %get3A_183 = arith.constant 96 : index
    %get3A_184 = tpu.vector_load %arg12[%get3A_183] {strides = array<i32>} : memref<256xf32, #tpu.memory_space<vmem>>, vector<16xf32>,
    %reduce_sum3A_185 = arith.constant true
    %reduce_sum3A_186 = vector.broadcast %reduce_sum3A_185 : i1 to vector<16xi1>
    %reduce_sum3A_187 = tpu.scan <sum>, %get3A_184 masked %reduce_sum3A_186 : vector<16xf32>, vector<16xi1> -> vector<16xf32>
    %reduce_sum3A_188 = vector.extract %reduce_sum3A_187[15] : f32 from vector<16xf32>
    %eq3A_189 = arith.constant 6 : i32
    %eq3A_190 = vector.broadcast %eq3A_189 : i32 to vector<16xi32>
    %eq3A_191 = arith.cmpi eq, %iota3A_118, %eq3A_190 : vector<16xi32>
    %broadcast_in_dim3A_192 = vector.broadcast %reduce_sum3A_188 : f32 to vector<16xf32>
    %select_n3A_193 = arith.select %eq3A_191, %broadcast_in_dim3A_192, %select_n3A_182 : vector<16xi1>, vector<16xf32>
    %get3A_194 = arith.constant 112 : index
    %get3A_195 = tpu.vector_load %arg12[%get3A_194] {strides = array<i32>} : memref<256xf32, #tpu.memory_space<vmem>>, vector<16xf32>,
    %reduce_sum3A_196 = arith.constant true
    %reduce_sum3A_197 = vector.broadcast %reduce_sum3A_196 : i1 to vector<16xi1>
    %reduce_sum3A_198 = tpu.scan <sum>, %get3A_195 masked %reduce_sum3A_197 : vector<16xf32>, vector<16xi1> -> vector<16xf32>
    %reduce_sum3A_199 = vector.extract %reduce_sum3A_198[15] : f32 from vector<16xf32>
    %eq3A_200 = arith.constant 7 : i32
    %eq3A_201 = vector.broadcast %eq3A_200 : i32 to vector<16xi32>
    %eq3A_202 = arith.cmpi eq, %iota3A_118, %eq3A_201 : vector<16xi32>
    %broadcast_in_dim3A_203 = vector.broadcast %reduce_sum3A_199 : f32 to vector<16xf32>
    %select_n3A_204 = arith.select %eq3A_202, %broadcast_in_dim3A_203, %select_n3A_193 : vector<16xi1>, vector<16xf32>
    %get3A_205 = arith.constant 128 : index
    %get3A_206 = tpu.vector_load %arg12[%get3A_205] {strides = array<i32>} : memref<256xf32, #tpu.memory_space<vmem>>, vector<16xf32>,
    %reduce_sum3A_207 = arith.constant true
    %reduce_sum3A_208 = vector.broadcast %reduce_sum3A_207 : i1 to vector<16xi1>
    %reduce_sum3A_209 = tpu.scan <sum>, %get3A_206 masked %reduce_sum3A_208 : vector<16xf32>, vector<16xi1> -> vector<16xf32>
    %reduce_sum3A_210 = vector.extract %reduce_sum3A_209[15] : f32 from vector<16xf32>
    %eq3A_211 = arith.constant 8 : i32
    %eq3A_212 = vector.broadcast %eq3A_211 : i32 to vector<16xi32>
    %eq3A_213 = arith.cmpi eq, %iota3A_118, %eq3A_212 : vector<16xi32>
    %broadcast_in_dim3A_214 = vector.broadcast %reduce_sum3A_210 : f32 to vector<16xf32>
    %select_n3A_215 = arith.select %eq3A_213, %broadcast_in_dim3A_214, %select_n3A_204 : vector<16xi1>, vector<16xf32>
    %get3A_216 = arith.constant 144 : index
    %get3A_217 = tpu.vector_load %arg12[%get3A_216] {strides = array<i32>} : memref<256xf32, #tpu.memory_space<vmem>>, vector<16xf32>,
    %reduce_sum3A_218 = arith.constant true
    %reduce_sum3A_219 = vector.broadcast %reduce_sum3A_218 : i1 to vector<16xi1>
    %reduce_sum3A_220 = tpu.scan <sum>, %get3A_217 masked %reduce_sum3A_219 : vector<16xf32>, vector<16xi1> -> vector<16xf32>
    %reduce_sum3A_221 = vector.extract %reduce_sum3A_220[15] : f32 from vector<16xf32>
    %eq3A_222 = arith.constant 9 : i32
    %eq3A_223 = vector.broadcast %eq3A_222 : i32 to vector<16xi32>
    %eq3A_224 = arith.cmpi eq, %iota3A_118, %eq3A_223 : vector<16xi32>
    %broadcast_in_dim3A_225 = vector.broadcast %reduce_sum3A_221 : f32 to vector<16xf32>
    %select_n3A_226 = arith.select %eq3A_224, %broadcast_in_dim3A_225, %select_n3A_215 : vector<16xi1>, vector<16xf32>
    %get3A_227 = arith.constant 160 : index
    %get3A_228 = tpu.vector_load %arg12[%get3A_227] {strides = array<i32>} : memref<256xf32, #tpu.memory_space<vmem>>, vector<16xf32>,
    %reduce_sum3A_229 = arith.constant true
    %reduce_sum3A_230 = vector.broadcast %reduce_sum3A_229 : i1 to vector<16xi1>
    %reduce_sum3A_231 = tpu.scan <sum>, %get3A_228 masked %reduce_sum3A_230 : vector<16xf32>, vector<16xi1> -> vector<16xf32>
    %reduce_sum3A_232 = vector.extract %reduce_sum3A_231[15] : f32 from vector<16xf32>
    %eq3A_233 = arith.constant 10 : i32
    %eq3A_234 = vector.broadcast %eq3A_233 : i32 to vector<16xi32>
    %eq3A_235 = arith.cmpi eq, %iota3A_118, %eq3A_234 : vector<16xi32>
    %broadcast_in_dim3A_236 = vector.broadcast %reduce_sum3A_232 : f32 to vector<16xf32>
    %select_n3A_237 = arith.select %eq3A_235, %broadcast_in_dim3A_236, %select_n3A_226 : vector<16xi1>, vector<16xf32>
    %get3A_238 = arith.constant 176 : index
    %get3A_239 = tpu.vector_load %arg12[%get3A_238] {strides = array<i32>} : memref<256xf32, #tpu.memory_space<vmem>>, vector<16xf32>,
    %reduce_sum3A_240 = arith.constant true
    %reduce_sum3A_241 = vector.broadcast %reduce_sum3A_240 : i1 to vector<16xi1>
    %reduce_sum3A_242 = tpu.scan <sum>, %get3A_239 masked %reduce_sum3A_241 : vector<16xf32>, vector<16xi1> -> vector<16xf32>
    %reduce_sum3A_243 = vector.extract %reduce_sum3A_242[15] : f32 from vector<16xf32>
    %eq3A_244 = arith.constant 11 : i32
    %eq3A_245 = vector.broadcast %eq3A_244 : i32 to vector<16xi32>
    %eq3A_246 = arith.cmpi eq, %iota3A_118, %eq3A_245 : vector<16xi32>
    %broadcast_in_dim3A_247 = vector.broadcast %reduce_sum3A_243 : f32 to vector<16xf32>
    %select_n3A_248 = arith.select %eq3A_246, %broadcast_in_dim3A_247, %select_n3A_237 : vector<16xi1>, vector<16xf32>
    %get3A_249 = arith.constant 192 : index
    %get3A_250 = tpu.vector_load %arg12[%get3A_249] {strides = array<i32>} : memref<256xf32, #tpu.memory_space<vmem>>, vector<16xf32>,
    %reduce_sum3A_251 = arith.constant true
    %reduce_sum3A_252 = vector.broadcast %reduce_sum3A_251 : i1 to vector<16xi1>
    %reduce_sum3A_253 = tpu.scan <sum>, %get3A_250 masked %reduce_sum3A_252 : vector<16xf32>, vector<16xi1> -> vector<16xf32>
    %reduce_sum3A_254 = vector.extract %reduce_sum3A_253[15] : f32 from vector<16xf32>
    %eq3A_255 = arith.constant 12 : i32
    %eq3A_256 = vector.broadcast %eq3A_255 : i32 to vector<16xi32>
    %eq3A_257 = arith.cmpi eq, %iota3A_118, %eq3A_256 : vector<16xi32>
    %broadcast_in_dim3A_258 = vector.broadcast %reduce_sum3A_254 : f32 to vector<16xf32>
    %select_n3A_259 = arith.select %eq3A_257, %broadcast_in_dim3A_258, %select_n3A_248 : vector<16xi1>, vector<16xf32>
    %get3A_260 = arith.constant 208 : index
    %get3A_261 = tpu.vector_load %arg12[%get3A_260] {strides = array<i32>} : memref<256xf32, #tpu.memory_space<vmem>>, vector<16xf32>,
    %reduce_sum3A_262 = arith.constant true
    %reduce_sum3A_263 = vector.broadcast %reduce_sum3A_262 : i1 to vector<16xi1>
    %reduce_sum3A_264 = tpu.scan <sum>, %get3A_261 masked %reduce_sum3A_263 : vector<16xf32>, vector<16xi1> -> vector<16xf32>
    %reduce_sum3A_265 = vector.extract %reduce_sum3A_264[15] : f32 from vector<16xf32>
    %eq3A_266 = arith.constant 13 : i32
    %eq3A_267 = vector.broadcast %eq3A_266 : i32 to vector<16xi32>
    %eq3A_268 = arith.cmpi eq, %iota3A_118, %eq3A_267 : vector<16xi32>
    %broadcast_in_dim3A_269 = vector.broadcast %reduce_sum3A_265 : f32 to vector<16xf32>
    %select_n3A_270 = arith.select %eq3A_268, %broadcast_in_dim3A_269, %select_n3A_259 : vector<16xi1>, vector<16xf32>
    %get3A_271 = arith.constant 224 : index
    %get3A_272 = tpu.vector_load %arg12[%get3A_271] {strides = array<i32>} : memref<256xf32, #tpu.memory_space<vmem>>, vector<16xf32>,
    %reduce_sum3A_273 = arith.constant true
    %reduce_sum3A_274 = vector.broadcast %reduce_sum3A_273 : i1 to vector<16xi1>
    %reduce_sum3A_275 = tpu.scan <sum>, %get3A_272 masked %reduce_sum3A_274 : vector<16xf32>, vector<16xi1> -> vector<16xf32>
    %reduce_sum3A_276 = vector.extract %reduce_sum3A_275[15] : f32 from vector<16xf32>
    %eq3A_277 = arith.constant 14 : i32
    %eq3A_278 = vector.broadcast %eq3A_277 : i32 to vector<16xi32>
    %eq3A_279 = arith.cmpi eq, %iota3A_118, %eq3A_278 : vector<16xi32>
    %broadcast_in_dim3A_280 = vector.broadcast %reduce_sum3A_276 : f32 to vector<16xf32>
    %select_n3A_281 = arith.select %eq3A_279, %broadcast_in_dim3A_280, %select_n3A_270 : vector<16xi1>, vector<16xf32>
    %get3A_282 = arith.constant 240 : index
    %get3A_283 = tpu.vector_load %arg12[%get3A_282] {strides = array<i32>} : memref<256xf32, #tpu.memory_space<vmem>>, vector<16xf32>,
    %reduce_sum3A_284 = arith.constant true
    %reduce_sum3A_285 = vector.broadcast %reduce_sum3A_284 : i1 to vector<16xi1>
    %reduce_sum3A_286 = tpu.scan <sum>, %get3A_283 masked %reduce_sum3A_285 : vector<16xf32>, vector<16xi1> -> vector<16xf32>
    %reduce_sum3A_287 = vector.extract %reduce_sum3A_286[15] : f32 from vector<16xf32>
    %eq3A_288 = arith.constant 15 : i32
    %eq3A_289 = vector.broadcast %eq3A_288 : i32 to vector<16xi32>
    %eq3A_290 = arith.cmpi eq, %iota3A_118, %eq3A_289 : vector<16xi32>
    %broadcast_in_dim3A_291 = vector.broadcast %reduce_sum3A_287 : f32 to vector<16xf32>
    %select_n3A_292 = arith.select %eq3A_290, %broadcast_in_dim3A_291, %select_n3A_281 : vector<16xi1>, vector<16xf32>
    %swap3A_293 = arith.constant 0 : index
    %swap3A_294 = tpu.vector_load %arg13[%swap3A_293] {strides = array<i32>} : memref<16xf32, #tpu.memory_space<vmem>>, vector<16xf32>,
    tpu.vector_store %arg13[%swap3A_293], %select_n3A_292 {strides = array<i32>} : memref<16xf32, #tpu.memory_space<vmem>>, vector<16xf32>,
    "tpu.region"() ({
      %run_scoped3A = tpu.sem_alloc : memref<!tpu.dma_semaphore, #tpu.memory_space<semaphore_mem>>
      %dma_start3A_295 = arith.constant 0 : i32
      %dma_start3A_296 = tpu.memref_slice %arg5[%add3A, %dma_start3A_295] : memref<32x16xf32, #tpu.memory_space<hbm>> -> memref<1x16xf32, #tpu.memory_space<hbm>>
      %dma_start3A_297 = tpu.memref_squeeze %dma_start3A_296 : memref<1x16xf32, #tpu.memory_space<hbm>> -> memref<16xf32, #tpu.memory_space<hbm>>
      %dma_start3A_298 = arith.constant 0 : i32
      %dma_start3A_299 = tpu.memref_slice %arg5[%add3A, %dma_start3A_298] : memref<32x16xf32, #tpu.memory_space<hbm>> -> memref<1x16xf32, #tpu.memory_space<hbm>>
      %dma_start3A_300 = tpu.memref_squeeze %dma_start3A_299 : memref<1x16xf32, #tpu.memory_space<hbm>> -> memref<16xf32, #tpu.memory_space<hbm>>
      tpu.enqueue_dma source(%arg13 : memref<16xf32, #tpu.memory_space<vmem>>) target(%dma_start3A_300 : memref<16xf32, #tpu.memory_space<hbm>>) target_semaphore(%run_scoped3A : memref<!tpu.dma_semaphore, #tpu.memory_space<semaphore_mem>>)
      %dma_wait3A_301 = arith.constant 0 : i32
      %dma_wait3A_302 = tpu.memref_slice %arg5[%add3A, %dma_wait3A_301] : memref<32x16xf32, #tpu.memory_space<hbm>> -> memref<1x16xf32, #tpu.memory_space<hbm>>
      %dma_wait3A_303 = tpu.memref_squeeze %dma_wait3A_302 : memref<1x16xf32, #tpu.memory_space<hbm>> -> memref<16xf32, #tpu.memory_space<hbm>>
      %dma_wait3A_304 = arith.constant 0 : i32
      %dma_wait3A_305 = tpu.memref_slice %arg5[%add3A, %dma_wait3A_304] : memref<32x16xf32, #tpu.memory_space<hbm>> -> memref<1x16xf32, #tpu.memory_space<hbm>>
      %dma_wait3A_306 = tpu.memref_squeeze %dma_wait3A_305 : memref<1x16xf32, #tpu.memory_space<hbm>> -> memref<16xf32, #tpu.memory_space<hbm>>
      tpu.wait_dma2 semaphore(%run_scoped3A : memref<!tpu.dma_semaphore, #tpu.memory_space<semaphore_mem>>) src(%arg13 : memref<16xf32, #tpu.memory_space<vmem>>) dst(%dma_wait3A_306 : memref<16xf32, #tpu.memory_space<hbm>>)
      tpu.yield
    }) : () -> ()
    return
  }
}

module attributes {stable_mosaic.version = 14 : i64} {
  func.func @_finish_body(%arg0: memref<32x16xf32, #tpu.memory_space<vmem>>, %arg1: memref<1x1xf32, #tpu.memory_space<smem>>) attributes {dimension_semantics = [], scalar_prefetch = 0 : i64, scratch_operands = 0 : i64, tpu.core_type = #tpu.core_type<tc>} {
    %get3A = arith.constant 0 : index
    %get3A_0 = arith.constant 0 : index
    %get3A_1 = vector.load %arg0[%get3A, %get3A_0] : memref<32x16xf32, #tpu.memory_space<vmem>>, vector<32x16xf32>
    %reduce_sum3A = arith.constant dense<0.000000e+00> : vector<16xf32>
    %reduce_sum3A_2 = vector.multi_reduction <add>, %get3A_1, %reduce_sum3A [0] : vector<32x16xf32> to vector<16xf32>
    %broadcast_in_dim3A = vector.shape_cast %reduce_sum3A_2 : vector<16xf32> to vector<1x16xf32>
    %iota3A = tpu.iota {dimensions = array<i32: 1>} : vector<1x16xi32>
    %ge3A = arith.constant 1 : i32
    %ge3A_3 = vector.broadcast %ge3A : i32 to vector<1x16xi32>
    %ge3A_4 = arith.cmpi sge, %iota3A, %ge3A_3 : vector<1x16xi32>
    %abs3A = math.absf %broadcast_in_dim3A : vector<1x16xf32>
    %jit3A = arith.constant 0.000000e+00 : f32
    %broadcast_in_dim3A_5 = vector.broadcast %jit3A : f32 to vector<1x16xf32>
    %select_n3A = arith.select %ge3A_4, %abs3A, %broadcast_in_dim3A_5 : vector<1x16xi1>, vector<1x16xf32>
    %reduce_sum3A_6 = vector.shape_cast %select_n3A : vector<1x16xf32> to vector<1x1x16xf32>
    %reduce_sum3A_7 = arith.constant dense<0.000000e+00> : vector<1xf32>
    %reduce_sum3A_8 = vector.multi_reduction <add>, %reduce_sum3A_6, %reduce_sum3A_7 [1, 2] : vector<1x1x16xf32> to vector<1xf32>
    %reduce_sum3A_9 = vector.shape_cast %reduce_sum3A_8 : vector<1xf32> to vector<1x1x1xf32>
    %reduce_sum3A_10 = vector.extract %reduce_sum3A_9[0, 0, 0] : f32 from vector<1x1x1xf32>
    %div3A = arith.constant 3.276800e+06 : f32
    %div3A_11 = arith.divf %reduce_sum3A_10, %div3A : f32
    %swap3A = arith.constant 0 : index
    %swap3A_12 = arith.constant 0 : index
    %swap3A_13 = memref.load %arg1[%swap3A, %swap3A_12] : memref<1x1xf32, #tpu.memory_space<smem>>
    memref.store %div3A_11, %arg1[%swap3A, %swap3A_12] : memref<1x1xf32, #tpu.memory_space<smem>>
    return
  }
}

</mosaic_0001>

<sc_bundles>
// kernel: kernel.4.cloned.1.call-start
scs
__scs_entry_jumppad:
0x0: {  	(pc) =	sbr.rel $0x88, $3  }
0x1: {  	(tag) =	ssettag $0x0;
	lr =	simm.s32 $0x1  }
0x2: {  	[smem:$0x3F9E] =	sst lr;
	_ =	strace $0xD0000000  }
0x3: {  	_ = 	snop  }
0x4: {  	_ = 	snop  }
0x5: {  	_ = 	snop  }
0x6: {  	_ = 	snop  }
0x7: {  	_ = 	snop  }
__scs_overlays_trampoline_lowered:
0x8: {  	[smem:$0x3FAD] =	sst s0  }
0x9: {  	[smem:$0x3FAE] =	sst s1  }
0xa: {  	[smem:$0x3FAF] =	sst s2  }
0xb: {  	[smem:$0x3FB0] =	sst s3  }
0xc: {  	[smem:$0x3FB1] =	sst s4  }
0xd: {  	[smem:$0x3FB2] =	sst s5  }
0xe: {  	[smem:$0x3FB3] =	sst s6  }
0xf: {  	[smem:$0x3FB4] =	sst s7  }
0x10: {  	[smem:$0x3FB5] =	sst s8  }
0x11: {  	[smem:$0x3FB6] =	sst s9;
	s0 =	simm.s32 @!p0 $0x0  }
0x12: {  	s1 =	sld [smem:$0x3F9C];
	s0 =	simm.s32 @p0 $0x1  }
0x13: {  	[smem:$0x3FB7] =	sst s0;
	s0 =	simm.s32 @!p1 $0x0  }
0x14: {  	s2 =	sld [smem:$0x3F9B];
	s0 =	simm.s32 @p1 $0x1  }
0x15: {  	[smem:$0x3FB8] =	sst s0;
	s0 =	simm.s32 @!p2 $0x0  }
0x16: {  	s3 =	sld [smem:$0x3FDB];
	s0 =	simm.s32 @p2 $0x1  }
0x17: {  	s4 =	simm.s32 $0x1BF5;
	[smem:$0x3FBA] =	sst s0  }
0x18: {  	s0 =	sld [smem:$0x3F9D];
	_ =	swait.ge [sflag:s4], $0x0  }
0x19: {  	s7 =	sld [smem:$0x3F9E]  }
0x1a: {  	s8 =	sadd.s32 $0xFFFFE003, lr  }
0x1b: {  	s9 =	sadd.s32 $0xFFFFFEF7, lr;
	s5 =	simm.s32 $0xFFFFFFFF;
	p2 =	slt.u32 s8, $0xFFFFF086  }
0x1c: {  	p1 =	slt.u32 s9, $0xF7A;
	s5 =	simm.s32 @!p2 $0x0  }
0x1d: {  	s5 =	simm.s32 @p1 $0x1;
	p0 =	seq.s32 s7, s2  }
0x1e: {  	s7 =	smul.u32 @!p0 $0xF7A, s2;
	p2 =	seq.s32 @!p0 s5, $0x0  }
0x1f: {  	s9 =	smul.u32 $0xF7A, s1;
	s8 =	simm.s32 @!p0 $0x1BF5;
	p2 =	por !p2, p0  }
0x20: {  	[sflag:s8] =	ssyncset.s32 @!p0 $0xFFFFF086;
	s6 =	sadd.s32 @!p0 s3, s7;
	s7 =	simm.s32 @!p0 $0x108  }
0x21: {  	s3 =	sadd.s32 s3, s9;
	s6 =	sadd.s32 @!p0 $0x88, s6;
	s7 =	simm.s32 @p2 $0x1082  }
0x22: {  	[simem:s7], [sflag:s8] =	dma.local @!p0 [hbm:s6], $0xF7A  }
0x23: {  	s9 =	sor.u32 $0xD0000000, s2;
	s6 =	simm.s32 $0x108;
	_ =	swait.ge @!p0 [sflag:s8], $0x0  }
0x24: {  	s3 =	sadd.s32 $0x88, s3;
	s6 =	simm.s32 @!p1 $0x1082;
	[sflag:s4] =	ssyncset.s32 $0xFFFFF086  }
0x25: {  	[simem:s6], [sflag:s4] =	dma.local [hbm:s3], $0xF7A  }
0x26: {  	[smem:$0x3F9E] =	sst s1;
	(tag) =	ssettag s2;
	_ =	strace s9  }
0x27: {  	s1 =	sld [smem:$0x3FAE]  }
0x28: {  	s2 =	sld [smem:$0x3FAF]  }
0x29: {  	s4 =	sld [smem:$0x3FB1]  }
0x2a: {  	p0 =	seq.s32 s5, $0x0;
	s5 =	sld [smem:$0x3FB2]  }
0x2b: {  	s6 =	sld [smem:$0x3FB3]  }
0x2c: {  	s7 =	sld [smem:$0x3FB4]  }
0x2d: {  	s3 =	simm.s32 $0x108;
	s8 =	sld [smem:$0x3FB5]  }
0x2e: {  	s3 =	simm.s32 @!p0 $0x1082;
	s9 =	sld [smem:$0x3FB6]  }
0x2f: {  	lr =	sadd.s32 s0, s3;
	s0 =	sld [smem:$0x3FAD]  }
0x30: {  	s3 =	sld [smem:$0x3FB0]  }
0x31: {  	[smem:$0x3FB9] =	sst s10  }
0x32: {  	s10 =	sld [smem:$0x3FB7];
	_ =	sdelay $0x3  }
0x33: {  	p0 =	seq.s32 s10, $0x1;
	s10 =	sld [smem:$0x3FB9];
	_ =	sdelay $0x3  }
0x34: {  	[smem:$0x3FB9] =	sst s10  }
0x35: {  	s10 =	sld [smem:$0x3FB8];
	_ =	sdelay $0x3  }
0x36: {  	p1 =	seq.s32 s10, $0x1;
	s10 =	sld [smem:$0x3FB9];
	_ =	sdelay $0x3  }
0x37: {  	[smem:$0x3FB9] =	sst s10  }
0x38: {  	s10 =	sld [smem:$0x3FBA]  }
0x39: {  	_ = 	snop;
	(pc) =	sbr.ind lr, $3  }
0x3a: {  	_ = 	snop  }
0x3b: {  	_ = 	snop  }
0x3c: {  	p2 =	seq.s32 s10, $0x1;
	s10 =	sld [smem:$0x3FB9]  }
0x3d: {  	_ =	shalt  }
0x3e: {  	_ =	shalt  }
0x3f: {  	_ =	shalt  }
0x40: {  	_ =	shalt  }
0x41: {  	_ =	shalt  }
0x42: {  	_ =	shalt  }
0x43: {  	_ =	shalt  }
0x44: {  	_ =	shalt  }
0x45: {  	_ =	shalt  }
0x46: {  	_ =	shalt  }
0x47: {  	_ =	shalt  }
0x48: {  	_ =	shalt  }
0x49: {  	_ =	shalt  }
0x4a: {  	_ =	shalt  }
0x4b: {  	_ =	shalt  }
0x4c: {  	_ =	shalt  }
0x4d: {  	_ =	shalt  }
0x4e: {  	_ =	shalt  }
0x4f: {  	_ =	shalt  }
0x50: {  	_ =	shalt  }
0x51: {  	_ =	shalt  }
0x52: {  	_ =	shalt  }
0x53: {  	_ =	shalt  }
0x54: {  	_ =	shalt  }
0x55: {  	_ =	shalt  }
0x56: {  	_ =	shalt  }
0x57: {  	_ =	shalt  }
0x58: {  	_ =	shalt  }
0x59: {  	_ =	shalt  }
0x5a: {  	_ =	shalt  }
0x5b: {  	_ =	shalt  }
0x5c: {  	_ =	shalt  }
0x5d: {  	_ =	shalt  }
0x5e: {  	_ =	shalt  }
0x5f: {  	_ =	shalt  }
0x60: {  	_ =	shalt  }
0x61: {  	_ =	shalt  }
0x62: {  	_ =	shalt  }
0x63: {  	_ =	shalt  }
0x64: {  	_ =	shalt  }
0x65: {  	_ =	shalt  }
0x66: {  	_ =	shalt  }
0x67: {  	_ =	shalt  }
0x68: {  	_ =	shalt  }
0x69: {  	_ =	shalt  }
0x6a: {  	_ =	shalt  }
0x6b: {  	_ =	shalt  }
0x6c: {  	_ =	shalt  }
0x6d: {  	_ =	shalt  }
0x6e: {  	_ =	shalt  }
0x6f: {  	_ =	shalt  }
0x70: {  	_ =	shalt  }
0x71: {  	_ =	shalt  }
0x72: {  	_ =	shalt  }
0x73: {  	_ =	shalt  }
0x74: {  	_ =	shalt  }
0x75: {  	_ =	shalt  }
0x76: {  	_ =	shalt  }
0x77: {  	_ =	shalt  }
0x78: {  	_ =	shalt  }
0x79: {  	_ =	shalt  }
0x7a: {  	_ =	shalt  }
0x7b: {  	_ =	shalt  }
0x7c: {  	_ =	shalt  }
0x7d: {  	_ =	shalt  }
0x7e: {  	_ =	shalt  }
0x7f: {  	_ =	shalt  }
0x80: {  	_ =	shalt  }
0x81: {  	_ =	shalt  }
0x82: {  	_ =	shalt  }
0x83: {  	_ =	shalt  }
0x84: {  	_ =	shalt  }
0x85: {  	_ =	shalt  }
0x86: {  	_ =	shalt  }
0x87: {  	_ =	shalt  }
.Lfunc_end0:
.L_simem_size_0:
called_computation_lowered:
.L_overlay_start_0:
0x88: {  	s2 =	sld [smem:$0x3FD9]  }
0x89: {  	s3 =	sld [smem:$0x3FFE];
	_ =	sdelay $0x1  }
0x8a: {  	s1 =	srdreg.scid  }
0x8b: {  	s0 =	sand.u32 $0x1, s1  }
0x8c: {  	s17 =	sshll.u32 s0, $0xA;
	s2 =	sadd.s32 s3, s2  }
0x8d: {  	s2 =	sadd.s32 s2, s17  }
0x8e: {  	[smem:$0x3FC5] =	sst s2  }
0x8f: {  	_ = 	snop  }
0x90: {  	s2 =	sld [smem:$0x3FC9]  }
0x91: {  	s18 =	sld [smem:$0x3FC8]  }
0x92: {  	s4 =	sld [smem:$0x3FC7];
	(tm) =	ssettm $0x1  }
0x93: {  	s5 =	sld [smem:$0x3FFB];
	_ =	sdelay $0x3  }
0x94: {  	_ =	strace s5  }
0x95: {  	s5 =	sld [smem:$0x3FFC];
	_ =	sdelay $0x3  }
0x96: {  	_ =	strace s5  }
0x97: {  	s5 =	sld [smem:$0x3FFD];
	_ =	sdelay $0x3  }
0x98: {  	_ =	strace s5  }
0x99: {  	_ =	strace $0x8FFFFFFF  }
0x9a: {  	s19 =	sld [smem:$0x3FDB];
	_ =	sdelay $0x1  }
0x9b: {  	s6 =	simm.s32 $_scs_section_size  }
0x9c: {  	s7 =	simm.s32 $_size__tile_overlayer_lowered;
	s8 =	simm.s32 $_tile_overlayer_lowered  }
0x9d: {  	s22 =	simm.s32 $0x1BFF;
	s21 =	sshll.u32 s8, $0x1;
	s5 =	sadd.s32 s6, s19  }
0x9e: {  	s9 =	simm.s32 $0x0;
	s20 =	sshll.u32 s7, $0x1;
	s7 =	sadd.s32 s21, s5  }
0x9f: {  	[timem:s9], [sflag:s22] =	dma.local [hbm:s7], s20  }
0xa0: {  	_ =	swait.ge [sflag:s22], s20  }
0xa1: {  	s6 =	ssub.s32 $0x0, s20;
	[sflag:s22] =	ssyncset.done $0x0  }
0xa2: {  	[sflag:s22] =	ssyncadd.s32 s6;
	_ =	sdelay $0x1  }
0xa3: {  	s23 =	simm.s32 $0x1B8B  }
0xa4: {  	_ =	swait.ge [sflag:s23], $0x1  }
0xa5: {  	[sflag:s23] =	ssyncset.done $0x0  }
0xa6: {  	s25 =	simm.s32 $0x1B8E;
	s24 =	sld [smem:$0x3FFE];
	[sflag:s23] =	ssyncadd.s32 $0xFFFFFFFF  }
0xa7: {  	s26 =	simm.s32 $execute0_lowered;
	[smem:$0x3FD2] =	sst s25  }
0xa8: {  	s7 =	sshll.u32 s26, $0x1;
	_ =	strace $0x80000046;
	[dreg:$0x1] =	wrdreg $0xFFFFFFFF  }
0xa9: {  	s28 =	simm.s32 $_size_execute0_lowered;
	s5 =	sadd.s32 s5, s7;
	[dreg:$0x0] =	wrdreg $0x0  }
0xaa: {  	s7 =	sshll.u32 s28, $0x1;
	[dreg:$0x2] =	wrdreg s5  }
0xab: {  	[dreg:$0x3] =	wrdreg s7  }
0xac: {  	[dreg:$0x4] =	wrdreg $0xC0  }
0xad: {  	_ =	task [dreg:s9], $0x5FFFF  }
0xae: {  	[dreg:$0x1] =	wrdreg $0xFFFFFFFF  }
0xaf: {  	[dreg:$0x0] =	wrdreg $0x60  }
0xb0: {  	[dreg:$0x2] =	wrdreg s2  }
0xb1: {  	[dreg:$0x3] =	wrdreg s18  }
0xb2: {  	[dreg:$0x4] =	wrdreg s4  }
0xb3: {  	[dreg:$0x5] =	wrdreg s24  }
0xb4: {  	[dreg:$0x6] =	wrdreg $0x9  }
0xb5: {  	_ =	task.clear_ibuf [dreg:s9], $0x7FFFF;
	_ =	strace $0x90000046  }
0xb6: {  	s29 =	simm.s32 $0x9;
	_ =	strace $0x80000048  }
0xb7: {  	_ =	swait.ge [sflag:s29], $0x1  }
0xb8: {  	[sflag:s29] =	ssyncadd.s32 $0xFFFFFFFF  }
0xb9: {  	_ =	strace $0x90000048  }
0xba: {  	_ =	sfence  }
0xbb: {  	s30 =	sld [smem:$0x0];
	_ =	sdelay $0x2  }
0xbc: {  	s31 =	sshll.u32 s1, $0xD;
	s1 =	sshrl.u32 s1, $0x2  }
0xbd: {  	s3 =	sand.u32 $0x4000, s31;
	s1 =	sadd.s32 s1, s30  }
0xbe: {  	s0 =	sor.u32 s3, s0;
	s1 =	sshll.u32 s1, $0x11  }
0xbf: {  	s0 =	sor.u32 s1, s0  }
0xc0: {  	s0 =	sadd.s32 $0x8F2B, s0  }
0xc1: {  	[sflag:s0] =	ssyncadd.remote.s32 $0x1  }
0xc2: {  	_ =	sfence.sel $0xFFFF  }
0xc3: {  	[dreg:$0x0] =	wrdreg $0xFFFFFFFF;
	(pc) =	sbr.abs _section_cstart, $3  }
0xc4: {  	[dreg:$0x1] =	wrdreg $0xFFFFFFFF  }
0xc5: {  	_ =	task.clear_ibuf [dreg:s9], $0x2FFFF;
	_ =	strace $0x9FFFFFFF  }
0xc6: {  	(tm) =	ssettm $0x7FFFFFFF  }
0xc7: {  	_ =	shalt  }
tec
execute0_lowered:
.L_overlay_start_1:
0x0: {  	(tag) =	ssettag $0x1  }
0x1: {  	s1 =	rddreg [dreg:$0x0]  }
0x2: {  	s2 =	rddreg [dreg:$0x1]  }
0x3: {  	s4 =	rddreg [dreg:$0x2]  }
0x4: {  	s0 =	rddreg [dreg:$0x3]  }
0x5: {  	s3 =	srdreg.scid;
	s5 =	stileid.u32  }
0x6: {  	s8 =	simm.s32 $0x0;
	s15 =	simm.s32 $0x800;
	s16 =	simm.s32 $0x20000  }
0x7: {  	s17 =	simm.s32 $0x5000;
	s18 =	simm.s32 $0xA000;
	s19 =	simm.s32 $0x2800  }
0x8: {  	s20 =	simm.s32 $0x7800;
	s21 =	simm.s32 $0xC800;
	s22 =	simm.s32 $0x1  }
0x9: {  	s23 =	simm.s32 $0xF000;
	s24 =	simm.s32 $0x2;
	s28 =	simm.s32 $0x0  }
0xa: {  	s3 =	sand.u32 $0x1, s3;
	s5 =	sshll.u32 s5, $0x1;
	[smem:$0x7FF] =	sst s8  }
0xb: {  	s5 =	sor.u32 s3, s5;
	_ =	strace $0x80000047;
	s3 =	ssub.s32 $0x2, s3  }
0xc: {  	s6 =	sshll.u32 s5, $0x4;
	s26 =	sshrl.u32 s3, $0x1;
	s7 =	sshll.u32 s5, $0x9  }
0xd: {  	s0 =	sadd.s32 s6, s0;
	s3 =	ssub.s32 s3, s26;
	s6 =	sshll.u32 s5, $0xC  }
0xe: {  	s29 =	sadd.s32 s1, s7;
	s30 =	sadd.s32 s2, s7;
	s9 =	sadd.s32 s4, s7  }
0xf: {  	s31 =	sor.u32 $0x50100, s7;
	s26 =	simm.s32 $0x3;
	[dreg:$0x5] =	wrdreg s29  }
0x10: {  	v1 =	vlaneseq.u32;
	[dreg:$0x6] =	wrdreg s30;
	s10 =	sadd.s32 s1, s31;
	s11 =	sadd.s32 s2, s31  }
0x11: {  	v0 =	vimm.f32 $0.0e+00;
	v1 =	vor.u32 $0x10, v1;
	s12 =	sadd.s32 s4, s31;
	s13 =	sadd.s32 $0x600, s0;
	s14 =	smax.u32 s3, $0x1  }
.LBB2_1:
0x12: {  	[tilespmem:$0xF000] =	vst v0  }
0x13: {  	[tilespmem:$0xF010] =	vst v0  }
0x14: {  	[tilespmem:$0xF020] =	vst v0  }
0x15: {  	[tilespmem:$0xF030] =	vst v0  }
0x16: {  	[tilespmem:$0xF040] =	vst v0  }
0x17: {  	[tilespmem:$0xF050] =	vst v0  }
0x18: {  	[tilespmem:$0xF060] =	vst v0  }
0x19: {  	[tilespmem:$0xF070] =	vst v0  }
0x1a: {  	[tilespmem:$0xF080] =	vst v0  }
0x1b: {  	[tilespmem:$0xF090] =	vst v0  }
0x1c: {  	[tilespmem:$0xF0A0] =	vst v0  }
0x1d: {  	[tilespmem:$0xF0B0] =	vst v0  }
0x1e: {  	[tilespmem:$0xF0C0] =	vst v0  }
0x1f: {  	[tilespmem:$0xF0D0] =	vst v0  }
0x20: {  	[tilespmem:$0xF0E0] =	vst v0  }
0x21: {  	[tilespmem:$0xF0F0] =	vst v0;
	s0 =	rddreg [dreg:$0x5]  }
0x22: {  	[tilespmem:s8], [sflag:$0x1] =	stream.strided.gather [hbm4b:s0+s15], $0x2800, s16, s15, $0x38;
	[tilespmem:$0xF180] =	vst v63  }
0x23: {  	s31 =	rddreg [dreg:$0x6]  }
0x24: {  	[tilespmem:s17], [sflag:$0x1] =	stream.strided.gather [hbm4b:s31+s15], $0x2800, s16, s15, $0x38;
	[tilespmem:$0xF180] =	vst v63  }
0x25: {  	s29 =	simm.s32 $0x0  }
0x26: {  	[tilespmem:s18], [sflag:$0x1] =	stream.strided.gather [hbm4b:s9+s15], $0x2800, s16, s15, $0x38;
	[tilespmem:$0xF180] =	vst v63  }
.LBB2_2:
0x27: {  	s30 =	sshll.u32 s29, $0x1;
	s0 =	sshllo.u32 s29, $0x1  }
0x28: {  	s3 =	sadd.s32 $0xFFFFFFFC, s30;
	p0 =	slt.u32 s0, $0x5  }
0x29: {  	s3 =	smov.u32 @p0 s0  }
0x2a: {  	s7 =	sshll.u32 s29, $0xA;
	s0 =	smul.u32 $0xA0000, s3  }
0x2b: {  	s3 =	sand.u32 $0x800, s7  }
0x2c: {  	s0 =	sor.u32 s3, s0  }
0x2d: {  	s0 =	sor.u32 s6, s0  }
0x2e: {  	s0 =	sshrl.u32 s0, $0x3  }
0x2f: {  	s8 =	sadd.s32 s1, s0  }
0x30: {  	[tilespmem:s19], [sflag:$0x2] =	stream.strided.gather [hbm4b:s8+s15], $0x2800, s16, s15, $0x38;
	[tilespmem:$0xF180] =	vst v63  }
0x31: {  	s25 =	sadd.s32 s2, s0  }
0x32: {  	[tilespmem:s20], [sflag:$0x2] =	stream.strided.gather [hbm4b:s25+s15], $0x2800, s16, s15, $0x38;
	[tilespmem:$0xF180] =	vst v63  }
0x33: {  	s0 =	sadd.s32 s4, s0  }
0x34: {  	[tilespmem:s21], [sflag:$0x2] =	stream.strided.gather [hbm4b:s0+s15], $0x2800, s16, s15, $0x38;
	[tilespmem:$0xF180] =	vst v63  }
0x35: {  	_ =	swait.ge [sflag:s22], $0x2800  }
0x36: {  	[sflag:s22] =	ssyncset.done $0x0  }
0x37: {  	[sflag:s22] =	ssyncadd.s32 $0xFFFFD800  }
0x38: {  	_ =	swait.ge [sflag:s22], $0x2800  }
0x39: {  	[sflag:s22] =	ssyncset.done $0x0  }
0x3a: {  	[sflag:s22] =	ssyncadd.s32 $0xFFFFD800  }
0x3b: {  	s5 =	simm.s32 $0x0;
	_ =	swait.ge [sflag:s22], $0x2800  }
0x3c: {  	s7 =	sand.u32 $0x3800, s5;
	s0 =	sand.u32 $0x300, s5;
	[sflag:s22] =	ssyncset.done $0x0  }
0x3d: {  	s31 =	sor.u32 s0, s7;
	[sflag:s22] =	ssyncadd.s32 $0xFFFFD800  }
0x3e: {  	v2 =	vld [tilespmem:s31+$0x80];
	_ =	sdelay $0x4  }
0x3f: {  	v3 =	vmul.f32 $1.500000000e+01, v2  }
0x40: {  	v4 =	vld [tilespmem:s31+$0x5080]  }
0x41: {  	v5 =	vld [tilespmem:s31+$0xA080];
	v3 =	vtrunc.f32 v3  }
0x42: {  	v3 =	vcvt.f32.s32 v3;
	_ =	sdelay $0x1  }
0x43: {  	v3 =	vshll.u32 v3, $0x4  }
0x44: {  	v3 =	vadd.s32 v1, v3  }
0x45: {  	vm0 =	veq.s32 v4, v5  }
0x46: {  	v4 =	vsel vm0, $0x3F800000, v0  }
0x47: {  	v2 =	vsub.f32 v2, v4;
	_ =	sdelay $0x1  }
0x48: {  	[tilespmem:v3+s23+$0x0] =	vst.idx.add.f32.msk $0xffff, v2  }
0x49: {  	v2 =	vld [tilespmem:s31+$0x90];
	_ =	sdelay $0x1  }
0x4a: {  	v3 =	vld [tilespmem:s31+$0x0];
	_ =	sdelay $0x2  }
0x4b: {  	v4 =	vmul.f32 $1.500000000e+01, v2  }
0x4c: {  	v5 =	vld [tilespmem:s31+$0x5090]  }
0x4d: {  	v6 =	vld [tilespmem:s31+$0xA090];
	v7 =	vmul.f32 $1.500000000e+01, v3;
	v4 =	vtrunc.f32 v4  }
0x4e: {  	v8 =	vld [tilespmem:s31+$0x5000];
	v4 =	vcvt.f32.s32 v4  }
0x4f: {  	v9 =	vld [tilespmem:s31+$0xA000];
	v7 =	vtrunc.f32 v7  }
0x50: {  	v7 =	vcvt.f32.s32 v7;
	v4 =	vshll.u32 v4, $0x4  }
0x51: {  	v4 =	vadd.s32 v1, v4  }
0x52: {  	vm10 =	veq.s32 v5, v6;
	v5 =	vshll.u32 v7, $0x4  }
0x53: {  	v6 =	vsel vm10, $0x3F800000, v0;
	v5 =	vadd.s32 v1, v5  }
0x54: {  	vm11 =	veq.s32 v8, v9;
	v2 =	vsub.f32 v2, v6  }
0x55: {  	v6 =	vsel vm11, $0x3F800000, v0  }
0x56: {  	[tilespmem:v4+s23+$0x0] =	vst.idx.add.f32.msk $0xffff, v2;
	v2 =	vsub.f32 v3, v6  }
0x57: {  	v3 =	vld [tilespmem:s31+$0xA0]  }
0x58: {  	[tilespmem:v5+s23+$0x0] =	vst.idx.add.f32.msk $0xffff, v2  }
0x59: {  	v2 =	vld [tilespmem:s31+$0x10];
	_ =	sdelay $0x2  }
0x5a: {  	v4 =	vmul.f32 $1.500000000e+01, v3  }
0x5b: {  	v6 =	vld [tilespmem:s31+$0xA0A0]  }
0x5c: {  	v5 =	vld [tilespmem:s31+$0x50A0];
	v4 =	vtrunc.f32 v4;
	v7 =	vmul.f32 $1.500000000e+01, v2  }
0x5d: {  	v8 =	vld [tilespmem:s31+$0x5010];
	v4 =	vcvt.f32.s32 v4  }
0x5e: {  	v9 =	vld [tilespmem:s31+$0xA010];
	v7 =	vtrunc.f32 v7  }
0x5f: {  	v4 =	vshll.u32 v4, $0x4;
	v7 =	vcvt.f32.s32 v7  }
0x60: {  	v4 =	vadd.s32 v1, v4  }
0x61: {  	vm12 =	veq.s32 v5, v6;
	v5 =	vshll.u32 v7, $0x4  }
0x62: {  	v6 =	vsel vm12, $0x3F800000, v0;
	v5 =	vadd.s32 v1, v5  }
0x63: {  	vm13 =	veq.s32 v8, v9;
	v3 =	vsub.f32 v3, v6  }
0x64: {  	v6 =	vsel vm13, $0x3F800000, v0  }
0x65: {  	v2 =	vsub.f32 v2, v6;
	[tilespmem:v4+s23+$0x0] =	vst.idx.add.f32.msk $0xffff, v3  }
0x66: {  	v3 =	vld [tilespmem:s31+$0xB0]  }
0x67: {  	[tilespmem:v5+s23+$0x0] =	vst.idx.add.f32.msk $0xffff, v2  }
0x68: {  	v2 =	vld [tilespmem:s31+$0x20];
	_ =	sdelay $0x2  }
0x69: {  	v4 =	vmul.f32 $1.500000000e+01, v3  }
0x6a: {  	v6 =	vld [tilespmem:s31+$0xA0B0]  }
0x6b: {  	v5 =	vld [tilespmem:s31+$0x50B0];
	v4 =	vtrunc.f32 v4;
	v7 =	vmul.f32 $1.500000000e+01, v2  }
0x6c: {  	v8 =	vld [tilespmem:s31+$0x5020];
	v4 =	vcvt.f32.s32 v4  }
0x6d: {  	v9 =	vld [tilespmem:s31+$0xA020];
	v7 =	vtrunc.f32 v7  }
0x6e: {  	v4 =	vshll.u32 v4, $0x4;
	v7 =	vcvt.f32.s32 v7  }
0x6f: {  	v4 =	vadd.s32 v1, v4  }
0x70: {  	vm14 =	veq.s32 v5, v6;
	v5 =	vshll.u32 v7, $0x4  }
0x71: {  	v6 =	vsel vm14, $0x3F800000, v0;
	v5 =	vadd.s32 v1, v5  }
0x72: {  	vm15 =	veq.s32 v8, v9;
	v3 =	vsub.f32 v3, v6  }
0x73: {  	v6 =	vsel vm15, $0x3F800000, v0  }
0x74: {  	v2 =	vsub.f32 v2, v6;
	[tilespmem:v4+s23+$0x0] =	vst.idx.add.f32.msk $0xffff, v3  }
0x75: {  	v3 =	vld [tilespmem:s31+$0xC0]  }
0x76: {  	[tilespmem:v5+s23+$0x0] =	vst.idx.add.f32.msk $0xffff, v2  }
0x77: {  	v2 =	vld [tilespmem:s31+$0x30];
	_ =	sdelay $0x2  }
0x78: {  	v4 =	vmul.f32 $1.500000000e+01, v3  }
0x79: {  	v6 =	vld [tilespmem:s31+$0xA0C0]  }
0x7a: {  	v5 =	vld [tilespmem:s31+$0x50C0];
	v4 =	vtrunc.f32 v4;
	v7 =	vmul.f32 $1.500000000e+01, v2  }
0x7b: {  	v8 =	vld [tilespmem:s31+$0x5030];
	v4 =	vcvt.f32.s32 v4  }
0x7c: {  	v9 =	vld [tilespmem:s31+$0xA030];
	v7 =	vtrunc.f32 v7  }
0x7d: {  	v4 =	vshll.u32 v4, $0x4;
	v7 =	vcvt.f32.s32 v7  }
0x7e: {  	v4 =	vadd.s32 v1, v4  }
0x7f: {  	vm4 =	veq.s32 v5, v6;
	v5 =	vshll.u32 v7, $0x4  }
0x80: {  	v6 =	vsel vm4, $0x3F800000, v0;
	v5 =	vadd.s32 v1, v5  }
0x81: {  	vm5 =	veq.s32 v8, v9;
	v3 =	vsub.f32 v3, v6  }
0x82: {  	v6 =	vsel vm5, $0x3F800000, v0  }
0x83: {  	v2 =	vsub.f32 v2, v6;
	[tilespmem:v4+s23+$0x0] =	vst.idx.add.f32.msk $0xffff, v3  }
0x84: {  	v3 =	vld [tilespmem:s31+$0xD0]  }
0x85: {  	[tilespmem:v5+s23+$0x0] =	vst.idx.add.f32.msk $0xffff, v2  }
0x86: {  	v2 =	vld [tilespmem:s31+$0x40];
	_ =	sdelay $0x2  }
0x87: {  	v4 =	vmul.f32 $1.500000000e+01, v3  }
0x88: {  	v6 =	vld [tilespmem:s31+$0xA0D0]  }
0x89: {  	v5 =	vld [tilespmem:s31+$0x50D0];
	v4 =	vtrunc.f32 v4;
	v7 =	vmul.f32 $1.500000000e+01, v2  }
0x8a: {  	v8 =	vld [tilespmem:s31+$0x5040];
	v4 =	vcvt.f32.s32 v4  }
0x8b: {  	v9 =	vld [tilespmem:s31+$0xA040];
	v7 =	vtrunc.f32 v7  }
0x8c: {  	v4 =	vshll.u32 v4, $0x4;
	v7 =	vcvt.f32.s32 v7  }
0x8d: {  	v4 =	vadd.s32 v1, v4  }
0x8e: {  	vm6 =	veq.s32 v5, v6;
	v5 =	vshll.u32 v7, $0x4  }
0x8f: {  	v6 =	vsel vm6, $0x3F800000, v0;
	v5 =	vadd.s32 v1, v5  }
0x90: {  	vm7 =	veq.s32 v8, v9;
	v3 =	vsub.f32 v3, v6  }
0x91: {  	v6 =	vsel vm7, $0x3F800000, v0  }
0x92: {  	v2 =	vsub.f32 v2, v6;
	[tilespmem:v4+s23+$0x0] =	vst.idx.add.f32.msk $0xffff, v3  }
0x93: {  	v3 =	vld [tilespmem:s31+$0xE0]  }
0x94: {  	[tilespmem:v5+s23+$0x0] =	vst.idx.add.f32.msk $0xffff, v2  }
0x95: {  	v2 =	vld [tilespmem:s31+$0x50];
	_ =	sdelay $0x2  }
0x96: {  	v4 =	vmul.f32 $1.500000000e+01, v3  }
0x97: {  	v6 =	vld [tilespmem:s31+$0xA0E0]  }
0x98: {  	v5 =	vld [tilespmem:s31+$0x50E0];
	v4 =	vtrunc.f32 v4;
	v7 =	vmul.f32 $1.500000000e+01, v2  }
0x99: {  	v8 =	vld [tilespmem:s31+$0x5050];
	v4 =	vcvt.f32.s32 v4  }
0x9a: {  	v9 =	vld [tilespmem:s31+$0xA050];
	v7 =	vtrunc.f32 v7  }
0x9b: {  	v4 =	vshll.u32 v4, $0x4;
	v7 =	vcvt.f32.s32 v7  }
0x9c: {  	v4 =	vadd.s32 v1, v4  }
0x9d: {  	vm8 =	veq.s32 v5, v6;
	v5 =	vshll.u32 v7, $0x4  }
0x9e: {  	v6 =	vsel vm8, $0x3F800000, v0;
	v5 =	vadd.s32 v1, v5  }
0x9f: {  	vm9 =	veq.s32 v8, v9;
	v3 =	vsub.f32 v3, v6  }
0xa0: {  	v6 =	vsel vm9, $0x3F800000, v0  }
0xa1: {  	v2 =	vsub.f32 v2, v6;
	[tilespmem:v4+s23+$0x0] =	vst.idx.add.f32.msk $0xffff, v3  }
0xa2: {  	s8 =	simm.s32 $0x100;
	s25 =	simm.s32 $0x200;
	v3 =	vld [tilespmem:s31+$0xF0]  }
0xa3: {  	s3 =	sand.u32 $0x3800, s25;
	s0 =	sand.u32 $0x300, s8;
	[tilespmem:v5+s23+$0x0] =	vst.idx.add.f32.msk $0xffff, v2  }
0xa4: {  	s0 =	sor.u32 s0, s3;
	v2 =	vld [tilespmem:s31+$0x60]  }
0xa5: {  	v9 =	vld [tilespmem:s0+$0x80]  }
0xa6: {  	v6 =	vld [tilespmem:s31+$0xA0F0]  }
0xa7: {  	v5 =	vld [tilespmem:s31+$0x50F0];
	v4 =	vmul.f32 $1.500000000e+01, v3  }
0xa8: {  	v7 =	vld [tilespmem:s31+$0x5060]  }
0xa9: {  	v10 =	vld [tilespmem:s31+$0xA060];
	v4 =	vtrunc.f32 v4;
	v8 =	vmul.f32 $1.500000000e+01, v2  }
0xaa: {  	v11 =	vld [tilespmem:s0+$0x0];
	v4 =	vcvt.f32.s32 v4  }
0xab: {  	v8 =	vtrunc.f32 v8  }
0xac: {  	v4 =	vshll.u32 v4, $0x4;
	v8 =	vcvt.f32.s32 v8  }
0xad: {  	v13 =	vmul.f32 $1.500000000e+01, v9;
	v4 =	vadd.s32 v1, v4  }
0xae: {  	v12 =	vld [tilespmem:s0+$0x5080];
	vm10 =	veq.s32 v5, v6;
	vm11 =	veq.s32 v7, v10;
	v5 =	vshll.u32 v8, $0x4  }
0xaf: {  	v6 =	vld [tilespmem:s0+$0x5000];
	v10 =	vmul.f32 $1.500000000e+01, v11;
	v8 =	vsel vm10, $0x3F800000, v0;
	v5 =	vadd.s32 v1, v5  }
0xb0: {  	v7 =	vld [tilespmem:s0+$0xA080];
	v3 =	vsub.f32 v3, v8;
	v8 =	vsel vm11, $0x3F800000, v0  }
0xb1: {  	v13 =	vtrunc.f32 v13;
	v2 =	vsub.f32 v2, v8;
	v8 =	vtrunc.f32 v10;
	v10 =	vld [tilespmem:s0+$0xA000]  }
0xb2: {  	[tilespmem:v4+s23+$0x0] =	vst.idx.add.f32.msk $0xffff, v3;
	v3 =	vcvt.f32.s32 v13  }
0xb3: {  	v4 =	vld [tilespmem:s31+$0x480]  }
0xb4: {  	[tilespmem:v5+s23+$0x0] =	vst.idx.add.f32.msk $0xffff, v2;
	v2 =	vcvt.f32.s32 v8;
	v3 =	vshll.u32 v3, $0x4  }
0xb5: {  	v5 =	vld [tilespmem:s31+$0x70];
	v3 =	vadd.s32 v1, v3  }
0xb6: {  	vm12 =	veq.s32 v12, v7;
	v13 =	vld [tilespmem:s31+$0x5480];
	v2 =	vshll.u32 v2, $0x4  }
0xb7: {  	v12 =	vsel vm12, $0x3F800000, v0;
	v8 =	vld [tilespmem:s31+$0x5070];
	v2 =	vadd.s32 v1, v2  }
0xb8: {  	v7 =	vld [tilespmem:s31+$0xA070];
	vm13 =	veq.s32 v6, v10;
	v6 =	vsub.f32 v9, v12;
	v14 =	vmul.f32 $1.500000000e+01, v4  }
0xb9: {  	v9 =	vld [tilespmem:s31+$0xA480];
	v10 =	vsel vm13, $0x3F800000, v0  }
0xba: {  	v10 =	vsub.f32 v11, v10;
	v12 =	vmul.f32 $1.500000000e+01, v5;
	v14 =	vtrunc.f32 v14;
	[tilespmem:v3+s23+$0x0] =	vst.idx.add.f32.msk $0xffff, v6  }
0xbb: {  	v3 =	vcvt.f32.s32 v14;
	v6 =	vld [tilespmem:s0+$0x90]  }
0xbc: {  	v11 =	vtrunc.f32 v12;
	[tilespmem:v2+s23+$0x0] =	vst.idx.add.f32.msk $0xffff, v10  }
0xbd: {  	v2 =	vcvt.f32.s32 v11;
	v3 =	vshll.u32 v3, $0x4;
	v10 =	vld [tilespmem:s0+$0x10]  }
0xbe: {  	v3 =	vadd.s32 v1, v3  }
0xbf: {  	vm14 =	veq.s32 v13, v9;
	vm15 =	veq.s32 v8, v7;
	v7 =	vld [tilespmem:s0+$0x5090];
	v2 =	vshll.u32 v2, $0x4  }
0xc0: {  	v12 =	vsel vm14, $0x3F800000, v0;
	v11 =	vld [tilespmem:s0+$0x5010];
	v2 =	vadd.s32 v1, v2;
	v13 =	vmul.f32 $1.500000000e+01, v6  }
0xc1: {  	v9 =	vld [tilespmem:s0+$0xA010];
	v4 =	vsub.f32 v4, v12  }
0xc2: {  	v8 =	vsel vm15, $0x3F800000, v0;
	v12 =	vld [tilespmem:s0+$0xA090];
	v14 =	vmul.f32 $1.500000000e+01, v10;
	v13 =	vtrunc.f32 v13  }
0xc3: {  	v5 =	vsub.f32 v5, v8;
	[tilespmem:v3+s23+$0x0] =	vst.idx.add.f32.msk $0xffff, v4;
	v3 =	vcvt.f32.s32 v13  }
0xc4: {  	v4 =	vld [tilespmem:s31+$0x490];
	v8 =	vtrunc.f32 v14  }
0xc5: {  	[tilespmem:v2+s23+$0x0] =	vst.idx.add.f32.msk $0xffff, v5;
	v2 =	vcvt.f32.s32 v8;
	v3 =	vshll.u32 v3, $0x4  }
0xc6: {  	v5 =	vld [tilespmem:s31+$0x400];
	v3 =	vadd.s32 v1, v3  }
0xc7: {  	vm4 =	veq.s32 v7, v12;
	vm5 =	veq.s32 v11, v9;
	v11 =	vld [tilespmem:s31+$0x5490];
	v2 =	vshll.u32 v2, $0x4  }
0xc8: {  	v12 =	vsel vm4, $0x3F800000, v0;
	v13 =	vld [tilespmem:s31+$0xA490];
	v2 =	vadd.s32 v1, v2  }
0xc9: {  	v6 =	vsub.f32 v6, v12;
	v8 =	vld [tilespmem:s31+$0x5400];
	v9 =	vmul.f32 $1.500000000e+01, v4  }
0xca: {  	v12 =	vsel vm5, $0x3F800000, v0;
	v7 =	vld [tilespmem:s31+$0xA400]  }
0xcb: {  	v10 =	vsub.f32 v10, v12;
	v14 =	vmul.f32 $1.500000000e+01, v5;
	v9 =	vtrunc.f32 v9;
	[tilespmem:v3+s23+$0x0] =	vst.idx.add.f32.msk $0xffff, v6  }
0xcc: {  	v3 =	vcvt.f32.s32 v9;
	v6 =	vld [tilespmem:s0+$0xA0]  }
0xcd: {  	v9 =	vtrunc.f32 v14;
	[tilespmem:v2+s23+$0x0] =	vst.idx.add.f32.msk $0xffff, v10  }
0xce: {  	v2 =	vcvt.f32.s32 v9;
	v3 =	vshll.u32 v3, $0x4;
	v9 =	vld [tilespmem:s0+$0x20]  }
0xcf: {  	vm6 =	veq.s32 v11, v13;
	v3 =	vadd.s32 v1, v3  }
0xd0: {  	v12 =	vsel vm6, $0x3F800000, v0;
	vm7 =	veq.s32 v8, v7;
	v7 =	vld [tilespmem:s0+$0x50A0];
	v2 =	vshll.u32 v2, $0x4  }
0xd1: {  	v4 =	vsub.f32 v4, v12;
	v12 =	vld [tilespmem:s0+$0xA0A0];
	v2 =	vadd.s32 v1, v2;
	v13 =	vmul.f32 $1.500000000e+01, v6  }
0xd2: {  	v10 =	vld [tilespmem:s0+$0x5020]  }
0xd3: {  	v8 =	vsel vm7, $0x3F800000, v0;
	v11 =	vld [tilespmem:s0+$0xA020];
	v14 =	vmul.f32 $1.500000000e+01, v9;
	v13 =	vtrunc.f32 v13  }
0xd4: {  	v5 =	vsub.f32 v5, v8;
	[tilespmem:v3+s23+$0x0] =	vst.idx.add.f32.msk $0xffff, v4;
	v3 =	vcvt.f32.s32 v13  }
0xd5: {  	v4 =	vld [tilespmem:s31+$0x4A0];
	v8 =	vtrunc.f32 v14  }
0xd6: {  	[tilespmem:v2+s23+$0x0] =	vst.idx.add.f32.msk $0xffff, v5;
	v2 =	vcvt.f32.s32 v8;
	v3 =	vshll.u32 v3, $0x4  }
0xd7: {  	v5 =	vld [tilespmem:s31+$0x410];
	v3 =	vadd.s32 v1, v3  }
0xd8: {  	vm8 =	veq.s32 v7, v12;
	vm9 =	veq.s32 v10, v11;
	v11 =	vld [tilespmem:s31+$0x54A0];
	v2 =	vshll.u32 v2, $0x4  }
0xd9: {  	v12 =	vsel vm8, $0x3F800000, v0;
	v13 =	vld [tilespmem:s31+$0xA4A0];
	v2 =	vadd.s32 v1, v2  }
0xda: {  	v6 =	vsub.f32 v6, v12;
	v8 =	vld [tilespmem:s31+$0x5410];
	v10 =	vmul.f32 $1.500000000e+01, v4  }
0xdb: {  	v12 =	vsel vm9, $0x3F800000, v0;
	v7 =	vld [tilespmem:s31+$0xA410]  }
0xdc: {  	v9 =	vsub.f32 v9, v12;
	v12 =	vmul.f32 $1.500000000e+01, v5;
	v10 =	vtrunc.f32 v10;
	[tilespmem:v3+s23+$0x0] =	vst.idx.add.f32.msk $0xffff, v6  }
0xdd: {  	v3 =	vcvt.f32.s32 v10;
	v6 =	vld [tilespmem:s0+$0xB0]  }
0xde: {  	v10 =	vtrunc.f32 v12;
	[tilespmem:v2+s23+$0x0] =	vst.idx.add.f32.msk $0xffff, v9  }
0xdf: {  	v2 =	vcvt.f32.s32 v10;
	v3 =	vshll.u32 v3, $0x4;
	v9 =	vld [tilespmem:s0+$0x30]  }
0xe0: {  	v3 =	vadd.s32 v1, v3  }
0xe1: {  	vm10 =	veq.s32 v11, v13;
	vm11 =	veq.s32 v8, v7;
	v7 =	vld [tilespmem:s0+$0x50B0];
	v2 =	vshll.u32 v2, $0x4  }
0xe2: {  	v12 =	vsel vm10, $0x3F800000, v0;
	v10 =	vld [tilespmem:s0+$0x5030];
	v2 =	vadd.s32 v1, v2;
	v13 =	vmul.f32 $1.500000000e+01, v6  }
0xe3: {  	v11 =	vld [tilespmem:s0+$0xA030];
	v4 =	vsub.f32 v4, v12  }
0xe4: {  	v8 =	vsel vm11, $0x3F800000, v0;
	v12 =	vld [tilespmem:s0+$0xA0B0];
	v14 =	vmul.f32 $1.500000000e+01, v9;
	v13 =	vtrunc.f32 v13  }
0xe5: {  	v5 =	vsub.f32 v5, v8;
	[tilespmem:v3+s23+$0x0] =	vst.idx.add.f32.msk $0xffff, v4;
	v3 =	vcvt.f32.s32 v13  }
0xe6: {  	v4 =	vld [tilespmem:s31+$0x4B0];
	v8 =	vtrunc.f32 v14  }
0xe7: {  	[tilespmem:v2+s23+$0x0] =	vst.idx.add.f32.msk $0xffff, v5;
	v2 =	vcvt.f32.s32 v8;
	v3 =	vshll.u32 v3, $0x4  }
0xe8: {  	v5 =	vld [tilespmem:s31+$0x420];
	v3 =	vadd.s32 v1, v3  }
0xe9: {  	vm12 =	veq.s32 v7, v12;
	vm13 =	veq.s32 v10, v11;
	v11 =	vld [tilespmem:s31+$0x54B0];
	v2 =	vshll.u32 v2, $0x4  }
0xea: {  	v12 =	vsel vm12, $0x3F800000, v0;
	v13 =	vld [tilespmem:s31+$0xA4B0];
	v2 =	vadd.s32 v1, v2  }
0xeb: {  	v6 =	vsub.f32 v6, v12;
	v8 =	vld [tilespmem:s31+$0x5420];
	v10 =	vmul.f32 $1.500000000e+01, v4  }
0xec: {  	v12 =	vsel vm13, $0x3F800000, v0;
	v7 =	vld [tilespmem:s31+$0xA420]  }
0xed: {  	v9 =	vsub.f32 v9, v12;
	v12 =	vmul.f32 $1.500000000e+01, v5;
	v10 =	vtrunc.f32 v10;
	[tilespmem:v3+s23+$0x0] =	vst.idx.add.f32.msk $0xffff, v6  }
0xee: {  	v3 =	vcvt.f32.s32 v10;
	v6 =	vld [tilespmem:s0+$0xC0]  }
0xef: {  	v10 =	vtrunc.f32 v12;
	[tilespmem:v2+s23+$0x0] =	vst.idx.add.f32.msk $0xffff, v9  }
0xf0: {  	v2 =	vcvt.f32.s32 v10;
	v3 =	vshll.u32 v3, $0x4;
	v9 =	vld [tilespmem:s0+$0x40]  }
0xf1: {  	v3 =	vadd.s32 v1, v3  }
0xf2: {  	vm14 =	veq.s32 v11, v13;
	vm15 =	veq.s32 v8, v7;
	v7 =	vld [tilespmem:s0+$0x50C0];
	v2 =	vshll.u32 v2, $0x4  }
0xf3: {  	v12 =	vsel vm14, $0x3F800000, v0;
	v10 =	vld [tilespmem:s0+$0x5040];
	v2 =	vadd.s32 v1, v2;
	v13 =	vmul.f32 $1.500000000e+01, v6  }
0xf4: {  	v11 =	vld [tilespmem:s0+$0xA040];
	v4 =	vsub.f32 v4, v12  }
0xf5: {  	v8 =	vsel vm15, $0x3F800000, v0;
	v12 =	vld [tilespmem:s0+$0xA0C0];
	v14 =	vmul.f32 $1.500000000e+01, v9;
	v13 =	vtrunc.f32 v13  }
0xf6: {  	v5 =	vsub.f32 v5, v8;
	[tilespmem:v3+s23+$0x0] =	vst.idx.add.f32.msk $0xffff, v4;
	v3 =	vcvt.f32.s32 v13  }
0xf7: {  	v4 =	vld [tilespmem:s31+$0x4C0];
	v8 =	vtrunc.f32 v14  }
0xf8: {  	[tilespmem:v2+s23+$0x0] =	vst.idx.add.f32.msk $0xffff, v5;
	v2 =	vcvt.f32.s32 v8;
	v3 =	vshll.u32 v3, $0x4  }
0xf9: {  	v5 =	vld [tilespmem:s31+$0x430];
	v3 =	vadd.s32 v1, v3  }
0xfa: {  	vm4 =	veq.s32 v7, v12;
	vm5 =	veq.s32 v10, v11;
	v11 =	vld [tilespmem:s31+$0x54C0];
	v2 =	vshll.u32 v2, $0x4  }
0xfb: {  	v12 =	vsel vm4, $0x3F800000, v0;
	v13 =	vld [tilespmem:s31+$0xA4C0];
	v2 =	vadd.s32 v1, v2  }
0xfc: {  	v6 =	vsub.f32 v6, v12;
	v8 =	vld [tilespmem:s31+$0x5430];
	v10 =	vmul.f32 $1.500000000e+01, v4  }
0xfd: {  	v12 =	vsel vm5, $0x3F800000, v0;
	v7 =	vld [tilespmem:s31+$0xA430]  }
0xfe: {  	v9 =	vsub.f32 v9, v12;
	v12 =	vmul.f32 $1.500000000e+01, v5;
	v10 =	vtrunc.f32 v10;
	[tilespmem:v3+s23+$0x0] =	vst.idx.add.f32.msk $0xffff, v6  }
0xff: {  	v3 =	vcvt.f32.s32 v10;
	v6 =	vld [tilespmem:s0+$0xD0]  }
0x100: {  	v10 =	vtrunc.f32 v12;
	[tilespmem:v2+s23+$0x0] =	vst.idx.add.f32.msk $0xffff, v9  }
0x101: {  	v2 =	vcvt.f32.s32 v10;
	v3 =	vshll.u32 v3, $0x4;
	v9 =	vld [tilespmem:s0+$0x50]  }
0x102: {  	v3 =	vadd.s32 v1, v3  }
0x103: {  	vm6 =	veq.s32 v11, v13;
	vm7 =	veq.s32 v8, v7;
	v7 =	vld [tilespmem:s0+$0x50D0];
	v2 =	vshll.u32 v2, $0x4  }
0x104: {  	v12 =	vsel vm6, $0x3F800000, v0;
	v10 =	vld [tilespmem:s0+$0x5050];
	v2 =	vadd.s32 v1, v2;
	v13 =	vmul.f32 $1.500000000e+01, v6  }
0x105: {  	v11 =	vld [tilespmem:s0+$0xA050];
	v4 =	vsub.f32 v4, v12  }
0x106: {  	v8 =	vsel vm7, $0x3F800000, v0;
	v12 =	vld [tilespmem:s0+$0xA0D0];
	v14 =	vmul.f32 $1.500000000e+01, v9;
	v13 =	vtrunc.f32 v13  }
0x107: {  	v5 =	vsub.f32 v5, v8;
	[tilespmem:v3+s23+$0x0] =	vst.idx.add.f32.msk $0xffff, v4;
	v3 =	vcvt.f32.s32 v13  }
0x108: {  	v4 =	vld [tilespmem:s31+$0x4D0];
	v8 =	vtrunc.f32 v14  }
0x109: {  	[tilespmem:v2+s23+$0x0] =	vst.idx.add.f32.msk $0xffff, v5;
	v2 =	vcvt.f32.s32 v8;
	v3 =	vshll.u32 v3, $0x4  }
0x10a: {  	v5 =	vld [tilespmem:s31+$0x440];
	v3 =	vadd.s32 v1, v3  }
0x10b: {  	vm8 =	veq.s32 v7, v12;
	vm9 =	veq.s32 v10, v11;
	v11 =	vld [tilespmem:s31+$0x54D0];
	v2 =	vshll.u32 v2, $0x4  }
0x10c: {  	v12 =	vsel vm8, $0x3F800000, v0;
	v13 =	vld [tilespmem:s31+$0xA4D0];
	v2 =	vadd.s32 v1, v2  }
0x10d: {  	v6 =	vsub.f32 v6, v12;
	v8 =	vld [tilespmem:s31+$0x5440];
	v10 =	vmul.f32 $1.500000000e+01, v4  }
0x10e: {  	v12 =	vsel vm9, $0x3F800000, v0;
	v7 =	vld [tilespmem:s31+$0xA440]  }
0x10f: {  	v9 =	vsub.f32 v9, v12;
	v12 =	vmul.f32 $1.500000000e+01, v5;
	v10 =	vtrunc.f32 v10;
	[tilespmem:v3+s23+$0x0] =	vst.idx.add.f32.msk $0xffff, v6  }
0x110: {  	v3 =	vcvt.f32.s32 v10;
	v6 =	vld [tilespmem:s0+$0xE0]  }
0x111: {  	v10 =	vtrunc.f32 v12;
	[tilespmem:v2+s23+$0x0] =	vst.idx.add.f32.msk $0xffff, v9  }
0x112: {  	v2 =	vcvt.f32.s32 v10;
	v3 =	vshll.u32 v3, $0x4;
	v9 =	vld [tilespmem:s0+$0x60]  }
0x113: {  	v3 =	vadd.s32 v1, v3  }
0x114: {  	vm10 =	veq.s32 v11, v13;
	vm11 =	veq.s32 v8, v7;
	v7 =	vld [tilespmem:s0+$0x50E0];
	v2 =	vshll.u32 v2, $0x4  }
0x115: {  	v12 =	vsel vm10, $0x3F800000, v0;
	v10 =	vld [tilespmem:s0+$0x5060];
	v2 =	vadd.s32 v1, v2  }
0x116: {  	v11 =	vld [tilespmem:s0+$0xA060];
	v4 =	vsub.f32 v4, v12;
	v13 =	vmul.f32 $1.500000000e+01, v6  }
0x117: {  	v8 =	vsel vm11, $0x3F800000, v0;
	v12 =	vld [tilespmem:s0+$0xA0E0];
	v14 =	vmul.f32 $1.500000000e+01, v9  }
0x118: {  	v5 =	vsub.f32 v5, v8;
	v13 =	vtrunc.f32 v13;
	[tilespmem:v3+s23+$0x0] =	vst.idx.add.f32.msk $0xffff, v4  }
0x119: {  	v3 =	vcvt.f32.s32 v13;
	v13 =	vld [tilespmem:s31+$0x4E0];
	v4 =	vtrunc.f32 v14  }
0x11a: {  	[tilespmem:v2+s23+$0x0] =	vst.idx.add.f32.msk $0xffff, v5;
	v2 =	vcvt.f32.s32 v4  }
0x11b: {  	v3 =	vshll.u32 v3, $0x4  }
0x11c: {  	vm12 =	veq.s32 v7, v12;
	v4 =	vld [tilespmem:s31+$0x450];
	v3 =	vadd.s32 v1, v3;
	v2 =	vshll.u32 v2, $0x4  }
0x11d: {  	vm13 =	veq.s32 v10, v11;
	v8 =	vsel vm12, $0x3F800000, v0;
	v5 =	vld [tilespmem:s31+$0x5450];
	v2 =	vadd.s32 v1, v2  }
0x11e: {  	v6 =	vsub.f32 v6, v8;
	v8 =	vsel vm13, $0x3F800000, v0;
	v7 =	vld [tilespmem:s31+$0xA450]  }
0x11f: {  	v10 =	vld [tilespmem:s31+$0x54E0];
	v8 =	vsub.f32 v9, v8;
	v9 =	vmul.f32 $1.500000000e+01, v13  }
0x120: {  	v11 =	vld [tilespmem:s31+$0xA4E0]  }
0x121: {  	[tilespmem:v3+s23+$0x0] =	vst.idx.add.f32.msk $0xffff, v6;
	v9 =	vtrunc.f32 v9  }
0x122: {  	[tilespmem:v2+s23+$0x0] =	vst.idx.add.f32.msk $0xffff, v8;
	v2 =	vcvt.f32.s32 v9  }
0x123: {  	v3 =	vmul.f32 $1.500000000e+01, v4;
	vm14 =	veq.s32 v5, v7;
	v6 =	vld [tilespmem:s0+$0xF0]  }
0x124: {  	v5 =	vsel vm14, $0x3F800000, v0;
	v9 =	vshll.u32 v2, $0x4  }
0x125: {  	v3 =	vtrunc.f32 v3;
	v7 =	vld [tilespmem:s0+$0x70];
	v2 =	vsub.f32 v4, v5;
	v4 =	vadd.s32 v1, v9  }
0x126: {  	vm15 =	veq.s32 v10, v11;
	v3 =	vcvt.f32.s32 v3;
	v8 =	vld [tilespmem:s0+$0x5070]  }
0x127: {  	v10 =	vld [tilespmem:s0+$0xA070];
	v5 =	vsel vm15, $0x3F800000, v0  }
0x128: {  	v11 =	vld [tilespmem:s0+$0xA0F0];
	v3 =	vshll.u32 v3, $0x4;
	v5 =	vsub.f32 v13, v5;
	v12 =	vmul.f32 $1.500000000e+01, v6  }
0x129: {  	s25 =	simm.s32 $0x200;
	s5 =	simm.s32 $0x400;
	s3 =	simm.s32 $0x2;
	v9 =	vld [tilespmem:s0+$0x50F0];
	v3 =	vadd.s32 v1, v3  }
.LBB2_3:
0x12a: {  	s7 =	sand.u32 $0x3800, s5;
	s8 =	sand.u32 $0x300, s25;
	s3 =	sadd.s32 $0x2, s3;
	v13 =	vmul.f32 $1.500000000e+01, v7;
	v12 =	vtrunc.f32 v12;
	[tilespmem:v4+s23+$0x0] =	vst.idx.add.f32.msk $0xffff, v5  }
0x12b: {  	s7 =	sor.u32 s8, s7;
	p0 =	slt.u32 s3, $0x26;
	v4 =	vcvt.f32.s32 v12;
	v5 =	vld [tilespmem:s31+$0x4F0]  }
0x12c: {  	v12 =	vld [tilespmem:s7+$0x80];
	v13 =	vtrunc.f32 v13;
	vm0 =	veq.s32 v8, v10  }
0x12d: {  	v8 =	vld [tilespmem:s7+$0x0];
	v10 =	vcvt.f32.s32 v13;
	v13 =	vsel vm0, $0x3F800000, v0;
	v4 =	vshll.u32 v4, $0x4  }
0x12e: {  	v14 =	vld [tilespmem:s7+$0x5000];
	v7 =	vsub.f32 v7, v13;
	v4 =	vadd.s32 v1, v4  }
0x12f: {  	vm0 =	veq.s32 v9, v11;
	v13 =	vld [tilespmem:s7+$0x5080];
	v10 =	vshll.u32 v10, $0x4  }
0x130: {  	v11 =	vsel vm0, $0x3F800000, v0;
	v9 =	vld [tilespmem:s7+$0xA080];
	v10 =	vadd.s32 v1, v10;
	v15 =	vmul.f32 $1.500000000e+01, v5  }
0x131: {  	v6 =	vsub.f32 v6, v11;
	v16 =	vmul.f32 $1.500000000e+01, v12;
	v11 =	vld [tilespmem:s31+$0x54F0]  }
0x132: {  	v17 =	vmul.f32 $1.500000000e+01, v8;
	v18 =	vld [tilespmem:s31+$0xA4F0];
	v15 =	vtrunc.f32 v15  }
0x133: {  	v16 =	vtrunc.f32 v16;
	[tilespmem:v4+s23+$0x0] =	vst.idx.add.f32.msk $0xffff, v6;
	v4 =	vcvt.f32.s32 v15  }
0x134: {  	v6 =	vtrunc.f32 v17;
	v15 =	vcvt.f32.s32 v16;
	v16 =	vld [tilespmem:s0+$0x480]  }
0x135: {  	v17 =	vld [tilespmem:s7+$0xA000];
	v6 =	vcvt.f32.s32 v6;
	v4 =	vshll.u32 v4, $0x4  }
0x136: {  	v15 =	vshll.u32 v15, $0x4;
	[tilespmem:v10+s23+$0x0] =	vst.idx.add.f32.msk $0xffff, v7;
	v4 =	vadd.s32 v1, v4  }
0x137: {  	v6 =	vshll.u32 v6, $0x4;
	v7 =	vadd.s32 v1, v15;
	v10 =	vld [tilespmem:s0+$0x400];
	vm0 =	veq.s32 v11, v18  }
0x138: {  	vm1 =	veq.s32 v13, v9;
	v6 =	vadd.s32 v1, v6;
	v9 =	vld [tilespmem:s0+$0x5400];
	v11 =	vsel vm0, $0x3F800000, v0  }
0x139: {  	v13 =	vsel vm1, $0x3F800000, v0;
	v15 =	vld [tilespmem:s0+$0x5480];
	v18 =	vmul.f32 $1.500000000e+01, v16;
	v5 =	vsub.f32 v5, v11  }
0x13a: {  	v11 =	vsub.f32 v12, v13;
	vm0 =	veq.s32 v14, v17;
	v12 =	vld [tilespmem:s0+$0xA480]  }
0x13b: {  	v13 =	vsel vm0, $0x3F800000, v0;
	v14 =	vtrunc.f32 v18;
	[tilespmem:v4+s23+$0x0] =	vst.idx.add.f32.msk $0xffff, v5  }
0x13c: {  	v4 =	vsub.f32 v8, v13;
	[tilespmem:v7+s23+$0x0] =	vst.idx.add.f32.msk $0xffff, v11;
	v5 =	vmul.f32 $1.500000000e+01, v10;
	v7 =	vcvt.f32.s32 v14  }
0x13d: {  	v8 =	vld [tilespmem:s7+$0x90]  }
0x13e: {  	[tilespmem:v6+s23+$0x0] =	vst.idx.add.f32.msk $0xffff, v4;
	v4 =	vtrunc.f32 v5;
	v5 =	vshll.u32 v7, $0x4  }
0x13f: {  	v6 =	vld [tilespmem:s7+$0x10];
	v4 =	vcvt.f32.s32 v4;
	v5 =	vadd.s32 v1, v5  }
0x140: {  	vm0 =	veq.s32 v15, v12;
	v7 =	vld [tilespmem:s7+$0x5010]  }
0x141: {  	v12 =	vsel vm0, $0x3F800000, v0;
	v11 =	vld [tilespmem:s7+$0xA010];
	v4 =	vshll.u32 v4, $0x4  }
0x142: {  	v12 =	vsub.f32 v16, v12;
	v13 =	vld [tilespmem:s7+$0x5090];
	v14 =	vmul.f32 $1.500000000e+01, v8;
	v4 =	vadd.s32 v1, v4  }
0x143: {  	v15 =	vld [tilespmem:s7+$0xA090]  }
0x144: {  	v16 =	vmul.f32 $1.500000000e+01, v6;
	v14 =	vtrunc.f32 v14;
	[tilespmem:v5+s23+$0x0] =	vst.idx.add.f32.msk $0xffff, v12  }
0x145: {  	v5 =	vcvt.f32.s32 v14;
	v12 =	vld [tilespmem:s0+$0x490]  }
0x146: {  	v14 =	vtrunc.f32 v16;
	vm0 =	veq.s32 v7, v11;
	v7 =	vld [tilespmem:s0+$0xA400]  }
0x147: {  	v11 =	vcvt.f32.s32 v14;
	v14 =	vsel vm0, $0x3F800000, v0;
	v5 =	vshll.u32 v5, $0x4;
	[tilespmem:v3+s23+$0x0] =	vst.idx.add.f32.msk $0xffff, v2  }
0x148: {  	v2 =	vsub.f32 v6, v14;
	v3 =	vadd.s32 v1, v5;
	v5 =	vld [tilespmem:s31+$0x460]  }
0x149: {  	vm0 =	veq.s32 v13, v15;
	v6 =	vshll.u32 v11, $0x4;
	v11 =	vld [tilespmem:s31+$0x5460]  }
0x14a: {  	v13 =	vsel vm0, $0x3F800000, v0;
	v6 =	vadd.s32 v1, v6;
	v14 =	vmul.f32 $1.500000000e+01, v12;
	v15 =	vld [tilespmem:s31+$0xA460]  }
0x14b: {  	v8 =	vsub.f32 v8, v13;
	vm0 =	veq.s32 v9, v7;
	v7 =	vld [tilespmem:s0+$0x5490]  }
0x14c: {  	v9 =	vsel vm0, $0x3F800000, v0;
	v13 =	vld [tilespmem:s0+$0xA490];
	v14 =	vtrunc.f32 v14  }
0x14d: {  	[tilespmem:v3+s23+$0x0] =	vst.idx.add.f32.msk $0xffff, v8;
	v3 =	vsub.f32 v10, v9;
	v8 =	vcvt.f32.s32 v14;
	v9 =	vmul.f32 $1.500000000e+01, v5  }
0x14e: {  	v10 =	vld [tilespmem:s7+$0xA0]  }
0x14f: {  	[tilespmem:v6+s23+$0x0] =	vst.idx.add.f32.msk $0xffff, v2;
	v2 =	vshll.u32 v8, $0x4;
	v6 =	vtrunc.f32 v9;
	vm0 =	veq.s32 v11, v15  }
0x150: {  	v8 =	vld [tilespmem:s7+$0x20];
	v2 =	vadd.s32 v1, v2;
	v6 =	vcvt.f32.s32 v6;
	v9 =	vsel vm0, $0x3F800000, v0  }
0x151: {  	v11 =	vld [tilespmem:s7+$0x5020];
	vm0 =	veq.s32 v7, v13;
	v5 =	vsub.f32 v5, v9  }
0x152: {  	v7 =	vld [tilespmem:s7+$0xA020];
	v9 =	vsel vm0, $0x3F800000, v0;
	v6 =	vshll.u32 v6, $0x4  }
0x153: {  	v13 =	vld [tilespmem:s7+$0x50A0];
	v14 =	vmul.f32 $1.500000000e+01, v10;
	v9 =	vsub.f32 v12, v9;
	v6 =	vadd.s32 v1, v6  }
0x154: {  	v12 =	vld [tilespmem:s7+$0xA0A0]  }
0x155: {  	v15 =	vmul.f32 $1.500000000e+01, v8;
	v14 =	vtrunc.f32 v14;
	[tilespmem:v2+s23+$0x0] =	vst.idx.add.f32.msk $0xffff, v9  }
0x156: {  	v2 =	vcvt.f32.s32 v14;
	v9 =	vld [tilespmem:s0+$0x4A0]  }
0x157: {  	v14 =	vtrunc.f32 v15;
	vm0 =	veq.s32 v11, v7;
	[tilespmem:v4+s23+$0x0] =	vst.idx.add.f32.msk $0xffff, v3  }
0x158: {  	v3 =	vcvt.f32.s32 v14;
	v4 =	vsel vm0, $0x3F800000, v0;
	v2 =	vshll.u32 v2, $0x4;
	v7 =	vld [tilespmem:s0+$0x410]  }
0x159: {  	v4 =	vsub.f32 v8, v4;
	v2 =	vadd.s32 v1, v2;
	v8 =	vld [tilespmem:s0+$0x5410]  }
0x15a: {  	vm0 =	veq.s32 v13, v12;
	v3 =	vshll.u32 v3, $0x4;
	v11 =	vld [tilespmem:s0+$0xA410]  }
0x15b: {  	v12 =	vsel vm0, $0x3F800000, v0;
	v3 =	vadd.s32 v1, v3;
	v13 =	vmul.f32 $1.500000000e+01, v9;
	[tilespmem:v6+s23+$0x0] =	vst.idx.add.f32.msk $0xffff, v5  }
0x15c: {  	v5 =	vsub.f32 v10, v12;
	v6 =	vld [tilespmem:s0+$0x54A0]  }
0x15d: {  	v10 =	vmul.f32 $1.500000000e+01, v7;
	v12 =	vld [tilespmem:s0+$0xA4A0];
	v13 =	vtrunc.f32 v13  }
0x15e: {  	[tilespmem:v2+s23+$0x0] =	vst.idx.add.f32.msk $0xffff, v5;
	v2 =	vcvt.f32.s32 v13  }
0x15f: {  	v5 =	vld [tilespmem:s7+$0xB0];
	v10 =	vtrunc.f32 v10;
	vm0 =	veq.s32 v8, v11  }
0x160: {  	[tilespmem:v3+s23+$0x0] =	vst.idx.add.f32.msk $0xffff, v4;
	v3 =	vcvt.f32.s32 v10;
	v4 =	vsel vm0, $0x3F800000, v0;
	v2 =	vshll.u32 v2, $0x4  }
0x161: {  	v8 =	vld [tilespmem:s7+$0x30];
	v4 =	vsub.f32 v7, v4;
	v2 =	vadd.s32 v1, v2  }
0x162: {  	v7 =	vld [tilespmem:s7+$0x5030];
	v3 =	vshll.u32 v3, $0x4;
	vm0 =	veq.s32 v6, v12  }
0x163: {  	v6 =	vld [tilespmem:s7+$0xA030];
	v3 =	vadd.s32 v1, v3;
	v10 =	vsel vm0, $0x3F800000, v0  }
0x164: {  	v11 =	vld [tilespmem:s7+$0x50B0];
	v12 =	vmul.f32 $1.500000000e+01, v5;
	v9 =	vsub.f32 v9, v10  }
0x165: {  	v10 =	vld [tilespmem:s7+$0xA0B0]  }
0x166: {  	v13 =	vmul.f32 $1.500000000e+01, v8;
	v12 =	vtrunc.f32 v12;
	[tilespmem:v2+s23+$0x0] =	vst.idx.add.f32.msk $0xffff, v9  }
0x167: {  	v2 =	vcvt.f32.s32 v12;
	v9 =	vld [tilespmem:s0+$0x4B0]  }
0x168: {  	v12 =	vtrunc.f32 v13;
	vm0 =	veq.s32 v7, v6;
	[tilespmem:v3+s23+$0x0] =	vst.idx.add.f32.msk $0xffff, v4  }
0x169: {  	v3 =	vcvt.f32.s32 v12;
	v4 =	vsel vm0, $0x3F800000, v0;
	v2 =	vshll.u32 v2, $0x4;
	v6 =	vld [tilespmem:s0+$0x420]  }
0x16a: {  	v4 =	vsub.f32 v8, v4;
	v7 =	vadd.s32 v1, v2;
	v8 =	vld [tilespmem:s0+$0x5420]  }
0x16b: {  	vm0 =	veq.s32 v11, v10;
	v2 =	vshll.u32 v3, $0x4;
	v3 =	vld [tilespmem:s0+$0xA420]  }
0x16c: {  	v11 =	vsel vm0, $0x3F800000, v0;
	v10 =	vadd.s32 v1, v2;
	v12 =	vmul.f32 $1.500000000e+01, v9;
	v2 =	vld [tilespmem:s31+$0x470]  }
0x16d: {  	v5 =	vsub.f32 v5, v11;
	v11 =	vld [tilespmem:s0+$0x54B0]  }
0x16e: {  	v13 =	vmul.f32 $1.500000000e+01, v6;
	v14 =	vld [tilespmem:s0+$0xA4B0];
	v12 =	vtrunc.f32 v12  }
0x16f: {  	[tilespmem:v7+s23+$0x0] =	vst.idx.add.f32.msk $0xffff, v5;
	v5 =	vcvt.f32.s32 v12  }
0x170: {  	v7 =	vld [tilespmem:s7+$0xC0];
	v12 =	vtrunc.f32 v13;
	vm0 =	veq.s32 v8, v3  }
0x171: {  	[tilespmem:v10+s23+$0x0] =	vst.idx.add.f32.msk $0xffff, v4;
	v3 =	vcvt.f32.s32 v12;
	v4 =	vsel vm0, $0x3F800000, v0;
	v5 =	vshll.u32 v5, $0x4  }
0x172: {  	v8 =	vld [tilespmem:s7+$0x40];
	v4 =	vsub.f32 v6, v4;
	v5 =	vadd.s32 v1, v5;
	v6 =	vmul.f32 $1.500000000e+01, v2  }
0x173: {  	v10 =	vld [tilespmem:s7+$0x5040];
	v3 =	vshll.u32 v3, $0x4;
	vm0 =	veq.s32 v11, v14  }
0x174: {  	v11 =	vld [tilespmem:s7+$0xA040];
	v12 =	vadd.s32 v1, v3;
	v3 =	vsel vm0, $0x3F800000, v0;
	v6 =	vtrunc.f32 v6  }
0x175: {  	v13 =	vld [tilespmem:s7+$0x50C0];
	v14 =	vmul.f32 $1.500000000e+01, v7;
	v3 =	vsub.f32 v9, v3;
	v6 =	vcvt.f32.s32 v6  }
0x176: {  	v9 =	vld [tilespmem:s7+$0xA0C0]  }
0x177: {  	v15 =	vmul.f32 $1.500000000e+01, v8;
	v14 =	vtrunc.f32 v14;
	[tilespmem:v5+s23+$0x0] =	vst.idx.add.f32.msk $0xffff, v3;
	v3 =	vshll.u32 v6, $0x4  }
0x178: {  	v5 =	vcvt.f32.s32 v14;
	v6 =	vld [tilespmem:s0+$0x4C0];
	v3 =	vadd.s32 v1, v3  }
0x179: {  	v14 =	vtrunc.f32 v15;
	vm0 =	veq.s32 v10, v11;
	[tilespmem:v12+s23+$0x0] =	vst.idx.add.f32.msk $0xffff, v4  }
0x17a: {  	v4 =	vcvt.f32.s32 v14;
	v10 =	vsel vm0, $0x3F800000, v0;
	v5 =	vshll.u32 v5, $0x4;
	v11 =	vld [tilespmem:s0+$0x430]  }
0x17b: {  	v8 =	vsub.f32 v8, v10;
	v5 =	vadd.s32 v1, v5;
	v10 =	vld [tilespmem:s0+$0x5430]  }
0x17c: {  	vm0 =	veq.s32 v13, v9;
	v4 =	vshll.u32 v4, $0x4;
	v9 =	vld [tilespmem:s0+$0xA430]  }
0x17d: {  	v12 =	vsel vm0, $0x3F800000, v0;
	v4 =	vadd.s32 v1, v4;
	v13 =	vmul.f32 $1.500000000e+01, v6;
	v14 =	vld [tilespmem:s31+$0x5470]  }
0x17e: {  	v7 =	vsub.f32 v7, v12;
	v12 =	vld [tilespmem:s0+$0x54C0]  }
0x17f: {  	v15 =	vmul.f32 $1.500000000e+01, v11;
	v16 =	vld [tilespmem:s0+$0xA4C0];
	v13 =	vtrunc.f32 v13  }
0x180: {  	[tilespmem:v5+s23+$0x0] =	vst.idx.add.f32.msk $0xffff, v7;
	v5 =	vcvt.f32.s32 v13  }
0x181: {  	v7 =	vld [tilespmem:s7+$0xD0];
	v13 =	vtrunc.f32 v15;
	vm0 =	veq.s32 v10, v9  }
0x182: {  	[tilespmem:v4+s23+$0x0] =	vst.idx.add.f32.msk $0xffff, v8;
	v4 =	vcvt.f32.s32 v13;
	v8 =	vsel vm0, $0x3F800000, v0;
	v5 =	vshll.u32 v5, $0x4  }
0x183: {  	v9 =	vld [tilespmem:s7+$0x50];
	v8 =	vsub.f32 v11, v8;
	v5 =	vadd.s32 v1, v5  }
0x184: {  	v10 =	vld [tilespmem:s7+$0x5050];
	v4 =	vshll.u32 v4, $0x4;
	vm0 =	veq.s32 v12, v16  }
0x185: {  	v11 =	vld [tilespmem:s7+$0xA050];
	v4 =	vadd.s32 v1, v4;
	v12 =	vsel vm0, $0x3F800000, v0  }
0x186: {  	v13 =	vld [tilespmem:s7+$0x50D0];
	v15 =	vmul.f32 $1.500000000e+01, v7;
	v6 =	vsub.f32 v6, v12  }
0x187: {  	v12 =	vld [tilespmem:s7+$0xA0D0]  }
0x188: {  	v16 =	vmul.f32 $1.500000000e+01, v9;
	v15 =	vtrunc.f32 v15;
	[tilespmem:v5+s23+$0x0] =	vst.idx.add.f32.msk $0xffff, v6  }
0x189: {  	v5 =	vcvt.f32.s32 v15;
	v6 =	vld [tilespmem:s0+$0x4D0]  }
0x18a: {  	v15 =	vtrunc.f32 v16;
	vm0 =	veq.s32 v10, v11;
	[tilespmem:v4+s23+$0x0] =	vst.idx.add.f32.msk $0xffff, v8  }
0x18b: {  	v4 =	vcvt.f32.s32 v15;
	v8 =	vsel vm0, $0x3F800000, v0;
	v5 =	vshll.u32 v5, $0x4;
	v10 =	vld [tilespmem:s0+$0x440]  }
0x18c: {  	v8 =	vsub.f32 v9, v8;
	v5 =	vadd.s32 v1, v5;
	v9 =	vld [tilespmem:s0+$0x5440]  }
0x18d: {  	vm0 =	veq.s32 v13, v12;
	v4 =	vshll.u32 v4, $0x4;
	v11 =	vld [tilespmem:s0+$0xA440]  }
0x18e: {  	v12 =	vsel vm0, $0x3F800000, v0;
	v4 =	vadd.s32 v1, v4;
	v13 =	vmul.f32 $1.500000000e+01, v6;
	v15 =	vld [tilespmem:s31+$0xA470];
	s31 =	smov.u32 s0;
	s0 =	smov.u32 s7  }
0x18f: {  	v7 =	vsub.f32 v7, v12;
	v12 =	vld [tilespmem:s31+$0x54D0]  }
0x190: {  	v16 =	vmul.f32 $1.500000000e+01, v10;
	v17 =	vld [tilespmem:s31+$0xA4D0];
	v13 =	vtrunc.f32 v13  }
0x191: {  	[tilespmem:v5+s23+$0x0] =	vst.idx.add.f32.msk $0xffff, v7;
	v5 =	vcvt.f32.s32 v13  }
0x192: {  	v7 =	vld [tilespmem:s0+$0xE0];
	v13 =	vtrunc.f32 v16;
	vm0 =	veq.s32 v9, v11  }
0x193: {  	[tilespmem:v4+s23+$0x0] =	vst.idx.add.f32.msk $0xffff, v8;
	v4 =	vcvt.f32.s32 v13;
	v8 =	vsel vm0, $0x3F800000, v0;
	v5 =	vshll.u32 v5, $0x4  }
0x194: {  	vm0 =	veq.s32 v14, v15;
	v9 =	vld [tilespmem:s0+$0x60];
	v8 =	vsub.f32 v10, v8;
	v5 =	vadd.s32 v1, v5  }
0x195: {  	v11 =	vsel vm0, $0x3F800000, v0;
	v10 =	vld [tilespmem:s0+$0x5060];
	v4 =	vshll.u32 v4, $0x4;
	vm1 =	veq.s32 v12, v17  }
0x196: {  	v2 =	vsub.f32 v2, v11;
	v12 =	vld [tilespmem:s0+$0xA060];
	v4 =	vadd.s32 v1, v4;
	v13 =	vsel vm1, $0x3F800000, v0  }
0x197: {  	v11 =	vld [tilespmem:s0+$0x50E0];
	v14 =	vmul.f32 $1.500000000e+01, v7;
	v6 =	vsub.f32 v6, v13  }
0x198: {  	v13 =	vld [tilespmem:s0+$0xA0E0]  }
0x199: {  	v15 =	vmul.f32 $1.500000000e+01, v9;
	v14 =	vtrunc.f32 v14;
	[tilespmem:v5+s23+$0x0] =	vst.idx.add.f32.msk $0xffff, v6  }
0x19a: {  	v5 =	vcvt.f32.s32 v14;
	v14 =	vld [tilespmem:s31+$0x4E0]  }
0x19b: {  	v6 =	vtrunc.f32 v15;
	vm0 =	veq.s32 v10, v12;
	[tilespmem:v4+s23+$0x0] =	vst.idx.add.f32.msk $0xffff, v8  }
0x19c: {  	v4 =	vcvt.f32.s32 v6;
	v6 =	vsel vm0, $0x3F800000, v0;
	v5 =	vshll.u32 v5, $0x4;
	v8 =	vld [tilespmem:s31+$0x450]  }
0x19d: {  	v9 =	vsub.f32 v9, v6;
	v5 =	vadd.s32 v1, v5;
	v10 =	vld [tilespmem:s31+$0x5450]  }
0x19e: {  	vm0 =	veq.s32 v11, v13;
	v4 =	vshll.u32 v4, $0x4;
	v11 =	vld [tilespmem:s31+$0xA450]  }
0x19f: {  	v6 =	vsel vm0, $0x3F800000, v0;
	v4 =	vadd.s32 v1, v4;
	v12 =	vmul.f32 $1.500000000e+01, v14;
	[tilespmem:v3+s23+$0x0] =	vst.idx.add.f32.msk $0xffff, v2  }
0x1a0: {  	v2 =	vsub.f32 v7, v6;
	v3 =	vld [tilespmem:s31+$0x54E0]  }
0x1a1: {  	v7 =	vmul.f32 $1.500000000e+01, v8;
	v13 =	vld [tilespmem:s31+$0xA4E0];
	v6 =	vtrunc.f32 v12  }
0x1a2: {  	[tilespmem:v5+s23+$0x0] =	vst.idx.add.f32.msk $0xffff, v2;
	v2 =	vcvt.f32.s32 v6  }
0x1a3: {  	v6 =	vld [tilespmem:s0+$0xF0];
	v5 =	vtrunc.f32 v7;
	vm0 =	veq.s32 v10, v11  }
0x1a4: {  	[tilespmem:v4+s23+$0x0] =	vst.idx.add.f32.msk $0xffff, v9;
	v5 =	vcvt.f32.s32 v5;
	v4 =	vsel vm0, $0x3F800000, v0;
	v9 =	vshll.u32 v2, $0x4  }
.Ltmp0:
0x1a5: {  	v7 =	vld [tilespmem:s0+$0x70];
	v2 =	vsub.f32 v8, v4;
	v4 =	vadd.s32 v1, v9;
	(pc) =	sbr.rel @p0 .LBB2_3-.Ltmp0, $4  }
0x1a6: {  	v8 =	vld [tilespmem:s0+$0x5070];
	v5 =	vshll.u32 v5, $0x4;
	vm0 =	veq.s32 v3, v13  }
0x1a7: {  	v10 =	vld [tilespmem:s0+$0xA070];
	v3 =	vadd.s32 v1, v5;
	v5 =	vsel vm0, $0x3F800000, v0  }
0x1a8: {  	v9 =	vld [tilespmem:s0+$0x50F0];
	v12 =	vmul.f32 $1.500000000e+01, v6;
	v5 =	vsub.f32 v14, v5  }
0x1a9: {  	s25 =	sadd.s32 $0x100, s25;
	s5 =	sadd.s32 $0x200, s5;
	v11 =	vld [tilespmem:s0+$0xA0F0]  }
0x1aa: {  	v13 =	vmul.f32 $1.500000000e+01, v7;
	v12 =	vtrunc.f32 v12  }
0x1ab: {  	v12 =	vcvt.f32.s32 v12  }
0x1ac: {  	v13 =	vtrunc.f32 v13  }
0x1ad: {  	v13 =	vcvt.f32.s32 v13;
	v12 =	vshll.u32 v12, $0x4  }
0x1ae: {  	v12 =	vadd.s32 v1, v12  }
0x1af: {  	vm0 =	veq.s32 v9, v11;
	v13 =	vshll.u32 v13, $0x4  }
0x1b0: {  	v11 =	vsel vm0, $0x3F800000, v0;
	v9 =	vadd.s32 v1, v13  }
0x1b1: {  	vm14 =	veq.s32 v8, v10;
	v6 =	vsub.f32 v6, v11  }
0x1b2: {  	v8 =	vsel vm14, $0x3F800000, v0  }
0x1b3: {  	v7 =	vsub.f32 v7, v8;
	[tilespmem:v12+s23+$0x0] =	vst.idx.add.f32.msk $0xffff, v6  }
0x1b4: {  	v6 =	vld [tilespmem:s0+$0x480]  }
0x1b5: {  	[tilespmem:v9+s23+$0x0] =	vst.idx.add.f32.msk $0xffff, v7  }
0x1b6: {  	v7 =	vld [tilespmem:s0+$0x400];
	_ =	sdelay $0x2  }
0x1b7: {  	v8 =	vmul.f32 $1.500000000e+01, v6  }
0x1b8: {  	v10 =	vld [tilespmem:s0+$0xA480]  }
0x1b9: {  	v9 =	vld [tilespmem:s0+$0x5480];
	v8 =	vtrunc.f32 v8;
	v11 =	vmul.f32 $1.500000000e+01, v7  }
0x1ba: {  	v12 =	vld [tilespmem:s0+$0x5400];
	v8 =	vcvt.f32.s32 v8  }
0x1bb: {  	v13 =	vld [tilespmem:s0+$0xA400];
	v11 =	vtrunc.f32 v11  }
0x1bc: {  	v8 =	vshll.u32 v8, $0x4;
	v11 =	vcvt.f32.s32 v11  }
0x1bd: {  	v8 =	vadd.s32 v1, v8  }
0x1be: {  	vm15 =	veq.s32 v9, v10;
	v9 =	vshll.u32 v11, $0x4  }
0x1bf: {  	v10 =	vsel vm15, $0x3F800000, v0;
	v9 =	vadd.s32 v1, v9  }
0x1c0: {  	vm4 =	veq.s32 v12, v13;
	v6 =	vsub.f32 v6, v10  }
0x1c1: {  	v10 =	vsel vm4, $0x3F800000, v0  }
0x1c2: {  	[tilespmem:v8+s23+$0x0] =	vst.idx.add.f32.msk $0xffff, v6;
	v6 =	vsub.f32 v7, v10  }
0x1c3: {  	v7 =	vld [tilespmem:s0+$0x490]  }
0x1c4: {  	[tilespmem:v9+s23+$0x0] =	vst.idx.add.f32.msk $0xffff, v6  }
0x1c5: {  	v6 =	vld [tilespmem:s0+$0x410];
	_ =	sdelay $0x2  }
0x1c6: {  	v8 =	vmul.f32 $1.500000000e+01, v7  }
0x1c7: {  	v10 =	vld [tilespmem:s0+$0xA490]  }
0x1c8: {  	v9 =	vld [tilespmem:s0+$0x5490];
	v8 =	vtrunc.f32 v8;
	v11 =	vmul.f32 $1.500000000e+01, v6  }
0x1c9: {  	v12 =	vld [tilespmem:s0+$0x5410];
	v8 =	vcvt.f32.s32 v8  }
0x1ca: {  	v13 =	vld [tilespmem:s0+$0xA410];
	v11 =	vtrunc.f32 v11  }
0x1cb: {  	v8 =	vshll.u32 v8, $0x4;
	v11 =	vcvt.f32.s32 v11  }
0x1cc: {  	v8 =	vadd.s32 v1, v8  }
0x1cd: {  	vm5 =	veq.s32 v9, v10;
	v9 =	vshll.u32 v11, $0x4  }
0x1ce: {  	v10 =	vsel vm5, $0x3F800000, v0;
	v9 =	vadd.s32 v1, v9  }
0x1cf: {  	vm6 =	veq.s32 v12, v13;
	v7 =	vsub.f32 v7, v10  }
0x1d0: {  	v10 =	vsel vm6, $0x3F800000, v0  }
0x1d1: {  	v6 =	vsub.f32 v6, v10;
	[tilespmem:v8+s23+$0x0] =	vst.idx.add.f32.msk $0xffff, v7  }
0x1d2: {  	v7 =	vld [tilespmem:s0+$0x4A0]  }
0x1d3: {  	[tilespmem:v9+s23+$0x0] =	vst.idx.add.f32.msk $0xffff, v6  }
0x1d4: {  	v6 =	vld [tilespmem:s0+$0x420];
	_ =	sdelay $0x2  }
0x1d5: {  	v8 =	vmul.f32 $1.500000000e+01, v7  }
0x1d6: {  	v10 =	vld [tilespmem:s0+$0xA4A0]  }
0x1d7: {  	v9 =	vld [tilespmem:s0+$0x54A0];
	v8 =	vtrunc.f32 v8;
	v11 =	vmul.f32 $1.500000000e+01, v6  }
0x1d8: {  	v12 =	vld [tilespmem:s0+$0x5420];
	v8 =	vcvt.f32.s32 v8  }
0x1d9: {  	v13 =	vld [tilespmem:s0+$0xA420];
	v11 =	vtrunc.f32 v11  }
0x1da: {  	v8 =	vshll.u32 v8, $0x4;
	v11 =	vcvt.f32.s32 v11  }
0x1db: {  	v8 =	vadd.s32 v1, v8  }
0x1dc: {  	vm7 =	veq.s32 v9, v10;
	v9 =	vshll.u32 v11, $0x4  }
0x1dd: {  	v10 =	vsel vm7, $0x3F800000, v0;
	v9 =	vadd.s32 v1, v9  }
0x1de: {  	vm8 =	veq.s32 v12, v13;
	v7 =	vsub.f32 v7, v10  }
0x1df: {  	v10 =	vsel vm8, $0x3F800000, v0  }
0x1e0: {  	v6 =	vsub.f32 v6, v10;
	[tilespmem:v8+s23+$0x0] =	vst.idx.add.f32.msk $0xffff, v7  }
0x1e1: {  	v7 =	vld [tilespmem:s0+$0x4B0]  }
0x1e2: {  	[tilespmem:v9+s23+$0x0] =	vst.idx.add.f32.msk $0xffff, v6  }
0x1e3: {  	v6 =	vld [tilespmem:s0+$0x430];
	_ =	sdelay $0x2  }
0x1e4: {  	v8 =	vmul.f32 $1.500000000e+01, v7  }
0x1e5: {  	v10 =	vld [tilespmem:s0+$0xA4B0]  }
0x1e6: {  	v9 =	vld [tilespmem:s0+$0x54B0];
	v8 =	vtrunc.f32 v8;
	v11 =	vmul.f32 $1.500000000e+01, v6  }
0x1e7: {  	v12 =	vld [tilespmem:s0+$0x5430];
	v8 =	vcvt.f32.s32 v8  }
0x1e8: {  	v13 =	vld [tilespmem:s0+$0xA430];
	v11 =	vtrunc.f32 v11  }
0x1e9: {  	v8 =	vshll.u32 v8, $0x4;
	v11 =	vcvt.f32.s32 v11  }
0x1ea: {  	v8 =	vadd.s32 v1, v8  }
0x1eb: {  	vm9 =	veq.s32 v9, v10;
	v9 =	vshll.u32 v11, $0x4  }
0x1ec: {  	v10 =	vsel vm9, $0x3F800000, v0;
	v9 =	vadd.s32 v1, v9  }
0x1ed: {  	vm10 =	veq.s32 v12, v13;
	v7 =	vsub.f32 v7, v10  }
0x1ee: {  	v10 =	vsel vm10, $0x3F800000, v0  }
0x1ef: {  	v6 =	vsub.f32 v6, v10;
	[tilespmem:v8+s23+$0x0] =	vst.idx.add.f32.msk $0xffff, v7  }
0x1f0: {  	v7 =	vld [tilespmem:s0+$0x4C0]  }
0x1f1: {  	[tilespmem:v9+s23+$0x0] =	vst.idx.add.f32.msk $0xffff, v6  }
0x1f2: {  	v6 =	vld [tilespmem:s0+$0x440];
	_ =	sdelay $0x2  }
0x1f3: {  	v8 =	vmul.f32 $1.500000000e+01, v7  }
0x1f4: {  	v10 =	vld [tilespmem:s0+$0xA4C0]  }
0x1f5: {  	v9 =	vld [tilespmem:s0+$0x54C0];
	v8 =	vtrunc.f32 v8;
	v11 =	vmul.f32 $1.500000000e+01, v6  }
0x1f6: {  	v12 =	vld [tilespmem:s0+$0x5440];
	v8 =	vcvt.f32.s32 v8  }
0x1f7: {  	v13 =	vld [tilespmem:s0+$0xA440];
	v11 =	vtrunc.f32 v11  }
0x1f8: {  	v8 =	vshll.u32 v8, $0x4;
	v11 =	vcvt.f32.s32 v11  }
0x1f9: {  	v8 =	vadd.s32 v1, v8  }
0x1fa: {  	vm11 =	veq.s32 v9, v10;
	v9 =	vshll.u32 v11, $0x4  }
0x1fb: {  	v10 =	vsel vm11, $0x3F800000, v0;
	v9 =	vadd.s32 v1, v9  }
0x1fc: {  	vm12 =	veq.s32 v12, v13;
	v7 =	vsub.f32 v7, v10  }
0x1fd: {  	v10 =	vsel vm12, $0x3F800000, v0  }
0x1fe: {  	v6 =	vsub.f32 v6, v10;
	[tilespmem:v8+s23+$0x0] =	vst.idx.add.f32.msk $0xffff, v7  }
0x1ff: {  	v7 =	vld [tilespmem:s0+$0x4D0]  }
0x200: {  	[tilespmem:v9+s23+$0x0] =	vst.idx.add.f32.msk $0xffff, v6  }
0x201: {  	v6 =	vld [tilespmem:s0+$0x450];
	_ =	sdelay $0x2  }
0x202: {  	v8 =	vmul.f32 $1.500000000e+01, v7  }
0x203: {  	v10 =	vld [tilespmem:s0+$0xA4D0]  }
0x204: {  	v9 =	vld [tilespmem:s0+$0x54D0];
	v8 =	vtrunc.f32 v8;
	v11 =	vmul.f32 $1.500000000e+01, v6  }
0x205: {  	v12 =	vld [tilespmem:s0+$0x5450];
	v8 =	vcvt.f32.s32 v8  }
0x206: {  	v13 =	vld [tilespmem:s0+$0xA450];
	v11 =	vtrunc.f32 v11  }
0x207: {  	v8 =	vshll.u32 v8, $0x4;
	v11 =	vcvt.f32.s32 v11  }
0x208: {  	v8 =	vadd.s32 v1, v8  }
0x209: {  	vm13 =	veq.s32 v9, v10;
	v9 =	vshll.u32 v11, $0x4  }
0x20a: {  	v10 =	vsel vm13, $0x3F800000, v0;
	v9 =	vadd.s32 v1, v9  }
0x20b: {  	[tilespmem:v3+s23+$0x0] =	vst.idx.add.f32.msk $0xffff, v2;
	vm14 =	veq.s32 v12, v13;
	v2 =	vsub.f32 v7, v10  }
0x20c: {  	v3 =	vld [tilespmem:s31+$0x460];
	v7 =	vsel vm14, $0x3F800000, v0  }
0x20d: {  	[tilespmem:v8+s23+$0x0] =	vst.idx.add.f32.msk $0xffff, v2;
	v2 =	vsub.f32 v6, v7  }
0x20e: {  	v6 =	vld [tilespmem:s0+$0x4E0]  }
0x20f: {  	[tilespmem:v9+s23+$0x0] =	vst.idx.add.f32.msk $0xffff, v2  }
0x210: {  	v2 =	vld [tilespmem:s0+$0x460]  }
0x211: {  	v7 =	vmul.f32 $1.500000000e+01, v3  }
0x212: {  	v8 =	vld [tilespmem:s31+$0x5460]  }
0x213: {  	v9 =	vld [tilespmem:s31+$0xA460];
	v7 =	vtrunc.f32 v7;
	v10 =	vmul.f32 $1.500000000e+01, v6  }
0x214: {  	v11 =	vld [tilespmem:s0+$0x54E0];
	v7 =	vcvt.f32.s32 v7  }
0x215: {  	v12 =	vld [tilespmem:s0+$0xA4E0];
	v10 =	vtrunc.f32 v10;
	v13 =	vmul.f32 $1.500000000e+01, v2  }
0x216: {  	v14 =	vld [tilespmem:s0+$0x5460];
	v7 =	vshll.u32 v7, $0x4;
	v10 =	vcvt.f32.s32 v10  }
0x217: {  	v15 =	vld [tilespmem:s0+$0xA460];
	v7 =	vadd.s32 v1, v7;
	v13 =	vtrunc.f32 v13  }
0x218: {  	[tilespmem:v4+s23+$0x0] =	vst.idx.add.f32.msk $0xffff, v5;
	vm15 =	veq.s32 v8, v9;
	v4 =	vshll.u32 v10, $0x4;
	v5 =	vcvt.f32.s32 v13  }
0x219: {  	v8 =	vld [tilespmem:s31+$0x4F0];
	v9 =	vsel vm15, $0x3F800000, v0;
	v4 =	vadd.s32 v1, v4  }
0x21a: {  	vm4 =	veq.s32 v11, v12;
	v3 =	vsub.f32 v3, v9;
	v9 =	vld [tilespmem:s31+$0xA4F0];
	v5 =	vshll.u32 v5, $0x4  }
0x21b: {  	v11 =	vsel vm4, $0x3F800000, v0;
	v10 =	vld [tilespmem:s31+$0x54F0];
	v5 =	vadd.s32 v1, v5  }
0x21c: {  	vm5 =	veq.s32 v14, v15;
	[tilespmem:v7+s23+$0x0] =	vst.idx.add.f32.msk $0xffff, v3;
	v3 =	vsub.f32 v6, v11  }
0x21d: {  	v7 =	vsel vm5, $0x3F800000, v0;
	v6 =	vld [tilespmem:s31+$0x470]  }
0x21e: {  	v2 =	vsub.f32 v2, v7;
	[tilespmem:v4+s23+$0x0] =	vst.idx.add.f32.msk $0xffff, v3  }
0x21f: {  	v3 =	vld [tilespmem:s0+$0x4F0]  }
0x220: {  	[tilespmem:v5+s23+$0x0] =	vst.idx.add.f32.msk $0xffff, v2  }
0x221: {  	v2 =	vld [tilespmem:s0+$0x470]  }
0x222: {  	v7 =	vld [tilespmem:s31+$0xA470];
	v4 =	vmul.f32 $1.500000000e+01, v8  }
0x223: {  	v5 =	vld [tilespmem:s31+$0x5470]  }
0x224: {  	v11 =	vmul.f32 $1.500000000e+01, v6;
	v13 =	vld [tilespmem:s0+$0x54F0];
	v4 =	vtrunc.f32 v4  }
0x225: {  	vm6 =	veq.s32 v10, v9;
	v10 =	vld [tilespmem:s0+$0xA4F0];
	v4 =	vcvt.f32.s32 v4;
	v12 =	vmul.f32 $1.500000000e+01, v3  }
0x226: {  	s3 =	sadd.s32 $0x2, s30;
	v9 =	vtrunc.f32 v11;
	v11 =	vmul.f32 $1.500000000e+01, v2  }
0x227: {  	s5 =	smulhi.u32 $0x66666667, s3;
	v9 =	vcvt.f32.s32 v9;
	v14 =	vld [tilespmem:s0+$0x5470];
	v4 =	vshll.u32 v4, $0x4;
	v12 =	vtrunc.f32 v12  }
0x228: {  	vm1 =	veq.s32 v5, v7;
	v5 =	vcvt.f32.s32 v12;
	v7 =	vtrunc.f32 v11;
	v11 =	vld [tilespmem:s0+$0xA470]  }
0x229: {  	s7 =	sshrl.u32 s5, $0x1;
	v9 =	vshll.u32 v9, $0x4;
	v4 =	vadd.s32 v1, v4;
	v7 =	vcvt.f32.s32 v7  }
0x22a: {  	s5 =	smul.u32 $0x5, s7;
	v9 =	vadd.s32 v1, v9;
	vm7 =	veq.s32 v13, v10;
	v5 =	vshll.u32 v5, $0x4  }
0x22b: {  	v12 =	vsel vm6, $0x3F800000, v0;
	v5 =	vadd.s32 v1, v5;
	v7 =	vshll.u32 v7, $0x4  }
0x22c: {  	s3 =	ssub.s32 s3, s5;
	v8 =	vsub.f32 v8, v12;
	v12 =	vsel vm1, $0x3F800000, v0;
	v7 =	vadd.s32 v1, v7  }
0x22d: {  	s3 =	smul.u32 $0xA0000, s3;
	v10 =	vsel vm7, $0x3F800000, v0;
	s0 =	sshll.u32 s7, $0xB;
	v6 =	vsub.f32 v6, v12;
	vm8 =	veq.s32 v14, v11  }
0x22e: {  	v3 =	vsub.f32 v3, v10;
	s0 =	sadd.s32 s6, s0;
	[tilespmem:v4+s23+$0x0] =	vst.idx.add.f32.msk $0xffff, v8;
	v4 =	vsel vm8, $0x3F800000, v0  }
0x22f: {  	s0 =	sadd.s32 s3, s0;
	[tilespmem:v9+s23+$0x0] =	vst.idx.add.f32.msk $0xffff, v6;
	v2 =	vsub.f32 v2, v4  }
0x230: {  	s0 =	sshrl.u32 s0, $0x3;
	[tilespmem:v5+s23+$0x0] =	vst.idx.add.f32.msk $0xffff, v3  }
0x231: {  	s25 =	simm.s32 $0x0;
	s8 =	sadd.s32 s1, s0;
	[tilespmem:v7+s23+$0x0] =	vst.idx.add.f32.msk $0xffff, v2  }
0x232: {  	[tilespmem:s25], [sflag:$0x1] =	stream.strided.gather [hbm4b:s8+s15], $0x2800, s16, s15, $0x38;
	[tilespmem:$0xF180] =	vst v63  }
0x233: {  	s31 =	sadd.s32 s2, s0  }
0x234: {  	[tilespmem:s17], [sflag:$0x1] =	stream.strided.gather [hbm4b:s31+s15], $0x2800, s16, s15, $0x38;
	[tilespmem:$0xF180] =	vst v63  }
0x235: {  	s0 =	sadd.s32 s4, s0  }
0x236: {  	[tilespmem:s18], [sflag:$0x1] =	stream.strided.gather [hbm4b:s0+s15], $0x2800, s16, s15, $0x38;
	[tilespmem:$0xF180] =	vst v63  }
0x237: {  	_ =	swait.ge [sflag:s24], $0x2800  }
0x238: {  	[sflag:s24] =	ssyncset.done $0x0  }
0x239: {  	[sflag:s24] =	ssyncadd.s32 $0xFFFFD800  }
0x23a: {  	_ =	swait.ge [sflag:s24], $0x2800  }
0x23b: {  	[sflag:s24] =	ssyncset.done $0x0  }
0x23c: {  	[sflag:s24] =	ssyncadd.s32 $0xFFFFD800  }
0x23d: {  	_ =	swait.ge [sflag:s24], $0x2800  }
0x23e: {  	s7 =	sand.u32 $0x3800, s25;
	s8 =	sand.u32 $0x300, s25;
	[sflag:s24] =	ssyncset.done $0x0  }
0x23f: {  	s30 =	sor.u32 s8, s7;
	[sflag:s24] =	ssyncadd.s32 $0xFFFFD800  }
0x240: {  	v2 =	vld [tilespmem:s30+$0x2880];
	_ =	sdelay $0x4  }
0x241: {  	v3 =	vmul.f32 $1.500000000e+01, v2  }
0x242: {  	v4 =	vld [tilespmem:s30+$0x7880]  }
0x243: {  	v5 =	vld [tilespmem:s30+$0xC880];
	v3 =	vtrunc.f32 v3  }
0x244: {  	v3 =	vcvt.f32.s32 v3;
	_ =	sdelay $0x1  }
0x245: {  	v3 =	vshll.u32 v3, $0x4  }
0x246: {  	v3 =	vadd.s32 v1, v3  }
0x247: {  	vm9 =	veq.s32 v4, v5  }
0x248: {  	v4 =	vsel vm9, $0x3F800000, v0  }
0x249: {  	v2 =	vsub.f32 v2, v4;
	_ =	sdelay $0x1  }
0x24a: {  	[tilespmem:v3+s23+$0x0] =	vst.idx.add.f32.msk $0xffff, v2  }
0x24b: {  	v2 =	vld [tilespmem:s30+$0x2890];
	_ =	sdelay $0x1  }
0x24c: {  	v3 =	vld [tilespmem:s30+$0x2800];
	_ =	sdelay $0x2  }
0x24d: {  	v4 =	vmul.f32 $1.500000000e+01, v2  }
0x24e: {  	v5 =	vld [tilespmem:s30+$0x7890]  }
0x24f: {  	v6 =	vld [tilespmem:s30+$0xC890];
	v7 =	vmul.f32 $1.500000000e+01, v3;
	v4 =	vtrunc.f32 v4  }
0x250: {  	v8 =	vld [tilespmem:s30+$0x7800];
	v4 =	vcvt.f32.s32 v4  }
0x251: {  	v9 =	vld [tilespmem:s30+$0xC800];
	v7 =	vtrunc.f32 v7  }
0x252: {  	v7 =	vcvt.f32.s32 v7;
	v4 =	vshll.u32 v4, $0x4  }
0x253: {  	v4 =	vadd.s32 v1, v4  }
0x254: {  	vm10 =	veq.s32 v5, v6;
	v5 =	vshll.u32 v7, $0x4  }
0x255: {  	v6 =	vsel vm10, $0x3F800000, v0;
	v5 =	vadd.s32 v1, v5  }
0x256: {  	vm11 =	veq.s32 v8, v9;
	v2 =	vsub.f32 v2, v6  }
0x257: {  	v6 =	vsel vm11, $0x3F800000, v0  }
0x258: {  	[tilespmem:v4+s23+$0x0] =	vst.idx.add.f32.msk $0xffff, v2;
	v2 =	vsub.f32 v3, v6  }
0x259: {  	v3 =	vld [tilespmem:s30+$0x28A0]  }
0x25a: {  	[tilespmem:v5+s23+$0x0] =	vst.idx.add.f32.msk $0xffff, v2  }
0x25b: {  	v2 =	vld [tilespmem:s30+$0x2810];
	_ =	sdelay $0x2  }
0x25c: {  	v4 =	vmul.f32 $1.500000000e+01, v3  }
0x25d: {  	v6 =	vld [tilespmem:s30+$0xC8A0]  }
0x25e: {  	v5 =	vld [tilespmem:s30+$0x78A0];
	v4 =	vtrunc.f32 v4;
	v7 =	vmul.f32 $1.500000000e+01, v2  }
0x25f: {  	v8 =	vld [tilespmem:s30+$0x7810];
	v4 =	vcvt.f32.s32 v4  }
0x260: {  	v9 =	vld [tilespmem:s30+$0xC810];
	v7 =	vtrunc.f32 v7  }
0x261: {  	v4 =	vshll.u32 v4, $0x4;
	v7 =	vcvt.f32.s32 v7  }
0x262: {  	v4 =	vadd.s32 v1, v4  }
0x263: {  	vm12 =	veq.s32 v5, v6;
	v5 =	vshll.u32 v7, $0x4  }
0x264: {  	v6 =	vsel vm12, $0x3F800000, v0;
	v5 =	vadd.s32 v1, v5  }
0x265: {  	vm13 =	veq.s32 v8, v9;
	v3 =	vsub.f32 v3, v6  }
0x266: {  	v6 =	vsel vm13, $0x3F800000, v0  }
0x267: {  	v2 =	vsub.f32 v2, v6;
	[tilespmem:v4+s23+$0x0] =	vst.idx.add.f32.msk $0xffff, v3  }
0x268: {  	v3 =	vld [tilespmem:s30+$0x28B0]  }
0x269: {  	[tilespmem:v5+s23+$0x0] =	vst.idx.add.f32.msk $0xffff, v2  }
0x26a: {  	v2 =	vld [tilespmem:s30+$0x2820];
	_ =	sdelay $0x2  }
0x26b: {  	v4 =	vmul.f32 $1.500000000e+01, v3  }
0x26c: {  	v6 =	vld [tilespmem:s30+$0xC8B0]  }
0x26d: {  	v5 =	vld [tilespmem:s30+$0x78B0];
	v4 =	vtrunc.f32 v4;
	v7 =	vmul.f32 $1.500000000e+01, v2  }
0x26e: {  	v8 =	vld [tilespmem:s30+$0x7820];
	v4 =	vcvt.f32.s32 v4  }
0x26f: {  	v9 =	vld [tilespmem:s30+$0xC820];
	v7 =	vtrunc.f32 v7  }
0x270: {  	v4 =	vshll.u32 v4, $0x4;
	v7 =	vcvt.f32.s32 v7  }
0x271: {  	v4 =	vadd.s32 v1, v4  }
0x272: {  	vm14 =	veq.s32 v5, v6;
	v5 =	vshll.u32 v7, $0x4  }
0x273: {  	v6 =	vsel vm14, $0x3F800000, v0;
	v5 =	vadd.s32 v1, v5  }
0x274: {  	vm15 =	veq.s32 v8, v9;
	v3 =	vsub.f32 v3, v6  }
0x275: {  	v6 =	vsel vm15, $0x3F800000, v0  }
0x276: {  	v2 =	vsub.f32 v2, v6;
	[tilespmem:v4+s23+$0x0] =	vst.idx.add.f32.msk $0xffff, v3  }
0x277: {  	v3 =	vld [tilespmem:s30+$0x28C0]  }
0x278: {  	[tilespmem:v5+s23+$0x0] =	vst.idx.add.f32.msk $0xffff, v2  }
0x279: {  	v2 =	vld [tilespmem:s30+$0x2830];
	_ =	sdelay $0x2  }
0x27a: {  	v4 =	vmul.f32 $1.500000000e+01, v3  }
0x27b: {  	v6 =	vld [tilespmem:s30+$0xC8C0]  }
0x27c: {  	v5 =	vld [tilespmem:s30+$0x78C0];
	v4 =	vtrunc.f32 v4;
	v7 =	vmul.f32 $1.500000000e+01, v2  }
0x27d: {  	v8 =	vld [tilespmem:s30+$0x7830];
	v4 =	vcvt.f32.s32 v4  }
0x27e: {  	v9 =	vld [tilespmem:s30+$0xC830];
	v7 =	vtrunc.f32 v7  }
0x27f: {  	v4 =	vshll.u32 v4, $0x4;
	v7 =	vcvt.f32.s32 v7  }
0x280: {  	v4 =	vadd.s32 v1, v4  }
0x281: {  	vm4 =	veq.s32 v5, v6;
	v5 =	vshll.u32 v7, $0x4  }
0x282: {  	v6 =	vsel vm4, $0x3F800000, v0;
	v5 =	vadd.s32 v1, v5  }
0x283: {  	vm5 =	veq.s32 v8, v9;
	v3 =	vsub.f32 v3, v6  }
0x284: {  	v6 =	vsel vm5, $0x3F800000, v0  }
0x285: {  	v2 =	vsub.f32 v2, v6;
	[tilespmem:v4+s23+$0x0] =	vst.idx.add.f32.msk $0xffff, v3  }
0x286: {  	v3 =	vld [tilespmem:s30+$0x28D0]  }
0x287: {  	[tilespmem:v5+s23+$0x0] =	vst.idx.add.f32.msk $0xffff, v2  }
0x288: {  	v2 =	vld [tilespmem:s30+$0x2840];
	_ =	sdelay $0x2  }
0x289: {  	v4 =	vmul.f32 $1.500000000e+01, v3  }
0x28a: {  	v6 =	vld [tilespmem:s30+$0xC8D0]  }
0x28b: {  	v5 =	vld [tilespmem:s30+$0x78D0];
	v4 =	vtrunc.f32 v4;
	v7 =	vmul.f32 $1.500000000e+01, v2  }
0x28c: {  	v8 =	vld [tilespmem:s30+$0x7840];
	v4 =	vcvt.f32.s32 v4  }
0x28d: {  	v9 =	vld [tilespmem:s30+$0xC840];
	v7 =	vtrunc.f32 v7  }
0x28e: {  	v4 =	vshll.u32 v4, $0x4;
	v7 =	vcvt.f32.s32 v7  }
0x28f: {  	v4 =	vadd.s32 v1, v4  }
0x290: {  	vm6 =	veq.s32 v5, v6;
	v5 =	vshll.u32 v7, $0x4  }
0x291: {  	v6 =	vsel vm6, $0x3F800000, v0;
	v5 =	vadd.s32 v1, v5  }
0x292: {  	vm7 =	veq.s32 v8, v9;
	v3 =	vsub.f32 v3, v6  }
0x293: {  	v6 =	vsel vm7, $0x3F800000, v0  }
0x294: {  	v2 =	vsub.f32 v2, v6;
	[tilespmem:v4+s23+$0x0] =	vst.idx.add.f32.msk $0xffff, v3  }
0x295: {  	v3 =	vld [tilespmem:s30+$0x28E0]  }
0x296: {  	[tilespmem:v5+s23+$0x0] =	vst.idx.add.f32.msk $0xffff, v2  }
0x297: {  	v2 =	vld [tilespmem:s30+$0x2850];
	_ =	sdelay $0x2  }
0x298: {  	v4 =	vmul.f32 $1.500000000e+01, v3  }
0x299: {  	v6 =	vld [tilespmem:s30+$0xC8E0]  }
0x29a: {  	v5 =	vld [tilespmem:s30+$0x78E0];
	v4 =	vtrunc.f32 v4;
	v7 =	vmul.f32 $1.500000000e+01, v2  }
0x29b: {  	v8 =	vld [tilespmem:s30+$0x7850];
	v4 =	vcvt.f32.s32 v4  }
0x29c: {  	v9 =	vld [tilespmem:s30+$0xC850];
	v7 =	vtrunc.f32 v7  }
0x29d: {  	v4 =	vshll.u32 v4, $0x4;
	v7 =	vcvt.f32.s32 v7  }
0x29e: {  	v4 =	vadd.s32 v1, v4  }
0x29f: {  	vm8 =	veq.s32 v5, v6;
	v5 =	vshll.u32 v7, $0x4  }
0x2a0: {  	v6 =	vsel vm8, $0x3F800000, v0;
	v5 =	vadd.s32 v1, v5  }
0x2a1: {  	vm9 =	veq.s32 v8, v9;
	v3 =	vsub.f32 v3, v6  }
0x2a2: {  	v6 =	vsel vm9, $0x3F800000, v0  }
0x2a3: {  	v2 =	vsub.f32 v2, v6;
	[tilespmem:v4+s23+$0x0] =	vst.idx.add.f32.msk $0xffff, v3  }
0x2a4: {  	s25 =	simm.s32 $0x100;
	s31 =	simm.s32 $0x200;
	v3 =	vld [tilespmem:s30+$0x28F0]  }
0x2a5: {  	s3 =	sand.u32 $0x3800, s31;
	s0 =	sand.u32 $0x300, s25;
	[tilespmem:v5+s23+$0x0] =	vst.idx.add.f32.msk $0xffff, v2  }
0x2a6: {  	s0 =	sor.u32 s0, s3;
	v2 =	vld [tilespmem:s30+$0x2860]  }
0x2a7: {  	v9 =	vld [tilespmem:s0+$0x2880]  }
0x2a8: {  	v6 =	vld [tilespmem:s30+$0xC8F0]  }
0x2a9: {  	v5 =	vld [tilespmem:s30+$0x78F0];
	v4 =	vmul.f32 $1.500000000e+01, v3  }
0x2aa: {  	v7 =	vld [tilespmem:s30+$0x7860]  }
0x2ab: {  	v10 =	vld [tilespmem:s30+$0xC860];
	v4 =	vtrunc.f32 v4;
	v8 =	vmul.f32 $1.500000000e+01, v2  }
0x2ac: {  	v11 =	vld [tilespmem:s0+$0x2800];
	v4 =	vcvt.f32.s32 v4  }
0x2ad: {  	v8 =	vtrunc.f32 v8  }
0x2ae: {  	v4 =	vshll.u32 v4, $0x4;
	v8 =	vcvt.f32.s32 v8  }
0x2af: {  	v13 =	vmul.f32 $1.500000000e+01, v9;
	v4 =	vadd.s32 v1, v4  }
0x2b0: {  	v12 =	vld [tilespmem:s0+$0x7880];
	vm10 =	veq.s32 v5, v6;
	vm11 =	veq.s32 v7, v10;
	v5 =	vshll.u32 v8, $0x4  }
0x2b1: {  	v6 =	vld [tilespmem:s0+$0x7800];
	v10 =	vmul.f32 $1.500000000e+01, v11;
	v8 =	vsel vm10, $0x3F800000, v0;
	v5 =	vadd.s32 v1, v5  }
0x2b2: {  	v7 =	vld [tilespmem:s0+$0xC880];
	v3 =	vsub.f32 v3, v8;
	v8 =	vsel vm11, $0x3F800000, v0  }
0x2b3: {  	v13 =	vtrunc.f32 v13;
	v2 =	vsub.f32 v2, v8;
	v8 =	vtrunc.f32 v10;
	v10 =	vld [tilespmem:s0+$0xC800]  }
0x2b4: {  	[tilespmem:v4+s23+$0x0] =	vst.idx.add.f32.msk $0xffff, v3;
	v3 =	vcvt.f32.s32 v13  }
0x2b5: {  	v4 =	vld [tilespmem:s30+$0x2C80]  }
0x2b6: {  	[tilespmem:v5+s23+$0x0] =	vst.idx.add.f32.msk $0xffff, v2;
	v2 =	vcvt.f32.s32 v8;
	v3 =	vshll.u32 v3, $0x4  }
0x2b7: {  	v5 =	vld [tilespmem:s30+$0x2870];
	v3 =	vadd.s32 v1, v3  }
0x2b8: {  	vm12 =	veq.s32 v12, v7;
	v13 =	vld [tilespmem:s30+$0x7C80];
	v2 =	vshll.u32 v2, $0x4  }
0x2b9: {  	v12 =	vsel vm12, $0x3F800000, v0;
	v8 =	vld [tilespmem:s30+$0x7870];
	v2 =	vadd.s32 v1, v2  }
0x2ba: {  	v7 =	vld [tilespmem:s30+$0xC870];
	vm13 =	veq.s32 v6, v10;
	v6 =	vsub.f32 v9, v12;
	v14 =	vmul.f32 $1.500000000e+01, v4  }
0x2bb: {  	v9 =	vld [tilespmem:s30+$0xCC80];
	v10 =	vsel vm13, $0x3F800000, v0  }
0x2bc: {  	v10 =	vsub.f32 v11, v10;
	v12 =	vmul.f32 $1.500000000e+01, v5;
	v14 =	vtrunc.f32 v14;
	[tilespmem:v3+s23+$0x0] =	vst.idx.add.f32.msk $0xffff, v6  }
0x2bd: {  	v3 =	vcvt.f32.s32 v14;
	v6 =	vld [tilespmem:s0+$0x2890]  }
0x2be: {  	v11 =	vtrunc.f32 v12;
	[tilespmem:v2+s23+$0x0] =	vst.idx.add.f32.msk $0xffff, v10  }
0x2bf: {  	v2 =	vcvt.f32.s32 v11;
	v3 =	vshll.u32 v3, $0x4;
	v10 =	vld [tilespmem:s0+$0x2810]  }
0x2c0: {  	v3 =	vadd.s32 v1, v3  }
0x2c1: {  	vm14 =	veq.s32 v13, v9;
	vm15 =	veq.s32 v8, v7;
	v7 =	vld [tilespmem:s0+$0x7890];
	v2 =	vshll.u32 v2, $0x4  }
0x2c2: {  	v12 =	vsel vm14, $0x3F800000, v0;
	v11 =	vld [tilespmem:s0+$0x7810];
	v2 =	vadd.s32 v1, v2;
	v13 =	vmul.f32 $1.500000000e+01, v6  }
0x2c3: {  	v9 =	vld [tilespmem:s0+$0xC810];
	v4 =	vsub.f32 v4, v12  }
0x2c4: {  	v8 =	vsel vm15, $0x3F800000, v0;
	v12 =	vld [tilespmem:s0+$0xC890];
	v14 =	vmul.f32 $1.500000000e+01, v10;
	v13 =	vtrunc.f32 v13  }
0x2c5: {  	v5 =	vsub.f32 v5, v8;
	[tilespmem:v3+s23+$0x0] =	vst.idx.add.f32.msk $0xffff, v4;
	v3 =	vcvt.f32.s32 v13  }
0x2c6: {  	v4 =	vld [tilespmem:s30+$0x2C90];
	v8 =	vtrunc.f32 v14  }
0x2c7: {  	[tilespmem:v2+s23+$0x0] =	vst.idx.add.f32.msk $0xffff, v5;
	v2 =	vcvt.f32.s32 v8;
	v3 =	vshll.u32 v3, $0x4  }
0x2c8: {  	v5 =	vld [tilespmem:s30+$0x2C00];
	v3 =	vadd.s32 v1, v3  }
0x2c9: {  	vm4 =	veq.s32 v7, v12;
	vm5 =	veq.s32 v11, v9;
	v11 =	vld [tilespmem:s30+$0x7C90];
	v2 =	vshll.u32 v2, $0x4  }
0x2ca: {  	v12 =	vsel vm4, $0x3F800000, v0;
	v13 =	vld [tilespmem:s30+$0xCC90];
	v2 =	vadd.s32 v1, v2  }
0x2cb: {  	v6 =	vsub.f32 v6, v12;
	v8 =	vld [tilespmem:s30+$0x7C00];
	v9 =	vmul.f32 $1.500000000e+01, v4  }
0x2cc: {  	v12 =	vsel vm5, $0x3F800000, v0;
	v7 =	vld [tilespmem:s30+$0xCC00]  }
0x2cd: {  	v10 =	vsub.f32 v10, v12;
	v14 =	vmul.f32 $1.500000000e+01, v5;
	v9 =	vtrunc.f32 v9;
	[tilespmem:v3+s23+$0x0] =	vst.idx.add.f32.msk $0xffff, v6  }
0x2ce: {  	v3 =	vcvt.f32.s32 v9;
	v6 =	vld [tilespmem:s0+$0x28A0]  }
0x2cf: {  	v9 =	vtrunc.f32 v14;
	[tilespmem:v2+s23+$0x0] =	vst.idx.add.f32.msk $0xffff, v10  }
0x2d0: {  	v2 =	vcvt.f32.s32 v9;
	v3 =	vshll.u32 v3, $0x4;
	v9 =	vld [tilespmem:s0+$0x2820]  }
0x2d1: {  	vm6 =	veq.s32 v11, v13;
	v3 =	vadd.s32 v1, v3  }
0x2d2: {  	v12 =	vsel vm6, $0x3F800000, v0;
	vm7 =	veq.s32 v8, v7;
	v7 =	vld [tilespmem:s0+$0x78A0];
	v2 =	vshll.u32 v2, $0x4  }
0x2d3: {  	v4 =	vsub.f32 v4, v12;
	v12 =	vld [tilespmem:s0+$0xC8A0];
	v2 =	vadd.s32 v1, v2;
	v13 =	vmul.f32 $1.500000000e+01, v6  }
0x2d4: {  	v10 =	vld [tilespmem:s0+$0x7820]  }
0x2d5: {  	v8 =	vsel vm7, $0x3F800000, v0;
	v11 =	vld [tilespmem:s0+$0xC820];
	v14 =	vmul.f32 $1.500000000e+01, v9;
	v13 =	vtrunc.f32 v13  }
0x2d6: {  	v5 =	vsub.f32 v5, v8;
	[tilespmem:v3+s23+$0x0] =	vst.idx.add.f32.msk $0xffff, v4;
	v3 =	vcvt.f32.s32 v13  }
0x2d7: {  	v4 =	vld [tilespmem:s30+$0x2CA0];
	v8 =	vtrunc.f32 v14  }
0x2d8: {  	[tilespmem:v2+s23+$0x0] =	vst.idx.add.f32.msk $0xffff, v5;
	v2 =	vcvt.f32.s32 v8;
	v3 =	vshll.u32 v3, $0x4  }
0x2d9: {  	v5 =	vld [tilespmem:s30+$0x2C10];
	v3 =	vadd.s32 v1, v3  }
0x2da: {  	vm8 =	veq.s32 v7, v12;
	vm9 =	veq.s32 v10, v11;
	v11 =	vld [tilespmem:s30+$0x7CA0];
	v2 =	vshll.u32 v2, $0x4  }
0x2db: {  	v12 =	vsel vm8, $0x3F800000, v0;
	v13 =	vld [tilespmem:s30+$0xCCA0];
	v2 =	vadd.s32 v1, v2  }
0x2dc: {  	v6 =	vsub.f32 v6, v12;
	v8 =	vld [tilespmem:s30+$0x7C10];
	v10 =	vmul.f32 $1.500000000e+01, v4  }
0x2dd: {  	v12 =	vsel vm9, $0x3F800000, v0;
	v7 =	vld [tilespmem:s30+$0xCC10]  }
0x2de: {  	v9 =	vsub.f32 v9, v12;
	v12 =	vmul.f32 $1.500000000e+01, v5;
	v10 =	vtrunc.f32 v10;
	[tilespmem:v3+s23+$0x0] =	vst.idx.add.f32.msk $0xffff, v6  }
0x2df: {  	v3 =	vcvt.f32.s32 v10;
	v6 =	vld [tilespmem:s0+$0x28B0]  }
0x2e0: {  	v10 =	vtrunc.f32 v12;
	[tilespmem:v2+s23+$0x0] =	vst.idx.add.f32.msk $0xffff, v9  }
0x2e1: {  	v2 =	vcvt.f32.s32 v10;
	v3 =	vshll.u32 v3, $0x4;
	v9 =	vld [tilespmem:s0+$0x2830]  }
0x2e2: {  	v3 =	vadd.s32 v1, v3  }
0x2e3: {  	vm10 =	veq.s32 v11, v13;
	vm11 =	veq.s32 v8, v7;
	v7 =	vld [tilespmem:s0+$0x78B0];
	v2 =	vshll.u32 v2, $0x4  }
0x2e4: {  	v12 =	vsel vm10, $0x3F800000, v0;
	v10 =	vld [tilespmem:s0+$0x7830];
	v2 =	vadd.s32 v1, v2;
	v13 =	vmul.f32 $1.500000000e+01, v6  }
0x2e5: {  	v11 =	vld [tilespmem:s0+$0xC830];
	v4 =	vsub.f32 v4, v12  }
0x2e6: {  	v8 =	vsel vm11, $0x3F800000, v0;
	v12 =	vld [tilespmem:s0+$0xC8B0];
	v14 =	vmul.f32 $1.500000000e+01, v9;
	v13 =	vtrunc.f32 v13  }
0x2e7: {  	v5 =	vsub.f32 v5, v8;
	[tilespmem:v3+s23+$0x0] =	vst.idx.add.f32.msk $0xffff, v4;
	v3 =	vcvt.f32.s32 v13  }
0x2e8: {  	v4 =	vld [tilespmem:s30+$0x2CB0];
	v8 =	vtrunc.f32 v14  }
0x2e9: {  	[tilespmem:v2+s23+$0x0] =	vst.idx.add.f32.msk $0xffff, v5;
	v2 =	vcvt.f32.s32 v8;
	v3 =	vshll.u32 v3, $0x4  }
0x2ea: {  	v5 =	vld [tilespmem:s30+$0x2C20];
	v3 =	vadd.s32 v1, v3  }
0x2eb: {  	vm12 =	veq.s32 v7, v12;
	vm13 =	veq.s32 v10, v11;
	v11 =	vld [tilespmem:s30+$0x7CB0];
	v2 =	vshll.u32 v2, $0x4  }
0x2ec: {  	v12 =	vsel vm12, $0x3F800000, v0;
	v13 =	vld [tilespmem:s30+$0xCCB0];
	v2 =	vadd.s32 v1, v2  }
0x2ed: {  	v6 =	vsub.f32 v6, v12;
	v8 =	vld [tilespmem:s30+$0x7C20];
	v10 =	vmul.f32 $1.500000000e+01, v4  }
0x2ee: {  	v12 =	vsel vm13, $0x3F800000, v0;
	v7 =	vld [tilespmem:s30+$0xCC20]  }
0x2ef: {  	v9 =	vsub.f32 v9, v12;
	v12 =	vmul.f32 $1.500000000e+01, v5;
	v10 =	vtrunc.f32 v10;
	[tilespmem:v3+s23+$0x0] =	vst.idx.add.f32.msk $0xffff, v6  }
0x2f0: {  	v3 =	vcvt.f32.s32 v10;
	v6 =	vld [tilespmem:s0+$0x28C0]  }
0x2f1: {  	v10 =	vtrunc.f32 v12;
	[tilespmem:v2+s23+$0x0] =	vst.idx.add.f32.msk $0xffff, v9  }
0x2f2: {  	v2 =	vcvt.f32.s32 v10;
	v3 =	vshll.u32 v3, $0x4;
	v9 =	vld [tilespmem:s0+$0x2840]  }
0x2f3: {  	v3 =	vadd.s32 v1, v3  }
0x2f4: {  	vm14 =	veq.s32 v11, v13;
	vm15 =	veq.s32 v8, v7;
	v7 =	vld [tilespmem:s0+$0x78C0];
	v2 =	vshll.u32 v2, $0x4  }
0x2f5: {  	v12 =	vsel vm14, $0x3F800000, v0;
	v10 =	vld [tilespmem:s0+$0x7840];
	v2 =	vadd.s32 v1, v2;
	v13 =	vmul.f32 $1.500000000e+01, v6  }
0x2f6: {  	v11 =	vld [tilespmem:s0+$0xC840];
	v4 =	vsub.f32 v4, v12  }
0x2f7: {  	v8 =	vsel vm15, $0x3F800000, v0;
	v12 =	vld [tilespmem:s0+$0xC8C0];
	v14 =	vmul.f32 $1.500000000e+01, v9;
	v13 =	vtrunc.f32 v13  }
0x2f8: {  	v5 =	vsub.f32 v5, v8;
	[tilespmem:v3+s23+$0x0] =	vst.idx.add.f32.msk $0xffff, v4;
	v3 =	vcvt.f32.s32 v13  }
0x2f9: {  	v4 =	vld [tilespmem:s30+$0x2CC0];
	v8 =	vtrunc.f32 v14  }
0x2fa: {  	[tilespmem:v2+s23+$0x0] =	vst.idx.add.f32.msk $0xffff, v5;
	v2 =	vcvt.f32.s32 v8;
	v3 =	vshll.u32 v3, $0x4  }
0x2fb: {  	v5 =	vld [tilespmem:s30+$0x2C30];
	v3 =	vadd.s32 v1, v3  }
0x2fc: {  	vm4 =	veq.s32 v7, v12;
	vm5 =	veq.s32 v10, v11;
	v11 =	vld [tilespmem:s30+$0x7CC0];
	v2 =	vshll.u32 v2, $0x4  }
0x2fd: {  	v12 =	vsel vm4, $0x3F800000, v0;
	v13 =	vld [tilespmem:s30+$0xCCC0];
	v2 =	vadd.s32 v1, v2  }
0x2fe: {  	v6 =	vsub.f32 v6, v12;
	v8 =	vld [tilespmem:s30+$0x7C30];
	v10 =	vmul.f32 $1.500000000e+01, v4  }
0x2ff: {  	v12 =	vsel vm5, $0x3F800000, v0;
	v7 =	vld [tilespmem:s30+$0xCC30]  }
0x300: {  	v9 =	vsub.f32 v9, v12;
	v12 =	vmul.f32 $1.500000000e+01, v5;
	v10 =	vtrunc.f32 v10;
	[tilespmem:v3+s23+$0x0] =	vst.idx.add.f32.msk $0xffff, v6  }
0x301: {  	v3 =	vcvt.f32.s32 v10;
	v6 =	vld [tilespmem:s0+$0x28D0]  }
0x302: {  	v10 =	vtrunc.f32 v12;
	[tilespmem:v2+s23+$0x0] =	vst.idx.add.f32.msk $0xffff, v9  }
0x303: {  	v2 =	vcvt.f32.s32 v10;
	v3 =	vshll.u32 v3, $0x4;
	v9 =	vld [tilespmem:s0+$0x2850]  }
0x304: {  	v3 =	vadd.s32 v1, v3  }
0x305: {  	vm6 =	veq.s32 v11, v13;
	vm7 =	veq.s32 v8, v7;
	v7 =	vld [tilespmem:s0+$0x78D0];
	v2 =	vshll.u32 v2, $0x4  }
0x306: {  	v12 =	vsel vm6, $0x3F800000, v0;
	v10 =	vld [tilespmem:s0+$0x7850];
	v2 =	vadd.s32 v1, v2;
	v13 =	vmul.f32 $1.500000000e+01, v6  }
0x307: {  	v11 =	vld [tilespmem:s0+$0xC850];
	v4 =	vsub.f32 v4, v12  }
0x308: {  	v8 =	vsel vm7, $0x3F800000, v0;
	v12 =	vld [tilespmem:s0+$0xC8D0];
	v14 =	vmul.f32 $1.500000000e+01, v9;
	v13 =	vtrunc.f32 v13  }
0x309: {  	v5 =	vsub.f32 v5, v8;
	[tilespmem:v3+s23+$0x0] =	vst.idx.add.f32.msk $0xffff, v4;
	v3 =	vcvt.f32.s32 v13  }
0x30a: {  	v4 =	vld [tilespmem:s30+$0x2CD0];
	v8 =	vtrunc.f32 v14  }
0x30b: {  	[tilespmem:v2+s23+$0x0] =	vst.idx.add.f32.msk $0xffff, v5;
	v2 =	vcvt.f32.s32 v8;
	v3 =	vshll.u32 v3, $0x4  }
0x30c: {  	v5 =	vld [tilespmem:s30+$0x2C40];
	v3 =	vadd.s32 v1, v3  }
0x30d: {  	vm8 =	veq.s32 v7, v12;
	vm9 =	veq.s32 v10, v11;
	v11 =	vld [tilespmem:s30+$0x7CD0];
	v2 =	vshll.u32 v2, $0x4  }
0x30e: {  	v12 =	vsel vm8, $0x3F800000, v0;
	v13 =	vld [tilespmem:s30+$0xCCD0];
	v2 =	vadd.s32 v1, v2  }
0x30f: {  	v6 =	vsub.f32 v6, v12;
	v8 =	vld [tilespmem:s30+$0x7C40];
	v10 =	vmul.f32 $1.500000000e+01, v4  }
0x310: {  	v12 =	vsel vm9, $0x3F800000, v0;
	v7 =	vld [tilespmem:s30+$0xCC40]  }
0x311: {  	v9 =	vsub.f32 v9, v12;
	v12 =	vmul.f32 $1.500000000e+01, v5;
	v10 =	vtrunc.f32 v10;
	[tilespmem:v3+s23+$0x0] =	vst.idx.add.f32.msk $0xffff, v6  }
0x312: {  	v3 =	vcvt.f32.s32 v10;
	v6 =	vld [tilespmem:s0+$0x28E0]  }
0x313: {  	v10 =	vtrunc.f32 v12;
	[tilespmem:v2+s23+$0x0] =	vst.idx.add.f32.msk $0xffff, v9  }
0x314: {  	v2 =	vcvt.f32.s32 v10;
	v3 =	vshll.u32 v3, $0x4;
	v9 =	vld [tilespmem:s0+$0x2860]  }
0x315: {  	v3 =	vadd.s32 v1, v3  }
0x316: {  	vm10 =	veq.s32 v11, v13;
	vm11 =	veq.s32 v8, v7;
	v7 =	vld [tilespmem:s0+$0x78E0];
	v2 =	vshll.u32 v2, $0x4  }
0x317: {  	v12 =	vsel vm10, $0x3F800000, v0;
	v10 =	vld [tilespmem:s0+$0x7860];
	v2 =	vadd.s32 v1, v2  }
0x318: {  	v11 =	vld [tilespmem:s0+$0xC860];
	v4 =	vsub.f32 v4, v12;
	v13 =	vmul.f32 $1.500000000e+01, v6  }
0x319: {  	v8 =	vsel vm11, $0x3F800000, v0;
	v12 =	vld [tilespmem:s0+$0xC8E0];
	v14 =	vmul.f32 $1.500000000e+01, v9  }
0x31a: {  	v5 =	vsub.f32 v5, v8;
	v13 =	vtrunc.f32 v13;
	[tilespmem:v3+s23+$0x0] =	vst.idx.add.f32.msk $0xffff, v4  }
0x31b: {  	v3 =	vcvt.f32.s32 v13;
	v13 =	vld [tilespmem:s30+$0x2CE0];
	v4 =	vtrunc.f32 v14  }
0x31c: {  	[tilespmem:v2+s23+$0x0] =	vst.idx.add.f32.msk $0xffff, v5;
	v2 =	vcvt.f32.s32 v4  }
0x31d: {  	v3 =	vshll.u32 v3, $0x4  }
0x31e: {  	vm12 =	veq.s32 v7, v12;
	v4 =	vld [tilespmem:s30+$0x2C50];
	v3 =	vadd.s32 v1, v3;
	v2 =	vshll.u32 v2, $0x4  }
0x31f: {  	vm13 =	veq.s32 v10, v11;
	v8 =	vsel vm12, $0x3F800000, v0;
	v5 =	vld [tilespmem:s30+$0x7C50];
	v2 =	vadd.s32 v1, v2  }
0x320: {  	v6 =	vsub.f32 v6, v8;
	v8 =	vsel vm13, $0x3F800000, v0;
	v7 =	vld [tilespmem:s30+$0xCC50]  }
0x321: {  	v10 =	vld [tilespmem:s30+$0x7CE0];
	v8 =	vsub.f32 v9, v8;
	v9 =	vmul.f32 $1.500000000e+01, v13  }
0x322: {  	v11 =	vld [tilespmem:s30+$0xCCE0]  }
0x323: {  	[tilespmem:v3+s23+$0x0] =	vst.idx.add.f32.msk $0xffff, v6;
	v9 =	vtrunc.f32 v9  }
0x324: {  	[tilespmem:v2+s23+$0x0] =	vst.idx.add.f32.msk $0xffff, v8;
	v2 =	vcvt.f32.s32 v9  }
0x325: {  	v3 =	vmul.f32 $1.500000000e+01, v4;
	vm14 =	veq.s32 v5, v7;
	v6 =	vld [tilespmem:s0+$0x28F0]  }
0x326: {  	v5 =	vsel vm14, $0x3F800000, v0;
	v9 =	vshll.u32 v2, $0x4  }
0x327: {  	v3 =	vtrunc.f32 v3;
	v7 =	vld [tilespmem:s0+$0x2870];
	v2 =	vsub.f32 v4, v5;
	v4 =	vadd.s32 v1, v9  }
0x328: {  	vm15 =	veq.s32 v10, v11;
	v3 =	vcvt.f32.s32 v3;
	v8 =	vld [tilespmem:s0+$0x7870]  }
0x329: {  	v10 =	vld [tilespmem:s0+$0xC870];
	v5 =	vsel vm15, $0x3F800000, v0  }
0x32a: {  	v11 =	vld [tilespmem:s0+$0xC8F0];
	v3 =	vshll.u32 v3, $0x4;
	v5 =	vsub.f32 v13, v5;
	v12 =	vmul.f32 $1.500000000e+01, v6  }
0x32b: {  	s5 =	simm.s32 $0x400;
	s25 =	simm.s32 $0x200;
	s3 =	simm.s32 $0x2;
	v9 =	vld [tilespmem:s0+$0x78F0];
	v3 =	vadd.s32 v1, v3  }
.LBB2_5:
0x32c: {  	s7 =	sand.u32 $0x3800, s5;
	s8 =	sand.u32 $0x300, s25;
	s3 =	sadd.s32 $0x2, s3;
	v13 =	vmul.f32 $1.500000000e+01, v7;
	v12 =	vtrunc.f32 v12;
	[tilespmem:v4+s23+$0x0] =	vst.idx.add.f32.msk $0xffff, v5  }
0x32d: {  	s7 =	sor.u32 s8, s7;
	p0 =	slt.u32 s3, $0x26;
	v4 =	vcvt.f32.s32 v12;
	v5 =	vld [tilespmem:s30+$0x2CF0]  }
0x32e: {  	v12 =	vld [tilespmem:s7+$0x2880];
	v13 =	vtrunc.f32 v13;
	vm0 =	veq.s32 v8, v10  }
0x32f: {  	v8 =	vld [tilespmem:s7+$0x2800];
	v10 =	vcvt.f32.s32 v13;
	v13 =	vsel vm0, $0x3F800000, v0;
	v4 =	vshll.u32 v4, $0x4  }
0x330: {  	v14 =	vld [tilespmem:s7+$0x7800];
	v7 =	vsub.f32 v7, v13;
	v4 =	vadd.s32 v1, v4  }
0x331: {  	vm0 =	veq.s32 v9, v11;
	v13 =	vld [tilespmem:s7+$0x7880];
	v10 =	vshll.u32 v10, $0x4  }
0x332: {  	v11 =	vsel vm0, $0x3F800000, v0;
	v9 =	vld [tilespmem:s7+$0xC880];
	v10 =	vadd.s32 v1, v10;
	v15 =	vmul.f32 $1.500000000e+01, v5  }
0x333: {  	v6 =	vsub.f32 v6, v11;
	v16 =	vmul.f32 $1.500000000e+01, v12;
	v11 =	vld [tilespmem:s30+$0x7CF0]  }
0x334: {  	v17 =	vmul.f32 $1.500000000e+01, v8;
	v18 =	vld [tilespmem:s30+$0xCCF0];
	v15 =	vtrunc.f32 v15  }
0x335: {  	v16 =	vtrunc.f32 v16;
	[tilespmem:v4+s23+$0x0] =	vst.idx.add.f32.msk $0xffff, v6;
	v4 =	vcvt.f32.s32 v15  }
0x336: {  	v6 =	vtrunc.f32 v17;
	v15 =	vcvt.f32.s32 v16;
	v16 =	vld [tilespmem:s0+$0x2C80]  }
0x337: {  	v17 =	vld [tilespmem:s7+$0xC800];
	v6 =	vcvt.f32.s32 v6;
	v4 =	vshll.u32 v4, $0x4  }
0x338: {  	v15 =	vshll.u32 v15, $0x4;
	[tilespmem:v10+s23+$0x0] =	vst.idx.add.f32.msk $0xffff, v7;
	v4 =	vadd.s32 v1, v4  }
0x339: {  	v6 =	vshll.u32 v6, $0x4;
	v7 =	vadd.s32 v1, v15;
	v10 =	vld [tilespmem:s0+$0x2C00];
	vm0 =	veq.s32 v11, v18  }
0x33a: {  	vm1 =	veq.s32 v13, v9;
	v6 =	vadd.s32 v1, v6;
	v9 =	vld [tilespmem:s0+$0x7C00];
	v11 =	vsel vm0, $0x3F800000, v0  }
0x33b: {  	v13 =	vsel vm1, $0x3F800000, v0;
	v15 =	vld [tilespmem:s0+$0x7C80];
	v18 =	vmul.f32 $1.500000000e+01, v16;
	v5 =	vsub.f32 v5, v11  }
0x33c: {  	v11 =	vsub.f32 v12, v13;
	vm0 =	veq.s32 v14, v17;
	v12 =	vld [tilespmem:s0+$0xCC80]  }
0x33d: {  	v13 =	vsel vm0, $0x3F800000, v0;
	v14 =	vtrunc.f32 v18;
	[tilespmem:v4+s23+$0x0] =	vst.idx.add.f32.msk $0xffff, v5  }
0x33e: {  	v4 =	vsub.f32 v8, v13;
	[tilespmem:v7+s23+$0x0] =	vst.idx.add.f32.msk $0xffff, v11;
	v5 =	vmul.f32 $1.500000000e+01, v10;
	v7 =	vcvt.f32.s32 v14  }
0x33f: {  	v8 =	vld [tilespmem:s7+$0x2890]  }
0x340: {  	[tilespmem:v6+s23+$0x0] =	vst.idx.add.f32.msk $0xffff, v4;
	v4 =	vtrunc.f32 v5;
	v5 =	vshll.u32 v7, $0x4  }
0x341: {  	v6 =	vld [tilespmem:s7+$0x2810];
	v4 =	vcvt.f32.s32 v4;
	v5 =	vadd.s32 v1, v5  }
0x342: {  	vm0 =	veq.s32 v15, v12;
	v7 =	vld [tilespmem:s7+$0x7810]  }
0x343: {  	v12 =	vsel vm0, $0x3F800000, v0;
	v11 =	vld [tilespmem:s7+$0xC810];
	v4 =	vshll.u32 v4, $0x4  }
0x344: {  	v12 =	vsub.f32 v16, v12;
	v13 =	vld [tilespmem:s7+$0x7890];
	v14 =	vmul.f32 $1.500000000e+01, v8;
	v4 =	vadd.s32 v1, v4  }
0x345: {  	v15 =	vld [tilespmem:s7+$0xC890]  }
0x346: {  	v16 =	vmul.f32 $1.500000000e+01, v6;
	v14 =	vtrunc.f32 v14;
	[tilespmem:v5+s23+$0x0] =	vst.idx.add.f32.msk $0xffff, v12  }
0x347: {  	v5 =	vcvt.f32.s32 v14;
	v12 =	vld [tilespmem:s0+$0x2C90]  }
0x348: {  	v14 =	vtrunc.f32 v16;
	vm0 =	veq.s32 v7, v11;
	v7 =	vld [tilespmem:s0+$0xCC00]  }
0x349: {  	v11 =	vcvt.f32.s32 v14;
	v14 =	vsel vm0, $0x3F800000, v0;
	v5 =	vshll.u32 v5, $0x4;
	[tilespmem:v3+s23+$0x0] =	vst.idx.add.f32.msk $0xffff, v2  }
0x34a: {  	v2 =	vsub.f32 v6, v14;
	v3 =	vadd.s32 v1, v5;
	v5 =	vld [tilespmem:s30+$0x2C60]  }
0x34b: {  	vm0 =	veq.s32 v13, v15;
	v6 =	vshll.u32 v11, $0x4;
	v11 =	vld [tilespmem:s30+$0x7C60]  }
0x34c: {  	v13 =	vsel vm0, $0x3F800000, v0;
	v6 =	vadd.s32 v1, v6;
	v14 =	vmul.f32 $1.500000000e+01, v12;
	v15 =	vld [tilespmem:s30+$0xCC60]  }
0x34d: {  	v8 =	vsub.f32 v8, v13;
	vm0 =	veq.s32 v9, v7;
	v7 =	vld [tilespmem:s0+$0x7C90]  }
0x34e: {  	v9 =	vsel vm0, $0x3F800000, v0;
	v13 =	vld [tilespmem:s0+$0xCC90];
	v14 =	vtrunc.f32 v14  }
0x34f: {  	[tilespmem:v3+s23+$0x0] =	vst.idx.add.f32.msk $0xffff, v8;
	v3 =	vsub.f32 v10, v9;
	v8 =	vcvt.f32.s32 v14;
	v9 =	vmul.f32 $1.500000000e+01, v5  }
0x350: {  	v10 =	vld [tilespmem:s7+$0x28A0]  }
0x351: {  	[tilespmem:v6+s23+$0x0] =	vst.idx.add.f32.msk $0xffff, v2;
	v2 =	vshll.u32 v8, $0x4;
	v6 =	vtrunc.f32 v9;
	vm0 =	veq.s32 v11, v15  }
0x352: {  	v8 =	vld [tilespmem:s7+$0x2820];
	v2 =	vadd.s32 v1, v2;
	v6 =	vcvt.f32.s32 v6;
	v9 =	vsel vm0, $0x3F800000, v0  }
0x353: {  	v11 =	vld [tilespmem:s7+$0x7820];
	vm0 =	veq.s32 v7, v13;
	v5 =	vsub.f32 v5, v9  }
0x354: {  	v7 =	vld [tilespmem:s7+$0xC820];
	v9 =	vsel vm0, $0x3F800000, v0;
	v6 =	vshll.u32 v6, $0x4  }
0x355: {  	v13 =	vld [tilespmem:s7+$0x78A0];
	v14 =	vmul.f32 $1.500000000e+01, v10;
	v9 =	vsub.f32 v12, v9;
	v6 =	vadd.s32 v1, v6  }
0x356: {  	v12 =	vld [tilespmem:s7+$0xC8A0]  }
0x357: {  	v15 =	vmul.f32 $1.500000000e+01, v8;
	v14 =	vtrunc.f32 v14;
	[tilespmem:v2+s23+$0x0] =	vst.idx.add.f32.msk $0xffff, v9  }
0x358: {  	v2 =	vcvt.f32.s32 v14;
	v9 =	vld [tilespmem:s0+$0x2CA0]  }
0x359: {  	v14 =	vtrunc.f32 v15;
	vm0 =	veq.s32 v11, v7;
	[tilespmem:v4+s23+$0x0] =	vst.idx.add.f32.msk $0xffff, v3  }
0x35a: {  	v3 =	vcvt.f32.s32 v14;
	v4 =	vsel vm0, $0x3F800000, v0;
	v2 =	vshll.u32 v2, $0x4;
	v7 =	vld [tilespmem:s0+$0x2C10]  }
0x35b: {  	v4 =	vsub.f32 v8, v4;
	v2 =	vadd.s32 v1, v2;
	v8 =	vld [tilespmem:s0+$0x7C10]  }
0x35c: {  	vm0 =	veq.s32 v13, v12;
	v3 =	vshll.u32 v3, $0x4;
	v11 =	vld [tilespmem:s0+$0xCC10]  }
0x35d: {  	v12 =	vsel vm0, $0x3F800000, v0;
	v3 =	vadd.s32 v1, v3;
	v13 =	vmul.f32 $1.500000000e+01, v9;
	[tilespmem:v6+s23+$0x0] =	vst.idx.add.f32.msk $0xffff, v5  }
0x35e: {  	v5 =	vsub.f32 v10, v12;
	v6 =	vld [tilespmem:s0+$0x7CA0]  }
0x35f: {  	v10 =	vmul.f32 $1.500000000e+01, v7;
	v12 =	vld [tilespmem:s0+$0xCCA0];
	v13 =	vtrunc.f32 v13  }
0x360: {  	[tilespmem:v2+s23+$0x0] =	vst.idx.add.f32.msk $0xffff, v5;
	v2 =	vcvt.f32.s32 v13  }
0x361: {  	v5 =	vld [tilespmem:s7+$0x28B0];
	v10 =	vtrunc.f32 v10;
	vm0 =	veq.s32 v8, v11  }
0x362: {  	[tilespmem:v3+s23+$0x0] =	vst.idx.add.f32.msk $0xffff, v4;
	v3 =	vcvt.f32.s32 v10;
	v4 =	vsel vm0, $0x3F800000, v0;
	v2 =	vshll.u32 v2, $0x4  }
0x363: {  	v8 =	vld [tilespmem:s7+$0x2830];
	v4 =	vsub.f32 v7, v4;
	v2 =	vadd.s32 v1, v2  }
0x364: {  	v7 =	vld [tilespmem:s7+$0x7830];
	v3 =	vshll.u32 v3, $0x4;
	vm0 =	veq.s32 v6, v12  }
0x365: {  	v6 =	vld [tilespmem:s7+$0xC830];
	v3 =	vadd.s32 v1, v3;
	v10 =	vsel vm0, $0x3F800000, v0  }
0x366: {  	v11 =	vld [tilespmem:s7+$0x78B0];
	v12 =	vmul.f32 $1.500000000e+01, v5;
	v9 =	vsub.f32 v9, v10  }
0x367: {  	v10 =	vld [tilespmem:s7+$0xC8B0]  }
0x368: {  	v13 =	vmul.f32 $1.500000000e+01, v8;
	v12 =	vtrunc.f32 v12;
	[tilespmem:v2+s23+$0x0] =	vst.idx.add.f32.msk $0xffff, v9  }
0x369: {  	v2 =	vcvt.f32.s32 v12;
	v9 =	vld [tilespmem:s0+$0x2CB0]  }
0x36a: {  	v12 =	vtrunc.f32 v13;
	vm0 =	veq.s32 v7, v6;
	[tilespmem:v3+s23+$0x0] =	vst.idx.add.f32.msk $0xffff, v4  }
0x36b: {  	v3 =	vcvt.f32.s32 v12;
	v4 =	vsel vm0, $0x3F800000, v0;
	v2 =	vshll.u32 v2, $0x4;
	v6 =	vld [tilespmem:s0+$0x2C20]  }
0x36c: {  	v4 =	vsub.f32 v8, v4;
	v7 =	vadd.s32 v1, v2;
	v8 =	vld [tilespmem:s0+$0x7C20]  }
0x36d: {  	vm0 =	veq.s32 v11, v10;
	v2 =	vshll.u32 v3, $0x4;
	v3 =	vld [tilespmem:s0+$0xCC20]  }
0x36e: {  	v11 =	vsel vm0, $0x3F800000, v0;
	v10 =	vadd.s32 v1, v2;
	v12 =	vmul.f32 $1.500000000e+01, v9;
	v2 =	vld [tilespmem:s30+$0x2C70]  }
0x36f: {  	v5 =	vsub.f32 v5, v11;
	v11 =	vld [tilespmem:s0+$0x7CB0]  }
0x370: {  	v13 =	vmul.f32 $1.500000000e+01, v6;
	v14 =	vld [tilespmem:s0+$0xCCB0];
	v12 =	vtrunc.f32 v12  }
0x371: {  	[tilespmem:v7+s23+$0x0] =	vst.idx.add.f32.msk $0xffff, v5;
	v5 =	vcvt.f32.s32 v12  }
0x372: {  	v7 =	vld [tilespmem:s7+$0x28C0];
	v12 =	vtrunc.f32 v13;
	vm0 =	veq.s32 v8, v3  }
0x373: {  	[tilespmem:v10+s23+$0x0] =	vst.idx.add.f32.msk $0xffff, v4;
	v3 =	vcvt.f32.s32 v12;
	v4 =	vsel vm0, $0x3F800000, v0;
	v5 =	vshll.u32 v5, $0x4  }
0x374: {  	v8 =	vld [tilespmem:s7+$0x2840];
	v4 =	vsub.f32 v6, v4;
	v5 =	vadd.s32 v1, v5;
	v6 =	vmul.f32 $1.500000000e+01, v2  }
0x375: {  	v10 =	vld [tilespmem:s7+$0x7840];
	v3 =	vshll.u32 v3, $0x4;
	vm0 =	veq.s32 v11, v14  }
0x376: {  	v11 =	vld [tilespmem:s7+$0xC840];
	v12 =	vadd.s32 v1, v3;
	v3 =	vsel vm0, $0x3F800000, v0;
	v6 =	vtrunc.f32 v6  }
0x377: {  	v13 =	vld [tilespmem:s7+$0x78C0];
	v14 =	vmul.f32 $1.500000000e+01, v7;
	v3 =	vsub.f32 v9, v3;
	v6 =	vcvt.f32.s32 v6  }
0x378: {  	v9 =	vld [tilespmem:s7+$0xC8C0]  }
0x379: {  	v15 =	vmul.f32 $1.500000000e+01, v8;
	v14 =	vtrunc.f32 v14;
	[tilespmem:v5+s23+$0x0] =	vst.idx.add.f32.msk $0xffff, v3;
	v3 =	vshll.u32 v6, $0x4  }
0x37a: {  	v5 =	vcvt.f32.s32 v14;
	v6 =	vld [tilespmem:s0+$0x2CC0];
	v3 =	vadd.s32 v1, v3  }
0x37b: {  	v14 =	vtrunc.f32 v15;
	vm0 =	veq.s32 v10, v11;
	[tilespmem:v12+s23+$0x0] =	vst.idx.add.f32.msk $0xffff, v4  }
0x37c: {  	v4 =	vcvt.f32.s32 v14;
	v10 =	vsel vm0, $0x3F800000, v0;
	v5 =	vshll.u32 v5, $0x4;
	v11 =	vld [tilespmem:s0+$0x2C30]  }
0x37d: {  	v8 =	vsub.f32 v8, v10;
	v5 =	vadd.s32 v1, v5;
	v10 =	vld [tilespmem:s0+$0x7C30]  }
0x37e: {  	vm0 =	veq.s32 v13, v9;
	v4 =	vshll.u32 v4, $0x4;
	v9 =	vld [tilespmem:s0+$0xCC30]  }
0x37f: {  	v12 =	vsel vm0, $0x3F800000, v0;
	v4 =	vadd.s32 v1, v4;
	v13 =	vmul.f32 $1.500000000e+01, v6;
	v14 =	vld [tilespmem:s30+$0x7C70]  }
0x380: {  	v7 =	vsub.f32 v7, v12;
	v12 =	vld [tilespmem:s0+$0x7CC0]  }
0x381: {  	v15 =	vmul.f32 $1.500000000e+01, v11;
	v16 =	vld [tilespmem:s0+$0xCCC0];
	v13 =	vtrunc.f32 v13  }
0x382: {  	[tilespmem:v5+s23+$0x0] =	vst.idx.add.f32.msk $0xffff, v7;
	v5 =	vcvt.f32.s32 v13  }
0x383: {  	v7 =	vld [tilespmem:s7+$0x28D0];
	v13 =	vtrunc.f32 v15;
	vm0 =	veq.s32 v10, v9  }
0x384: {  	[tilespmem:v4+s23+$0x0] =	vst.idx.add.f32.msk $0xffff, v8;
	v4 =	vcvt.f32.s32 v13;
	v8 =	vsel vm0, $0x3F800000, v0;
	v5 =	vshll.u32 v5, $0x4  }
0x385: {  	v9 =	vld [tilespmem:s7+$0x2850];
	v8 =	vsub.f32 v11, v8;
	v5 =	vadd.s32 v1, v5  }
0x386: {  	v10 =	vld [tilespmem:s7+$0x7850];
	v4 =	vshll.u32 v4, $0x4;
	vm0 =	veq.s32 v12, v16  }
0x387: {  	v11 =	vld [tilespmem:s7+$0xC850];
	v4 =	vadd.s32 v1, v4;
	v12 =	vsel vm0, $0x3F800000, v0  }
0x388: {  	v13 =	vld [tilespmem:s7+$0x78D0];
	v15 =	vmul.f32 $1.500000000e+01, v7;
	v6 =	vsub.f32 v6, v12  }
0x389: {  	v12 =	vld [tilespmem:s7+$0xC8D0]  }
0x38a: {  	v16 =	vmul.f32 $1.500000000e+01, v9;
	v15 =	vtrunc.f32 v15;
	[tilespmem:v5+s23+$0x0] =	vst.idx.add.f32.msk $0xffff, v6  }
0x38b: {  	v5 =	vcvt.f32.s32 v15;
	v6 =	vld [tilespmem:s0+$0x2CD0]  }
0x38c: {  	v15 =	vtrunc.f32 v16;
	vm0 =	veq.s32 v10, v11;
	[tilespmem:v4+s23+$0x0] =	vst.idx.add.f32.msk $0xffff, v8  }
0x38d: {  	v4 =	vcvt.f32.s32 v15;
	v8 =	vsel vm0, $0x3F800000, v0;
	v5 =	vshll.u32 v5, $0x4;
	v10 =	vld [tilespmem:s0+$0x2C40]  }
0x38e: {  	v8 =	vsub.f32 v9, v8;
	v5 =	vadd.s32 v1, v5;
	v9 =	vld [tilespmem:s0+$0x7C40]  }
0x38f: {  	vm0 =	veq.s32 v13, v12;
	v4 =	vshll.u32 v4, $0x4;
	v11 =	vld [tilespmem:s0+$0xCC40]  }
0x390: {  	v12 =	vsel vm0, $0x3F800000, v0;
	v4 =	vadd.s32 v1, v4;
	v13 =	vmul.f32 $1.500000000e+01, v6;
	v15 =	vld [tilespmem:s30+$0xCC70];
	s30 =	smov.u32 s0;
	s0 =	smov.u32 s7  }
0x391: {  	v7 =	vsub.f32 v7, v12;
	v12 =	vld [tilespmem:s30+$0x7CD0]  }
0x392: {  	v16 =	vmul.f32 $1.500000000e+01, v10;
	v17 =	vld [tilespmem:s30+$0xCCD0];
	v13 =	vtrunc.f32 v13  }
0x393: {  	[tilespmem:v5+s23+$0x0] =	vst.idx.add.f32.msk $0xffff, v7;
	v5 =	vcvt.f32.s32 v13  }
0x394: {  	v7 =	vld [tilespmem:s0+$0x28E0];
	v13 =	vtrunc.f32 v16;
	vm0 =	veq.s32 v9, v11  }
0x395: {  	[tilespmem:v4+s23+$0x0] =	vst.idx.add.f32.msk $0xffff, v8;
	v4 =	vcvt.f32.s32 v13;
	v8 =	vsel vm0, $0x3F800000, v0;
	v5 =	vshll.u32 v5, $0x4  }
0x396: {  	vm0 =	veq.s32 v14, v15;
	v9 =	vld [tilespmem:s0+$0x2860];
	v8 =	vsub.f32 v10, v8;
	v5 =	vadd.s32 v1, v5  }
0x397: {  	v11 =	vsel vm0, $0x3F800000, v0;
	v10 =	vld [tilespmem:s0+$0x7860];
	v4 =	vshll.u32 v4, $0x4;
	vm1 =	veq.s32 v12, v17  }
0x398: {  	v2 =	vsub.f32 v2, v11;
	v12 =	vld [tilespmem:s0+$0xC860];
	v4 =	vadd.s32 v1, v4;
	v13 =	vsel vm1, $0x3F800000, v0  }
0x399: {  	v11 =	vld [tilespmem:s0+$0x78E0];
	v14 =	vmul.f32 $1.500000000e+01, v7;
	v6 =	vsub.f32 v6, v13  }
0x39a: {  	v13 =	vld [tilespmem:s0+$0xC8E0]  }
0x39b: {  	v15 =	vmul.f32 $1.500000000e+01, v9;
	v14 =	vtrunc.f32 v14;
	[tilespmem:v5+s23+$0x0] =	vst.idx.add.f32.msk $0xffff, v6  }
0x39c: {  	v5 =	vcvt.f32.s32 v14;
	v14 =	vld [tilespmem:s30+$0x2CE0]  }
0x39d: {  	v6 =	vtrunc.f32 v15;
	vm0 =	veq.s32 v10, v12;
	[tilespmem:v4+s23+$0x0] =	vst.idx.add.f32.msk $0xffff, v8  }
0x39e: {  	v4 =	vcvt.f32.s32 v6;
	v6 =	vsel vm0, $0x3F800000, v0;
	v5 =	vshll.u32 v5, $0x4;
	v8 =	vld [tilespmem:s30+$0x2C50]  }
0x39f: {  	v9 =	vsub.f32 v9, v6;
	v5 =	vadd.s32 v1, v5;
	v10 =	vld [tilespmem:s30+$0x7C50]  }
0x3a0: {  	vm0 =	veq.s32 v11, v13;
	v4 =	vshll.u32 v4, $0x4;
	v11 =	vld [tilespmem:s30+$0xCC50]  }
0x3a1: {  	v6 =	vsel vm0, $0x3F800000, v0;
	v4 =	vadd.s32 v1, v4;
	v12 =	vmul.f32 $1.500000000e+01, v14;
	[tilespmem:v3+s23+$0x0] =	vst.idx.add.f32.msk $0xffff, v2  }
0x3a2: {  	v2 =	vsub.f32 v7, v6;
	v3 =	vld [tilespmem:s30+$0x7CE0]  }
0x3a3: {  	v7 =	vmul.f32 $1.500000000e+01, v8;
	v13 =	vld [tilespmem:s30+$0xCCE0];
	v6 =	vtrunc.f32 v12  }
0x3a4: {  	[tilespmem:v5+s23+$0x0] =	vst.idx.add.f32.msk $0xffff, v2;
	v2 =	vcvt.f32.s32 v6  }
0x3a5: {  	v6 =	vld [tilespmem:s0+$0x28F0];
	v5 =	vtrunc.f32 v7;
	vm0 =	veq.s32 v10, v11  }
0x3a6: {  	[tilespmem:v4+s23+$0x0] =	vst.idx.add.f32.msk $0xffff, v9;
	v5 =	vcvt.f32.s32 v5;
	v4 =	vsel vm0, $0x3F800000, v0;
	v9 =	vshll.u32 v2, $0x4  }
.Ltmp1:
0x3a7: {  	v7 =	vld [tilespmem:s0+$0x2870];
	v2 =	vsub.f32 v8, v4;
	v4 =	vadd.s32 v1, v9;
	(pc) =	sbr.rel @p0 .LBB2_5-.Ltmp1, $4  }
0x3a8: {  	v8 =	vld [tilespmem:s0+$0x7870];
	v5 =	vshll.u32 v5, $0x4;
	vm0 =	veq.s32 v3, v13  }
0x3a9: {  	v10 =	vld [tilespmem:s0+$0xC870];
	v3 =	vadd.s32 v1, v5;
	v5 =	vsel vm0, $0x3F800000, v0  }
0x3aa: {  	v9 =	vld [tilespmem:s0+$0x78F0];
	v12 =	vmul.f32 $1.500000000e+01, v6;
	v5 =	vsub.f32 v14, v5  }
0x3ab: {  	s25 =	sadd.s32 $0x100, s25;
	s5 =	sadd.s32 $0x200, s5;
	v11 =	vld [tilespmem:s0+$0xC8F0]  }
0x3ac: {  	v13 =	vmul.f32 $1.500000000e+01, v7;
	v12 =	vtrunc.f32 v12  }
0x3ad: {  	v12 =	vcvt.f32.s32 v12  }
0x3ae: {  	v13 =	vtrunc.f32 v13  }
0x3af: {  	v13 =	vcvt.f32.s32 v13;
	v12 =	vshll.u32 v12, $0x4  }
0x3b0: {  	v12 =	vadd.s32 v1, v12  }
0x3b1: {  	vm0 =	veq.s32 v9, v11;
	v13 =	vshll.u32 v13, $0x4  }
0x3b2: {  	v11 =	vsel vm0, $0x3F800000, v0;
	v30 =	vadd.s32 v1, v13  }
0x3b3: {  	vm9 =	veq.s32 v8, v10;
	v6 =	vsub.f32 v6, v11  }
0x3b4: {  	v8 =	vsel vm9, $0x3F800000, v0  }
0x3b5: {  	v31 =	vsub.f32 v7, v8;
	[tilespmem:v12+s23+$0x0] =	vst.idx.add.f32.msk $0xffff, v6  }
0x3b6: {  	v6 =	vld [tilespmem:s0+$0x2C80]  }
0x3b7: {  	[tilespmem:v30+s23+$0x0] =	vst.idx.add.f32.msk $0xffff, v31  }
0x3b8: {  	v7 =	vld [tilespmem:s0+$0x2C00];
	_ =	sdelay $0x2  }
0x3b9: {  	v32 =	vmul.f32 $1.500000000e+01, v6  }
0x3ba: {  	v33 =	vld [tilespmem:s0+$0x7C80]  }
0x3bb: {  	v34 =	vld [tilespmem:s0+$0xCC80];
	v8 =	vtrunc.f32 v32;
	v35 =	vmul.f32 $1.500000000e+01, v7  }
0x3bc: {  	v36 =	vld [tilespmem:s0+$0x7C00];
	v8 =	vcvt.f32.s32 v8  }
0x3bd: {  	v37 =	vld [tilespmem:s0+$0xCC00];
	v11 =	vtrunc.f32 v35  }
0x3be: {  	v8 =	vshll.u32 v8, $0x4;
	v11 =	vcvt.f32.s32 v11  }
0x3bf: {  	v8 =	vadd.s32 v1, v8  }
0x3c0: {  	vm10 =	veq.s32 v33, v34;
	v38 =	vshll.u32 v11, $0x4  }
0x3c1: {  	v10 =	vsel vm10, $0x3F800000, v0;
	v9 =	vadd.s32 v1, v38  }
0x3c2: {  	v6 =	vsub.f32 v6, v10;
	vm11 =	veq.s32 v36, v37  }
0x3c3: {  	v39 =	vsel vm11, $0x3F800000, v0  }
0x3c4: {  	v40 =	vsub.f32 v7, v39;
	[tilespmem:v8+s23+$0x0] =	vst.idx.add.f32.msk $0xffff, v6  }
0x3c5: {  	v41 =	vld [tilespmem:s0+$0x2C90]  }
0x3c6: {  	[tilespmem:v9+s23+$0x0] =	vst.idx.add.f32.msk $0xffff, v40  }
0x3c7: {  	v6 =	vld [tilespmem:s0+$0x2C10];
	_ =	sdelay $0x2  }
0x3c8: {  	v42 =	vmul.f32 $1.500000000e+01, v41  }
0x3c9: {  	v43 =	vld [tilespmem:s0+$0x7C90]  }
0x3ca: {  	v44 =	vld [tilespmem:s0+$0xCC90];
	v8 =	vtrunc.f32 v42;
	v45 =	vmul.f32 $1.500000000e+01, v6  }
0x3cb: {  	v46 =	vld [tilespmem:s0+$0x7C10];
	v8 =	vcvt.f32.s32 v8  }
0x3cc: {  	v47 =	vld [tilespmem:s0+$0xCC10];
	v11 =	vtrunc.f32 v45  }
0x3cd: {  	v8 =	vshll.u32 v8, $0x4;
	v11 =	vcvt.f32.s32 v11  }
0x3ce: {  	v8 =	vadd.s32 v1, v8  }
0x3cf: {  	vm12 =	veq.s32 v43, v44;
	v48 =	vshll.u32 v11, $0x4  }
0x3d0: {  	v10 =	vsel vm12, $0x3F800000, v0;
	v9 =	vadd.s32 v1, v48  }
0x3d1: {  	v7 =	vsub.f32 v41, v10;
	vm13 =	veq.s32 v46, v47  }
0x3d2: {  	v49 =	vsel vm13, $0x3F800000, v0  }
0x3d3: {  	v6 =	vsub.f32 v6, v49;
	[tilespmem:v8+s23+$0x0] =	vst.idx.add.f32.msk $0xffff, v7  }
0x3d4: {  	v7 =	vld [tilespmem:s0+$0x2CA0]  }
0x3d5: {  	[tilespmem:v9+s23+$0x0] =	vst.idx.add.f32.msk $0xffff, v6  }
0x3d6: {  	v6 =	vld [tilespmem:s0+$0x2C20];
	_ =	sdelay $0x2  }
0x3d7: {  	v50 =	vmul.f32 $1.500000000e+01, v7  }
0x3d8: {  	v51 =	vld [tilespmem:s0+$0x7CA0]  }
0x3d9: {  	v52 =	vld [tilespmem:s0+$0xCCA0];
	v8 =	vtrunc.f32 v50;
	v53 =	vmul.f32 $1.500000000e+01, v6  }
0x3da: {  	v54 =	vld [tilespmem:s0+$0x7C20];
	v8 =	vcvt.f32.s32 v8  }
0x3db: {  	v55 =	vld [tilespmem:s0+$0xCC20];
	v11 =	vtrunc.f32 v53  }
0x3dc: {  	v8 =	vshll.u32 v8, $0x4;
	v11 =	vcvt.f32.s32 v11  }
0x3dd: {  	v8 =	vadd.s32 v1, v8  }
0x3de: {  	vm14 =	veq.s32 v51, v52;
	v56 =	vshll.u32 v11, $0x4  }
0x3df: {  	v10 =	vsel vm14, $0x3F800000, v0;
	v9 =	vadd.s32 v1, v56  }
0x3e0: {  	v7 =	vsub.f32 v7, v10;
	vm15 =	veq.s32 v54, v55  }
0x3e1: {  	v57 =	vsel vm15, $0x3F800000, v0  }
0x3e2: {  	v6 =	vsub.f32 v6, v57;
	[tilespmem:v8+s23+$0x0] =	vst.idx.add.f32.msk $0xffff, v7  }
0x3e3: {  	v7 =	vld [tilespmem:s0+$0x2CB0]  }
0x3e4: {  	[tilespmem:v9+s23+$0x0] =	vst.idx.add.f32.msk $0xffff, v6  }
0x3e5: {  	v6 =	vld [tilespmem:s0+$0x2C30];
	_ =	sdelay $0x2  }
0x3e6: {  	v58 =	vmul.f32 $1.500000000e+01, v7  }
0x3e7: {  	v59 =	vld [tilespmem:s0+$0x7CB0]  }
0x3e8: {  	v60 =	vld [tilespmem:s0+$0xCCB0];
	v8 =	vtrunc.f32 v58;
	v61 =	vmul.f32 $1.500000000e+01, v6  }
0x3e9: {  	v62 =	vld [tilespmem:s0+$0x7C30];
	v8 =	vcvt.f32.s32 v8  }
0x3ea: {  	v63 =	vld [tilespmem:s0+$0xCC30];
	v11 =	vtrunc.f32 v61  }
0x3eb: {  	v8 =	vshll.u32 v8, $0x4;
	v11 =	vcvt.f32.s32 v11  }
0x3ec: {  	v8 =	vadd.s32 v1, v8  }
0x3ed: {  	vm4 =	veq.s32 v59, v60;
	v14 =	vshll.u32 v11, $0x4  }
0x3ee: {  	v10 =	vsel vm4, $0x3F800000, v0;
	v9 =	vadd.s32 v1, v14  }
0x3ef: {  	v7 =	vsub.f32 v7, v10;
	vm5 =	veq.s32 v62, v63  }
0x3f0: {  	v15 =	vsel vm5, $0x3F800000, v0  }
0x3f1: {  	v6 =	vsub.f32 v6, v15;
	[tilespmem:v8+s23+$0x0] =	vst.idx.add.f32.msk $0xffff, v7  }
0x3f2: {  	v7 =	vld [tilespmem:s0+$0x2CC0]  }
0x3f3: {  	[tilespmem:v9+s23+$0x0] =	vst.idx.add.f32.msk $0xffff, v6  }
0x3f4: {  	v6 =	vld [tilespmem:s0+$0x2C40];
	_ =	sdelay $0x2  }
0x3f5: {  	v16 =	vmul.f32 $1.500000000e+01, v7  }
0x3f6: {  	v17 =	vld [tilespmem:s0+$0x7CC0]  }
0x3f7: {  	v18 =	vld [tilespmem:s0+$0xCCC0];
	v8 =	vtrunc.f32 v16;
	v19 =	vmul.f32 $1.500000000e+01, v6  }
0x3f8: {  	v20 =	vld [tilespmem:s0+$0x7C40];
	v8 =	vcvt.f32.s32 v8  }
0x3f9: {  	v21 =	vld [tilespmem:s0+$0xCC40];
	v11 =	vtrunc.f32 v19  }
0x3fa: {  	v8 =	vshll.u32 v8, $0x4;
	v11 =	vcvt.f32.s32 v11  }
0x3fb: {  	v8 =	vadd.s32 v1, v8  }
0x3fc: {  	vm6 =	veq.s32 v17, v18;
	v22 =	vshll.u32 v11, $0x4  }
0x3fd: {  	v10 =	vsel vm6, $0x3F800000, v0;
	v9 =	vadd.s32 v1, v22  }
0x3fe: {  	v7 =	vsub.f32 v7, v10;
	vm7 =	veq.s32 v20, v21  }
0x3ff: {  	v23 =	vsel vm7, $0x3F800000, v0  }
0x400: {  	v6 =	vsub.f32 v6, v23;
	[tilespmem:v8+s23+$0x0] =	vst.idx.add.f32.msk $0xffff, v7  }
0x401: {  	v7 =	vld [tilespmem:s0+$0x2CD0]  }
0x402: {  	[tilespmem:v9+s23+$0x0] =	vst.idx.add.f32.msk $0xffff, v6  }
0x403: {  	v6 =	vld [tilespmem:s0+$0x2C50];
	_ =	sdelay $0x2  }
0x404: {  	v24 =	vmul.f32 $1.500000000e+01, v7  }
0x405: {  	v25 =	vld [tilespmem:s0+$0x7CD0]  }
0x406: {  	v26 =	vld [tilespmem:s0+$0xCCD0];
	v8 =	vtrunc.f32 v24;
	v27 =	vmul.f32 $1.500000000e+01, v6  }
0x407: {  	v28 =	vld [tilespmem:s0+$0x7C50];
	v8 =	vcvt.f32.s32 v8  }
0x408: {  	v29 =	vld [tilespmem:s0+$0xCC50];
	v11 =	vtrunc.f32 v27  }
0x409: {  	v8 =	vshll.u32 v8, $0x4;
	v11 =	vcvt.f32.s32 v11  }
0x40a: {  	v8 =	vadd.s32 v1, v8  }
0x40b: {  	vm8 =	veq.s32 v25, v26;
	v30 =	vshll.u32 v11, $0x4  }
0x40c: {  	v10 =	vsel vm8, $0x3F800000, v0;
	v9 =	vadd.s32 v1, v30  }
0x40d: {  	[tilespmem:v3+s23+$0x0] =	vst.idx.add.f32.msk $0xffff, v2;
	v2 =	vsub.f32 v7, v10;
	vm9 =	veq.s32 v28, v29  }
0x40e: {  	v3 =	vld [tilespmem:s30+$0x2C60];
	v31 =	vsel vm9, $0x3F800000, v0  }
0x40f: {  	[tilespmem:v8+s23+$0x0] =	vst.idx.add.f32.msk $0xffff, v2;
	v2 =	vsub.f32 v6, v31  }
0x410: {  	v32 =	vld [tilespmem:s0+$0x2CE0]  }
0x411: {  	[tilespmem:v9+s23+$0x0] =	vst.idx.add.f32.msk $0xffff, v2  }
0x412: {  	v2 =	vld [tilespmem:s0+$0x2C60]  }
0x413: {  	v33 =	vmul.f32 $1.500000000e+01, v3  }
0x414: {  	v34 =	vld [tilespmem:s30+$0x7C60]  }
0x415: {  	v35 =	vld [tilespmem:s30+$0xCC60];
	v7 =	vtrunc.f32 v33;
	v36 =	vmul.f32 $1.500000000e+01, v32  }
0x416: {  	v7 =	vcvt.f32.s32 v7;
	v37 =	vld [tilespmem:s0+$0x7CE0]  }
0x417: {  	v38 =	vld [tilespmem:s0+$0xCCE0];
	v10 =	vtrunc.f32 v36;
	v39 =	vmul.f32 $1.500000000e+01, v2  }
0x418: {  	v7 =	vshll.u32 v7, $0x4;
	v14 =	vld [tilespmem:s0+$0x7C60];
	v10 =	vcvt.f32.s32 v10  }
0x419: {  	v7 =	vadd.s32 v1, v7;
	v15 =	vld [tilespmem:s0+$0xCC60];
	v13 =	vtrunc.f32 v39  }
0x41a: {  	[tilespmem:v4+s23+$0x0] =	vst.idx.add.f32.msk $0xffff, v5;
	vm10 =	veq.s32 v34, v35;
	v40 =	vshll.u32 v10, $0x4;
	v41 =	vcvt.f32.s32 v13  }
0x41b: {  	v43 =	vld [tilespmem:s30+$0x7CF0];
	v9 =	vsel vm10, $0x3F800000, v0;
	v4 =	vadd.s32 v1, v40  }
0x41c: {  	v44 =	vld [tilespmem:s30+$0xCCF0];
	v3 =	vsub.f32 v3, v9;
	vm11 =	veq.s32 v37, v38;
	v5 =	vshll.u32 v41, $0x4  }
0x41d: {  	v42 =	vld [tilespmem:s30+$0x2CF0];
	v11 =	vsel vm11, $0x3F800000, v0;
	v5 =	vadd.s32 v1, v5  }
0x41e: {  	[tilespmem:v7+s23+$0x0] =	vst.idx.add.f32.msk $0xffff, v3;
	v3 =	vsub.f32 v32, v11;
	vm12 =	veq.s32 v14, v15  }
0x41f: {  	v45 =	vld [tilespmem:s30+$0x2C70];
	v46 =	vsel vm12, $0x3F800000, v0  }
0x420: {  	v2 =	vsub.f32 v2, v46;
	[tilespmem:v4+s23+$0x0] =	vst.idx.add.f32.msk $0xffff, v3  }
0x421: {  	v3 =	vld [tilespmem:s0+$0x2CF0]  }
0x422: {  	[tilespmem:v5+s23+$0x0] =	vst.idx.add.f32.msk $0xffff, v2  }
0x423: {  	v2 =	vld [tilespmem:s0+$0x2C70]  }
0x424: {  	v50 =	vmul.f32 $1.500000000e+01, v45  }
0x425: {  	v48 =	vld [tilespmem:s30+$0x7C70]  }
0x426: {  	v47 =	vmul.f32 $1.500000000e+01, v42;
	v49 =	vld [tilespmem:s30+$0xCC70];
	v53 =	vtrunc.f32 v50  }
0x427: {  	v9 =	vcvt.f32.s32 v53;
	v52 =	vld [tilespmem:s0+$0x7CF0];
	v51 =	vmul.f32 $1.500000000e+01, v3  }
0x428: {  	vm13 =	veq.s32 v43, v44;
	v4 =	vtrunc.f32 v47;
	v54 =	vld [tilespmem:s0+$0xCCF0];
	v55 =	vmul.f32 $1.500000000e+01, v2  }
0x429: {  	v60 =	vsel vm13, $0x3F800000, v0;
	v4 =	vcvt.f32.s32 v4;
	v56 =	vld [tilespmem:s0+$0x7C70];
	v12 =	vtrunc.f32 v51  }
0x42a: {  	v9 =	vshll.u32 v9, $0x4;
	v59 =	vld [tilespmem:s0+$0xCC70];
	v57 =	vcvt.f32.s32 v12;
	v58 =	vtrunc.f32 v55  }
0x42b: {  	v9 =	vadd.s32 v1, v9;
	v4 =	vshll.u32 v4, $0x4;
	v7 =	vcvt.f32.s32 v58  }
0x42c: {  	vm1 =	veq.s32 v48, v49;
	v4 =	vadd.s32 v1, v4;
	v5 =	vshll.u32 v57, $0x4  }
0x42d: {  	s29 =	sadd.s32 $0x1, s29;
	v61 =	vsel vm1, $0x3F800000, v0;
	v5 =	vadd.s32 v1, v5;
	v7 =	vshll.u32 v7, $0x4  }
0x42e: {  	p0 =	sne.s32 s29, $0x4;
	v6 =	vsub.f32 v45, v61;
	vm14 =	veq.s32 v52, v54;
	v7 =	vadd.s32 v1, v7  }
.Ltmp2:
0x42f: {  	v8 =	vsub.f32 v42, v60;
	v62 =	vsel vm14, $0x3F800000, v0;
	vm15 =	veq.s32 v56, v59;
	(pc) =	sbr.rel @p0 .LBB2_2-.Ltmp2, $4  }
0x430: {  	[tilespmem:v9+s23+$0x0] =	vst.idx.add.f32.msk $0xffff, v6;
	v3 =	vsub.f32 v3, v62;
	v63 =	vsel vm15, $0x3F800000, v0  }
0x431: {  	[tilespmem:v4+s23+$0x0] =	vst.idx.add.f32.msk $0xffff, v8;
	v2 =	vsub.f32 v2, v63  }
0x432: {  	[tilespmem:v5+s23+$0x0] =	vst.idx.add.f32.msk $0xffff, v3  }
0x433: {  	[tilespmem:v7+s23+$0x0] =	vst.idx.add.f32.msk $0xffff, v2  }
0x434: {  	[tilespmem:s19], [sflag:$0x2] =	stream.strided.gather [hbm4b:s10+s15], $0x2800, s16, s15, $0x38;
	[tilespmem:$0xF180] =	vst v63  }
0x435: {  	_ = 	snop  }
0x436: {  	[tilespmem:s20], [sflag:$0x2] =	stream.strided.gather [hbm4b:s11+s15], $0x2800, s16, s15, $0x38;
	[tilespmem:$0xF180] =	vst v63  }
0x437: {  	_ = 	snop  }
0x438: {  	[tilespmem:s21], [sflag:$0x2] =	stream.strided.gather [hbm4b:s12+s15], $0x2800, s16, s15, $0x38;
	[tilespmem:$0xF180] =	vst v63  }
0x439: {  	_ =	swait.ge [sflag:s22], $0x2800  }
0x43a: {  	[sflag:s22] =	ssyncset.done $0x0  }
0x43b: {  	[sflag:s22] =	ssyncadd.s32 $0xFFFFD800  }
0x43c: {  	_ =	swait.ge [sflag:s22], $0x2800  }
0x43d: {  	[sflag:s22] =	ssyncset.done $0x0  }
0x43e: {  	[sflag:s22] =	ssyncadd.s32 $0xFFFFD800  }
0x43f: {  	s0 =	simm.s32 $0x0;
	_ =	swait.ge [sflag:s22], $0x2800  }
0x440: {  	s3 =	sand.u32 $0x3800, s0;
	s0 =	sand.u32 $0x300, s0;
	[sflag:s22] =	ssyncset.done $0x0  }
0x441: {  	s29 =	sor.u32 s0, s3;
	[sflag:s22] =	ssyncadd.s32 $0xFFFFD800  }
0x442: {  	v2 =	vld [tilespmem:s29+$0x80];
	_ =	sdelay $0x4  }
0x443: {  	v3 =	vmul.f32 $1.500000000e+01, v2  }
0x444: {  	v4 =	vld [tilespmem:s29+$0x5080]  }
0x445: {  	v5 =	vld [tilespmem:s29+$0xA080];
	v3 =	vtrunc.f32 v3  }
0x446: {  	v3 =	vcvt.f32.s32 v3;
	_ =	sdelay $0x1  }
0x447: {  	v3 =	vshll.u32 v3, $0x4  }
0x448: {  	v3 =	vadd.s32 v1, v3  }
0x449: {  	vm0 =	veq.s32 v4, v5  }
0x44a: {  	v4 =	vsel vm0, $0x3F800000, v0  }
0x44b: {  	v2 =	vsub.f32 v2, v4;
	_ =	sdelay $0x1  }
0x44c: {  	[tilespmem:v3+s23+$0x0] =	vst.idx.add.f32.msk $0xffff, v2  }
0x44d: {  	v2 =	vld [tilespmem:s29+$0x90];
	_ =	sdelay $0x1  }
0x44e: {  	v3 =	vld [tilespmem:s29+$0x0];
	_ =	sdelay $0x2  }
0x44f: {  	v4 =	vmul.f32 $1.500000000e+01, v2  }
0x450: {  	v5 =	vld [tilespmem:s29+$0x5090]  }
0x451: {  	v6 =	vld [tilespmem:s29+$0xA090];
	v7 =	vmul.f32 $1.500000000e+01, v3;
	v4 =	vtrunc.f32 v4  }
0x452: {  	v8 =	vld [tilespmem:s29+$0x5000];
	v4 =	vcvt.f32.s32 v4  }
0x453: {  	v9 =	vld [tilespmem:s29+$0xA000];
	v7 =	vtrunc.f32 v7  }
0x454: {  	v7 =	vcvt.f32.s32 v7;
	v4 =	vshll.u32 v4, $0x4  }
0x455: {  	v4 =	vadd.s32 v1, v4  }
0x456: {  	vm10 =	veq.s32 v5, v6;
	v5 =	vshll.u32 v7, $0x4  }
0x457: {  	v6 =	vsel vm10, $0x3F800000, v0;
	v5 =	vadd.s32 v1, v5  }
0x458: {  	vm11 =	veq.s32 v8, v9;
	v2 =	vsub.f32 v2, v6  }
0x459: {  	v6 =	vsel vm11, $0x3F800000, v0  }
0x45a: {  	[tilespmem:v4+s23+$0x0] =	vst.idx.add.f32.msk $0xffff, v2;
	v2 =	vsub.f32 v3, v6  }
0x45b: {  	v3 =	vld [tilespmem:s29+$0xA0]  }
0x45c: {  	[tilespmem:v5+s23+$0x0] =	vst.idx.add.f32.msk $0xffff, v2  }
0x45d: {  	v2 =	vld [tilespmem:s29+$0x10];
	_ =	sdelay $0x2  }
0x45e: {  	v4 =	vmul.f32 $1.500000000e+01, v3  }
0x45f: {  	v6 =	vld [tilespmem:s29+$0xA0A0]  }
0x460: {  	v5 =	vld [tilespmem:s29+$0x50A0];
	v4 =	vtrunc.f32 v4;
	v7 =	vmul.f32 $1.500000000e+01, v2  }
0x461: {  	v8 =	vld [tilespmem:s29+$0x5010];
	v4 =	vcvt.f32.s32 v4  }
0x462: {  	v9 =	vld [tilespmem:s29+$0xA010];
	v7 =	vtrunc.f32 v7  }
0x463: {  	v4 =	vshll.u32 v4, $0x4;
	v7 =	vcvt.f32.s32 v7  }
0x464: {  	v4 =	vadd.s32 v1, v4  }
0x465: {  	vm12 =	veq.s32 v5, v6;
	v5 =	vshll.u32 v7, $0x4  }
0x466: {  	v6 =	vsel vm12, $0x3F800000, v0;
	v5 =	vadd.s32 v1, v5  }
0x467: {  	vm13 =	veq.s32 v8, v9;
	v3 =	vsub.f32 v3, v6  }
0x468: {  	v6 =	vsel vm13, $0x3F800000, v0  }
0x469: {  	v2 =	vsub.f32 v2, v6;
	[tilespmem:v4+s23+$0x0] =	vst.idx.add.f32.msk $0xffff, v3  }
0x46a: {  	v3 =	vld [tilespmem:s29+$0xB0]  }
0x46b: {  	[tilespmem:v5+s23+$0x0] =	vst.idx.add.f32.msk $0xffff, v2  }
0x46c: {  	v2 =	vld [tilespmem:s29+$0x20];
	_ =	sdelay $0x2  }
0x46d: {  	v4 =	vmul.f32 $1.500000000e+01, v3  }
0x46e: {  	v6 =	vld [tilespmem:s29+$0xA0B0]  }
0x46f: {  	v5 =	vld [tilespmem:s29+$0x50B0];
	v4 =	vtrunc.f32 v4;
	v7 =	vmul.f32 $1.500000000e+01, v2  }
0x470: {  	v8 =	vld [tilespmem:s29+$0x5020];
	v4 =	vcvt.f32.s32 v4  }
0x471: {  	v9 =	vld [tilespmem:s29+$0xA020];
	v7 =	vtrunc.f32 v7  }
0x472: {  	v4 =	vshll.u32 v4, $0x4;
	v7 =	vcvt.f32.s32 v7  }
0x473: {  	v4 =	vadd.s32 v1, v4  }
0x474: {  	vm14 =	veq.s32 v5, v6;
	v5 =	vshll.u32 v7, $0x4  }
0x475: {  	v6 =	vsel vm14, $0x3F800000, v0;
	v5 =	vadd.s32 v1, v5  }
0x476: {  	vm15 =	veq.s32 v8, v9;
	v3 =	vsub.f32 v3, v6  }
0x477: {  	v6 =	vsel vm15, $0x3F800000, v0  }
0x478: {  	v2 =	vsub.f32 v2, v6;
	[tilespmem:v4+s23+$0x0] =	vst.idx.add.f32.msk $0xffff, v3  }
0x479: {  	v3 =	vld [tilespmem:s29+$0xC0]  }
0x47a: {  	[tilespmem:v5+s23+$0x0] =	vst.idx.add.f32.msk $0xffff, v2  }
0x47b: {  	v2 =	vld [tilespmem:s29+$0x30];
	_ =	sdelay $0x2  }
0x47c: {  	v4 =	vmul.f32 $1.500000000e+01, v3  }
0x47d: {  	v6 =	vld [tilespmem:s29+$0xA0C0]  }
0x47e: {  	v5 =	vld [tilespmem:s29+$0x50C0];
	v4 =	vtrunc.f32 v4;
	v7 =	vmul.f32 $1.500000000e+01, v2  }
0x47f: {  	v8 =	vld [tilespmem:s29+$0x5030];
	v4 =	vcvt.f32.s32 v4  }
0x480: {  	v9 =	vld [tilespmem:s29+$0xA030];
	v7 =	vtrunc.f32 v7  }
0x481: {  	v4 =	vshll.u32 v4, $0x4;
	v7 =	vcvt.f32.s32 v7  }
0x482: {  	v4 =	vadd.s32 v1, v4  }
0x483: {  	vm4 =	veq.s32 v5, v6;
	v5 =	vshll.u32 v7, $0x4  }
0x484: {  	v6 =	vsel vm4, $0x3F800000, v0;
	v5 =	vadd.s32 v1, v5  }
0x485: {  	vm5 =	veq.s32 v8, v9;
	v3 =	vsub.f32 v3, v6  }
0x486: {  	v6 =	vsel vm5, $0x3F800000, v0  }
0x487: {  	v2 =	vsub.f32 v2, v6;
	[tilespmem:v4+s23+$0x0] =	vst.idx.add.f32.msk $0xffff, v3  }
0x488: {  	v3 =	vld [tilespmem:s29+$0xD0]  }
0x489: {  	[tilespmem:v5+s23+$0x0] =	vst.idx.add.f32.msk $0xffff, v2  }
0x48a: {  	v2 =	vld [tilespmem:s29+$0x40];
	_ =	sdelay $0x2  }
0x48b: {  	v4 =	vmul.f32 $1.500000000e+01, v3  }
0x48c: {  	v6 =	vld [tilespmem:s29+$0xA0D0]  }
0x48d: {  	v5 =	vld [tilespmem:s29+$0x50D0];
	v4 =	vtrunc.f32 v4;
	v7 =	vmul.f32 $1.500000000e+01, v2  }
0x48e: {  	v8 =	vld [tilespmem:s29+$0x5040];
	v4 =	vcvt.f32.s32 v4  }
0x48f: {  	v9 =	vld [tilespmem:s29+$0xA040];
	v7 =	vtrunc.f32 v7  }
0x490: {  	v4 =	vshll.u32 v4, $0x4;
	v7 =	vcvt.f32.s32 v7  }
0x491: {  	v4 =	vadd.s32 v1, v4  }
0x492: {  	vm6 =	veq.s32 v5, v6;
	v5 =	vshll.u32 v7, $0x4  }
0x493: {  	v6 =	vsel vm6, $0x3F800000, v0;
	v5 =	vadd.s32 v1, v5  }
0x494: {  	vm7 =	veq.s32 v8, v9;
	v3 =	vsub.f32 v3, v6  }
0x495: {  	v6 =	vsel vm7, $0x3F800000, v0  }
0x496: {  	v2 =	vsub.f32 v2, v6;
	[tilespmem:v4+s23+$0x0] =	vst.idx.add.f32.msk $0xffff, v3  }
0x497: {  	v3 =	vld [tilespmem:s29+$0xE0]  }
0x498: {  	[tilespmem:v5+s23+$0x0] =	vst.idx.add.f32.msk $0xffff, v2  }
0x499: {  	v2 =	vld [tilespmem:s29+$0x50];
	_ =	sdelay $0x2  }
0x49a: {  	v4 =	vmul.f32 $1.500000000e+01, v3  }
0x49b: {  	v6 =	vld [tilespmem:s29+$0xA0E0]  }
0x49c: {  	v5 =	vld [tilespmem:s29+$0x50E0];
	v4 =	vtrunc.f32 v4;
	v7 =	vmul.f32 $1.500000000e+01, v2  }
0x49d: {  	v8 =	vld [tilespmem:s29+$0x5050];
	v4 =	vcvt.f32.s32 v4  }
0x49e: {  	v9 =	vld [tilespmem:s29+$0xA050];
	v7 =	vtrunc.f32 v7  }
0x49f: {  	v4 =	vshll.u32 v4, $0x4;
	v7 =	vcvt.f32.s32 v7  }
0x4a0: {  	v4 =	vadd.s32 v1, v4  }
0x4a1: {  	vm8 =	veq.s32 v5, v6;
	v5 =	vshll.u32 v7, $0x4  }
0x4a2: {  	v6 =	vsel vm8, $0x3F800000, v0;
	v5 =	vadd.s32 v1, v5  }
0x4a3: {  	vm9 =	veq.s32 v8, v9;
	v3 =	vsub.f32 v3, v6  }
0x4a4: {  	v6 =	vsel vm9, $0x3F800000, v0  }
0x4a5: {  	v2 =	vsub.f32 v2, v6;
	[tilespmem:v4+s23+$0x0] =	vst.idx.add.f32.msk $0xffff, v3  }
0x4a6: {  	s30 =	simm.s32 $0x100;
	s31 =	simm.s32 $0x200;
	v3 =	vld [tilespmem:s29+$0xF0]  }
0x4a7: {  	s3 =	sand.u32 $0x3800, s31;
	s0 =	sand.u32 $0x300, s30;
	[tilespmem:v5+s23+$0x0] =	vst.idx.add.f32.msk $0xffff, v2  }
0x4a8: {  	s0 =	sor.u32 s0, s3;
	v2 =	vld [tilespmem:s29+$0x60]  }
0x4a9: {  	v9 =	vld [tilespmem:s0+$0x80]  }
0x4aa: {  	v6 =	vld [tilespmem:s29+$0xA0F0]  }
0x4ab: {  	v5 =	vld [tilespmem:s29+$0x50F0];
	v4 =	vmul.f32 $1.500000000e+01, v3  }
0x4ac: {  	v7 =	vld [tilespmem:s29+$0x5060]  }
0x4ad: {  	v10 =	vld [tilespmem:s29+$0xA060];
	v4 =	vtrunc.f32 v4;
	v8 =	vmul.f32 $1.500000000e+01, v2  }
0x4ae: {  	v11 =	vld [tilespmem:s0+$0x0];
	v4 =	vcvt.f32.s32 v4  }
0x4af: {  	v8 =	vtrunc.f32 v8  }
0x4b0: {  	v4 =	vshll.u32 v4, $0x4;
	v8 =	vcvt.f32.s32 v8  }
0x4b1: {  	v13 =	vmul.f32 $1.500000000e+01, v9;
	v4 =	vadd.s32 v1, v4  }
0x4b2: {  	v12 =	vld [tilespmem:s0+$0x5080];
	vm10 =	veq.s32 v5, v6;
	vm11 =	veq.s32 v7, v10;
	v5 =	vshll.u32 v8, $0x4  }
0x4b3: {  	v6 =	vld [tilespmem:s0+$0x5000];
	v10 =	vmul.f32 $1.500000000e+01, v11;
	v8 =	vsel vm10, $0x3F800000, v0;
	v5 =	vadd.s32 v1, v5  }
0x4b4: {  	v7 =	vld [tilespmem:s0+$0xA080];
	v3 =	vsub.f32 v3, v8;
	v8 =	vsel vm11, $0x3F800000, v0  }
0x4b5: {  	v13 =	vtrunc.f32 v13;
	v2 =	vsub.f32 v2, v8;
	v8 =	vtrunc.f32 v10;
	v10 =	vld [tilespmem:s0+$0xA000]  }
0x4b6: {  	[tilespmem:v4+s23+$0x0] =	vst.idx.add.f32.msk $0xffff, v3;
	v3 =	vcvt.f32.s32 v13  }
0x4b7: {  	v4 =	vld [tilespmem:s29+$0x480]  }
0x4b8: {  	[tilespmem:v5+s23+$0x0] =	vst.idx.add.f32.msk $0xffff, v2;
	v2 =	vcvt.f32.s32 v8;
	v3 =	vshll.u32 v3, $0x4  }
0x4b9: {  	v5 =	vld [tilespmem:s29+$0x70];
	v3 =	vadd.s32 v1, v3  }
0x4ba: {  	vm12 =	veq.s32 v12, v7;
	v13 =	vld [tilespmem:s29+$0x5480];
	v2 =	vshll.u32 v2, $0x4  }
0x4bb: {  	v12 =	vsel vm12, $0x3F800000, v0;
	v8 =	vld [tilespmem:s29+$0x5070];
	v2 =	vadd.s32 v1, v2  }
0x4bc: {  	v7 =	vld [tilespmem:s29+$0xA070];
	vm13 =	veq.s32 v6, v10;
	v6 =	vsub.f32 v9, v12;
	v14 =	vmul.f32 $1.500000000e+01, v4  }
0x4bd: {  	v9 =	vld [tilespmem:s29+$0xA480];
	v10 =	vsel vm13, $0x3F800000, v0  }
0x4be: {  	v10 =	vsub.f32 v11, v10;
	v12 =	vmul.f32 $1.500000000e+01, v5;
	v14 =	vtrunc.f32 v14;
	[tilespmem:v3+s23+$0x0] =	vst.idx.add.f32.msk $0xffff, v6  }
0x4bf: {  	v3 =	vcvt.f32.s32 v14;
	v6 =	vld [tilespmem:s0+$0x90]  }
0x4c0: {  	v11 =	vtrunc.f32 v12;
	[tilespmem:v2+s23+$0x0] =	vst.idx.add.f32.msk $0xffff, v10  }
0x4c1: {  	v2 =	vcvt.f32.s32 v11;
	v3 =	vshll.u32 v3, $0x4;
	v10 =	vld [tilespmem:s0+$0x10]  }
0x4c2: {  	v3 =	vadd.s32 v1, v3  }
0x4c3: {  	vm14 =	veq.s32 v13, v9;
	vm15 =	veq.s32 v8, v7;
	v7 =	vld [tilespmem:s0+$0x5090];
	v2 =	vshll.u32 v2, $0x4  }
0x4c4: {  	v12 =	vsel vm14, $0x3F800000, v0;
	v11 =	vld [tilespmem:s0+$0x5010];
	v2 =	vadd.s32 v1, v2;
	v13 =	vmul.f32 $1.500000000e+01, v6  }
0x4c5: {  	v9 =	vld [tilespmem:s0+$0xA010];
	v4 =	vsub.f32 v4, v12  }
0x4c6: {  	v8 =	vsel vm15, $0x3F800000, v0;
	v12 =	vld [tilespmem:s0+$0xA090];
	v14 =	vmul.f32 $1.500000000e+01, v10;
	v13 =	vtrunc.f32 v13  }
0x4c7: {  	v5 =	vsub.f32 v5, v8;
	[tilespmem:v3+s23+$0x0] =	vst.idx.add.f32.msk $0xffff, v4;
	v3 =	vcvt.f32.s32 v13  }
0x4c8: {  	v4 =	vld [tilespmem:s29+$0x490];
	v8 =	vtrunc.f32 v14  }
0x4c9: {  	[tilespmem:v2+s23+$0x0] =	vst.idx.add.f32.msk $0xffff, v5;
	v2 =	vcvt.f32.s32 v8;
	v3 =	vshll.u32 v3, $0x4  }
0x4ca: {  	v5 =	vld [tilespmem:s29+$0x400];
	v3 =	vadd.s32 v1, v3  }
0x4cb: {  	vm4 =	veq.s32 v7, v12;
	vm5 =	veq.s32 v11, v9;
	v11 =	vld [tilespmem:s29+$0x5490];
	v2 =	vshll.u32 v2, $0x4  }
0x4cc: {  	v12 =	vsel vm4, $0x3F800000, v0;
	v13 =	vld [tilespmem:s29+$0xA490];
	v2 =	vadd.s32 v1, v2  }
0x4cd: {  	v6 =	vsub.f32 v6, v12;
	v8 =	vld [tilespmem:s29+$0x5400];
	v9 =	vmul.f32 $1.500000000e+01, v4  }
0x4ce: {  	v12 =	vsel vm5, $0x3F800000, v0;
	v7 =	vld [tilespmem:s29+$0xA400]  }
0x4cf: {  	v10 =	vsub.f32 v10, v12;
	v14 =	vmul.f32 $1.500000000e+01, v5;
	v9 =	vtrunc.f32 v9;
	[tilespmem:v3+s23+$0x0] =	vst.idx.add.f32.msk $0xffff, v6  }
0x4d0: {  	v3 =	vcvt.f32.s32 v9;
	v6 =	vld [tilespmem:s0+$0xA0]  }
0x4d1: {  	v9 =	vtrunc.f32 v14;
	[tilespmem:v2+s23+$0x0] =	vst.idx.add.f32.msk $0xffff, v10  }
0x4d2: {  	v2 =	vcvt.f32.s32 v9;
	v3 =	vshll.u32 v3, $0x4;
	v9 =	vld [tilespmem:s0+$0x20]  }
0x4d3: {  	vm6 =	veq.s32 v11, v13;
	v3 =	vadd.s32 v1, v3  }
0x4d4: {  	v12 =	vsel vm6, $0x3F800000, v0;
	vm7 =	veq.s32 v8, v7;
	v7 =	vld [tilespmem:s0+$0x50A0];
	v2 =	vshll.u32 v2, $0x4  }
0x4d5: {  	v4 =	vsub.f32 v4, v12;
	v12 =	vld [tilespmem:s0+$0xA0A0];
	v2 =	vadd.s32 v1, v2;
	v13 =	vmul.f32 $1.500000000e+01, v6  }
0x4d6: {  	v10 =	vld [tilespmem:s0+$0x5020]  }
0x4d7: {  	v8 =	vsel vm7, $0x3F800000, v0;
	v11 =	vld [tilespmem:s0+$0xA020];
	v14 =	vmul.f32 $1.500000000e+01, v9;
	v13 =	vtrunc.f32 v13  }
0x4d8: {  	v5 =	vsub.f32 v5, v8;
	[tilespmem:v3+s23+$0x0] =	vst.idx.add.f32.msk $0xffff, v4;
	v3 =	vcvt.f32.s32 v13  }
0x4d9: {  	v4 =	vld [tilespmem:s29+$0x4A0];
	v8 =	vtrunc.f32 v14  }
0x4da: {  	[tilespmem:v2+s23+$0x0] =	vst.idx.add.f32.msk $0xffff, v5;
	v2 =	vcvt.f32.s32 v8;
	v3 =	vshll.u32 v3, $0x4  }
0x4db: {  	v5 =	vld [tilespmem:s29+$0x410];
	v3 =	vadd.s32 v1, v3  }
0x4dc: {  	vm8 =	veq.s32 v7, v12;
	vm9 =	veq.s32 v10, v11;
	v11 =	vld [tilespmem:s29+$0x54A0];
	v2 =	vshll.u32 v2, $0x4  }
0x4dd: {  	v12 =	vsel vm8, $0x3F800000, v0;
	v13 =	vld [tilespmem:s29+$0xA4A0];
	v2 =	vadd.s32 v1, v2  }
0x4de: {  	v6 =	vsub.f32 v6, v12;
	v8 =	vld [tilespmem:s29+$0x5410];
	v10 =	vmul.f32 $1.500000000e+01, v4  }
0x4df: {  	v12 =	vsel vm9, $0x3F800000, v0;
	v7 =	vld [tilespmem:s29+$0xA410]  }
0x4e0: {  	v9 =	vsub.f32 v9, v12;
	v12 =	vmul.f32 $1.500000000e+01, v5;
	v10 =	vtrunc.f32 v10;
	[tilespmem:v3+s23+$0x0] =	vst.idx.add.f32.msk $0xffff, v6  }
0x4e1: {  	v3 =	vcvt.f32.s32 v10;
	v6 =	vld [tilespmem:s0+$0xB0]  }
0x4e2: {  	v10 =	vtrunc.f32 v12;
	[tilespmem:v2+s23+$0x0] =	vst.idx.add.f32.msk $0xffff, v9  }
0x4e3: {  	v2 =	vcvt.f32.s32 v10;
	v3 =	vshll.u32 v3, $0x4;
	v9 =	vld [tilespmem:s0+$0x30]  }
0x4e4: {  	v3 =	vadd.s32 v1, v3  }
0x4e5: {  	vm10 =	veq.s32 v11, v13;
	vm11 =	veq.s32 v8, v7;
	v7 =	vld [tilespmem:s0+$0x50B0];
	v2 =	vshll.u32 v2, $0x4  }
0x4e6: {  	v12 =	vsel vm10, $0x3F800000, v0;
	v10 =	vld [tilespmem:s0+$0x5030];
	v2 =	vadd.s32 v1, v2;
	v13 =	vmul.f32 $1.500000000e+01, v6  }
0x4e7: {  	v11 =	vld [tilespmem:s0+$0xA030];
	v4 =	vsub.f32 v4, v12  }
0x4e8: {  	v8 =	vsel vm11, $0x3F800000, v0;
	v12 =	vld [tilespmem:s0+$0xA0B0];
	v14 =	vmul.f32 $1.500000000e+01, v9;
	v13 =	vtrunc.f32 v13  }
0x4e9: {  	v5 =	vsub.f32 v5, v8;
	[tilespmem:v3+s23+$0x0] =	vst.idx.add.f32.msk $0xffff, v4;
	v3 =	vcvt.f32.s32 v13  }
0x4ea: {  	v4 =	vld [tilespmem:s29+$0x4B0];
	v8 =	vtrunc.f32 v14  }
0x4eb: {  	[tilespmem:v2+s23+$0x0] =	vst.idx.add.f32.msk $0xffff, v5;
	v2 =	vcvt.f32.s32 v8;
	v3 =	vshll.u32 v3, $0x4  }
0x4ec: {  	v5 =	vld [tilespmem:s29+$0x420];
	v3 =	vadd.s32 v1, v3  }
0x4ed: {  	vm12 =	veq.s32 v7, v12;
	vm13 =	veq.s32 v10, v11;
	v11 =	vld [tilespmem:s29+$0x54B0];
	v2 =	vshll.u32 v2, $0x4  }
0x4ee: {  	v12 =	vsel vm12, $0x3F800000, v0;
	v13 =	vld [tilespmem:s29+$0xA4B0];
	v2 =	vadd.s32 v1, v2  }
0x4ef: {  	v6 =	vsub.f32 v6, v12;
	v8 =	vld [tilespmem:s29+$0x5420];
	v10 =	vmul.f32 $1.500000000e+01, v4  }
0x4f0: {  	v12 =	vsel vm13, $0x3F800000, v0;
	v7 =	vld [tilespmem:s29+$0xA420]  }
0x4f1: {  	v9 =	vsub.f32 v9, v12;
	v12 =	vmul.f32 $1.500000000e+01, v5;
	v10 =	vtrunc.f32 v10;
	[tilespmem:v3+s23+$0x0] =	vst.idx.add.f32.msk $0xffff, v6  }
0x4f2: {  	v3 =	vcvt.f32.s32 v10;
	v6 =	vld [tilespmem:s0+$0xC0]  }
0x4f3: {  	v10 =	vtrunc.f32 v12;
	[tilespmem:v2+s23+$0x0] =	vst.idx.add.f32.msk $0xffff, v9  }
0x4f4: {  	v2 =	vcvt.f32.s32 v10;
	v3 =	vshll.u32 v3, $0x4;
	v9 =	vld [tilespmem:s0+$0x40]  }
0x4f5: {  	v3 =	vadd.s32 v1, v3  }
0x4f6: {  	vm14 =	veq.s32 v11, v13;
	vm15 =	veq.s32 v8, v7;
	v7 =	vld [tilespmem:s0+$0x50C0];
	v2 =	vshll.u32 v2, $0x4  }
0x4f7: {  	v12 =	vsel vm14, $0x3F800000, v0;
	v10 =	vld [tilespmem:s0+$0x5040];
	v2 =	vadd.s32 v1, v2;
	v13 =	vmul.f32 $1.500000000e+01, v6  }
0x4f8: {  	v11 =	vld [tilespmem:s0+$0xA040];
	v4 =	vsub.f32 v4, v12  }
0x4f9: {  	v8 =	vsel vm15, $0x3F800000, v0;
	v12 =	vld [tilespmem:s0+$0xA0C0];
	v14 =	vmul.f32 $1.500000000e+01, v9;
	v13 =	vtrunc.f32 v13  }
0x4fa: {  	v5 =	vsub.f32 v5, v8;
	[tilespmem:v3+s23+$0x0] =	vst.idx.add.f32.msk $0xffff, v4;
	v3 =	vcvt.f32.s32 v13  }
0x4fb: {  	v4 =	vld [tilespmem:s29+$0x4C0];
	v8 =	vtrunc.f32 v14  }
0x4fc: {  	[tilespmem:v2+s23+$0x0] =	vst.idx.add.f32.msk $0xffff, v5;
	v2 =	vcvt.f32.s32 v8;
	v3 =	vshll.u32 v3, $0x4  }
0x4fd: {  	v5 =	vld [tilespmem:s29+$0x430];
	v3 =	vadd.s32 v1, v3  }
0x4fe: {  	vm4 =	veq.s32 v7, v12;
	vm5 =	veq.s32 v10, v11;
	v11 =	vld [tilespmem:s29+$0x54C0];
	v2 =	vshll.u32 v2, $0x4  }
0x4ff: {  	v12 =	vsel vm4, $0x3F800000, v0;
	v13 =	vld [tilespmem:s29+$0xA4C0];
	v2 =	vadd.s32 v1, v2  }
0x500: {  	v6 =	vsub.f32 v6, v12;
	v8 =	vld [tilespmem:s29+$0x5430];
	v10 =	vmul.f32 $1.500000000e+01, v4  }
0x501: {  	v12 =	vsel vm5, $0x3F800000, v0;
	v7 =	vld [tilespmem:s29+$0xA430]  }
0x502: {  	v9 =	vsub.f32 v9, v12;
	v12 =	vmul.f32 $1.500000000e+01, v5;
	v10 =	vtrunc.f32 v10;
	[tilespmem:v3+s23+$0x0] =	vst.idx.add.f32.msk $0xffff, v6  }
0x503: {  	v3 =	vcvt.f32.s32 v10;
	v6 =	vld [tilespmem:s0+$0xD0]  }
0x504: {  	v10 =	vtrunc.f32 v12;
	[tilespmem:v2+s23+$0x0] =	vst.idx.add.f32.msk $0xffff, v9  }
0x505: {  	v2 =	vcvt.f32.s32 v10;
	v3 =	vshll.u32 v3, $0x4;
	v9 =	vld [tilespmem:s0+$0x50]  }
0x506: {  	v3 =	vadd.s32 v1, v3  }
0x507: {  	vm6 =	veq.s32 v11, v13;
	vm7 =	veq.s32 v8, v7;
	v7 =	vld [tilespmem:s0+$0x50D0];
	v2 =	vshll.u32 v2, $0x4  }
0x508: {  	v12 =	vsel vm6, $0x3F800000, v0;
	v10 =	vld [tilespmem:s0+$0x5050];
	v2 =	vadd.s32 v1, v2;
	v13 =	vmul.f32 $1.500000000e+01, v6  }
0x509: {  	v11 =	vld [tilespmem:s0+$0xA050];
	v4 =	vsub.f32 v4, v12  }
0x50a: {  	v8 =	vsel vm7, $0x3F800000, v0;
	v12 =	vld [tilespmem:s0+$0xA0D0];
	v14 =	vmul.f32 $1.500000000e+01, v9;
	v13 =	vtrunc.f32 v13  }
0x50b: {  	v5 =	vsub.f32 v5, v8;
	[tilespmem:v3+s23+$0x0] =	vst.idx.add.f32.msk $0xffff, v4;
	v3 =	vcvt.f32.s32 v13  }
0x50c: {  	v4 =	vld [tilespmem:s29+$0x4D0];
	v8 =	vtrunc.f32 v14  }
0x50d: {  	[tilespmem:v2+s23+$0x0] =	vst.idx.add.f32.msk $0xffff, v5;
	v2 =	vcvt.f32.s32 v8;
	v3 =	vshll.u32 v3, $0x4  }
0x50e: {  	v5 =	vld [tilespmem:s29+$0x440];
	v3 =	vadd.s32 v1, v3  }
0x50f: {  	vm8 =	veq.s32 v7, v12;
	vm9 =	veq.s32 v10, v11;
	v11 =	vld [tilespmem:s29+$0x54D0];
	v2 =	vshll.u32 v2, $0x4  }
0x510: {  	v12 =	vsel vm8, $0x3F800000, v0;
	v13 =	vld [tilespmem:s29+$0xA4D0];
	v2 =	vadd.s32 v1, v2  }
0x511: {  	v6 =	vsub.f32 v6, v12;
	v8 =	vld [tilespmem:s29+$0x5440];
	v10 =	vmul.f32 $1.500000000e+01, v4  }
0x512: {  	v12 =	vsel vm9, $0x3F800000, v0;
	v7 =	vld [tilespmem:s29+$0xA440]  }
0x513: {  	v9 =	vsub.f32 v9, v12;
	v12 =	vmul.f32 $1.500000000e+01, v5;
	v10 =	vtrunc.f32 v10;
	[tilespmem:v3+s23+$0x0] =	vst.idx.add.f32.msk $0xffff, v6  }
0x514: {  	v3 =	vcvt.f32.s32 v10;
	v6 =	vld [tilespmem:s0+$0xE0]  }
0x515: {  	v10 =	vtrunc.f32 v12;
	[tilespmem:v2+s23+$0x0] =	vst.idx.add.f32.msk $0xffff, v9  }
0x516: {  	v2 =	vcvt.f32.s32 v10;
	v3 =	vshll.u32 v3, $0x4;
	v9 =	vld [tilespmem:s0+$0x60]  }
0x517: {  	v3 =	vadd.s32 v1, v3  }
0x518: {  	vm10 =	veq.s32 v11, v13;
	vm11 =	veq.s32 v8, v7;
	v7 =	vld [tilespmem:s0+$0x50E0];
	v2 =	vshll.u32 v2, $0x4  }
0x519: {  	v12 =	vsel vm10, $0x3F800000, v0;
	v10 =	vld [tilespmem:s0+$0x5060];
	v2 =	vadd.s32 v1, v2  }
0x51a: {  	v11 =	vld [tilespmem:s0+$0xA060];
	v4 =	vsub.f32 v4, v12;
	v13 =	vmul.f32 $1.500000000e+01, v6  }
0x51b: {  	v8 =	vsel vm11, $0x3F800000, v0;
	v12 =	vld [tilespmem:s0+$0xA0E0];
	v14 =	vmul.f32 $1.500000000e+01, v9  }
0x51c: {  	v5 =	vsub.f32 v5, v8;
	v13 =	vtrunc.f32 v13;
	[tilespmem:v3+s23+$0x0] =	vst.idx.add.f32.msk $0xffff, v4  }
0x51d: {  	v3 =	vcvt.f32.s32 v13;
	v13 =	vld [tilespmem:s29+$0x4E0];
	v4 =	vtrunc.f32 v14  }
0x51e: {  	[tilespmem:v2+s23+$0x0] =	vst.idx.add.f32.msk $0xffff, v5;
	v2 =	vcvt.f32.s32 v4  }
0x51f: {  	v3 =	vshll.u32 v3, $0x4  }
0x520: {  	vm12 =	veq.s32 v7, v12;
	v4 =	vld [tilespmem:s29+$0x450];
	v3 =	vadd.s32 v1, v3;
	v2 =	vshll.u32 v2, $0x4  }
0x521: {  	vm13 =	veq.s32 v10, v11;
	v8 =	vsel vm12, $0x3F800000, v0;
	v5 =	vld [tilespmem:s29+$0x5450];
	v2 =	vadd.s32 v1, v2  }
0x522: {  	v6 =	vsub.f32 v6, v8;
	v8 =	vsel vm13, $0x3F800000, v0;
	v7 =	vld [tilespmem:s29+$0xA450]  }
0x523: {  	v10 =	vld [tilespmem:s29+$0x54E0];
	v8 =	vsub.f32 v9, v8;
	v9 =	vmul.f32 $1.500000000e+01, v13  }
0x524: {  	v11 =	vld [tilespmem:s29+$0xA4E0]  }
0x525: {  	[tilespmem:v3+s23+$0x0] =	vst.idx.add.f32.msk $0xffff, v6;
	v9 =	vtrunc.f32 v9  }
0x526: {  	[tilespmem:v2+s23+$0x0] =	vst.idx.add.f32.msk $0xffff, v8;
	v2 =	vcvt.f32.s32 v9  }
0x527: {  	v3 =	vmul.f32 $1.500000000e+01, v4;
	vm14 =	veq.s32 v5, v7;
	v6 =	vld [tilespmem:s0+$0xF0]  }
0x528: {  	v5 =	vsel vm14, $0x3F800000, v0;
	v9 =	vshll.u32 v2, $0x4  }
0x529: {  	v3 =	vtrunc.f32 v3;
	v7 =	vld [tilespmem:s0+$0x70];
	v2 =	vsub.f32 v4, v5;
	v4 =	vadd.s32 v1, v9  }
0x52a: {  	vm15 =	veq.s32 v10, v11;
	v3 =	vcvt.f32.s32 v3;
	v8 =	vld [tilespmem:s0+$0x5070]  }
0x52b: {  	v10 =	vld [tilespmem:s0+$0xA070];
	v5 =	vsel vm15, $0x3F800000, v0  }
0x52c: {  	v11 =	vld [tilespmem:s0+$0xA0F0];
	v3 =	vshll.u32 v3, $0x4;
	v5 =	vsub.f32 v13, v5;
	v12 =	vmul.f32 $1.500000000e+01, v6  }
0x52d: {  	s25 =	simm.s32 $0x200;
	s5 =	simm.s32 $0x400;
	s3 =	simm.s32 $0x2;
	v9 =	vld [tilespmem:s0+$0x50F0];
	v3 =	vadd.s32 v1, v3  }
.LBB2_8:
0x52e: {  	s7 =	sand.u32 $0x3800, s5;
	s8 =	sand.u32 $0x300, s25;
	s3 =	sadd.s32 $0x2, s3;
	v13 =	vmul.f32 $1.500000000e+01, v7;
	v12 =	vtrunc.f32 v12;
	[tilespmem:v4+s23+$0x0] =	vst.idx.add.f32.msk $0xffff, v5  }
0x52f: {  	s7 =	sor.u32 s8, s7;
	p0 =	slt.u32 s3, $0x26;
	v4 =	vcvt.f32.s32 v12;
	v5 =	vld [tilespmem:s29+$0x4F0]  }
0x530: {  	v12 =	vld [tilespmem:s7+$0x80];
	v13 =	vtrunc.f32 v13;
	vm0 =	veq.s32 v8, v10  }
0x531: {  	v8 =	vld [tilespmem:s7+$0x0];
	v10 =	vcvt.f32.s32 v13;
	v13 =	vsel vm0, $0x3F800000, v0;
	v4 =	vshll.u32 v4, $0x4  }
0x532: {  	v14 =	vld [tilespmem:s7+$0x5000];
	v7 =	vsub.f32 v7, v13;
	v4 =	vadd.s32 v1, v4  }
0x533: {  	vm0 =	veq.s32 v9, v11;
	v13 =	vld [tilespmem:s7+$0x5080];
	v10 =	vshll.u32 v10, $0x4  }
0x534: {  	v11 =	vsel vm0, $0x3F800000, v0;
	v9 =	vld [tilespmem:s7+$0xA080];
	v10 =	vadd.s32 v1, v10;
	v15 =	vmul.f32 $1.500000000e+01, v5  }
0x535: {  	v6 =	vsub.f32 v6, v11;
	v16 =	vmul.f32 $1.500000000e+01, v12;
	v11 =	vld [tilespmem:s29+$0x54F0]  }
0x536: {  	v17 =	vmul.f32 $1.500000000e+01, v8;
	v18 =	vld [tilespmem:s29+$0xA4F0];
	v15 =	vtrunc.f32 v15  }
0x537: {  	v16 =	vtrunc.f32 v16;
	[tilespmem:v4+s23+$0x0] =	vst.idx.add.f32.msk $0xffff, v6;
	v4 =	vcvt.f32.s32 v15  }
0x538: {  	v6 =	vtrunc.f32 v17;
	v15 =	vcvt.f32.s32 v16;
	v16 =	vld [tilespmem:s0+$0x480]  }
0x539: {  	v17 =	vld [tilespmem:s7+$0xA000];
	v6 =	vcvt.f32.s32 v6;
	v4 =	vshll.u32 v4, $0x4  }
0x53a: {  	v15 =	vshll.u32 v15, $0x4;
	[tilespmem:v10+s23+$0x0] =	vst.idx.add.f32.msk $0xffff, v7;
	v4 =	vadd.s32 v1, v4  }
0x53b: {  	v6 =	vshll.u32 v6, $0x4;
	v7 =	vadd.s32 v1, v15;
	v10 =	vld [tilespmem:s0+$0x400];
	vm0 =	veq.s32 v11, v18  }
0x53c: {  	vm1 =	veq.s32 v13, v9;
	v6 =	vadd.s32 v1, v6;
	v9 =	vld [tilespmem:s0+$0x5400];
	v11 =	vsel vm0, $0x3F800000, v0  }
0x53d: {  	v13 =	vsel vm1, $0x3F800000, v0;
	v15 =	vld [tilespmem:s0+$0x5480];
	v18 =	vmul.f32 $1.500000000e+01, v16;
	v5 =	vsub.f32 v5, v11  }
0x53e: {  	v11 =	vsub.f32 v12, v13;
	vm0 =	veq.s32 v14, v17;
	v12 =	vld [tilespmem:s0+$0xA480]  }
0x53f: {  	v13 =	vsel vm0, $0x3F800000, v0;
	v14 =	vtrunc.f32 v18;
	[tilespmem:v4+s23+$0x0] =	vst.idx.add.f32.msk $0xffff, v5  }
0x540: {  	v4 =	vsub.f32 v8, v13;
	[tilespmem:v7+s23+$0x0] =	vst.idx.add.f32.msk $0xffff, v11;
	v5 =	vmul.f32 $1.500000000e+01, v10;
	v7 =	vcvt.f32.s32 v14  }
0x541: {  	v8 =	vld [tilespmem:s7+$0x90]  }
0x542: {  	[tilespmem:v6+s23+$0x0] =	vst.idx.add.f32.msk $0xffff, v4;
	v4 =	vtrunc.f32 v5;
	v5 =	vshll.u32 v7, $0x4  }
0x543: {  	v6 =	vld [tilespmem:s7+$0x10];
	v4 =	vcvt.f32.s32 v4;
	v5 =	vadd.s32 v1, v5  }
0x544: {  	vm0 =	veq.s32 v15, v12;
	v7 =	vld [tilespmem:s7+$0x5010]  }
0x545: {  	v12 =	vsel vm0, $0x3F800000, v0;
	v11 =	vld [tilespmem:s7+$0xA010];
	v4 =	vshll.u32 v4, $0x4  }
0x546: {  	v12 =	vsub.f32 v16, v12;
	v13 =	vld [tilespmem:s7+$0x5090];
	v14 =	vmul.f32 $1.500000000e+01, v8;
	v4 =	vadd.s32 v1, v4  }
0x547: {  	v15 =	vld [tilespmem:s7+$0xA090]  }
0x548: {  	v16 =	vmul.f32 $1.500000000e+01, v6;
	v14 =	vtrunc.f32 v14;
	[tilespmem:v5+s23+$0x0] =	vst.idx.add.f32.msk $0xffff, v12  }
0x549: {  	v5 =	vcvt.f32.s32 v14;
	v12 =	vld [tilespmem:s0+$0x490]  }
0x54a: {  	v14 =	vtrunc.f32 v16;
	vm0 =	veq.s32 v7, v11;
	v7 =	vld [tilespmem:s0+$0xA400]  }
0x54b: {  	v11 =	vcvt.f32.s32 v14;
	v14 =	vsel vm0, $0x3F800000, v0;
	v5 =	vshll.u32 v5, $0x4;
	[tilespmem:v3+s23+$0x0] =	vst.idx.add.f32.msk $0xffff, v2  }
0x54c: {  	v2 =	vsub.f32 v6, v14;
	v3 =	vadd.s32 v1, v5;
	v5 =	vld [tilespmem:s29+$0x460]  }
0x54d: {  	vm0 =	veq.s32 v13, v15;
	v6 =	vshll.u32 v11, $0x4;
	v11 =	vld [tilespmem:s29+$0x5460]  }
0x54e: {  	v13 =	vsel vm0, $0x3F800000, v0;
	v6 =	vadd.s32 v1, v6;
	v14 =	vmul.f32 $1.500000000e+01, v12;
	v15 =	vld [tilespmem:s29+$0xA460]  }
0x54f: {  	v8 =	vsub.f32 v8, v13;
	vm0 =	veq.s32 v9, v7;
	v7 =	vld [tilespmem:s0+$0x5490]  }
0x550: {  	v9 =	vsel vm0, $0x3F800000, v0;
	v13 =	vld [tilespmem:s0+$0xA490];
	v14 =	vtrunc.f32 v14  }
0x551: {  	[tilespmem:v3+s23+$0x0] =	vst.idx.add.f32.msk $0xffff, v8;
	v3 =	vsub.f32 v10, v9;
	v8 =	vcvt.f32.s32 v14;
	v9 =	vmul.f32 $1.500000000e+01, v5  }
0x552: {  	v10 =	vld [tilespmem:s7+$0xA0]  }
0x553: {  	[tilespmem:v6+s23+$0x0] =	vst.idx.add.f32.msk $0xffff, v2;
	v2 =	vshll.u32 v8, $0x4;
	v6 =	vtrunc.f32 v9;
	vm0 =	veq.s32 v11, v15  }
0x554: {  	v8 =	vld [tilespmem:s7+$0x20];
	v2 =	vadd.s32 v1, v2;
	v6 =	vcvt.f32.s32 v6;
	v9 =	vsel vm0, $0x3F800000, v0  }
0x555: {  	v11 =	vld [tilespmem:s7+$0x5020];
	vm0 =	veq.s32 v7, v13;
	v5 =	vsub.f32 v5, v9  }
0x556: {  	v7 =	vld [tilespmem:s7+$0xA020];
	v9 =	vsel vm0, $0x3F800000, v0;
	v6 =	vshll.u32 v6, $0x4  }
0x557: {  	v13 =	vld [tilespmem:s7+$0x50A0];
	v14 =	vmul.f32 $1.500000000e+01, v10;
	v9 =	vsub.f32 v12, v9;
	v6 =	vadd.s32 v1, v6  }
0x558: {  	v12 =	vld [tilespmem:s7+$0xA0A0]  }
0x559: {  	v15 =	vmul.f32 $1.500000000e+01, v8;
	v14 =	vtrunc.f32 v14;
	[tilespmem:v2+s23+$0x0] =	vst.idx.add.f32.msk $0xffff, v9  }
0x55a: {  	v2 =	vcvt.f32.s32 v14;
	v9 =	vld [tilespmem:s0+$0x4A0]  }
0x55b: {  	v14 =	vtrunc.f32 v15;
	vm0 =	veq.s32 v11, v7;
	[tilespmem:v4+s23+$0x0] =	vst.idx.add.f32.msk $0xffff, v3  }
0x55c: {  	v3 =	vcvt.f32.s32 v14;
	v4 =	vsel vm0, $0x3F800000, v0;
	v2 =	vshll.u32 v2, $0x4;
	v7 =	vld [tilespmem:s0+$0x410]  }
0x55d: {  	v4 =	vsub.f32 v8, v4;
	v2 =	vadd.s32 v1, v2;
	v8 =	vld [tilespmem:s0+$0x5410]  }
0x55e: {  	vm0 =	veq.s32 v13, v12;
	v3 =	vshll.u32 v3, $0x4;
	v11 =	vld [tilespmem:s0+$0xA410]  }
0x55f: {  	v12 =	vsel vm0, $0x3F800000, v0;
	v3 =	vadd.s32 v1, v3;
	v13 =	vmul.f32 $1.500000000e+01, v9;
	[tilespmem:v6+s23+$0x0] =	vst.idx.add.f32.msk $0xffff, v5  }
0x560: {  	v5 =	vsub.f32 v10, v12;
	v6 =	vld [tilespmem:s0+$0x54A0]  }
0x561: {  	v10 =	vmul.f32 $1.500000000e+01, v7;
	v12 =	vld [tilespmem:s0+$0xA4A0];
	v13 =	vtrunc.f32 v13  }
0x562: {  	[tilespmem:v2+s23+$0x0] =	vst.idx.add.f32.msk $0xffff, v5;
	v2 =	vcvt.f32.s32 v13  }
0x563: {  	v5 =	vld [tilespmem:s7+$0xB0];
	v10 =	vtrunc.f32 v10;
	vm0 =	veq.s32 v8, v11  }
0x564: {  	[tilespmem:v3+s23+$0x0] =	vst.idx.add.f32.msk $0xffff, v4;
	v3 =	vcvt.f32.s32 v10;
	v4 =	vsel vm0, $0x3F800000, v0;
	v2 =	vshll.u32 v2, $0x4  }
0x565: {  	v8 =	vld [tilespmem:s7+$0x30];
	v4 =	vsub.f32 v7, v4;
	v2 =	vadd.s32 v1, v2  }
0x566: {  	v7 =	vld [tilespmem:s7+$0x5030];
	v3 =	vshll.u32 v3, $0x4;
	vm0 =	veq.s32 v6, v12  }
0x567: {  	v6 =	vld [tilespmem:s7+$0xA030];
	v3 =	vadd.s32 v1, v3;
	v10 =	vsel vm0, $0x3F800000, v0  }
0x568: {  	v11 =	vld [tilespmem:s7+$0x50B0];
	v12 =	vmul.f32 $1.500000000e+01, v5;
	v9 =	vsub.f32 v9, v10  }
0x569: {  	v10 =	vld [tilespmem:s7+$0xA0B0]  }
0x56a: {  	v13 =	vmul.f32 $1.500000000e+01, v8;
	v12 =	vtrunc.f32 v12;
	[tilespmem:v2+s23+$0x0] =	vst.idx.add.f32.msk $0xffff, v9  }
0x56b: {  	v2 =	vcvt.f32.s32 v12;
	v9 =	vld [tilespmem:s0+$0x4B0]  }
0x56c: {  	v12 =	vtrunc.f32 v13;
	vm0 =	veq.s32 v7, v6;
	[tilespmem:v3+s23+$0x0] =	vst.idx.add.f32.msk $0xffff, v4  }
0x56d: {  	v3 =	vcvt.f32.s32 v12;
	v4 =	vsel vm0, $0x3F800000, v0;
	v2 =	vshll.u32 v2, $0x4;
	v6 =	vld [tilespmem:s0+$0x420]  }
0x56e: {  	v4 =	vsub.f32 v8, v4;
	v7 =	vadd.s32 v1, v2;
	v8 =	vld [tilespmem:s0+$0x5420]  }
0x56f: {  	vm0 =	veq.s32 v11, v10;
	v2 =	vshll.u32 v3, $0x4;
	v3 =	vld [tilespmem:s0+$0xA420]  }
0x570: {  	v11 =	vsel vm0, $0x3F800000, v0;
	v10 =	vadd.s32 v1, v2;
	v12 =	vmul.f32 $1.500000000e+01, v9;
	v2 =	vld [tilespmem:s29+$0x470]  }
0x571: {  	v5 =	vsub.f32 v5, v11;
	v11 =	vld [tilespmem:s0+$0x54B0]  }
0x572: {  	v13 =	vmul.f32 $1.500000000e+01, v6;
	v14 =	vld [tilespmem:s0+$0xA4B0];
	v12 =	vtrunc.f32 v12  }
0x573: {  	[tilespmem:v7+s23+$0x0] =	vst.idx.add.f32.msk $0xffff, v5;
	v5 =	vcvt.f32.s32 v12  }
0x574: {  	v7 =	vld [tilespmem:s7+$0xC0];
	v12 =	vtrunc.f32 v13;
	vm0 =	veq.s32 v8, v3  }
0x575: {  	[tilespmem:v10+s23+$0x0] =	vst.idx.add.f32.msk $0xffff, v4;
	v3 =	vcvt.f32.s32 v12;
	v4 =	vsel vm0, $0x3F800000, v0;
	v5 =	vshll.u32 v5, $0x4  }
0x576: {  	v8 =	vld [tilespmem:s7+$0x40];
	v4 =	vsub.f32 v6, v4;
	v5 =	vadd.s32 v1, v5;
	v6 =	vmul.f32 $1.500000000e+01, v2  }
0x577: {  	v10 =	vld [tilespmem:s7+$0x5040];
	v3 =	vshll.u32 v3, $0x4;
	vm0 =	veq.s32 v11, v14  }
0x578: {  	v11 =	vld [tilespmem:s7+$0xA040];
	v12 =	vadd.s32 v1, v3;
	v3 =	vsel vm0, $0x3F800000, v0;
	v6 =	vtrunc.f32 v6  }
0x579: {  	v13 =	vld [tilespmem:s7+$0x50C0];
	v14 =	vmul.f32 $1.500000000e+01, v7;
	v3 =	vsub.f32 v9, v3;
	v6 =	vcvt.f32.s32 v6  }
0x57a: {  	v9 =	vld [tilespmem:s7+$0xA0C0]  }
0x57b: {  	v15 =	vmul.f32 $1.500000000e+01, v8;
	v14 =	vtrunc.f32 v14;
	[tilespmem:v5+s23+$0x0] =	vst.idx.add.f32.msk $0xffff, v3;
	v3 =	vshll.u32 v6, $0x4  }
0x57c: {  	v5 =	vcvt.f32.s32 v14;
	v6 =	vld [tilespmem:s0+$0x4C0];
	v3 =	vadd.s32 v1, v3  }
0x57d: {  	v14 =	vtrunc.f32 v15;
	vm0 =	veq.s32 v10, v11;
	[tilespmem:v12+s23+$0x0] =	vst.idx.add.f32.msk $0xffff, v4  }
0x57e: {  	v4 =	vcvt.f32.s32 v14;
	v10 =	vsel vm0, $0x3F800000, v0;
	v5 =	vshll.u32 v5, $0x4;
	v11 =	vld [tilespmem:s0+$0x430]  }
0x57f: {  	v8 =	vsub.f32 v8, v10;
	v5 =	vadd.s32 v1, v5;
	v10 =	vld [tilespmem:s0+$0x5430]  }
0x580: {  	vm0 =	veq.s32 v13, v9;
	v4 =	vshll.u32 v4, $0x4;
	v9 =	vld [tilespmem:s0+$0xA430]  }
0x581: {  	v12 =	vsel vm0, $0x3F800000, v0;
	v4 =	vadd.s32 v1, v4;
	v13 =	vmul.f32 $1.500000000e+01, v6;
	v14 =	vld [tilespmem:s29+$0x5470]  }
0x582: {  	v7 =	vsub.f32 v7, v12;
	v12 =	vld [tilespmem:s0+$0x54C0]  }
0x583: {  	v15 =	vmul.f32 $1.500000000e+01, v11;
	v16 =	vld [tilespmem:s0+$0xA4C0];
	v13 =	vtrunc.f32 v13  }
0x584: {  	[tilespmem:v5+s23+$0x0] =	vst.idx.add.f32.msk $0xffff, v7;
	v5 =	vcvt.f32.s32 v13  }
0x585: {  	v7 =	vld [tilespmem:s7+$0xD0];
	v13 =	vtrunc.f32 v15;
	vm0 =	veq.s32 v10, v9  }
0x586: {  	[tilespmem:v4+s23+$0x0] =	vst.idx.add.f32.msk $0xffff, v8;
	v4 =	vcvt.f32.s32 v13;
	v8 =	vsel vm0, $0x3F800000, v0;
	v5 =	vshll.u32 v5, $0x4  }
0x587: {  	v9 =	vld [tilespmem:s7+$0x50];
	v8 =	vsub.f32 v11, v8;
	v5 =	vadd.s32 v1, v5  }
0x588: {  	v10 =	vld [tilespmem:s7+$0x5050];
	v4 =	vshll.u32 v4, $0x4;
	vm0 =	veq.s32 v12, v16  }
0x589: {  	v11 =	vld [tilespmem:s7+$0xA050];
	v4 =	vadd.s32 v1, v4;
	v12 =	vsel vm0, $0x3F800000, v0  }
0x58a: {  	v13 =	vld [tilespmem:s7+$0x50D0];
	v15 =	vmul.f32 $1.500000000e+01, v7;
	v6 =	vsub.f32 v6, v12  }
0x58b: {  	v12 =	vld [tilespmem:s7+$0xA0D0]  }
0x58c: {  	v16 =	vmul.f32 $1.500000000e+01, v9;
	v15 =	vtrunc.f32 v15;
	[tilespmem:v5+s23+$0x0] =	vst.idx.add.f32.msk $0xffff, v6  }
0x58d: {  	v5 =	vcvt.f32.s32 v15;
	v6 =	vld [tilespmem:s0+$0x4D0]  }
0x58e: {  	v15 =	vtrunc.f32 v16;
	vm0 =	veq.s32 v10, v11;
	[tilespmem:v4+s23+$0x0] =	vst.idx.add.f32.msk $0xffff, v8  }
0x58f: {  	v4 =	vcvt.f32.s32 v15;
	v8 =	vsel vm0, $0x3F800000, v0;
	v5 =	vshll.u32 v5, $0x4;
	v10 =	vld [tilespmem:s0+$0x440]  }
0x590: {  	v8 =	vsub.f32 v9, v8;
	v5 =	vadd.s32 v1, v5;
	v9 =	vld [tilespmem:s0+$0x5440]  }
0x591: {  	vm0 =	veq.s32 v13, v12;
	v4 =	vshll.u32 v4, $0x4;
	v11 =	vld [tilespmem:s0+$0xA440]  }
0x592: {  	v12 =	vsel vm0, $0x3F800000, v0;
	v4 =	vadd.s32 v1, v4;
	v13 =	vmul.f32 $1.500000000e+01, v6;
	v15 =	vld [tilespmem:s29+$0xA470];
	s29 =	smov.u32 s0;
	s0 =	smov.u32 s7  }
0x593: {  	v7 =	vsub.f32 v7, v12;
	v12 =	vld [tilespmem:s29+$0x54D0]  }
0x594: {  	v16 =	vmul.f32 $1.500000000e+01, v10;
	v17 =	vld [tilespmem:s29+$0xA4D0];
	v13 =	vtrunc.f32 v13  }
0x595: {  	[tilespmem:v5+s23+$0x0] =	vst.idx.add.f32.msk $0xffff, v7;
	v5 =	vcvt.f32.s32 v13  }
0x596: {  	v7 =	vld [tilespmem:s0+$0xE0];
	v13 =	vtrunc.f32 v16;
	vm0 =	veq.s32 v9, v11  }
0x597: {  	[tilespmem:v4+s23+$0x0] =	vst.idx.add.f32.msk $0xffff, v8;
	v4 =	vcvt.f32.s32 v13;
	v8 =	vsel vm0, $0x3F800000, v0;
	v5 =	vshll.u32 v5, $0x4  }
0x598: {  	vm0 =	veq.s32 v14, v15;
	v9 =	vld [tilespmem:s0+$0x60];
	v8 =	vsub.f32 v10, v8;
	v5 =	vadd.s32 v1, v5  }
0x599: {  	v11 =	vsel vm0, $0x3F800000, v0;
	v10 =	vld [tilespmem:s0+$0x5060];
	v4 =	vshll.u32 v4, $0x4;
	vm1 =	veq.s32 v12, v17  }
0x59a: {  	v2 =	vsub.f32 v2, v11;
	v12 =	vld [tilespmem:s0+$0xA060];
	v4 =	vadd.s32 v1, v4;
	v13 =	vsel vm1, $0x3F800000, v0  }
0x59b: {  	v11 =	vld [tilespmem:s0+$0x50E0];
	v14 =	vmul.f32 $1.500000000e+01, v7;
	v6 =	vsub.f32 v6, v13  }
0x59c: {  	v13 =	vld [tilespmem:s0+$0xA0E0]  }
0x59d: {  	v15 =	vmul.f32 $1.500000000e+01, v9;
	v14 =	vtrunc.f32 v14;
	[tilespmem:v5+s23+$0x0] =	vst.idx.add.f32.msk $0xffff, v6  }
0x59e: {  	v5 =	vcvt.f32.s32 v14;
	v14 =	vld [tilespmem:s29+$0x4E0]  }
0x59f: {  	v6 =	vtrunc.f32 v15;
	vm0 =	veq.s32 v10, v12;
	[tilespmem:v4+s23+$0x0] =	vst.idx.add.f32.msk $0xffff, v8  }
0x5a0: {  	v4 =	vcvt.f32.s32 v6;
	v6 =	vsel vm0, $0x3F800000, v0;
	v5 =	vshll.u32 v5, $0x4;
	v8 =	vld [tilespmem:s29+$0x450]  }
0x5a1: {  	v9 =	vsub.f32 v9, v6;
	v5 =	vadd.s32 v1, v5;
	v10 =	vld [tilespmem:s29+$0x5450]  }
0x5a2: {  	vm0 =	veq.s32 v11, v13;
	v4 =	vshll.u32 v4, $0x4;
	v11 =	vld [tilespmem:s29+$0xA450]  }
0x5a3: {  	v6 =	vsel vm0, $0x3F800000, v0;
	v4 =	vadd.s32 v1, v4;
	v12 =	vmul.f32 $1.500000000e+01, v14;
	[tilespmem:v3+s23+$0x0] =	vst.idx.add.f32.msk $0xffff, v2  }
0x5a4: {  	v2 =	vsub.f32 v7, v6;
	v3 =	vld [tilespmem:s29+$0x54E0]  }
0x5a5: {  	v7 =	vmul.f32 $1.500000000e+01, v8;
	v13 =	vld [tilespmem:s29+$0xA4E0];
	v6 =	vtrunc.f32 v12  }
0x5a6: {  	[tilespmem:v5+s23+$0x0] =	vst.idx.add.f32.msk $0xffff, v2;
	v2 =	vcvt.f32.s32 v6  }
0x5a7: {  	v6 =	vld [tilespmem:s0+$0xF0];
	v5 =	vtrunc.f32 v7;
	vm0 =	veq.s32 v10, v11  }
0x5a8: {  	[tilespmem:v4+s23+$0x0] =	vst.idx.add.f32.msk $0xffff, v9;
	v5 =	vcvt.f32.s32 v5;
	v4 =	vsel vm0, $0x3F800000, v0;
	v9 =	vshll.u32 v2, $0x4  }
.Ltmp3:
0x5a9: {  	v7 =	vld [tilespmem:s0+$0x70];
	v2 =	vsub.f32 v8, v4;
	v4 =	vadd.s32 v1, v9;
	(pc) =	sbr.rel @p0 .LBB2_8-.Ltmp3, $4  }
0x5aa: {  	v8 =	vld [tilespmem:s0+$0x5070];
	v5 =	vshll.u32 v5, $0x4;
	vm0 =	veq.s32 v3, v13  }
0x5ab: {  	v10 =	vld [tilespmem:s0+$0xA070];
	v3 =	vadd.s32 v1, v5;
	v5 =	vsel vm0, $0x3F800000, v0  }
0x5ac: {  	v9 =	vld [tilespmem:s0+$0x50F0];
	v12 =	vmul.f32 $1.500000000e+01, v6;
	v5 =	vsub.f32 v14, v5  }
0x5ad: {  	s25 =	sadd.s32 $0x100, s25;
	s5 =	sadd.s32 $0x200, s5;
	v11 =	vld [tilespmem:s0+$0xA0F0]  }
0x5ae: {  	v13 =	vmul.f32 $1.500000000e+01, v7;
	v12 =	vtrunc.f32 v12  }
0x5af: {  	v12 =	vcvt.f32.s32 v12  }
0x5b0: {  	v13 =	vtrunc.f32 v13  }
0x5b1: {  	v13 =	vcvt.f32.s32 v13;
	v12 =	vshll.u32 v12, $0x4  }
0x5b2: {  	v12 =	vadd.s32 v1, v12  }
0x5b3: {  	vm0 =	veq.s32 v9, v11;
	v13 =	vshll.u32 v13, $0x4  }
0x5b4: {  	v11 =	vsel vm0, $0x3F800000, v0;
	v9 =	vadd.s32 v1, v13  }
0x5b5: {  	vm14 =	veq.s32 v8, v10;
	v6 =	vsub.f32 v6, v11  }
0x5b6: {  	v8 =	vsel vm14, $0x3F800000, v0  }
0x5b7: {  	v7 =	vsub.f32 v7, v8;
	[tilespmem:v12+s23+$0x0] =	vst.idx.add.f32.msk $0xffff, v6  }
0x5b8: {  	v6 =	vld [tilespmem:s0+$0x480]  }
0x5b9: {  	[tilespmem:v9+s23+$0x0] =	vst.idx.add.f32.msk $0xffff, v7  }
0x5ba: {  	v7 =	vld [tilespmem:s0+$0x400];
	_ =	sdelay $0x2  }
0x5bb: {  	v8 =	vmul.f32 $1.500000000e+01, v6  }
0x5bc: {  	v10 =	vld [tilespmem:s0+$0xA480]  }
0x5bd: {  	v9 =	vld [tilespmem:s0+$0x5480];
	v8 =	vtrunc.f32 v8;
	v11 =	vmul.f32 $1.500000000e+01, v7  }
0x5be: {  	v12 =	vld [tilespmem:s0+$0x5400];
	v8 =	vcvt.f32.s32 v8  }
0x5bf: {  	v13 =	vld [tilespmem:s0+$0xA400];
	v11 =	vtrunc.f32 v11  }
0x5c0: {  	v8 =	vshll.u32 v8, $0x4;
	v11 =	vcvt.f32.s32 v11  }
0x5c1: {  	v8 =	vadd.s32 v1, v8  }
0x5c2: {  	vm15 =	veq.s32 v9, v10;
	v9 =	vshll.u32 v11, $0x4  }
0x5c3: {  	v10 =	vsel vm15, $0x3F800000, v0;
	v9 =	vadd.s32 v1, v9  }
0x5c4: {  	vm4 =	veq.s32 v12, v13;
	v6 =	vsub.f32 v6, v10  }
0x5c5: {  	v10 =	vsel vm4, $0x3F800000, v0  }
0x5c6: {  	[tilespmem:v8+s23+$0x0] =	vst.idx.add.f32.msk $0xffff, v6;
	v6 =	vsub.f32 v7, v10  }
0x5c7: {  	v7 =	vld [tilespmem:s0+$0x490]  }
0x5c8: {  	[tilespmem:v9+s23+$0x0] =	vst.idx.add.f32.msk $0xffff, v6  }
0x5c9: {  	v6 =	vld [tilespmem:s0+$0x410];
	_ =	sdelay $0x2  }
0x5ca: {  	v8 =	vmul.f32 $1.500000000e+01, v7  }
0x5cb: {  	v10 =	vld [tilespmem:s0+$0xA490]  }
0x5cc: {  	v9 =	vld [tilespmem:s0+$0x5490];
	v8 =	vtrunc.f32 v8;
	v11 =	vmul.f32 $1.500000000e+01, v6  }
0x5cd: {  	v12 =	vld [tilespmem:s0+$0x5410];
	v8 =	vcvt.f32.s32 v8  }
0x5ce: {  	v13 =	vld [tilespmem:s0+$0xA410];
	v11 =	vtrunc.f32 v11  }
0x5cf: {  	v8 =	vshll.u32 v8, $0x4;
	v11 =	vcvt.f32.s32 v11  }
0x5d0: {  	v8 =	vadd.s32 v1, v8  }
0x5d1: {  	vm5 =	veq.s32 v9, v10;
	v9 =	vshll.u32 v11, $0x4  }
0x5d2: {  	v10 =	vsel vm5, $0x3F800000, v0;
	v9 =	vadd.s32 v1, v9  }
0x5d3: {  	vm6 =	veq.s32 v12, v13;
	v7 =	vsub.f32 v7, v10  }
0x5d4: {  	v10 =	vsel vm6, $0x3F800000, v0  }
0x5d5: {  	v6 =	vsub.f32 v6, v10;
	[tilespmem:v8+s23+$0x0] =	vst.idx.add.f32.msk $0xffff, v7  }
0x5d6: {  	v7 =	vld [tilespmem:s0+$0x4A0]  }
0x5d7: {  	[tilespmem:v9+s23+$0x0] =	vst.idx.add.f32.msk $0xffff, v6  }
0x5d8: {  	v6 =	vld [tilespmem:s0+$0x420];
	_ =	sdelay $0x2  }
0x5d9: {  	v8 =	vmul.f32 $1.500000000e+01, v7  }
0x5da: {  	v10 =	vld [tilespmem:s0+$0xA4A0]  }
0x5db: {  	v9 =	vld [tilespmem:s0+$0x54A0];
	v8 =	vtrunc.f32 v8;
	v11 =	vmul.f32 $1.500000000e+01, v6  }
0x5dc: {  	v12 =	vld [tilespmem:s0+$0x5420];
	v8 =	vcvt.f32.s32 v8  }
0x5dd: {  	v13 =	vld [tilespmem:s0+$0xA420];
	v11 =	vtrunc.f32 v11  }
0x5de: {  	v8 =	vshll.u32 v8, $0x4;
	v11 =	vcvt.f32.s32 v11  }
0x5df: {  	v8 =	vadd.s32 v1, v8  }
0x5e0: {  	vm7 =	veq.s32 v9, v10;
	v9 =	vshll.u32 v11, $0x4  }
0x5e1: {  	v10 =	vsel vm7, $0x3F800000, v0;
	v9 =	vadd.s32 v1, v9  }
0x5e2: {  	vm8 =	veq.s32 v12, v13;
	v7 =	vsub.f32 v7, v10  }
0x5e3: {  	v10 =	vsel vm8, $0x3F800000, v0  }
0x5e4: {  	v6 =	vsub.f32 v6, v10;
	[tilespmem:v8+s23+$0x0] =	vst.idx.add.f32.msk $0xffff, v7  }
0x5e5: {  	v7 =	vld [tilespmem:s0+$0x4B0]  }
0x5e6: {  	[tilespmem:v9+s23+$0x0] =	vst.idx.add.f32.msk $0xffff, v6  }
0x5e7: {  	v6 =	vld [tilespmem:s0+$0x430];
	_ =	sdelay $0x2  }
0x5e8: {  	v8 =	vmul.f32 $1.500000000e+01, v7  }
0x5e9: {  	v10 =	vld [tilespmem:s0+$0xA4B0]  }
0x5ea: {  	v9 =	vld [tilespmem:s0+$0x54B0];
	v8 =	vtrunc.f32 v8;
	v11 =	vmul.f32 $1.500000000e+01, v6  }
0x5eb: {  	v12 =	vld [tilespmem:s0+$0x5430];
	v8 =	vcvt.f32.s32 v8  }
0x5ec: {  	v13 =	vld [tilespmem:s0+$0xA430];
	v11 =	vtrunc.f32 v11  }
0x5ed: {  	v8 =	vshll.u32 v8, $0x4;
	v11 =	vcvt.f32.s32 v11  }
0x5ee: {  	v8 =	vadd.s32 v1, v8  }
0x5ef: {  	vm9 =	veq.s32 v9, v10;
	v9 =	vshll.u32 v11, $0x4  }
0x5f0: {  	v10 =	vsel vm9, $0x3F800000, v0;
	v9 =	vadd.s32 v1, v9  }
0x5f1: {  	vm10 =	veq.s32 v12, v13;
	v7 =	vsub.f32 v7, v10  }
0x5f2: {  	v10 =	vsel vm10, $0x3F800000, v0  }
0x5f3: {  	v6 =	vsub.f32 v6, v10;
	[tilespmem:v8+s23+$0x0] =	vst.idx.add.f32.msk $0xffff, v7  }
0x5f4: {  	v7 =	vld [tilespmem:s0+$0x4C0]  }
0x5f5: {  	[tilespmem:v9+s23+$0x0] =	vst.idx.add.f32.msk $0xffff, v6  }
0x5f6: {  	v6 =	vld [tilespmem:s0+$0x440];
	_ =	sdelay $0x2  }
0x5f7: {  	v8 =	vmul.f32 $1.500000000e+01, v7  }
0x5f8: {  	v10 =	vld [tilespmem:s0+$0xA4C0]  }
0x5f9: {  	v9 =	vld [tilespmem:s0+$0x54C0];
	v8 =	vtrunc.f32 v8;
	v11 =	vmul.f32 $1.500000000e+01, v6  }
0x5fa: {  	v12 =	vld [tilespmem:s0+$0x5440];
	v8 =	vcvt.f32.s32 v8  }
0x5fb: {  	v13 =	vld [tilespmem:s0+$0xA440];
	v11 =	vtrunc.f32 v11  }
0x5fc: {  	v8 =	vshll.u32 v8, $0x4;
	v11 =	vcvt.f32.s32 v11  }
0x5fd: {  	v8 =	vadd.s32 v1, v8  }
0x5fe: {  	vm11 =	veq.s32 v9, v10;
	v9 =	vshll.u32 v11, $0x4  }
0x5ff: {  	v10 =	vsel vm11, $0x3F800000, v0;
	v9 =	vadd.s32 v1, v9  }
0x600: {  	vm12 =	veq.s32 v12, v13;
	v7 =	vsub.f32 v7, v10  }
0x601: {  	v10 =	vsel vm12, $0x3F800000, v0  }
0x602: {  	v6 =	vsub.f32 v6, v10;
	[tilespmem:v8+s23+$0x0] =	vst.idx.add.f32.msk $0xffff, v7  }
0x603: {  	v7 =	vld [tilespmem:s0+$0x4D0]  }
0x604: {  	[tilespmem:v9+s23+$0x0] =	vst.idx.add.f32.msk $0xffff, v6  }
0x605: {  	v6 =	vld [tilespmem:s0+$0x450];
	_ =	sdelay $0x2  }
0x606: {  	v8 =	vmul.f32 $1.500000000e+01, v7  }
0x607: {  	v10 =	vld [tilespmem:s0+$0xA4D0]  }
0x608: {  	v9 =	vld [tilespmem:s0+$0x54D0];
	v8 =	vtrunc.f32 v8;
	v11 =	vmul.f32 $1.500000000e+01, v6  }
0x609: {  	v12 =	vld [tilespmem:s0+$0x5450];
	v8 =	vcvt.f32.s32 v8  }
0x60a: {  	v13 =	vld [tilespmem:s0+$0xA450];
	v11 =	vtrunc.f32 v11  }
0x60b: {  	v8 =	vshll.u32 v8, $0x4;
	v11 =	vcvt.f32.s32 v11  }
0x60c: {  	v8 =	vadd.s32 v1, v8  }
0x60d: {  	vm13 =	veq.s32 v9, v10;
	v9 =	vshll.u32 v11, $0x4  }
0x60e: {  	v10 =	vsel vm13, $0x3F800000, v0;
	v9 =	vadd.s32 v1, v9  }
0x60f: {  	[tilespmem:v3+s23+$0x0] =	vst.idx.add.f32.msk $0xffff, v2;
	vm14 =	veq.s32 v12, v13;
	v2 =	vsub.f32 v7, v10  }
0x610: {  	v3 =	vld [tilespmem:s29+$0x460];
	v7 =	vsel vm14, $0x3F800000, v0  }
0x611: {  	[tilespmem:v8+s23+$0x0] =	vst.idx.add.f32.msk $0xffff, v2;
	v2 =	vsub.f32 v6, v7  }
0x612: {  	v6 =	vld [tilespmem:s0+$0x4E0]  }
0x613: {  	[tilespmem:v9+s23+$0x0] =	vst.idx.add.f32.msk $0xffff, v2  }
0x614: {  	v2 =	vld [tilespmem:s0+$0x460]  }
0x615: {  	v7 =	vmul.f32 $1.500000000e+01, v3  }
0x616: {  	v8 =	vld [tilespmem:s29+$0x5460]  }
0x617: {  	v9 =	vld [tilespmem:s29+$0xA460];
	v7 =	vtrunc.f32 v7;
	v10 =	vmul.f32 $1.500000000e+01, v6  }
0x618: {  	v11 =	vld [tilespmem:s0+$0x54E0];
	v7 =	vcvt.f32.s32 v7  }
0x619: {  	v12 =	vld [tilespmem:s0+$0xA4E0];
	v10 =	vtrunc.f32 v10;
	v13 =	vmul.f32 $1.500000000e+01, v2  }
0x61a: {  	v14 =	vld [tilespmem:s0+$0x5460];
	v7 =	vshll.u32 v7, $0x4;
	v10 =	vcvt.f32.s32 v10  }
0x61b: {  	v15 =	vld [tilespmem:s0+$0xA460];
	v7 =	vadd.s32 v1, v7;
	v13 =	vtrunc.f32 v13  }
0x61c: {  	[tilespmem:v4+s23+$0x0] =	vst.idx.add.f32.msk $0xffff, v5;
	vm15 =	veq.s32 v8, v9;
	v4 =	vshll.u32 v10, $0x4;
	v5 =	vcvt.f32.s32 v13  }
0x61d: {  	v8 =	vld [tilespmem:s29+$0x4F0];
	v9 =	vsel vm15, $0x3F800000, v0;
	v4 =	vadd.s32 v1, v4  }
0x61e: {  	vm4 =	veq.s32 v11, v12;
	v3 =	vsub.f32 v3, v9;
	v9 =	vld [tilespmem:s29+$0xA4F0];
	v5 =	vshll.u32 v5, $0x4  }
0x61f: {  	v11 =	vsel vm4, $0x3F800000, v0;
	v10 =	vld [tilespmem:s29+$0x54F0];
	v5 =	vadd.s32 v1, v5  }
0x620: {  	vm5 =	veq.s32 v14, v15;
	[tilespmem:v7+s23+$0x0] =	vst.idx.add.f32.msk $0xffff, v3;
	v3 =	vsub.f32 v6, v11  }
0x621: {  	v7 =	vsel vm5, $0x3F800000, v0;
	v6 =	vld [tilespmem:s29+$0x470]  }
0x622: {  	v2 =	vsub.f32 v2, v7;
	[tilespmem:v4+s23+$0x0] =	vst.idx.add.f32.msk $0xffff, v3  }
0x623: {  	v3 =	vld [tilespmem:s0+$0x4F0]  }
0x624: {  	[tilespmem:v5+s23+$0x0] =	vst.idx.add.f32.msk $0xffff, v2  }
0x625: {  	v2 =	vld [tilespmem:s0+$0x470]  }
0x626: {  	v7 =	vld [tilespmem:s29+$0xA470];
	v4 =	vmul.f32 $1.500000000e+01, v8  }
0x627: {  	v5 =	vld [tilespmem:s29+$0x5470]  }
0x628: {  	v11 =	vmul.f32 $1.500000000e+01, v6;
	v13 =	vld [tilespmem:s0+$0x54F0];
	v4 =	vtrunc.f32 v4  }
0x629: {  	vm6 =	veq.s32 v10, v9;
	v10 =	vld [tilespmem:s0+$0xA4F0];
	v4 =	vcvt.f32.s32 v4;
	v12 =	vmul.f32 $1.500000000e+01, v3  }
0x62a: {  	v9 =	vtrunc.f32 v11;
	v11 =	vmul.f32 $1.500000000e+01, v2  }
0x62b: {  	v9 =	vcvt.f32.s32 v9;
	v14 =	vld [tilespmem:s0+$0x5470];
	v4 =	vshll.u32 v4, $0x4;
	v12 =	vtrunc.f32 v12  }
0x62c: {  	vm1 =	veq.s32 v5, v7;
	v5 =	vcvt.f32.s32 v12;
	v7 =	vtrunc.f32 v11;
	v11 =	vld [tilespmem:s0+$0xA470]  }
0x62d: {  	v9 =	vshll.u32 v9, $0x4;
	v4 =	vadd.s32 v1, v4;
	v7 =	vcvt.f32.s32 v7  }
0x62e: {  	v9 =	vadd.s32 v1, v9;
	vm7 =	veq.s32 v13, v10;
	v5 =	vshll.u32 v5, $0x4  }
0x62f: {  	v12 =	vsel vm6, $0x3F800000, v0;
	v5 =	vadd.s32 v1, v5;
	v7 =	vshll.u32 v7, $0x4  }
0x630: {  	v8 =	vsub.f32 v8, v12;
	v12 =	vsel vm1, $0x3F800000, v0;
	v7 =	vadd.s32 v1, v7  }
0x631: {  	v10 =	vsel vm7, $0x3F800000, v0;
	v6 =	vsub.f32 v6, v12;
	vm8 =	veq.s32 v14, v11  }
0x632: {  	v3 =	vsub.f32 v3, v10;
	[tilespmem:v4+s23+$0x0] =	vst.idx.add.f32.msk $0xffff, v8;
	v4 =	vsel vm8, $0x3F800000, v0  }
0x633: {  	[tilespmem:v9+s23+$0x0] =	vst.idx.add.f32.msk $0xffff, v6;
	v2 =	vsub.f32 v2, v4  }
0x634: {  	[tilespmem:v5+s23+$0x0] =	vst.idx.add.f32.msk $0xffff, v3  }
0x635: {  	[tilespmem:v7+s23+$0x0] =	vst.idx.add.f32.msk $0xffff, v2  }
0x636: {  	_ =	swait.ge [sflag:s24], $0x2800  }
0x637: {  	[sflag:s24] =	ssyncset.done $0x0  }
0x638: {  	[sflag:s24] =	ssyncadd.s32 $0xFFFFD800  }
0x639: {  	_ =	swait.ge [sflag:s24], $0x2800  }
0x63a: {  	[sflag:s24] =	ssyncset.done $0x0  }
0x63b: {  	[sflag:s24] =	ssyncadd.s32 $0xFFFFD800  }
0x63c: {  	s25 =	simm.s32 $0x0;
	_ =	swait.ge [sflag:s24], $0x2800  }
0x63d: {  	s3 =	sand.u32 $0x3800, s25;
	s0 =	sand.u32 $0x300, s25;
	[sflag:s24] =	ssyncset.done $0x0  }
0x63e: {  	s29 =	sor.u32 s0, s3;
	[sflag:s24] =	ssyncadd.s32 $0xFFFFD800  }
0x63f: {  	v2 =	vld [tilespmem:s29+$0x2880];
	_ =	sdelay $0x4  }
0x640: {  	v3 =	vmul.f32 $1.500000000e+01, v2  }
0x641: {  	v4 =	vld [tilespmem:s29+$0x7880]  }
0x642: {  	v5 =	vld [tilespmem:s29+$0xC880];
	v3 =	vtrunc.f32 v3  }
0x643: {  	v3 =	vcvt.f32.s32 v3;
	_ =	sdelay $0x1  }
0x644: {  	v3 =	vshll.u32 v3, $0x4  }
0x645: {  	v3 =	vadd.s32 v1, v3  }
0x646: {  	vm9 =	veq.s32 v4, v5  }
0x647: {  	v4 =	vsel vm9, $0x3F800000, v0  }
0x648: {  	v2 =	vsub.f32 v2, v4;
	_ =	sdelay $0x1  }
0x649: {  	[tilespmem:v3+s23+$0x0] =	vst.idx.add.f32.msk $0xffff, v2  }
0x64a: {  	v2 =	vld [tilespmem:s29+$0x2890];
	_ =	sdelay $0x1  }
0x64b: {  	v3 =	vld [tilespmem:s29+$0x2800];
	_ =	sdelay $0x2  }
0x64c: {  	v4 =	vmul.f32 $1.500000000e+01, v2  }
0x64d: {  	v5 =	vld [tilespmem:s29+$0x7890]  }
0x64e: {  	v6 =	vld [tilespmem:s29+$0xC890];
	v7 =	vmul.f32 $1.500000000e+01, v3;
	v4 =	vtrunc.f32 v4  }
0x64f: {  	v8 =	vld [tilespmem:s29+$0x7800];
	v4 =	vcvt.f32.s32 v4  }
0x650: {  	v9 =	vld [tilespmem:s29+$0xC800];
	v7 =	vtrunc.f32 v7  }
0x651: {  	v7 =	vcvt.f32.s32 v7;
	v4 =	vshll.u32 v4, $0x4  }
0x652: {  	v4 =	vadd.s32 v1, v4  }
0x653: {  	vm10 =	veq.s32 v5, v6;
	v5 =	vshll.u32 v7, $0x4  }
0x654: {  	v6 =	vsel vm10, $0x3F800000, v0;
	v5 =	vadd.s32 v1, v5  }
0x655: {  	vm11 =	veq.s32 v8, v9;
	v2 =	vsub.f32 v2, v6  }
0x656: {  	v6 =	vsel vm11, $0x3F800000, v0  }
0x657: {  	[tilespmem:v4+s23+$0x0] =	vst.idx.add.f32.msk $0xffff, v2;
	v2 =	vsub.f32 v3, v6  }
0x658: {  	v3 =	vld [tilespmem:s29+$0x28A0]  }
0x659: {  	[tilespmem:v5+s23+$0x0] =	vst.idx.add.f32.msk $0xffff, v2  }
0x65a: {  	v2 =	vld [tilespmem:s29+$0x2810];
	_ =	sdelay $0x2  }
0x65b: {  	v4 =	vmul.f32 $1.500000000e+01, v3  }
0x65c: {  	v6 =	vld [tilespmem:s29+$0xC8A0]  }
0x65d: {  	v5 =	vld [tilespmem:s29+$0x78A0];
	v4 =	vtrunc.f32 v4;
	v7 =	vmul.f32 $1.500000000e+01, v2  }
0x65e: {  	v8 =	vld [tilespmem:s29+$0x7810];
	v4 =	vcvt.f32.s32 v4  }
0x65f: {  	v9 =	vld [tilespmem:s29+$0xC810];
	v7 =	vtrunc.f32 v7  }
0x660: {  	v4 =	vshll.u32 v4, $0x4;
	v7 =	vcvt.f32.s32 v7  }
0x661: {  	v4 =	vadd.s32 v1, v4  }
0x662: {  	vm12 =	veq.s32 v5, v6;
	v5 =	vshll.u32 v7, $0x4  }
0x663: {  	v6 =	vsel vm12, $0x3F800000, v0;
	v5 =	vadd.s32 v1, v5  }
0x664: {  	vm13 =	veq.s32 v8, v9;
	v3 =	vsub.f32 v3, v6  }
0x665: {  	v6 =	vsel vm13, $0x3F800000, v0  }
0x666: {  	v2 =	vsub.f32 v2, v6;
	[tilespmem:v4+s23+$0x0] =	vst.idx.add.f32.msk $0xffff, v3  }
0x667: {  	v3 =	vld [tilespmem:s29+$0x28B0]  }
0x668: {  	[tilespmem:v5+s23+$0x0] =	vst.idx.add.f32.msk $0xffff, v2  }
0x669: {  	v2 =	vld [tilespmem:s29+$0x2820];
	_ =	sdelay $0x2  }
0x66a: {  	v4 =	vmul.f32 $1.500000000e+01, v3  }
0x66b: {  	v6 =	vld [tilespmem:s29+$0xC8B0]  }
0x66c: {  	v5 =	vld [tilespmem:s29+$0x78B0];
	v4 =	vtrunc.f32 v4;
	v7 =	vmul.f32 $1.500000000e+01, v2  }
0x66d: {  	v8 =	vld [tilespmem:s29+$0x7820];
	v4 =	vcvt.f32.s32 v4  }
0x66e: {  	v9 =	vld [tilespmem:s29+$0xC820];
	v7 =	vtrunc.f32 v7  }
0x66f: {  	v4 =	vshll.u32 v4, $0x4;
	v7 =	vcvt.f32.s32 v7  }
0x670: {  	v4 =	vadd.s32 v1, v4  }
0x671: {  	vm14 =	veq.s32 v5, v6;
	v5 =	vshll.u32 v7, $0x4  }
0x672: {  	v6 =	vsel vm14, $0x3F800000, v0;
	v5 =	vadd.s32 v1, v5  }
0x673: {  	vm15 =	veq.s32 v8, v9;
	v3 =	vsub.f32 v3, v6  }
0x674: {  	v6 =	vsel vm15, $0x3F800000, v0  }
0x675: {  	v2 =	vsub.f32 v2, v6;
	[tilespmem:v4+s23+$0x0] =	vst.idx.add.f32.msk $0xffff, v3  }
0x676: {  	v3 =	vld [tilespmem:s29+$0x28C0]  }
0x677: {  	[tilespmem:v5+s23+$0x0] =	vst.idx.add.f32.msk $0xffff, v2  }
0x678: {  	v2 =	vld [tilespmem:s29+$0x2830];
	_ =	sdelay $0x2  }
0x679: {  	v4 =	vmul.f32 $1.500000000e+01, v3  }
0x67a: {  	v6 =	vld [tilespmem:s29+$0xC8C0]  }
0x67b: {  	v5 =	vld [tilespmem:s29+$0x78C0];
	v4 =	vtrunc.f32 v4;
	v7 =	vmul.f32 $1.500000000e+01, v2  }
0x67c: {  	v8 =	vld [tilespmem:s29+$0x7830];
	v4 =	vcvt.f32.s32 v4  }
0x67d: {  	v9 =	vld [tilespmem:s29+$0xC830];
	v7 =	vtrunc.f32 v7  }
0x67e: {  	v4 =	vshll.u32 v4, $0x4;
	v7 =	vcvt.f32.s32 v7  }
0x67f: {  	v4 =	vadd.s32 v1, v4  }
0x680: {  	vm4 =	veq.s32 v5, v6;
	v5 =	vshll.u32 v7, $0x4  }
0x681: {  	v6 =	vsel vm4, $0x3F800000, v0;
	v5 =	vadd.s32 v1, v5  }
0x682: {  	vm5 =	veq.s32 v8, v9;
	v3 =	vsub.f32 v3, v6  }
0x683: {  	v6 =	vsel vm5, $0x3F800000, v0  }
0x684: {  	v2 =	vsub.f32 v2, v6;
	[tilespmem:v4+s23+$0x0] =	vst.idx.add.f32.msk $0xffff, v3  }
0x685: {  	v3 =	vld [tilespmem:s29+$0x28D0]  }
0x686: {  	[tilespmem:v5+s23+$0x0] =	vst.idx.add.f32.msk $0xffff, v2  }
0x687: {  	v2 =	vld [tilespmem:s29+$0x2840];
	_ =	sdelay $0x2  }
0x688: {  	v4 =	vmul.f32 $1.500000000e+01, v3  }
0x689: {  	v6 =	vld [tilespmem:s29+$0xC8D0]  }
0x68a: {  	v5 =	vld [tilespmem:s29+$0x78D0];
	v4 =	vtrunc.f32 v4;
	v7 =	vmul.f32 $1.500000000e+01, v2  }
0x68b: {  	v8 =	vld [tilespmem:s29+$0x7840];
	v4 =	vcvt.f32.s32 v4  }
0x68c: {  	v9 =	vld [tilespmem:s29+$0xC840];
	v7 =	vtrunc.f32 v7  }
0x68d: {  	v4 =	vshll.u32 v4, $0x4;
	v7 =	vcvt.f32.s32 v7  }
0x68e: {  	v4 =	vadd.s32 v1, v4  }
0x68f: {  	vm6 =	veq.s32 v5, v6;
	v5 =	vshll.u32 v7, $0x4  }
0x690: {  	v6 =	vsel vm6, $0x3F800000, v0;
	v5 =	vadd.s32 v1, v5  }
0x691: {  	vm7 =	veq.s32 v8, v9;
	v3 =	vsub.f32 v3, v6  }
0x692: {  	v6 =	vsel vm7, $0x3F800000, v0  }
0x693: {  	v2 =	vsub.f32 v2, v6;
	[tilespmem:v4+s23+$0x0] =	vst.idx.add.f32.msk $0xffff, v3  }
0x694: {  	v3 =	vld [tilespmem:s29+$0x28E0]  }
0x695: {  	[tilespmem:v5+s23+$0x0] =	vst.idx.add.f32.msk $0xffff, v2  }
0x696: {  	v2 =	vld [tilespmem:s29+$0x2850];
	_ =	sdelay $0x2  }
0x697: {  	v4 =	vmul.f32 $1.500000000e+01, v3  }
0x698: {  	v6 =	vld [tilespmem:s29+$0xC8E0]  }
0x699: {  	v5 =	vld [tilespmem:s29+$0x78E0];
	v4 =	vtrunc.f32 v4;
	v7 =	vmul.f32 $1.500000000e+01, v2  }
0x69a: {  	v8 =	vld [tilespmem:s29+$0x7850];
	v4 =	vcvt.f32.s32 v4  }
0x69b: {  	v9 =	vld [tilespmem:s29+$0xC850];
	v7 =	vtrunc.f32 v7  }
0x69c: {  	v4 =	vshll.u32 v4, $0x4;
	v7 =	vcvt.f32.s32 v7  }
0x69d: {  	v4 =	vadd.s32 v1, v4  }
0x69e: {  	vm8 =	veq.s32 v5, v6;
	v5 =	vshll.u32 v7, $0x4  }
0x69f: {  	v6 =	vsel vm8, $0x3F800000, v0;
	v5 =	vadd.s32 v1, v5  }
0x6a0: {  	vm9 =	veq.s32 v8, v9;
	v3 =	vsub.f32 v3, v6  }
0x6a1: {  	v6 =	vsel vm9, $0x3F800000, v0  }
0x6a2: {  	v2 =	vsub.f32 v2, v6;
	[tilespmem:v4+s23+$0x0] =	vst.idx.add.f32.msk $0xffff, v3  }
0x6a3: {  	s30 =	simm.s32 $0x100;
	s31 =	simm.s32 $0x200;
	v3 =	vld [tilespmem:s29+$0x28F0]  }
0x6a4: {  	s3 =	sand.u32 $0x3800, s31;
	s0 =	sand.u32 $0x300, s30;
	[tilespmem:v5+s23+$0x0] =	vst.idx.add.f32.msk $0xffff, v2  }
0x6a5: {  	s0 =	sor.u32 s0, s3;
	v2 =	vld [tilespmem:s29+$0x2860]  }
0x6a6: {  	v9 =	vld [tilespmem:s0+$0x2880]  }
0x6a7: {  	v6 =	vld [tilespmem:s29+$0xC8F0]  }
0x6a8: {  	v5 =	vld [tilespmem:s29+$0x78F0];
	v4 =	vmul.f32 $1.500000000e+01, v3  }
0x6a9: {  	v7 =	vld [tilespmem:s29+$0x7860]  }
0x6aa: {  	v10 =	vld [tilespmem:s29+$0xC860];
	v4 =	vtrunc.f32 v4;
	v8 =	vmul.f32 $1.500000000e+01, v2  }
0x6ab: {  	v11 =	vld [tilespmem:s0+$0x2800];
	v4 =	vcvt.f32.s32 v4  }
0x6ac: {  	v8 =	vtrunc.f32 v8  }
0x6ad: {  	v4 =	vshll.u32 v4, $0x4;
	v8 =	vcvt.f32.s32 v8  }
0x6ae: {  	v13 =	vmul.f32 $1.500000000e+01, v9;
	v4 =	vadd.s32 v1, v4  }
0x6af: {  	v12 =	vld [tilespmem:s0+$0x7880];
	vm10 =	veq.s32 v5, v6;
	vm11 =	veq.s32 v7, v10;
	v5 =	vshll.u32 v8, $0x4  }
0x6b0: {  	v6 =	vld [tilespmem:s0+$0x7800];
	v10 =	vmul.f32 $1.500000000e+01, v11;
	v8 =	vsel vm10, $0x3F800000, v0;
	v5 =	vadd.s32 v1, v5  }
0x6b1: {  	v7 =	vld [tilespmem:s0+$0xC880];
	v3 =	vsub.f32 v3, v8;
	v8 =	vsel vm11, $0x3F800000, v0  }
0x6b2: {  	v13 =	vtrunc.f32 v13;
	v2 =	vsub.f32 v2, v8;
	v8 =	vtrunc.f32 v10;
	v10 =	vld [tilespmem:s0+$0xC800]  }
0x6b3: {  	[tilespmem:v4+s23+$0x0] =	vst.idx.add.f32.msk $0xffff, v3;
	v3 =	vcvt.f32.s32 v13  }
0x6b4: {  	v4 =	vld [tilespmem:s29+$0x2C80]  }
0x6b5: {  	[tilespmem:v5+s23+$0x0] =	vst.idx.add.f32.msk $0xffff, v2;
	v2 =	vcvt.f32.s32 v8;
	v3 =	vshll.u32 v3, $0x4  }
0x6b6: {  	v5 =	vld [tilespmem:s29+$0x2870];
	v3 =	vadd.s32 v1, v3  }
0x6b7: {  	vm12 =	veq.s32 v12, v7;
	v13 =	vld [tilespmem:s29+$0x7C80];
	v2 =	vshll.u32 v2, $0x4  }
0x6b8: {  	v12 =	vsel vm12, $0x3F800000, v0;
	v8 =	vld [tilespmem:s29+$0x7870];
	v2 =	vadd.s32 v1, v2  }
0x6b9: {  	v7 =	vld [tilespmem:s29+$0xC870];
	vm13 =	veq.s32 v6, v10;
	v6 =	vsub.f32 v9, v12;
	v14 =	vmul.f32 $1.500000000e+01, v4  }
0x6ba: {  	v9 =	vld [tilespmem:s29+$0xCC80];
	v10 =	vsel vm13, $0x3F800000, v0  }
0x6bb: {  	v10 =	vsub.f32 v11, v10;
	v12 =	vmul.f32 $1.500000000e+01, v5;
	v14 =	vtrunc.f32 v14;
	[tilespmem:v3+s23+$0x0] =	vst.idx.add.f32.msk $0xffff, v6  }
0x6bc: {  	v3 =	vcvt.f32.s32 v14;
	v6 =	vld [tilespmem:s0+$0x2890]  }
0x6bd: {  	v11 =	vtrunc.f32 v12;
	[tilespmem:v2+s23+$0x0] =	vst.idx.add.f32.msk $0xffff, v10  }
0x6be: {  	v2 =	vcvt.f32.s32 v11;
	v3 =	vshll.u32 v3, $0x4;
	v10 =	vld [tilespmem:s0+$0x2810]  }
0x6bf: {  	v3 =	vadd.s32 v1, v3  }
0x6c0: {  	vm14 =	veq.s32 v13, v9;
	vm15 =	veq.s32 v8, v7;
	v7 =	vld [tilespmem:s0+$0x7890];
	v2 =	vshll.u32 v2, $0x4  }
0x6c1: {  	v12 =	vsel vm14, $0x3F800000, v0;
	v11 =	vld [tilespmem:s0+$0x7810];
	v2 =	vadd.s32 v1, v2;
	v13 =	vmul.f32 $1.500000000e+01, v6  }
0x6c2: {  	v9 =	vld [tilespmem:s0+$0xC810];
	v4 =	vsub.f32 v4, v12  }
0x6c3: {  	v8 =	vsel vm15, $0x3F800000, v0;
	v12 =	vld [tilespmem:s0+$0xC890];
	v14 =	vmul.f32 $1.500000000e+01, v10;
	v13 =	vtrunc.f32 v13  }
0x6c4: {  	v5 =	vsub.f32 v5, v8;
	[tilespmem:v3+s23+$0x0] =	vst.idx.add.f32.msk $0xffff, v4;
	v3 =	vcvt.f32.s32 v13  }
0x6c5: {  	v4 =	vld [tilespmem:s29+$0x2C90];
	v8 =	vtrunc.f32 v14  }
0x6c6: {  	[tilespmem:v2+s23+$0x0] =	vst.idx.add.f32.msk $0xffff, v5;
	v2 =	vcvt.f32.s32 v8;
	v3 =	vshll.u32 v3, $0x4  }
0x6c7: {  	v5 =	vld [tilespmem:s29+$0x2C00];
	v3 =	vadd.s32 v1, v3  }
0x6c8: {  	vm4 =	veq.s32 v7, v12;
	vm5 =	veq.s32 v11, v9;
	v11 =	vld [tilespmem:s29+$0x7C90];
	v2 =	vshll.u32 v2, $0x4  }
0x6c9: {  	v12 =	vsel vm4, $0x3F800000, v0;
	v13 =	vld [tilespmem:s29+$0xCC90];
	v2 =	vadd.s32 v1, v2  }
0x6ca: {  	v6 =	vsub.f32 v6, v12;
	v8 =	vld [tilespmem:s29+$0x7C00];
	v9 =	vmul.f32 $1.500000000e+01, v4  }
0x6cb: {  	v12 =	vsel vm5, $0x3F800000, v0;
	v7 =	vld [tilespmem:s29+$0xCC00]  }
0x6cc: {  	v10 =	vsub.f32 v10, v12;
	v14 =	vmul.f32 $1.500000000e+01, v5;
	v9 =	vtrunc.f32 v9;
	[tilespmem:v3+s23+$0x0] =	vst.idx.add.f32.msk $0xffff, v6  }
0x6cd: {  	v3 =	vcvt.f32.s32 v9;
	v6 =	vld [tilespmem:s0+$0x28A0]  }
0x6ce: {  	v9 =	vtrunc.f32 v14;
	[tilespmem:v2+s23+$0x0] =	vst.idx.add.f32.msk $0xffff, v10  }
0x6cf: {  	v2 =	vcvt.f32.s32 v9;
	v3 =	vshll.u32 v3, $0x4;
	v9 =	vld [tilespmem:s0+$0x2820]  }
0x6d0: {  	vm6 =	veq.s32 v11, v13;
	v3 =	vadd.s32 v1, v3  }
0x6d1: {  	v12 =	vsel vm6, $0x3F800000, v0;
	vm7 =	veq.s32 v8, v7;
	v7 =	vld [tilespmem:s0+$0x78A0];
	v2 =	vshll.u32 v2, $0x4  }
0x6d2: {  	v4 =	vsub.f32 v4, v12;
	v12 =	vld [tilespmem:s0+$0xC8A0];
	v2 =	vadd.s32 v1, v2;
	v13 =	vmul.f32 $1.500000000e+01, v6  }
0x6d3: {  	v10 =	vld [tilespmem:s0+$0x7820]  }
0x6d4: {  	v8 =	vsel vm7, $0x3F800000, v0;
	v11 =	vld [tilespmem:s0+$0xC820];
	v14 =	vmul.f32 $1.500000000e+01, v9;
	v13 =	vtrunc.f32 v13  }
0x6d5: {  	v5 =	vsub.f32 v5, v8;
	[tilespmem:v3+s23+$0x0] =	vst.idx.add.f32.msk $0xffff, v4;
	v3 =	vcvt.f32.s32 v13  }
0x6d6: {  	v4 =	vld [tilespmem:s29+$0x2CA0];
	v8 =	vtrunc.f32 v14  }
0x6d7: {  	[tilespmem:v2+s23+$0x0] =	vst.idx.add.f32.msk $0xffff, v5;
	v2 =	vcvt.f32.s32 v8;
	v3 =	vshll.u32 v3, $0x4  }
0x6d8: {  	v5 =	vld [tilespmem:s29+$0x2C10];
	v3 =	vadd.s32 v1, v3  }
0x6d9: {  	vm8 =	veq.s32 v7, v12;
	vm9 =	veq.s32 v10, v11;
	v11 =	vld [tilespmem:s29+$0x7CA0];
	v2 =	vshll.u32 v2, $0x4  }
0x6da: {  	v12 =	vsel vm8, $0x3F800000, v0;
	v13 =	vld [tilespmem:s29+$0xCCA0];
	v2 =	vadd.s32 v1, v2  }
0x6db: {  	v6 =	vsub.f32 v6, v12;
	v8 =	vld [tilespmem:s29+$0x7C10];
	v10 =	vmul.f32 $1.500000000e+01, v4  }
0x6dc: {  	v12 =	vsel vm9, $0x3F800000, v0;
	v7 =	vld [tilespmem:s29+$0xCC10]  }
0x6dd: {  	v9 =	vsub.f32 v9, v12;
	v12 =	vmul.f32 $1.500000000e+01, v5;
	v10 =	vtrunc.f32 v10;
	[tilespmem:v3+s23+$0x0] =	vst.idx.add.f32.msk $0xffff, v6  }
0x6de: {  	v3 =	vcvt.f32.s32 v10;
	v6 =	vld [tilespmem:s0+$0x28B0]  }
0x6df: {  	v10 =	vtrunc.f32 v12;
	[tilespmem:v2+s23+$0x0] =	vst.idx.add.f32.msk $0xffff, v9  }
0x6e0: {  	v2 =	vcvt.f32.s32 v10;
	v3 =	vshll.u32 v3, $0x4;
	v9 =	vld [tilespmem:s0+$0x2830]  }
0x6e1: {  	v3 =	vadd.s32 v1, v3  }
0x6e2: {  	vm10 =	veq.s32 v11, v13;
	vm11 =	veq.s32 v8, v7;
	v7 =	vld [tilespmem:s0+$0x78B0];
	v2 =	vshll.u32 v2, $0x4  }
0x6e3: {  	v12 =	vsel vm10, $0x3F800000, v0;
	v10 =	vld [tilespmem:s0+$0x7830];
	v2 =	vadd.s32 v1, v2;
	v13 =	vmul.f32 $1.500000000e+01, v6  }
0x6e4: {  	v11 =	vld [tilespmem:s0+$0xC830];
	v4 =	vsub.f32 v4, v12  }
0x6e5: {  	v8 =	vsel vm11, $0x3F800000, v0;
	v12 =	vld [tilespmem:s0+$0xC8B0];
	v14 =	vmul.f32 $1.500000000e+01, v9;
	v13 =	vtrunc.f32 v13  }
0x6e6: {  	v5 =	vsub.f32 v5, v8;
	[tilespmem:v3+s23+$0x0] =	vst.idx.add.f32.msk $0xffff, v4;
	v3 =	vcvt.f32.s32 v13  }
0x6e7: {  	v4 =	vld [tilespmem:s29+$0x2CB0];
	v8 =	vtrunc.f32 v14  }
0x6e8: {  	[tilespmem:v2+s23+$0x0] =	vst.idx.add.f32.msk $0xffff, v5;
	v2 =	vcvt.f32.s32 v8;
	v3 =	vshll.u32 v3, $0x4  }
0x6e9: {  	v5 =	vld [tilespmem:s29+$0x2C20];
	v3 =	vadd.s32 v1, v3  }
0x6ea: {  	vm12 =	veq.s32 v7, v12;
	vm13 =	veq.s32 v10, v11;
	v11 =	vld [tilespmem:s29+$0x7CB0];
	v2 =	vshll.u32 v2, $0x4  }
0x6eb: {  	v12 =	vsel vm12, $0x3F800000, v0;
	v13 =	vld [tilespmem:s29+$0xCCB0];
	v2 =	vadd.s32 v1, v2  }
0x6ec: {  	v6 =	vsub.f32 v6, v12;
	v8 =	vld [tilespmem:s29+$0x7C20];
	v10 =	vmul.f32 $1.500000000e+01, v4  }
0x6ed: {  	v12 =	vsel vm13, $0x3F800000, v0;
	v7 =	vld [tilespmem:s29+$0xCC20]  }
0x6ee: {  	v9 =	vsub.f32 v9, v12;
	v12 =	vmul.f32 $1.500000000e+01, v5;
	v10 =	vtrunc.f32 v10;
	[tilespmem:v3+s23+$0x0] =	vst.idx.add.f32.msk $0xffff, v6  }
0x6ef: {  	v3 =	vcvt.f32.s32 v10;
	v6 =	vld [tilespmem:s0+$0x28C0]  }
0x6f0: {  	v10 =	vtrunc.f32 v12;
	[tilespmem:v2+s23+$0x0] =	vst.idx.add.f32.msk $0xffff, v9  }
0x6f1: {  	v2 =	vcvt.f32.s32 v10;
	v3 =	vshll.u32 v3, $0x4;
	v9 =	vld [tilespmem:s0+$0x2840]  }
0x6f2: {  	v3 =	vadd.s32 v1, v3  }
0x6f3: {  	vm14 =	veq.s32 v11, v13;
	vm15 =	veq.s32 v8, v7;
	v7 =	vld [tilespmem:s0+$0x78C0];
	v2 =	vshll.u32 v2, $0x4  }
0x6f4: {  	v12 =	vsel vm14, $0x3F800000, v0;
	v10 =	vld [tilespmem:s0+$0x7840];
	v2 =	vadd.s32 v1, v2;
	v13 =	vmul.f32 $1.500000000e+01, v6  }
0x6f5: {  	v11 =	vld [tilespmem:s0+$0xC840];
	v4 =	vsub.f32 v4, v12  }
0x6f6: {  	v8 =	vsel vm15, $0x3F800000, v0;
	v12 =	vld [tilespmem:s0+$0xC8C0];
	v14 =	vmul.f32 $1.500000000e+01, v9;
	v13 =	vtrunc.f32 v13  }
0x6f7: {  	v5 =	vsub.f32 v5, v8;
	[tilespmem:v3+s23+$0x0] =	vst.idx.add.f32.msk $0xffff, v4;
	v3 =	vcvt.f32.s32 v13  }
0x6f8: {  	v4 =	vld [tilespmem:s29+$0x2CC0];
	v8 =	vtrunc.f32 v14  }
0x6f9: {  	[tilespmem:v2+s23+$0x0] =	vst.idx.add.f32.msk $0xffff, v5;
	v2 =	vcvt.f32.s32 v8;
	v3 =	vshll.u32 v3, $0x4  }
0x6fa: {  	v5 =	vld [tilespmem:s29+$0x2C30];
	v3 =	vadd.s32 v1, v3  }
0x6fb: {  	vm4 =	veq.s32 v7, v12;
	vm5 =	veq.s32 v10, v11;
	v11 =	vld [tilespmem:s29+$0x7CC0];
	v2 =	vshll.u32 v2, $0x4  }
0x6fc: {  	v12 =	vsel vm4, $0x3F800000, v0;
	v13 =	vld [tilespmem:s29+$0xCCC0];
	v2 =	vadd.s32 v1, v2  }
0x6fd: {  	v6 =	vsub.f32 v6, v12;
	v8 =	vld [tilespmem:s29+$0x7C30];
	v10 =	vmul.f32 $1.500000000e+01, v4  }
0x6fe: {  	v12 =	vsel vm5, $0x3F800000, v0;
	v7 =	vld [tilespmem:s29+$0xCC30]  }
0x6ff: {  	v9 =	vsub.f32 v9, v12;
	v12 =	vmul.f32 $1.500000000e+01, v5;
	v10 =	vtrunc.f32 v10;
	[tilespmem:v3+s23+$0x0] =	vst.idx.add.f32.msk $0xffff, v6  }
0x700: {  	v3 =	vcvt.f32.s32 v10;
	v6 =	vld [tilespmem:s0+$0x28D0]  }
0x701: {  	v10 =	vtrunc.f32 v12;
	[tilespmem:v2+s23+$0x0] =	vst.idx.add.f32.msk $0xffff, v9  }
0x702: {  	v2 =	vcvt.f32.s32 v10;
	v3 =	vshll.u32 v3, $0x4;
	v9 =	vld [tilespmem:s0+$0x2850]  }
0x703: {  	v3 =	vadd.s32 v1, v3  }
0x704: {  	vm6 =	veq.s32 v11, v13;
	vm7 =	veq.s32 v8, v7;
	v7 =	vld [tilespmem:s0+$0x78D0];
	v2 =	vshll.u32 v2, $0x4  }
0x705: {  	v12 =	vsel vm6, $0x3F800000, v0;
	v10 =	vld [tilespmem:s0+$0x7850];
	v2 =	vadd.s32 v1, v2;
	v13 =	vmul.f32 $1.500000000e+01, v6  }
0x706: {  	v11 =	vld [tilespmem:s0+$0xC850];
	v4 =	vsub.f32 v4, v12  }
0x707: {  	v8 =	vsel vm7, $0x3F800000, v0;
	v12 =	vld [tilespmem:s0+$0xC8D0];
	v14 =	vmul.f32 $1.500000000e+01, v9;
	v13 =	vtrunc.f32 v13  }
0x708: {  	v5 =	vsub.f32 v5, v8;
	[tilespmem:v3+s23+$0x0] =	vst.idx.add.f32.msk $0xffff, v4;
	v3 =	vcvt.f32.s32 v13  }
0x709: {  	v4 =	vld [tilespmem:s29+$0x2CD0];
	v8 =	vtrunc.f32 v14  }
0x70a: {  	[tilespmem:v2+s23+$0x0] =	vst.idx.add.f32.msk $0xffff, v5;
	v2 =	vcvt.f32.s32 v8;
	v3 =	vshll.u32 v3, $0x4  }
0x70b: {  	v5 =	vld [tilespmem:s29+$0x2C40];
	v3 =	vadd.s32 v1, v3  }
0x70c: {  	vm8 =	veq.s32 v7, v12;
	vm9 =	veq.s32 v10, v11;
	v11 =	vld [tilespmem:s29+$0x7CD0];
	v2 =	vshll.u32 v2, $0x4  }
0x70d: {  	v12 =	vsel vm8, $0x3F800000, v0;
	v13 =	vld [tilespmem:s29+$0xCCD0];
	v2 =	vadd.s32 v1, v2  }
0x70e: {  	v6 =	vsub.f32 v6, v12;
	v8 =	vld [tilespmem:s29+$0x7C40];
	v10 =	vmul.f32 $1.500000000e+01, v4  }
0x70f: {  	v12 =	vsel vm9, $0x3F800000, v0;
	v7 =	vld [tilespmem:s29+$0xCC40]  }
0x710: {  	v9 =	vsub.f32 v9, v12;
	v12 =	vmul.f32 $1.500000000e+01, v5;
	v10 =	vtrunc.f32 v10;
	[tilespmem:v3+s23+$0x0] =	vst.idx.add.f32.msk $0xffff, v6  }
0x711: {  	v3 =	vcvt.f32.s32 v10;
	v6 =	vld [tilespmem:s0+$0x28E0]  }
0x712: {  	v10 =	vtrunc.f32 v12;
	[tilespmem:v2+s23+$0x0] =	vst.idx.add.f32.msk $0xffff, v9  }
0x713: {  	v2 =	vcvt.f32.s32 v10;
	v3 =	vshll.u32 v3, $0x4;
	v9 =	vld [tilespmem:s0+$0x2860]  }
0x714: {  	v3 =	vadd.s32 v1, v3  }
0x715: {  	vm10 =	veq.s32 v11, v13;
	vm11 =	veq.s32 v8, v7;
	v7 =	vld [tilespmem:s0+$0x78E0];
	v2 =	vshll.u32 v2, $0x4  }
0x716: {  	v12 =	vsel vm10, $0x3F800000, v0;
	v10 =	vld [tilespmem:s0+$0x7860];
	v2 =	vadd.s32 v1, v2  }
0x717: {  	v11 =	vld [tilespmem:s0+$0xC860];
	v4 =	vsub.f32 v4, v12;
	v13 =	vmul.f32 $1.500000000e+01, v6  }
0x718: {  	v8 =	vsel vm11, $0x3F800000, v0;
	v12 =	vld [tilespmem:s0+$0xC8E0];
	v14 =	vmul.f32 $1.500000000e+01, v9  }
0x719: {  	v5 =	vsub.f32 v5, v8;
	v13 =	vtrunc.f32 v13;
	[tilespmem:v3+s23+$0x0] =	vst.idx.add.f32.msk $0xffff, v4  }
0x71a: {  	v3 =	vcvt.f32.s32 v13;
	v13 =	vld [tilespmem:s29+$0x2CE0];
	v4 =	vtrunc.f32 v14  }
0x71b: {  	[tilespmem:v2+s23+$0x0] =	vst.idx.add.f32.msk $0xffff, v5;
	v2 =	vcvt.f32.s32 v4  }
0x71c: {  	v3 =	vshll.u32 v3, $0x4  }
0x71d: {  	vm12 =	veq.s32 v7, v12;
	v4 =	vld [tilespmem:s29+$0x2C50];
	v3 =	vadd.s32 v1, v3;
	v2 =	vshll.u32 v2, $0x4  }
0x71e: {  	vm13 =	veq.s32 v10, v11;
	v8 =	vsel vm12, $0x3F800000, v0;
	v5 =	vld [tilespmem:s29+$0x7C50];
	v2 =	vadd.s32 v1, v2  }
0x71f: {  	v6 =	vsub.f32 v6, v8;
	v8 =	vsel vm13, $0x3F800000, v0;
	v7 =	vld [tilespmem:s29+$0xCC50]  }
0x720: {  	v10 =	vld [tilespmem:s29+$0x7CE0];
	v8 =	vsub.f32 v9, v8;
	v9 =	vmul.f32 $1.500000000e+01, v13  }
0x721: {  	v11 =	vld [tilespmem:s29+$0xCCE0]  }
0x722: {  	[tilespmem:v3+s23+$0x0] =	vst.idx.add.f32.msk $0xffff, v6;
	v9 =	vtrunc.f32 v9  }
0x723: {  	[tilespmem:v2+s23+$0x0] =	vst.idx.add.f32.msk $0xffff, v8;
	v2 =	vcvt.f32.s32 v9  }
0x724: {  	v3 =	vmul.f32 $1.500000000e+01, v4;
	vm14 =	veq.s32 v5, v7;
	v6 =	vld [tilespmem:s0+$0x28F0]  }
0x725: {  	v5 =	vsel vm14, $0x3F800000, v0;
	v9 =	vshll.u32 v2, $0x4  }
0x726: {  	v3 =	vtrunc.f32 v3;
	v7 =	vld [tilespmem:s0+$0x2870];
	v2 =	vsub.f32 v4, v5;
	v4 =	vadd.s32 v1, v9  }
0x727: {  	vm15 =	veq.s32 v10, v11;
	v3 =	vcvt.f32.s32 v3;
	v8 =	vld [tilespmem:s0+$0x7870]  }
0x728: {  	v10 =	vld [tilespmem:s0+$0xC870];
	v5 =	vsel vm15, $0x3F800000, v0  }
0x729: {  	v11 =	vld [tilespmem:s0+$0xC8F0];
	v3 =	vshll.u32 v3, $0x4;
	v5 =	vsub.f32 v13, v5;
	v12 =	vmul.f32 $1.500000000e+01, v6  }
0x72a: {  	s5 =	simm.s32 $0x400;
	s25 =	simm.s32 $0x200;
	s3 =	simm.s32 $0x2;
	v9 =	vld [tilespmem:s0+$0x78F0];
	v3 =	vadd.s32 v1, v3  }
.LBB2_10:
0x72b: {  	s7 =	sand.u32 $0x3800, s5;
	s8 =	sand.u32 $0x300, s25;
	s3 =	sadd.s32 $0x2, s3;
	v13 =	vmul.f32 $1.500000000e+01, v7;
	v12 =	vtrunc.f32 v12;
	[tilespmem:v4+s23+$0x0] =	vst.idx.add.f32.msk $0xffff, v5  }
0x72c: {  	s7 =	sor.u32 s8, s7;
	p0 =	slt.u32 s3, $0x26;
	v4 =	vcvt.f32.s32 v12;
	v5 =	vld [tilespmem:s29+$0x2CF0]  }
0x72d: {  	v12 =	vld [tilespmem:s7+$0x2880];
	v13 =	vtrunc.f32 v13;
	vm0 =	veq.s32 v8, v10  }
0x72e: {  	v8 =	vld [tilespmem:s7+$0x2800];
	v10 =	vcvt.f32.s32 v13;
	v13 =	vsel vm0, $0x3F800000, v0;
	v4 =	vshll.u32 v4, $0x4  }
0x72f: {  	v14 =	vld [tilespmem:s7+$0x7800];
	v7 =	vsub.f32 v7, v13;
	v4 =	vadd.s32 v1, v4  }
0x730: {  	vm0 =	veq.s32 v9, v11;
	v13 =	vld [tilespmem:s7+$0x7880];
	v10 =	vshll.u32 v10, $0x4  }
0x731: {  	v11 =	vsel vm0, $0x3F800000, v0;
	v9 =	vld [tilespmem:s7+$0xC880];
	v10 =	vadd.s32 v1, v10;
	v15 =	vmul.f32 $1.500000000e+01, v5  }
0x732: {  	v6 =	vsub.f32 v6, v11;
	v16 =	vmul.f32 $1.500000000e+01, v12;
	v11 =	vld [tilespmem:s29+$0x7CF0]  }
0x733: {  	v17 =	vmul.f32 $1.500000000e+01, v8;
	v18 =	vld [tilespmem:s29+$0xCCF0];
	v15 =	vtrunc.f32 v15  }
0x734: {  	v16 =	vtrunc.f32 v16;
	[tilespmem:v4+s23+$0x0] =	vst.idx.add.f32.msk $0xffff, v6;
	v4 =	vcvt.f32.s32 v15  }
0x735: {  	v6 =	vtrunc.f32 v17;
	v15 =	vcvt.f32.s32 v16;
	v16 =	vld [tilespmem:s0+$0x2C80]  }
0x736: {  	v17 =	vld [tilespmem:s7+$0xC800];
	v6 =	vcvt.f32.s32 v6;
	v4 =	vshll.u32 v4, $0x4  }
0x737: {  	v15 =	vshll.u32 v15, $0x4;
	[tilespmem:v10+s23+$0x0] =	vst.idx.add.f32.msk $0xffff, v7;
	v4 =	vadd.s32 v1, v4  }
0x738: {  	v6 =	vshll.u32 v6, $0x4;
	v7 =	vadd.s32 v1, v15;
	v10 =	vld [tilespmem:s0+$0x2C00];
	vm0 =	veq.s32 v11, v18  }
0x739: {  	vm1 =	veq.s32 v13, v9;
	v6 =	vadd.s32 v1, v6;
	v9 =	vld [tilespmem:s0+$0x7C00];
	v11 =	vsel vm0, $0x3F800000, v0  }
0x73a: {  	v13 =	vsel vm1, $0x3F800000, v0;
	v15 =	vld [tilespmem:s0+$0x7C80];
	v18 =	vmul.f32 $1.500000000e+01, v16;
	v5 =	vsub.f32 v5, v11  }
0x73b: {  	v11 =	vsub.f32 v12, v13;
	vm0 =	veq.s32 v14, v17;
	v12 =	vld [tilespmem:s0+$0xCC80]  }
0x73c: {  	v13 =	vsel vm0, $0x3F800000, v0;
	v14 =	vtrunc.f32 v18;
	[tilespmem:v4+s23+$0x0] =	vst.idx.add.f32.msk $0xffff, v5  }
0x73d: {  	v4 =	vsub.f32 v8, v13;
	[tilespmem:v7+s23+$0x0] =	vst.idx.add.f32.msk $0xffff, v11;
	v5 =	vmul.f32 $1.500000000e+01, v10;
	v7 =	vcvt.f32.s32 v14  }
0x73e: {  	v8 =	vld [tilespmem:s7+$0x2890]  }
0x73f: {  	[tilespmem:v6+s23+$0x0] =	vst.idx.add.f32.msk $0xffff, v4;
	v4 =	vtrunc.f32 v5;
	v5 =	vshll.u32 v7, $0x4  }
0x740: {  	v6 =	vld [tilespmem:s7+$0x2810];
	v4 =	vcvt.f32.s32 v4;
	v5 =	vadd.s32 v1, v5  }
0x741: {  	vm0 =	veq.s32 v15, v12;
	v7 =	vld [tilespmem:s7+$0x7810]  }
0x742: {  	v12 =	vsel vm0, $0x3F800000, v0;
	v11 =	vld [tilespmem:s7+$0xC810];
	v4 =	vshll.u32 v4, $0x4  }
0x743: {  	v12 =	vsub.f32 v16, v12;
	v13 =	vld [tilespmem:s7+$0x7890];
	v14 =	vmul.f32 $1.500000000e+01, v8;
	v4 =	vadd.s32 v1, v4  }
0x744: {  	v15 =	vld [tilespmem:s7+$0xC890]  }
0x745: {  	v16 =	vmul.f32 $1.500000000e+01, v6;
	v14 =	vtrunc.f32 v14;
	[tilespmem:v5+s23+$0x0] =	vst.idx.add.f32.msk $0xffff, v12  }
0x746: {  	v5 =	vcvt.f32.s32 v14;
	v12 =	vld [tilespmem:s0+$0x2C90]  }
0x747: {  	v14 =	vtrunc.f32 v16;
	vm0 =	veq.s32 v7, v11;
	v7 =	vld [tilespmem:s0+$0xCC00]  }
0x748: {  	v11 =	vcvt.f32.s32 v14;
	v14 =	vsel vm0, $0x3F800000, v0;
	v5 =	vshll.u32 v5, $0x4;
	[tilespmem:v3+s23+$0x0] =	vst.idx.add.f32.msk $0xffff, v2  }
0x749: {  	v2 =	vsub.f32 v6, v14;
	v3 =	vadd.s32 v1, v5;
	v5 =	vld [tilespmem:s29+$0x2C60]  }
0x74a: {  	vm0 =	veq.s32 v13, v15;
	v6 =	vshll.u32 v11, $0x4;
	v11 =	vld [tilespmem:s29+$0x7C60]  }
0x74b: {  	v13 =	vsel vm0, $0x3F800000, v0;
	v6 =	vadd.s32 v1, v6;
	v14 =	vmul.f32 $1.500000000e+01, v12;
	v15 =	vld [tilespmem:s29+$0xCC60]  }
0x74c: {  	v8 =	vsub.f32 v8, v13;
	vm0 =	veq.s32 v9, v7;
	v7 =	vld [tilespmem:s0+$0x7C90]  }
0x74d: {  	v9 =	vsel vm0, $0x3F800000, v0;
	v13 =	vld [tilespmem:s0+$0xCC90];
	v14 =	vtrunc.f32 v14  }
0x74e: {  	[tilespmem:v3+s23+$0x0] =	vst.idx.add.f32.msk $0xffff, v8;
	v3 =	vsub.f32 v10, v9;
	v8 =	vcvt.f32.s32 v14;
	v9 =	vmul.f32 $1.500000000e+01, v5  }
0x74f: {  	v10 =	vld [tilespmem:s7+$0x28A0]  }
0x750: {  	[tilespmem:v6+s23+$0x0] =	vst.idx.add.f32.msk $0xffff, v2;
	v2 =	vshll.u32 v8, $0x4;
	v6 =	vtrunc.f32 v9;
	vm0 =	veq.s32 v11, v15  }
0x751: {  	v8 =	vld [tilespmem:s7+$0x2820];
	v2 =	vadd.s32 v1, v2;
	v6 =	vcvt.f32.s32 v6;
	v9 =	vsel vm0, $0x3F800000, v0  }
0x752: {  	v11 =	vld [tilespmem:s7+$0x7820];
	vm0 =	veq.s32 v7, v13;
	v5 =	vsub.f32 v5, v9  }
0x753: {  	v7 =	vld [tilespmem:s7+$0xC820];
	v9 =	vsel vm0, $0x3F800000, v0;
	v6 =	vshll.u32 v6, $0x4  }
0x754: {  	v13 =	vld [tilespmem:s7+$0x78A0];
	v14 =	vmul.f32 $1.500000000e+01, v10;
	v9 =	vsub.f32 v12, v9;
	v6 =	vadd.s32 v1, v6  }
0x755: {  	v12 =	vld [tilespmem:s7+$0xC8A0]  }
0x756: {  	v15 =	vmul.f32 $1.500000000e+01, v8;
	v14 =	vtrunc.f32 v14;
	[tilespmem:v2+s23+$0x0] =	vst.idx.add.f32.msk $0xffff, v9  }
0x757: {  	v2 =	vcvt.f32.s32 v14;
	v9 =	vld [tilespmem:s0+$0x2CA0]  }
0x758: {  	v14 =	vtrunc.f32 v15;
	vm0 =	veq.s32 v11, v7;
	[tilespmem:v4+s23+$0x0] =	vst.idx.add.f32.msk $0xffff, v3  }
0x759: {  	v3 =	vcvt.f32.s32 v14;
	v4 =	vsel vm0, $0x3F800000, v0;
	v2 =	vshll.u32 v2, $0x4;
	v7 =	vld [tilespmem:s0+$0x2C10]  }
0x75a: {  	v4 =	vsub.f32 v8, v4;
	v2 =	vadd.s32 v1, v2;
	v8 =	vld [tilespmem:s0+$0x7C10]  }
0x75b: {  	vm0 =	veq.s32 v13, v12;
	v3 =	vshll.u32 v3, $0x4;
	v11 =	vld [tilespmem:s0+$0xCC10]  }
0x75c: {  	v12 =	vsel vm0, $0x3F800000, v0;
	v3 =	vadd.s32 v1, v3;
	v13 =	vmul.f32 $1.500000000e+01, v9;
	[tilespmem:v6+s23+$0x0] =	vst.idx.add.f32.msk $0xffff, v5  }
0x75d: {  	v5 =	vsub.f32 v10, v12;
	v6 =	vld [tilespmem:s0+$0x7CA0]  }
0x75e: {  	v10 =	vmul.f32 $1.500000000e+01, v7;
	v12 =	vld [tilespmem:s0+$0xCCA0];
	v13 =	vtrunc.f32 v13  }
0x75f: {  	[tilespmem:v2+s23+$0x0] =	vst.idx.add.f32.msk $0xffff, v5;
	v2 =	vcvt.f32.s32 v13  }
0x760: {  	v5 =	vld [tilespmem:s7+$0x28B0];
	v10 =	vtrunc.f32 v10;
	vm0 =	veq.s32 v8, v11  }
0x761: {  	[tilespmem:v3+s23+$0x0] =	vst.idx.add.f32.msk $0xffff, v4;
	v3 =	vcvt.f32.s32 v10;
	v4 =	vsel vm0, $0x3F800000, v0;
	v2 =	vshll.u32 v2, $0x4  }
0x762: {  	v8 =	vld [tilespmem:s7+$0x2830];
	v4 =	vsub.f32 v7, v4;
	v2 =	vadd.s32 v1, v2  }
0x763: {  	v7 =	vld [tilespmem:s7+$0x7830];
	v3 =	vshll.u32 v3, $0x4;
	vm0 =	veq.s32 v6, v12  }
0x764: {  	v6 =	vld [tilespmem:s7+$0xC830];
	v3 =	vadd.s32 v1, v3;
	v10 =	vsel vm0, $0x3F800000, v0  }
0x765: {  	v11 =	vld [tilespmem:s7+$0x78B0];
	v12 =	vmul.f32 $1.500000000e+01, v5;
	v9 =	vsub.f32 v9, v10  }
0x766: {  	v10 =	vld [tilespmem:s7+$0xC8B0]  }
0x767: {  	v13 =	vmul.f32 $1.500000000e+01, v8;
	v12 =	vtrunc.f32 v12;
	[tilespmem:v2+s23+$0x0] =	vst.idx.add.f32.msk $0xffff, v9  }
0x768: {  	v2 =	vcvt.f32.s32 v12;
	v9 =	vld [tilespmem:s0+$0x2CB0]  }
0x769: {  	v12 =	vtrunc.f32 v13;
	vm0 =	veq.s32 v7, v6;
	[tilespmem:v3+s23+$0x0] =	vst.idx.add.f32.msk $0xffff, v4  }
0x76a: {  	v3 =	vcvt.f32.s32 v12;
	v4 =	vsel vm0, $0x3F800000, v0;
	v2 =	vshll.u32 v2, $0x4;
	v6 =	vld [tilespmem:s0+$0x2C20]  }
0x76b: {  	v4 =	vsub.f32 v8, v4;
	v7 =	vadd.s32 v1, v2;
	v8 =	vld [tilespmem:s0+$0x7C20]  }
0x76c: {  	vm0 =	veq.s32 v11, v10;
	v2 =	vshll.u32 v3, $0x4;
	v3 =	vld [tilespmem:s0+$0xCC20]  }
0x76d: {  	v11 =	vsel vm0, $0x3F800000, v0;
	v10 =	vadd.s32 v1, v2;
	v12 =	vmul.f32 $1.500000000e+01, v9;
	v2 =	vld [tilespmem:s29+$0x2C70]  }
0x76e: {  	v5 =	vsub.f32 v5, v11;
	v11 =	vld [tilespmem:s0+$0x7CB0]  }
0x76f: {  	v13 =	vmul.f32 $1.500000000e+01, v6;
	v14 =	vld [tilespmem:s0+$0xCCB0];
	v12 =	vtrunc.f32 v12  }
0x770: {  	[tilespmem:v7+s23+$0x0] =	vst.idx.add.f32.msk $0xffff, v5;
	v5 =	vcvt.f32.s32 v12  }
0x771: {  	v7 =	vld [tilespmem:s7+$0x28C0];
	v12 =	vtrunc.f32 v13;
	vm0 =	veq.s32 v8, v3  }
0x772: {  	[tilespmem:v10+s23+$0x0] =	vst.idx.add.f32.msk $0xffff, v4;
	v3 =	vcvt.f32.s32 v12;
	v4 =	vsel vm0, $0x3F800000, v0;
	v5 =	vshll.u32 v5, $0x4  }
0x773: {  	v8 =	vld [tilespmem:s7+$0x2840];
	v4 =	vsub.f32 v6, v4;
	v5 =	vadd.s32 v1, v5;
	v6 =	vmul.f32 $1.500000000e+01, v2  }
0x774: {  	v10 =	vld [tilespmem:s7+$0x7840];
	v3 =	vshll.u32 v3, $0x4;
	vm0 =	veq.s32 v11, v14  }
0x775: {  	v11 =	vld [tilespmem:s7+$0xC840];
	v12 =	vadd.s32 v1, v3;
	v3 =	vsel vm0, $0x3F800000, v0;
	v6 =	vtrunc.f32 v6  }
0x776: {  	v13 =	vld [tilespmem:s7+$0x78C0];
	v14 =	vmul.f32 $1.500000000e+01, v7;
	v3 =	vsub.f32 v9, v3;
	v6 =	vcvt.f32.s32 v6  }
0x777: {  	v9 =	vld [tilespmem:s7+$0xC8C0]  }
0x778: {  	v15 =	vmul.f32 $1.500000000e+01, v8;
	v14 =	vtrunc.f32 v14;
	[tilespmem:v5+s23+$0x0] =	vst.idx.add.f32.msk $0xffff, v3;
	v3 =	vshll.u32 v6, $0x4  }
0x779: {  	v5 =	vcvt.f32.s32 v14;
	v6 =	vld [tilespmem:s0+$0x2CC0];
	v3 =	vadd.s32 v1, v3  }
0x77a: {  	v14 =	vtrunc.f32 v15;
	vm0 =	veq.s32 v10, v11;
	[tilespmem:v12+s23+$0x0] =	vst.idx.add.f32.msk $0xffff, v4  }
0x77b: {  	v4 =	vcvt.f32.s32 v14;
	v10 =	vsel vm0, $0x3F800000, v0;
	v5 =	vshll.u32 v5, $0x4;
	v11 =	vld [tilespmem:s0+$0x2C30]  }
0x77c: {  	v8 =	vsub.f32 v8, v10;
	v5 =	vadd.s32 v1, v5;
	v10 =	vld [tilespmem:s0+$0x7C30]  }
0x77d: {  	vm0 =	veq.s32 v13, v9;
	v4 =	vshll.u32 v4, $0x4;
	v9 =	vld [tilespmem:s0+$0xCC30]  }
0x77e: {  	v12 =	vsel vm0, $0x3F800000, v0;
	v4 =	vadd.s32 v1, v4;
	v13 =	vmul.f32 $1.500000000e+01, v6;
	v14 =	vld [tilespmem:s29+$0x7C70]  }
0x77f: {  	v7 =	vsub.f32 v7, v12;
	v12 =	vld [tilespmem:s0+$0x7CC0]  }
0x780: {  	v15 =	vmul.f32 $1.500000000e+01, v11;
	v16 =	vld [tilespmem:s0+$0xCCC0];
	v13 =	vtrunc.f32 v13  }
0x781: {  	[tilespmem:v5+s23+$0x0] =	vst.idx.add.f32.msk $0xffff, v7;
	v5 =	vcvt.f32.s32 v13  }
0x782: {  	v7 =	vld [tilespmem:s7+$0x28D0];
	v13 =	vtrunc.f32 v15;
	vm0 =	veq.s32 v10, v9  }
0x783: {  	[tilespmem:v4+s23+$0x0] =	vst.idx.add.f32.msk $0xffff, v8;
	v4 =	vcvt.f32.s32 v13;
	v8 =	vsel vm0, $0x3F800000, v0;
	v5 =	vshll.u32 v5, $0x4  }
0x784: {  	v9 =	vld [tilespmem:s7+$0x2850];
	v8 =	vsub.f32 v11, v8;
	v5 =	vadd.s32 v1, v5  }
0x785: {  	v10 =	vld [tilespmem:s7+$0x7850];
	v4 =	vshll.u32 v4, $0x4;
	vm0 =	veq.s32 v12, v16  }
0x786: {  	v11 =	vld [tilespmem:s7+$0xC850];
	v4 =	vadd.s32 v1, v4;
	v12 =	vsel vm0, $0x3F800000, v0  }
0x787: {  	v13 =	vld [tilespmem:s7+$0x78D0];
	v15 =	vmul.f32 $1.500000000e+01, v7;
	v6 =	vsub.f32 v6, v12  }
0x788: {  	v12 =	vld [tilespmem:s7+$0xC8D0]  }
0x789: {  	v16 =	vmul.f32 $1.500000000e+01, v9;
	v15 =	vtrunc.f32 v15;
	[tilespmem:v5+s23+$0x0] =	vst.idx.add.f32.msk $0xffff, v6  }
0x78a: {  	v5 =	vcvt.f32.s32 v15;
	v6 =	vld [tilespmem:s0+$0x2CD0]  }
0x78b: {  	v15 =	vtrunc.f32 v16;
	vm0 =	veq.s32 v10, v11;
	[tilespmem:v4+s23+$0x0] =	vst.idx.add.f32.msk $0xffff, v8  }
0x78c: {  	v4 =	vcvt.f32.s32 v15;
	v8 =	vsel vm0, $0x3F800000, v0;
	v5 =	vshll.u32 v5, $0x4;
	v10 =	vld [tilespmem:s0+$0x2C40]  }
0x78d: {  	v8 =	vsub.f32 v9, v8;
	v5 =	vadd.s32 v1, v5;
	v9 =	vld [tilespmem:s0+$0x7C40]  }
0x78e: {  	vm0 =	veq.s32 v13, v12;
	v4 =	vshll.u32 v4, $0x4;
	v11 =	vld [tilespmem:s0+$0xCC40]  }
0x78f: {  	v12 =	vsel vm0, $0x3F800000, v0;
	v4 =	vadd.s32 v1, v4;
	v13 =	vmul.f32 $1.500000000e+01, v6;
	v15 =	vld [tilespmem:s29+$0xCC70];
	s29 =	smov.u32 s0;
	s0 =	smov.u32 s7  }
0x790: {  	v7 =	vsub.f32 v7, v12;
	v12 =	vld [tilespmem:s29+$0x7CD0]  }
0x791: {  	v16 =	vmul.f32 $1.500000000e+01, v10;
	v17 =	vld [tilespmem:s29+$0xCCD0];
	v13 =	vtrunc.f32 v13  }
0x792: {  	[tilespmem:v5+s23+$0x0] =	vst.idx.add.f32.msk $0xffff, v7;
	v5 =	vcvt.f32.s32 v13  }
0x793: {  	v7 =	vld [tilespmem:s0+$0x28E0];
	v13 =	vtrunc.f32 v16;
	vm0 =	veq.s32 v9, v11  }
0x794: {  	[tilespmem:v4+s23+$0x0] =	vst.idx.add.f32.msk $0xffff, v8;
	v4 =	vcvt.f32.s32 v13;
	v8 =	vsel vm0, $0x3F800000, v0;
	v5 =	vshll.u32 v5, $0x4  }
0x795: {  	vm0 =	veq.s32 v14, v15;
	v9 =	vld [tilespmem:s0+$0x2860];
	v8 =	vsub.f32 v10, v8;
	v5 =	vadd.s32 v1, v5  }
0x796: {  	v11 =	vsel vm0, $0x3F800000, v0;
	v10 =	vld [tilespmem:s0+$0x7860];
	v4 =	vshll.u32 v4, $0x4;
	vm1 =	veq.s32 v12, v17  }
0x797: {  	v2 =	vsub.f32 v2, v11;
	v12 =	vld [tilespmem:s0+$0xC860];
	v4 =	vadd.s32 v1, v4;
	v13 =	vsel vm1, $0x3F800000, v0  }
0x798: {  	v11 =	vld [tilespmem:s0+$0x78E0];
	v14 =	vmul.f32 $1.500000000e+01, v7;
	v6 =	vsub.f32 v6, v13  }
0x799: {  	v13 =	vld [tilespmem:s0+$0xC8E0]  }
0x79a: {  	v15 =	vmul.f32 $1.500000000e+01, v9;
	v14 =	vtrunc.f32 v14;
	[tilespmem:v5+s23+$0x0] =	vst.idx.add.f32.msk $0xffff, v6  }
0x79b: {  	v5 =	vcvt.f32.s32 v14;
	v14 =	vld [tilespmem:s29+$0x2CE0]  }
0x79c: {  	v6 =	vtrunc.f32 v15;
	vm0 =	veq.s32 v10, v12;
	[tilespmem:v4+s23+$0x0] =	vst.idx.add.f32.msk $0xffff, v8  }
0x79d: {  	v4 =	vcvt.f32.s32 v6;
	v6 =	vsel vm0, $0x3F800000, v0;
	v5 =	vshll.u32 v5, $0x4;
	v8 =	vld [tilespmem:s29+$0x2C50]  }
0x79e: {  	v9 =	vsub.f32 v9, v6;
	v5 =	vadd.s32 v1, v5;
	v10 =	vld [tilespmem:s29+$0x7C50]  }
0x79f: {  	vm0 =	veq.s32 v11, v13;
	v4 =	vshll.u32 v4, $0x4;
	v11 =	vld [tilespmem:s29+$0xCC50]  }
0x7a0: {  	v6 =	vsel vm0, $0x3F800000, v0;
	v4 =	vadd.s32 v1, v4;
	v12 =	vmul.f32 $1.500000000e+01, v14;
	[tilespmem:v3+s23+$0x0] =	vst.idx.add.f32.msk $0xffff, v2  }
0x7a1: {  	v2 =	vsub.f32 v7, v6;
	v3 =	vld [tilespmem:s29+$0x7CE0]  }
0x7a2: {  	v7 =	vmul.f32 $1.500000000e+01, v8;
	v13 =	vld [tilespmem:s29+$0xCCE0];
	v6 =	vtrunc.f32 v12  }
0x7a3: {  	[tilespmem:v5+s23+$0x0] =	vst.idx.add.f32.msk $0xffff, v2;
	v2 =	vcvt.f32.s32 v6  }
0x7a4: {  	v6 =	vld [tilespmem:s0+$0x28F0];
	v5 =	vtrunc.f32 v7;
	vm0 =	veq.s32 v10, v11  }
0x7a5: {  	[tilespmem:v4+s23+$0x0] =	vst.idx.add.f32.msk $0xffff, v9;
	v5 =	vcvt.f32.s32 v5;
	v4 =	vsel vm0, $0x3F800000, v0;
	v9 =	vshll.u32 v2, $0x4  }
.Ltmp4:
0x7a6: {  	v7 =	vld [tilespmem:s0+$0x2870];
	v2 =	vsub.f32 v8, v4;
	v4 =	vadd.s32 v1, v9;
	(pc) =	sbr.rel @p0 .LBB2_10-.Ltmp4, $4  }
0x7a7: {  	v8 =	vld [tilespmem:s0+$0x7870];
	v5 =	vshll.u32 v5, $0x4;
	vm0 =	veq.s32 v3, v13  }
0x7a8: {  	v10 =	vld [tilespmem:s0+$0xC870];
	v3 =	vadd.s32 v1, v5;
	v5 =	vsel vm0, $0x3F800000, v0  }
0x7a9: {  	v9 =	vld [tilespmem:s0+$0x78F0];
	v12 =	vmul.f32 $1.500000000e+01, v6;
	v5 =	vsub.f32 v14, v5  }
0x7aa: {  	s25 =	sadd.s32 $0x100, s25;
	s5 =	sadd.s32 $0x200, s5;
	v11 =	vld [tilespmem:s0+$0xC8F0]  }
0x7ab: {  	v13 =	vmul.f32 $1.500000000e+01, v7;
	v12 =	vtrunc.f32 v12  }
0x7ac: {  	v12 =	vcvt.f32.s32 v12  }
0x7ad: {  	v13 =	vtrunc.f32 v13  }
0x7ae: {  	v13 =	vcvt.f32.s32 v13;
	v12 =	vshll.u32 v12, $0x4  }
0x7af: {  	v12 =	vadd.s32 v1, v12  }
0x7b0: {  	vm0 =	veq.s32 v9, v11;
	v13 =	vshll.u32 v13, $0x4  }
0x7b1: {  	v11 =	vsel vm0, $0x3F800000, v0;
	v52 =	vadd.s32 v1, v13  }
0x7b2: {  	vm6 =	veq.s32 v8, v10;
	v6 =	vsub.f32 v6, v11  }
0x7b3: {  	v8 =	vsel vm6, $0x3F800000, v0  }
0x7b4: {  	v53 =	vsub.f32 v7, v8;
	[tilespmem:v12+s23+$0x0] =	vst.idx.add.f32.msk $0xffff, v6  }
0x7b5: {  	v6 =	vld [tilespmem:s0+$0x2C80]  }
0x7b6: {  	[tilespmem:v52+s23+$0x0] =	vst.idx.add.f32.msk $0xffff, v53  }
0x7b7: {  	v7 =	vld [tilespmem:s0+$0x2C00];
	_ =	sdelay $0x2  }
0x7b8: {  	v54 =	vmul.f32 $1.500000000e+01, v6  }
0x7b9: {  	v55 =	vld [tilespmem:s0+$0x7C80]  }
0x7ba: {  	v56 =	vld [tilespmem:s0+$0xCC80];
	v8 =	vtrunc.f32 v54;
	v57 =	vmul.f32 $1.500000000e+01, v7  }
0x7bb: {  	v58 =	vld [tilespmem:s0+$0x7C00];
	v8 =	vcvt.f32.s32 v8  }
0x7bc: {  	v59 =	vld [tilespmem:s0+$0xCC00];
	v11 =	vtrunc.f32 v57  }
0x7bd: {  	v8 =	vshll.u32 v8, $0x4;
	v11 =	vcvt.f32.s32 v11  }
0x7be: {  	v8 =	vadd.s32 v1, v8  }
0x7bf: {  	vm7 =	veq.s32 v55, v56;
	v60 =	vshll.u32 v11, $0x4  }
0x7c0: {  	v10 =	vsel vm7, $0x3F800000, v0;
	v9 =	vadd.s32 v1, v60  }
0x7c1: {  	v6 =	vsub.f32 v6, v10;
	vm8 =	veq.s32 v58, v59  }
0x7c2: {  	v61 =	vsel vm8, $0x3F800000, v0  }
0x7c3: {  	v62 =	vsub.f32 v7, v61;
	[tilespmem:v8+s23+$0x0] =	vst.idx.add.f32.msk $0xffff, v6  }
0x7c4: {  	v63 =	vld [tilespmem:s0+$0x2C90]  }
0x7c5: {  	[tilespmem:v9+s23+$0x0] =	vst.idx.add.f32.msk $0xffff, v62  }
0x7c6: {  	v6 =	vld [tilespmem:s0+$0x2C10];
	_ =	sdelay $0x2  }
0x7c7: {  	v15 =	vmul.f32 $1.500000000e+01, v63  }
0x7c8: {  	v16 =	vld [tilespmem:s0+$0x7C90]  }
0x7c9: {  	v17 =	vld [tilespmem:s0+$0xCC90];
	v8 =	vtrunc.f32 v15;
	v18 =	vmul.f32 $1.500000000e+01, v6  }
0x7ca: {  	v19 =	vld [tilespmem:s0+$0x7C10];
	v8 =	vcvt.f32.s32 v8  }
0x7cb: {  	v20 =	vld [tilespmem:s0+$0xCC10];
	v11 =	vtrunc.f32 v18  }
0x7cc: {  	v8 =	vshll.u32 v8, $0x4;
	v11 =	vcvt.f32.s32 v11  }
0x7cd: {  	v8 =	vadd.s32 v1, v8  }
0x7ce: {  	vm9 =	veq.s32 v16, v17;
	v21 =	vshll.u32 v11, $0x4  }
0x7cf: {  	v10 =	vsel vm9, $0x3F800000, v0;
	v9 =	vadd.s32 v1, v21  }
0x7d0: {  	v7 =	vsub.f32 v63, v10;
	vm10 =	veq.s32 v19, v20  }
0x7d1: {  	v22 =	vsel vm10, $0x3F800000, v0  }
0x7d2: {  	v6 =	vsub.f32 v6, v22;
	[tilespmem:v8+s23+$0x0] =	vst.idx.add.f32.msk $0xffff, v7  }
0x7d3: {  	v7 =	vld [tilespmem:s0+$0x2CA0]  }
0x7d4: {  	[tilespmem:v9+s23+$0x0] =	vst.idx.add.f32.msk $0xffff, v6  }
0x7d5: {  	v6 =	vld [tilespmem:s0+$0x2C20];
	_ =	sdelay $0x2  }
0x7d6: {  	v23 =	vmul.f32 $1.500000000e+01, v7  }
0x7d7: {  	v24 =	vld [tilespmem:s0+$0x7CA0]  }
0x7d8: {  	v25 =	vld [tilespmem:s0+$0xCCA0];
	v8 =	vtrunc.f32 v23;
	v26 =	vmul.f32 $1.500000000e+01, v6  }
0x7d9: {  	v27 =	vld [tilespmem:s0+$0x7C20];
	v8 =	vcvt.f32.s32 v8  }
0x7da: {  	v28 =	vld [tilespmem:s0+$0xCC20];
	v11 =	vtrunc.f32 v26  }
0x7db: {  	v8 =	vshll.u32 v8, $0x4;
	v11 =	vcvt.f32.s32 v11  }
0x7dc: {  	v8 =	vadd.s32 v1, v8  }
0x7dd: {  	vm11 =	veq.s32 v24, v25;
	v29 =	vshll.u32 v11, $0x4  }
0x7de: {  	v10 =	vsel vm11, $0x3F800000, v0;
	v9 =	vadd.s32 v1, v29  }
0x7df: {  	v7 =	vsub.f32 v7, v10;
	vm12 =	veq.s32 v27, v28  }
0x7e0: {  	v30 =	vsel vm12, $0x3F800000, v0  }
0x7e1: {  	v6 =	vsub.f32 v6, v30;
	[tilespmem:v8+s23+$0x0] =	vst.idx.add.f32.msk $0xffff, v7  }
0x7e2: {  	v7 =	vld [tilespmem:s0+$0x2CB0]  }
0x7e3: {  	[tilespmem:v9+s23+$0x0] =	vst.idx.add.f32.msk $0xffff, v6  }
0x7e4: {  	v6 =	vld [tilespmem:s0+$0x2C30];
	_ =	sdelay $0x2  }
0x7e5: {  	v31 =	vmul.f32 $1.500000000e+01, v7  }
0x7e6: {  	v32 =	vld [tilespmem:s0+$0x7CB0]  }
0x7e7: {  	v33 =	vld [tilespmem:s0+$0xCCB0];
	v8 =	vtrunc.f32 v31;
	v34 =	vmul.f32 $1.500000000e+01, v6  }
0x7e8: {  	v35 =	vld [tilespmem:s0+$0x7C30];
	v8 =	vcvt.f32.s32 v8  }
0x7e9: {  	v36 =	vld [tilespmem:s0+$0xCC30];
	v11 =	vtrunc.f32 v34  }
0x7ea: {  	v8 =	vshll.u32 v8, $0x4;
	v11 =	vcvt.f32.s32 v11  }
0x7eb: {  	v8 =	vadd.s32 v1, v8  }
0x7ec: {  	vm13 =	veq.s32 v32, v33;
	v37 =	vshll.u32 v11, $0x4  }
0x7ed: {  	v10 =	vsel vm13, $0x3F800000, v0;
	v9 =	vadd.s32 v1, v37  }
0x7ee: {  	v7 =	vsub.f32 v7, v10;
	vm14 =	veq.s32 v35, v36  }
0x7ef: {  	v38 =	vsel vm14, $0x3F800000, v0  }
0x7f0: {  	v6 =	vsub.f32 v6, v38;
	[tilespmem:v8+s23+$0x0] =	vst.idx.add.f32.msk $0xffff, v7  }
0x7f1: {  	v7 =	vld [tilespmem:s0+$0x2CC0]  }
0x7f2: {  	[tilespmem:v9+s23+$0x0] =	vst.idx.add.f32.msk $0xffff, v6  }
0x7f3: {  	v6 =	vld [tilespmem:s0+$0x2C40];
	_ =	sdelay $0x2  }
0x7f4: {  	v39 =	vmul.f32 $1.500000000e+01, v7  }
0x7f5: {  	v40 =	vld [tilespmem:s0+$0x7CC0]  }
0x7f6: {  	v41 =	vld [tilespmem:s0+$0xCCC0];
	v8 =	vtrunc.f32 v39;
	v42 =	vmul.f32 $1.500000000e+01, v6  }
0x7f7: {  	v43 =	vld [tilespmem:s0+$0x7C40];
	v8 =	vcvt.f32.s32 v8  }
0x7f8: {  	v44 =	vld [tilespmem:s0+$0xCC40];
	v11 =	vtrunc.f32 v42  }
0x7f9: {  	v8 =	vshll.u32 v8, $0x4;
	v11 =	vcvt.f32.s32 v11  }
0x7fa: {  	v8 =	vadd.s32 v1, v8  }
0x7fb: {  	vm15 =	veq.s32 v40, v41;
	v45 =	vshll.u32 v11, $0x4  }
0x7fc: {  	v10 =	vsel vm15, $0x3F800000, v0;
	v9 =	vadd.s32 v1, v45  }
0x7fd: {  	v7 =	vsub.f32 v7, v10;
	vm4 =	veq.s32 v43, v44  }
0x7fe: {  	v46 =	vsel vm4, $0x3F800000, v0  }
0x7ff: {  	v6 =	vsub.f32 v6, v46;
	[tilespmem:v8+s23+$0x0] =	vst.idx.add.f32.msk $0xffff, v7  }
0x800: {  	v7 =	vld [tilespmem:s0+$0x2CD0]  }
0x801: {  	[tilespmem:v9+s23+$0x0] =	vst.idx.add.f32.msk $0xffff, v6  }
0x802: {  	v6 =	vld [tilespmem:s0+$0x2C50];
	_ =	sdelay $0x2  }
0x803: {  	v47 =	vmul.f32 $1.500000000e+01, v7  }
0x804: {  	v48 =	vld [tilespmem:s0+$0x7CD0]  }
0x805: {  	v49 =	vld [tilespmem:s0+$0xCCD0];
	v8 =	vtrunc.f32 v47;
	v50 =	vmul.f32 $1.500000000e+01, v6  }
0x806: {  	v51 =	vld [tilespmem:s0+$0x7C50];
	v8 =	vcvt.f32.s32 v8  }
0x807: {  	v52 =	vld [tilespmem:s0+$0xCC50];
	v11 =	vtrunc.f32 v50  }
0x808: {  	v8 =	vshll.u32 v8, $0x4;
	v11 =	vcvt.f32.s32 v11  }
0x809: {  	v8 =	vadd.s32 v1, v8  }
0x80a: {  	vm5 =	veq.s32 v48, v49;
	v53 =	vshll.u32 v11, $0x4  }
0x80b: {  	v10 =	vsel vm5, $0x3F800000, v0;
	v9 =	vadd.s32 v1, v53  }
0x80c: {  	[tilespmem:v3+s23+$0x0] =	vst.idx.add.f32.msk $0xffff, v2;
	v2 =	vsub.f32 v7, v10;
	vm6 =	veq.s32 v51, v52  }
0x80d: {  	v3 =	vld [tilespmem:s29+$0x2C60];
	v54 =	vsel vm6, $0x3F800000, v0  }
0x80e: {  	[tilespmem:v8+s23+$0x0] =	vst.idx.add.f32.msk $0xffff, v2;
	v2 =	vsub.f32 v6, v54  }
0x80f: {  	v55 =	vld [tilespmem:s0+$0x2CE0]  }
0x810: {  	[tilespmem:v9+s23+$0x0] =	vst.idx.add.f32.msk $0xffff, v2  }
0x811: {  	v2 =	vld [tilespmem:s0+$0x2C60]  }
0x812: {  	v56 =	vmul.f32 $1.500000000e+01, v3  }
0x813: {  	v58 =	vld [tilespmem:s29+$0xCC60]  }
0x814: {  	v57 =	vld [tilespmem:s29+$0x7C60];
	v7 =	vtrunc.f32 v56;
	v59 =	vmul.f32 $1.500000000e+01, v55  }
0x815: {  	v7 =	vcvt.f32.s32 v7;
	v60 =	vld [tilespmem:s0+$0x7CE0]  }
0x816: {  	v61 =	vld [tilespmem:s0+$0xCCE0];
	v10 =	vtrunc.f32 v59;
	v62 =	vmul.f32 $1.500000000e+01, v2  }
0x817: {  	v7 =	vshll.u32 v7, $0x4;
	v14 =	vld [tilespmem:s0+$0x7C60];
	v10 =	vcvt.f32.s32 v10  }
0x818: {  	v7 =	vadd.s32 v1, v7;
	v15 =	vld [tilespmem:s0+$0xCC60];
	v13 =	vtrunc.f32 v62  }
0x819: {  	[tilespmem:v4+s23+$0x0] =	vst.idx.add.f32.msk $0xffff, v5;
	vm7 =	veq.s32 v57, v58;
	v63 =	vshll.u32 v10, $0x4;
	v13 =	vcvt.f32.s32 v13  }
0x81a: {  	v16 =	vld [tilespmem:s29+$0x2CF0];
	v9 =	vsel vm7, $0x3F800000, v0;
	v4 =	vadd.s32 v1, v63  }
0x81b: {  	v17 =	vld [tilespmem:s29+$0x7CF0];
	v3 =	vsub.f32 v3, v9;
	vm8 =	veq.s32 v60, v61;
	v5 =	vshll.u32 v13, $0x4  }
0x81c: {  	v18 =	vld [tilespmem:s29+$0xCCF0];
	v11 =	vsel vm8, $0x3F800000, v0;
	v5 =	vadd.s32 v1, v5  }
0x81d: {  	[tilespmem:v7+s23+$0x0] =	vst.idx.add.f32.msk $0xffff, v3;
	v3 =	vsub.f32 v55, v11;
	vm9 =	veq.s32 v14, v15  }
0x81e: {  	v19 =	vld [tilespmem:s29+$0x2C70];
	v20 =	vsel vm9, $0x3F800000, v0  }
0x81f: {  	v2 =	vsub.f32 v2, v20;
	[tilespmem:v4+s23+$0x0] =	vst.idx.add.f32.msk $0xffff, v3  }
0x820: {  	v3 =	vld [tilespmem:s0+$0x2CF0]  }
0x821: {  	[tilespmem:v5+s23+$0x0] =	vst.idx.add.f32.msk $0xffff, v2  }
0x822: {  	v2 =	vld [tilespmem:s0+$0x2C70]  }
0x823: {  	v24 =	vmul.f32 $1.500000000e+01, v19  }
0x824: {  	v22 =	vld [tilespmem:s29+$0x7C70]  }
0x825: {  	v21 =	vmul.f32 $1.500000000e+01, v16;
	v23 =	vld [tilespmem:s29+$0xCC70];
	v27 =	vtrunc.f32 v24  }
0x826: {  	v9 =	vcvt.f32.s32 v27;
	v26 =	vld [tilespmem:s0+$0x7CF0];
	v25 =	vmul.f32 $1.500000000e+01, v3  }
0x827: {  	vm10 =	veq.s32 v17, v18;
	v4 =	vtrunc.f32 v21;
	v28 =	vld [tilespmem:s0+$0xCCF0];
	v29 =	vmul.f32 $1.500000000e+01, v2  }
0x828: {  	v34 =	vsel vm10, $0x3F800000, v0;
	v4 =	vcvt.f32.s32 v4;
	v30 =	vld [tilespmem:s0+$0x7C70];
	v12 =	vtrunc.f32 v25  }
0x829: {  	v9 =	vshll.u32 v9, $0x4;
	v33 =	vld [tilespmem:s0+$0xCC70];
	v31 =	vcvt.f32.s32 v12;
	v32 =	vtrunc.f32 v29  }
0x82a: {  	v9 =	vadd.s32 v1, v9;
	v4 =	vshll.u32 v4, $0x4;
	v7 =	vcvt.f32.s32 v32  }
0x82b: {  	vm1 =	veq.s32 v22, v23;
	v4 =	vadd.s32 v1, v4;
	v5 =	vshll.u32 v31, $0x4  }
0x82c: {  	v35 =	vsel vm1, $0x3F800000, v0;
	v5 =	vadd.s32 v1, v5;
	v7 =	vshll.u32 v7, $0x4  }
0x82d: {  	v6 =	vsub.f32 v19, v35;
	vm11 =	veq.s32 v26, v28;
	v7 =	vadd.s32 v1, v7  }
0x82e: {  	v8 =	vsub.f32 v16, v34;
	v36 =	vsel vm11, $0x3F800000, v0;
	vm12 =	veq.s32 v30, v33  }
0x82f: {  	[tilespmem:v9+s23+$0x0] =	vst.idx.add.f32.msk $0xffff, v6;
	v3 =	vsub.f32 v3, v36;
	v37 =	vsel vm12, $0x3F800000, v0  }
0x830: {  	[tilespmem:v4+s23+$0x0] =	vst.idx.add.f32.msk $0xffff, v8;
	v2 =	vsub.f32 v2, v37  }
0x831: {  	[tilespmem:v5+s23+$0x0] =	vst.idx.add.f32.msk $0xffff, v3  }
0x832: {  	[tilespmem:v7+s23+$0x0] =	vst.idx.add.f32.msk $0xffff, v2  }
0x833: {  	v2 =	vld [tilespmem:$0xF000]  }
0x834: {  	v3 =	vld [tilespmem:$0xF010]  }
0x835: {  	v38 =	vld [tilespmem:$0xF020]  }
0x836: {  	v5 =	vld [tilespmem:$0xF030]  }
0x837: {  	v6 =	vld [tilespmem:$0xF040]  }
0x838: {  	(xrf2) =	vadd.scan.msk.f32 $0xffff, v2;
	v2 =	vld [tilespmem:$0xF050]  }
0x839: {  	(xrf2) =	vadd.scan.msk.f32 $0xffff, v3;
	v3 =	vld [tilespmem:$0xF060]  }
0x83a: {  	v39 =	vld [tilespmem:$0xF070];
	(xrf2) =	vadd.scan.msk.f32 $0xffff, v38  }
0x83b: {  	v40 =	vld [tilespmem:$0xF080];
	(xrf2) =	vadd.scan.msk.f32 $0xffff, v5  }
0x83c: {  	v41 =	vld [tilespmem:$0xF090];
	(xrf2) =	vadd.scan.msk.f32 $0xffff, v6  }
0x83d: {  	(xrf2) =	vadd.scan.msk.f32 $0xffff, v2;
	v2 =	vld [tilespmem:$0xF0A0]  }
0x83e: {  	(xrf2) =	vadd.scan.msk.f32 $0xffff, v3;
	v3 =	vld [tilespmem:$0xF0B0]  }
0x83f: {  	v42 =	vld [tilespmem:$0xF0C0];
	(xrf2) =	vadd.scan.msk.f32 $0xffff, v39  }
0x840: {  	v43 =	vld [tilespmem:$0xF0D0];
	(xrf2) =	vadd.scan.msk.f32 $0xffff, v40  }
0x841: {  	(xrf2) =	vadd.scan.msk.f32 $0xffff, v41  }
0x842: {  	v44 =	vld [tilespmem:$0xF0E0];
	v45, _, _ =	vpop (xrf2);
	(xrf2) =	vadd.scan.msk.f32 $0xffff, v2  }
0x843: {  	v2, _, _ =	vpop (xrf2);
	(xrf2) =	vadd.scan.msk.f32 $0xffff, v3  }
0x844: {  	v3 =	vbroadcast v45, $0xF;
	v2 =	vbroadcast v2, $0xF;
	v46, _, _ =	vpop (xrf2);
	(xrf2) =	vadd.scan.msk.f32 $0xffff, v42  }
0x845: {  	vm13 =	vmmov $0x1;
	v47 =	vld [tilespmem:$0xF0F0];
	v7 =	vbroadcast v46, $0xF;
	v48, _, _ =	vpop (xrf2);
	(xrf2) =	vadd.scan.msk.f32 $0xffff, v43  }
0x846: {  	vm14 =	vmmov $0x3;
	v2 =	vsel vm13, v3, v2;
	v3 =	vbroadcast v48, $0xF;
	v49, _, _ =	vpop (xrf2)  }
0x847: {  	vm15 =	vmmov $0x7;
	(xrf2) =	vadd.scan.msk.f32 $0xffff, v44;
	v50, _, _ =	vpop (xrf2);
	v2 =	vsel vm14, v2, v7;
	v5 =	vbroadcast v49, $0xF  }
0x848: {  	vm4 =	vmmov $0xf;
	v51, _, _ =	vpop (xrf2);
	v2 =	vsel vm15, v2, v3;
	v3 =	vbroadcast v50, $0xF  }
0x849: {  	vm5 =	vmmov $0x1f;
	v2 =	vsel vm4, v2, v5;
	v52 =	vbroadcast v51, $0xF;
	v53, _, _ =	vpop (xrf2)  }
0x84a: {  	vm6 =	vmmov $0x3f;
	(xrf2) =	vadd.scan.msk.f32 $0xffff, v47;
	v54, _, _ =	vpop (xrf2);
	v2 =	vsel vm5, v2, v3;
	v3 =	vbroadcast v53, $0xF  }
0x84b: {  	vm7 =	vmmov $0x7f;
	v55, _, _ =	vpop (xrf2);
	v2 =	vsel vm6, v2, v52;
	v4 =	vbroadcast v54, $0xF  }
0x84c: {  	vm8 =	vmmov $0xff;
	v56, _, _ =	vpop (xrf2);
	v2 =	vsel vm7, v2, v3;
	v3 =	vbroadcast v55, $0xF  }
0x84d: {  	vm9 =	vmmov $0x1ff;
	v57, _, _ =	vpop (xrf2);
	v2 =	vsel vm8, v2, v4;
	v58 =	vbroadcast v56, $0xF  }
0x84e: {  	vm10 =	vmmov $0x3ff;
	v59, _, _ =	vpop (xrf2);
	v2 =	vsel vm9, v2, v3;
	v3 =	vbroadcast v57, $0xF  }
0x84f: {  	vm11 =	vmmov $0x7ff;
	v60, _, _ =	vpop (xrf2);
	v2 =	vsel vm10, v2, v58  }
0x850: {  	v61 =	vbroadcast v59, $0xF;
	v2 =	vsel vm11, v2, v3;
	v3 =	vbroadcast v60, $0xF  }
0x851: {  	vm12 =	vmmov $0xfff;
	v62, _, _ =	vpop (xrf2)  }
0x852: {  	vm13 =	vmmov $0x1fff;
	v2 =	vsel vm12, v2, v61;
	v63 =	vbroadcast v62, $0xF  }
0x853: {  	vm14 =	vmmov $0x3fff;
	v2 =	vsel vm13, v2, v3  }
0x854: {  	s28 =	sadd.s32 $0x1, s28;
	vm15 =	vmmov $0x7fff;
	v2 =	vsel vm14, v2, v63;
	v3, _, _ =	vpop (xrf2)  }
0x855: {  	p0 =	sne.s32 s28, s14;
	v2 =	vsel vm15, v2, v3  }
.Ltmp5:
0x856: {  	s8 =	simm.s32 $0x0;
	s31 =	simm.s32 $0xF100;
	[tilespmem:$0xF100] =	vst v2;
	(pc) =	sbr.rel @p0 .LBB2_1-.Ltmp5, $4  }
0x857: {  	[hbm4b:s13+s8] =	stream.linear.scatter [tilespmem:s31], [sflag:$0x3], $0x80, $0x38;
	[tilespmem:$0xF180] =	vst v63  }
0x858: {  	_ =	swait.ge [sflag:s26], $0x80  }
0x859: {  	[sflag:s26] =	ssyncset.done $0x0  }
0x85a: {  	[sflag:s26] =	ssyncadd.s32 $0xFFFFFF80  }
0x85b: {  	_ =	sfence.sel $0x180000  }
0x85c: {  	[bflag:$0x0] =	sbarrier.arrive $0xFFFF  }
0x85d: {  	_ =	strace $0x90000047  }
0x85e: {  	s0 =	stileid.u32;
	[bflag:$0x2] =	sbarrier.arrive $0xFFFF  }
0x85f: {  	p0 =	sne.s32 s0, $0x0;
	s0 =	rddreg [dreg:$0x4]  }
0x860: {  	s0 =	sadd.s32 @!p0 $0x100000, s0  }
0x861: {  	[sflag:s0] =	ssyncadd.tile.s32 @!p0 $0x1;
	_ =	shalt  }
.Lfunc_end2:
_tile_overlayer_lowered:
.L_overlay_start_2:
0x862: {  	(tag) =	ssettag $0x2  }
0x863: {  	s0 =	rddreg [dreg:$0x0];
	s2 =	stileid.u32  }
0x864: {  	s1 =	rddreg [dreg:$0x1];
	p0 =	sne.s32 s2, $0x0  }
0x865: {  	s3 =	rddreg [dreg:$0x2];
	[bflag:$0x3] =	sbarrier.arrive $0xFFFF;
	s2 =	simm.s32 @!p0 $0x1C03  }
0x866: {  	[timem:s3], [sflag:s2] =	dma.local @!p0 [hbm:s0], s1  }
0x867: {  	s0 =	simm.s32 @!p0 $0x3  }
0x868: {  	_ =	swait.ge @!p0 [sflag:s0], s1  }
0x869: {  	s1 =	ssub.s32 @!p0 $0x0, s1;
	[sflag:s0] =	ssyncset.done @!p0 $0x0  }
0x86a: {  	[sflag:s0] =	ssyncadd.s32 @!p0 s1  }
0x86b: {  	[bflag:$0x3] =	sbarrier.arrive $0xFFFF  }
0x86c: {  	_ =	shalt  }

</sc_bundles>
